<compile_context>
chip_gen: v7x
topology: tpu7x:2x2x1
jax: 0.10.2.dev20260603
libtpu: 0.0.44.dev20260713+nightly
codegen_flags: <defaults>
</compile_context>

<pallas_src>
import functools

import jax
import jax.numpy as jnp
import numpy as np
from jax import lax
from jax.experimental import pallas as pl
from jax.experimental.pallas import tpu as pltpu
from jax.experimental.pallas import tpu_sc as plsc

B = 4096
NUM = 26
NUMLEN = 64
CITY = 1000
CITYD = 32
TT = 100
TTD = 16
COM = 64
VOCAB = 100000
L = 2
SEQ = 20
FF = 256
HID = 512


_NC = 2
_NS = 16
_NW = _NC * _NS
_ROWS = B * SEQ
_RPW = _ROWS // _NW
_GW = 128
_CH = 128
_NCHUNK = _RPW // _CH


def _gather_words(idx, table_pad):
    rows = idx.shape[0]
    rpw = rows // _NW
    nchunk = rpw // _CH
    mesh = plsc.VectorSubcoreMesh(core_axis_name="c", subcore_axis_name="s")

    @functools.partial(
        pl.kernel,
        mesh=mesh,
        out_type=jax.ShapeDtypeStruct((rows, _GW), jnp.float32),
        scratch_types=[
            pltpu.VMEM((_CH,), jnp.int32),
            pltpu.VMEM((_CH,), jnp.int32),
            pltpu.VMEM((_CH, _GW), jnp.float32),
            pltpu.VMEM((_CH, _GW), jnp.float32),
            pltpu.SemaphoreType.DMA,
            pltpu.SemaphoreType.DMA,
            pltpu.SemaphoreType.DMA,
            pltpu.SemaphoreType.DMA,
            pltpu.SemaphoreType.DMA,
            pltpu.SemaphoreType.DMA,
        ],
    )
    def k(idx_hbm, table_hbm, out_hbm,
          idx0, idx1, rows0, rows1, is0, is1, gs0, gs1, ws0, ws1):
        wid = lax.axis_index("s") * _NC + lax.axis_index("c")
        base = wid * rpw
        idxb = (idx0, idx1)
        rowsb = (rows0, rows1)
        isem = (is0, is1)
        gsem = (gs0, gs1)
        wsem = (ws0, ws1)

        def idx_load(c):
            s = c % 2
            return pltpu.async_copy(
                idx_hbm.at[pl.ds(base + c * _CH, _CH)], idxb[s], isem[s])

        pend_idx = [idx_load(0), idx_load(1)]
        pend_w = [None, None]
        for c in range(nchunk):
            s = c % 2
            pend_idx[s].wait()
            if pend_w[s] is not None:
                pend_w[s].wait()
            g = pltpu.async_copy(table_hbm.at[idxb[s]], rowsb[s], gsem[s])
            g.wait()
            if c + 2 < nchunk:
                pend_idx[s] = idx_load(c + 2)
            pend_w[s] = pltpu.async_copy(
                rowsb[s], out_hbm.at[pl.ds(base + c * _CH, _CH)], wsem[s])
        pend_w[0].wait()
        pend_w[1].wait()

    return k(idx, table_pad)



_BG = 256
_R = _BG * SEQ
_G = 8
_SG = _G * SEQ
_NSG = _BG // _G


def _bdot(a, b):
    return jax.lax.dot_general(a, b, (((1,), (0,)), ((), ())),
                               preferred_element_type=jnp.float32)


def _bdot_t(a, b):
    return jax.lax.dot_general(a, b, (((1,), (1,)), ((), ())),
                               preferred_element_type=jnp.float32)


def _bf(x):
    return x.astype(jnp.bfloat16)


def _encoder_kernel(h_in, qkvw, wo, w1, b1, w2, b2, ln, h_out,
                    h_s, qkv_s, s_s, a_s):
    ones64 = jnp.full((COM, 1), 1.0 / COM, jnp.float32)
    ones160 = jnp.ones((_SG, 1), jnp.bfloat16)

    def _ln(x, g, b):
        m = _bdot(x, ones64)
        m2 = _bdot(x * x, ones64)
        t = jax.lax.rsqrt(m2 - m * m + 1e-6)
        return (x - m) * t * g + b

    ri = lax.broadcasted_iota(jnp.int32, (_SG, _SG), 0) // SEQ
    ci = lax.broadcasted_iota(jnp.int32, (_SG, _SG), 1) // SEQ
    maskf = (ri == ci).astype(jnp.float32)

    h_s[...] = h_in[:, 0:COM]
    for l in range(L):
        h = h_s[...]
        qkv_s[...] = _bf(_bdot(_bf(h), qkvw[l * COM:(l + 1) * COM, :]))
        for j in range(_NSG):
            r = j * _SG
            qj = qkv_s[r:r + _SG, 0:COM]
            kj = qkv_s[r:r + _SG, COM:2 * COM]
            s = _bdot_t(qj, kj)
            s_s[r:r + _SG, :] = _bf(jnp.exp(jnp.minimum(s, 80.0)) * maskf)
        for j in range(_NSG):
            r = j * _SG
            vj = jnp.concatenate(
                [qkv_s[r:r + _SG, 2 * COM:3 * COM], ones160], axis=1)
            a_s[r:r + _SG, 0:COM + 1] = _bdot(s_s[r:r + _SG, :], vj)
        recip = 1.0 / a_s[:, COM:COM + 1]
        h2 = h + a_s[:, 0:COM] * recip
        h2 = _ln(h2, ln[4 * l + 0:4 * l + 1, :], ln[4 * l + 1:4 * l + 2, :])
        ff = jnp.maximum(_bdot(_bf(h2), w1[l * COM:(l + 1) * COM, :])
                         + b1[l:l + 1, :], 0.0)
        ff = _bdot(_bf(ff), w2[l * FF:(l + 1) * FF, :]) + b2[l:l + 1, :]
        h3 = _ln(h2 + ff, ln[4 * l + 2:4 * l + 3, :], ln[4 * l + 3:4 * l + 4, :])
        h_s[...] = h3
    h_out[...] = h_s[...]


def _encoder(h, qkvw, wo, w1_2d, b1, w2_2d, b2, ln2d):
    grid = h.shape[0] // _R
    return pl.pallas_call(
        _encoder_kernel,
        grid=(grid,),
        in_specs=[
            pl.BlockSpec((_R, _GW), lambda i: (i, 0)),
            pl.BlockSpec(qkvw.shape, lambda i: (0, 0)),
            pl.BlockSpec(wo.shape, lambda i: (0, 0)),
            pl.BlockSpec(w1_2d.shape, lambda i: (0, 0)),
            pl.BlockSpec(b1.shape, lambda i: (0, 0)),
            pl.BlockSpec(w2_2d.shape, lambda i: (0, 0)),
            pl.BlockSpec(b2.shape, lambda i: (0, 0)),
            pl.BlockSpec(ln2d.shape, lambda i: (0, 0)),
        ],
        out_specs=pl.BlockSpec((_R, COM), lambda i: (i, 0)),
        out_shape=jax.ShapeDtypeStruct((h.shape[0], COM), jnp.float32),
        scratch_shapes=[
            pltpu.VMEM((_R, COM), jnp.float32),
            pltpu.VMEM((_R, 3 * COM), jnp.bfloat16),
            pltpu.VMEM((_R, _SG), jnp.bfloat16),
            pltpu.VMEM((_R, COM + 8), jnp.float32),
        ],
    )(h, qkvw, wo, w1_2d, b1, w2_2d, b2, ln2d)



_BT = 256

_OFF_NUM = 0
_OFF_CITY = 64
_OFF_TRUCK = 128
_OFF_LCL = 144
_OFF_HAND = 208
_OFF_SEC = 272
_OFF_CAT = 336
_OFF_DESC = 528
_CONCAT = 1808


def _onehot(labels_col, n):
    i = lax.broadcasted_iota(jnp.int32, (labels_col.shape[0], n), 1)
    return (i == labels_col).astype(jnp.bfloat16)


def _tower_kernel(num, city, truck, cat, small3, desc,
                  wnum, bnum, city_t, truck_t, lcl_t, hand_t, sec_t, cat_t,
                  fm_v, fm_v2, w1, b1, w2, b2, out):
    bt = _BT
    segs = []
    segs.append((_bdot(_bf(num[...]), wnum[...]) + bnum[0:1, :], _OFF_NUM))
    c0 = _bdot(_onehot(city[:, 0:1], CITY), city_t[...])
    c1 = _bdot(_onehot(city[:, 1:2], CITY), city_t[...])
    segs.append((jnp.concatenate([c0, c1], axis=1), _OFF_CITY))
    toh = _onehot(truck[:, 0:1], TT).astype(jnp.float32)
    for c in range(1, 5):
        toh = toh + _onehot(truck[:, c:c + 1], TT).astype(jnp.float32)
    segs.append((_bdot(_bf(toh * 0.2), truck_t[...]), _OFF_TRUCK))
    segs.append((_bdot(_onehot(small3[:, 0:1], 3), lcl_t[...]), _OFF_LCL))
    segs.append((_bdot(_onehot(small3[:, 1:2], 3), hand_t[...]), _OFF_HAND))
    segs.append((_bdot(_onehot(small3[:, 2:3], 3), sec_t[...]), _OFF_SEC))
    cats = [_bdot(_onehot(cat[:, c:c + 1], 50), cat_t[...]) for c in range(3)]
    segs.append((jnp.concatenate(cats, axis=1), _OFF_CAT))
    segs.append((desc[...], _OFF_DESC))

    xv = jnp.zeros((bt, COM), jnp.float32)
    x2v2 = jnp.zeros((bt, COM), jnp.float32)
    hid = jnp.zeros((bt, HID), jnp.float32)
    for x, off in segs:
        w = x.shape[1]
        xb = _bf(x)
        xv = xv + _bdot(xb, fm_v[off:off + w, :])
        x2v2 = x2v2 + _bdot(_bf(x * x), fm_v2[off:off + w, :])
        hid = hid + _bdot(xb, w1[off:off + w, :])
    fm = 0.5 * (xv * xv - x2v2)
    dnn = _bdot(_bf(jnp.maximum(hid + b1[0:1, :], 0.0)), w2[...]) + b2[0:1, :]
    z = 0.5 * (dnn + fm)
    out[...] = z / jnp.sqrt(jnp.maximum(
        jnp.sum(z * z, axis=-1, keepdims=True), 1e-12))


def _tower(num, city, truck, cat, small3, desc,
           wnum, bnum, city_t, truck_t, lcl_t, hand_t, sec_t, cat_t,
           fm_v, fm_v2, w1, b1, w2, b2):
    grid = B // _BT

    def blk(shape):
        return pl.BlockSpec((_BT,) + shape[1:], lambda i: (i,) + (0,) * (len(shape) - 1))

    def full(shape):
        return pl.BlockSpec(shape, lambda i: (0,) * len(shape))

    args = (num, city, truck, cat, small3, desc,
            wnum, bnum, city_t, truck_t, lcl_t, hand_t, sec_t, cat_t,
            fm_v, fm_v2, w1, b1, w2, b2)
    in_specs = [blk(num.shape), blk(city.shape), blk(truck.shape),
                blk(cat.shape), blk(small3.shape), blk(desc.shape)] + \
               [full(a.shape) for a in args[6:]]
    return pl.pallas_call(
        _tower_kernel,
        grid=(grid,),
        in_specs=in_specs,
        out_specs=pl.BlockSpec((_BT, COM), lambda i: (i, 0)),
        out_shape=jax.ShapeDtypeStruct((B, COM), jnp.float32),
    )(*args)



def kernel(cargo_numerical_features, cargo_city_labels, cargo_truck_type_labels,
           cargo_category_labels, cargo_is_lcl, cargo_handling_type,
           cargo_security_tran, cargo_describe, W_num, b_num, city_table,
           truck_table, lcl_table, handling_table, security_table,
           category_table, word_table, enc_qkvo, enc_ffn_w1, enc_ffn_b1,
           enc_ffn_w2, enc_ffn_b2, enc_ln, fm_V, dnn_w1, dnn_b1, dnn_w2,
           dnn_b2):
    idx = cargo_describe.astype(jnp.int32).reshape(_ROWS)
    table_pad = jnp.pad(word_table, ((0, 0), (0, _GW - COM)))
    half = _ROWS // 2

    wq_scaled = enc_qkvo[:, 0] * np.float32(1.0 / np.sqrt(1.0 * COM))
    wvo = jnp.einsum('lij,ljk->lik', enc_qkvo[:, 2], enc_qkvo[:, 3])
    qkvw = _bf(jnp.concatenate(
        [wq_scaled, enc_qkvo[:, 1], wvo],
        axis=2).reshape(L * COM, 3 * COM))
    wo = _bf(enc_qkvo[:, 3].reshape(L * COM, COM))
    w1_2d = _bf(enc_ffn_w1.reshape(L * COM, FF))
    w2_2d = _bf(enc_ffn_w2.reshape(L * FF, COM))
    ln2d = enc_ln.reshape(L * 4, COM)
    h0 = _gather_words(idx, table_pad)
    h2 = _encoder(h0, qkvw, wo, w1_2d, enc_ffn_b1, w2_2d, enc_ffn_b2, ln2d)
    desc = h2.reshape(B, SEQ * COM)
    small3 = jnp.stack([cargo_is_lcl, cargo_handling_type,
                        cargo_security_tran], axis=1).astype(jnp.int32)
    return _tower(cargo_numerical_features,
                  cargo_city_labels.astype(jnp.int32),
                  cargo_truck_type_labels.astype(jnp.int32),
                  cargo_category_labels.astype(jnp.int32),
                  small3, desc,
                  _bf(W_num * np.float32(1.0 / np.sqrt(NUM))),
                  b_num.reshape(1, NUMLEN), _bf(city_table), _bf(truck_table),
                  _bf(lcl_table), _bf(handling_table), _bf(security_table),
                  _bf(category_table),
                  _bf(fm_V), _bf(fm_V * fm_V), _bf(dnn_w1),
                  dnn_b1.reshape(1, HID), _bf(dnn_w2),
                  dnn_b2.reshape(1, COM))

# --- scband reference (transcript-rebuilt; emitter-appended) ---
"""Pipeline reference for scband-cargo-tower-64948495450674 (READ-ONLY COPY).

The authoritative reference and input builder live on the scoring server;
editing this copy changes nothing except your own understanding.
"""

import jax, jax.numpy as jnp
import numpy as np

B = 4096
NUM = 26
NUMLEN = 64
CITY = 1000
CITYD = 32
TT = 100
TTD = 16
COM = 64
CARGO = 64
VOCAB = 100000
L = 2
SEQ = 20
FF = 256
HID = 512
CONCAT = NUMLEN + 2 * CITYD + TTD + 3 * COM + 3 * COM + SEQ * COM  # 64+64+16+192+192+1280 = 1808


def setup_inputs(seed: int = 0):
    key = jax.random.key(seed)
    ks = jax.random.split(key, 40)
    s = 0.02
    inp = {}
    inp['cargo_numerical_features'] = jax.random.normal(ks[0], (B, NUM), jnp.float32)
    inp['cargo_city_labels'] = jax.random.randint(ks[1], (B, 2), 0, CITY)
    inp['cargo_truck_type_labels'] = jax.random.randint(ks[2], (B, 5), 0, TT)
    inp['cargo_category_labels'] = jax.random.randint(ks[3], (B, 3), 0, 50)
    inp['cargo_is_lcl'] = jax.random.randint(ks[4], (B,), 0, 3)
    inp['cargo_handling_type'] = jax.random.randint(ks[5], (B,), 0, 3)
    inp['cargo_security_tran'] = jax.random.randint(ks[6], (B,), 0, 3)
    inp['cargo_describe'] = jax.random.randint(ks[7], (B, SEQ), 0, VOCAB)
    inp['W_num'] = jax.random.normal(ks[8], (NUM, NUMLEN), jnp.float32) * s
    inp['b_num'] = jnp.zeros((NUMLEN,), jnp.float32)
    inp['city_table'] = jax.random.normal(ks[9], (CITY, CITYD), jnp.float32) * s
    inp['truck_table'] = jax.random.normal(ks[10], (TT, TTD), jnp.float32) * s
    inp['lcl_table'] = jax.random.normal(ks[11], (3, COM), jnp.float32) * s
    inp['handling_table'] = jax.random.normal(ks[12], (3, COM), jnp.float32) * s
    inp['security_table'] = jax.random.normal(ks[13], (3, COM), jnp.float32) * s
    inp['category_table'] = jax.random.normal(ks[14], (50, COM), jnp.float32) * s
    inp['word_table'] = jax.random.normal(ks[15], (VOCAB, COM), jnp.float32) * s
    inp['enc_qkvo'] = jax.random.normal(ks[16], (L, 4, COM, COM), jnp.float32) * s
    inp['enc_ffn_w1'] = jax.random.normal(ks[17], (L, COM, FF), jnp.float32) * s
    inp['enc_ffn_b1'] = jnp.zeros((L, FF), jnp.float32)
    inp['enc_ffn_w2'] = jax.random.normal(ks[18], (L, FF, COM), jnp.float32) * s
    inp['enc_ffn_b2'] = jnp.zeros((L, COM), jnp.float32)
    inp['enc_ln'] = jnp.stack([jnp.ones((L, 2, COM), jnp.float32), jnp.zeros((L, 2, COM), jnp.float32)], axis=2)
    inp['fm_V'] = jax.random.normal(ks[19], (CONCAT, COM), jnp.float32) * s
    inp['dnn_w1'] = jax.random.normal(ks[20], (CONCAT, HID), jnp.float32) * s
    inp['dnn_b1'] = jnp.zeros((HID,), jnp.float32)
    inp['dnn_w2'] = jax.random.normal(ks[21], (HID, CARGO), jnp.float32) * s
    inp['dnn_b2'] = jnp.zeros((CARGO,), jnp.float32)
    return inp


def _layer_norm(x, g, b):
    m = jnp.mean(x, axis=-1, keepdims=True)
    v = jnp.var(x, axis=-1, keepdims=True)
    return g * (x - m) / jnp.sqrt(v + 1e-6) + b


def reference(cargo_numerical_features, cargo_city_labels, cargo_truck_type_labels,
              cargo_category_labels, cargo_is_lcl, cargo_handling_type, cargo_security_tran,
              cargo_describe, W_num, b_num, city_table, truck_table, lcl_table,
              handling_table, security_table, category_table, word_table, enc_qkvo,
              enc_ffn_w1, enc_ffn_b1, enc_ffn_w2, enc_ffn_b2, enc_ln, fm_V,
              dnn_w1, dnn_b1, dnn_w2, dnn_b2):
    bsz = cargo_numerical_features.shape[0]
    # EqualLinear (equalized lr linear)
    num_vec = cargo_numerical_features @ (W_num / np.sqrt(NUM)) + b_num
    # embedding lookups (gathers)
    city = jnp.take(city_table, cargo_city_labels, axis=0).reshape(bsz, -1)
    truck = jnp.mean(jnp.take(truck_table, cargo_truck_type_labels, axis=0), axis=1)
    lcl = jnp.take(lcl_table, cargo_is_lcl, axis=0)
    handling = jnp.take(handling_table, cargo_handling_type, axis=0)
    security = jnp.take(security_table, cargo_security_tran, axis=0)
    category = jnp.take(category_table, cargo_category_labels, axis=0).reshape(bsz, -1)
    # word embedding + transformer encoder stack (1 head)
    h = jnp.take(word_table, cargo_describe, axis=0)
    d = h.shape[-1]
    for l in range(enc_qkvo.shape[0]):
        q = h @ enc_qkvo[l, 0]
        k = h @ enc_qkvo[l, 1]
        v = h @ enc_qkvo[l, 2]
        attn = jax.nn.softmax(q @ jnp.swapaxes(k, -1, -2) / jnp.sqrt(1.0 * d), axis=-1)
        h = _layer_norm(h + (attn @ v) @ enc_qkvo[l, 3], enc_ln[l, 0, 0], enc_ln[l, 0, 1])
        ff = jax.nn.relu(h @ enc_ffn_w1[l] + enc_ffn_b1[l]) @ enc_ffn_w2[l] + enc_ffn_b2[l]
        h = _layer_norm(h + ff, enc_ln[l, 1, 0], enc_ln[l, 1, 1])
    describe = h.reshape(bsz, -1)
    out = jnp.concatenate([num_vec, city, truck, lcl, handling, security, category, describe], axis=1)
    # FM second-order interactions
    xv = out @ fm_V
    x2v2 = (out ** 2) @ (fm_V ** 2)
    fm_out = 0.5 * (xv ** 2 - x2v2)
    # DNN tower
    dnn = jax.nn.relu(out @ dnn_w1 + dnn_b1) @ dnn_w2 + dnn_b2
    z = 0.5 * (dnn + fm_out)
    return z / jnp.sqrt(jnp.maximum(jnp.sum(z ** 2, axis=-1, keepdims=True), 1e-12))


if False:  # reference __main__ guard neutralized (emitter)
    o = reference(**setup_inputs())
    print(o.shape, o.dtype)

if __name__ == "__main__":
    import jax
    _d = setup_inputs()
    print(jax.jit(kernel)(*tuple(_d.values())))

</pallas_src>

<mosaic_0001>
#map = affine_map<(d0, d1) -> (0)>
#map1 = affine_map<(d0, d1) -> (0, 0)>
module attributes {stable_mosaic.version = 14 : i64} {
  func.func @k(%arg0: i32, %arg1: i32, %arg2: memref<81920xi32, #tpu.memory_space<hbm>>, %arg3: memref<100000x128xf32, #tpu.memory_space<hbm>>, %arg4: memref<81920x128xf32, #tpu.memory_space<hbm>>, %arg5: memref<128xi32, #tpu.memory_space<vmem>>, %arg6: memref<128xi32, #tpu.memory_space<vmem>>, %arg7: memref<128x128xf32, #tpu.memory_space<vmem>>, %arg8: memref<128x128xf32, #tpu.memory_space<vmem>>, %arg9: memref<!tpu.dma_semaphore, #tpu.memory_space<semaphore_mem>>, %arg10: memref<!tpu.dma_semaphore, #tpu.memory_space<semaphore_mem>>, %arg11: memref<!tpu.dma_semaphore, #tpu.memory_space<semaphore_mem>>, %arg12: memref<!tpu.dma_semaphore, #tpu.memory_space<semaphore_mem>>, %arg13: memref<!tpu.dma_semaphore, #tpu.memory_space<semaphore_mem>>, %arg14: memref<!tpu.dma_semaphore, #tpu.memory_space<semaphore_mem>>) attributes {dimension_semantics = [#tpu.dimension_semantics<core_parallel>, #tpu.dimension_semantics<subcore_parallel>], iteration_bounds = array<i64: 2, 16>, scalar_prefetch = 0 : i64, scratch_operands = 10 : i64, tpu.core_type = #tpu.core_type<sc_vector_subcore>, window_params = [{transform_indices = #map}, {transform_indices = #map1}, {transform_indices = #map1}]} {
    %mul3A = arith.constant 2 : i32
    %mul3A_0 = arith.muli %arg1, %mul3A : i32
    %add3A = arith.addi %mul3A_0, %arg0 : i32
    %mul3A_1 = arith.constant 2560 : i32
    %mul3A_2 = arith.muli %add3A, %mul3A_1 : i32
    %add3A_3 = arith.constant 0 : i32
    %add3A_4 = arith.addi %mul3A_2, %add3A_3 : i32
    %dma_start3A = tpu.memref_slice %arg2[%add3A_4] : memref<81920xi32, #tpu.memory_space<hbm>> -> memref<128xi32, #tpu.memory_space<hbm>>
    %dma_start3A_5 = tpu.memref_slice %arg2[%add3A_4] : memref<81920xi32, #tpu.memory_space<hbm>> -> memref<128xi32, #tpu.memory_space<hbm>>
    tpu.enqueue_dma source(%dma_start3A_5 : memref<128xi32, #tpu.memory_space<hbm>>) target(%arg5 : memref<128xi32, #tpu.memory_space<vmem>>) target_semaphore(%arg9 : memref<!tpu.dma_semaphore, #tpu.memory_space<semaphore_mem>>)
    %add3A_6 = arith.constant 128 : i32
    %add3A_7 = arith.addi %mul3A_2, %add3A_6 : i32
    %dma_start3A_8 = tpu.memref_slice %arg2[%add3A_7] : memref<81920xi32, #tpu.memory_space<hbm>> -> memref<128xi32, #tpu.memory_space<hbm>>
    %dma_start3A_9 = tpu.memref_slice %arg2[%add3A_7] : memref<81920xi32, #tpu.memory_space<hbm>> -> memref<128xi32, #tpu.memory_space<hbm>>
    tpu.enqueue_dma source(%dma_start3A_9 : memref<128xi32, #tpu.memory_space<hbm>>) target(%arg6 : memref<128xi32, #tpu.memory_space<vmem>>) target_semaphore(%arg10 : memref<!tpu.dma_semaphore, #tpu.memory_space<semaphore_mem>>)
    %dma_wait3A = tpu.memref_slice %arg2[%add3A_4] : memref<81920xi32, #tpu.memory_space<hbm>> -> memref<128xi32, #tpu.memory_space<hbm>>
    %dma_wait3A_10 = tpu.memref_slice %arg2[%add3A_4] : memref<81920xi32, #tpu.memory_space<hbm>> -> memref<128xi32, #tpu.memory_space<hbm>>
    tpu.wait_dma2 semaphore(%arg9 : memref<!tpu.dma_semaphore, #tpu.memory_space<semaphore_mem>>) src(%dma_wait3A_10 : memref<128xi32, #tpu.memory_space<hbm>>) dst(%arg5 : memref<128xi32, #tpu.memory_space<vmem>>)
    %dma_start3A_11 = arith.constant 0 : i32
    %dma_start3A_12 = arith.constant 0 : i32
    %dma_start3A_13 = tpu.memref_slice %arg3[%dma_start3A_11, %dma_start3A_12] : memref<100000x128xf32, #tpu.memory_space<hbm>> -> memref<100000x128xf32, #tpu.memory_space<hbm>>
    tpu.enqueue_indirect_dma source(%dma_start3A_13 : memref<100000x128xf32, #tpu.memory_space<hbm>>) target(%arg7 : memref<128x128xf32, #tpu.memory_space<vmem>>) offsets(%arg5 : memref<128xi32, #tpu.memory_space<vmem>>) semaphore(%arg11 : memref<!tpu.dma_semaphore, #tpu.memory_space<semaphore_mem>>)
    %dma_wait3A_14 = arith.constant 0 : i32
    %dma_wait3A_15 = arith.constant 0 : i32
    %dma_wait3A_16 = tpu.memref_slice %arg3[%dma_wait3A_14, %dma_wait3A_15] : memref<100000x128xf32, #tpu.memory_space<hbm>> -> memref<100000x128xf32, #tpu.memory_space<hbm>>
    tpu.wait_indirect_dma semaphore(%arg11 : memref<!tpu.dma_semaphore, #tpu.memory_space<semaphore_mem>>) src(%dma_wait3A_16 : memref<100000x128xf32, #tpu.memory_space<hbm>>) dst(%arg7 : memref<128x128xf32, #tpu.memory_space<vmem>>)
    %add3A_17 = arith.constant 256 : i32
    %add3A_18 = arith.addi %mul3A_2, %add3A_17 : i32
    %dma_start3A_19 = tpu.memref_slice %arg2[%add3A_18] : memref<81920xi32, #tpu.memory_space<hbm>> -> memref<128xi32, #tpu.memory_space<hbm>>
    %dma_start3A_20 = tpu.memref_slice %arg2[%add3A_18] : memref<81920xi32, #tpu.memory_space<hbm>> -> memref<128xi32, #tpu.memory_space<hbm>>
    tpu.enqueue_dma source(%dma_start3A_20 : memref<128xi32, #tpu.memory_space<hbm>>) target(%arg5 : memref<128xi32, #tpu.memory_space<vmem>>) target_semaphore(%arg9 : memref<!tpu.dma_semaphore, #tpu.memory_space<semaphore_mem>>)
    %add3A_21 = arith.constant 0 : i32
    %add3A_22 = arith.addi %mul3A_2, %add3A_21 : i32
    %dma_start3A_23 = arith.constant 0 : i32
    %dma_start3A_24 = tpu.memref_slice %arg4[%add3A_22, %dma_start3A_23] : memref<81920x128xf32, #tpu.memory_space<hbm>> -> memref<128x128xf32, #tpu.memory_space<hbm>>
    %dma_start3A_25 = arith.constant 0 : i32
    %dma_start3A_26 = tpu.memref_slice %arg4[%add3A_22, %dma_start3A_25] : memref<81920x128xf32, #tpu.memory_space<hbm>> -> memref<128x128xf32, #tpu.memory_space<hbm>>
    tpu.enqueue_dma source(%arg7 : memref<128x128xf32, #tpu.memory_space<vmem>>) target(%dma_start3A_26 : memref<128x128xf32, #tpu.memory_space<hbm>>) target_semaphore(%arg13 : memref<!tpu.dma_semaphore, #tpu.memory_space<semaphore_mem>>)
    %dma_wait3A_27 = tpu.memref_slice %arg2[%add3A_7] : memref<81920xi32, #tpu.memory_space<hbm>> -> memref<128xi32, #tpu.memory_space<hbm>>
    %dma_wait3A_28 = tpu.memref_slice %arg2[%add3A_7] : memref<81920xi32, #tpu.memory_space<hbm>> -> memref<128xi32, #tpu.memory_space<hbm>>
    tpu.wait_dma2 semaphore(%arg10 : memref<!tpu.dma_semaphore, #tpu.memory_space<semaphore_mem>>) src(%dma_wait3A_28 : memref<128xi32, #tpu.memory_space<hbm>>) dst(%arg6 : memref<128xi32, #tpu.memory_space<vmem>>)
    %dma_start3A_29 = arith.constant 0 : i32
    %dma_start3A_30 = arith.constant 0 : i32
    %dma_start3A_31 = tpu.memref_slice %arg3[%dma_start3A_29, %dma_start3A_30] : memref<100000x128xf32, #tpu.memory_space<hbm>> -> memref<100000x128xf32, #tpu.memory_space<hbm>>
    tpu.enqueue_indirect_dma source(%dma_start3A_31 : memref<100000x128xf32, #tpu.memory_space<hbm>>) target(%arg8 : memref<128x128xf32, #tpu.memory_space<vmem>>) offsets(%arg6 : memref<128xi32, #tpu.memory_space<vmem>>) semaphore(%arg12 : memref<!tpu.dma_semaphore, #tpu.memory_space<semaphore_mem>>)
    %dma_wait3A_32 = arith.constant 0 : i32
    %dma_wait3A_33 = arith.constant 0 : i32
    %dma_wait3A_34 = tpu.memref_slice %arg3[%dma_wait3A_32, %dma_wait3A_33] : memref<100000x128xf32, #tpu.memory_space<hbm>> -> memref<100000x128xf32, #tpu.memory_space<hbm>>
    tpu.wait_indirect_dma semaphore(%arg12 : memref<!tpu.dma_semaphore, #tpu.memory_space<semaphore_mem>>) src(%dma_wait3A_34 : memref<100000x128xf32, #tpu.memory_space<hbm>>) dst(%arg8 : memref<128x128xf32, #tpu.memory_space<vmem>>)
    %add3A_35 = arith.constant 384 : i32
    %add3A_36 = arith.addi %mul3A_2, %add3A_35 : i32
    %dma_start3A_37 = tpu.memref_slice %arg2[%add3A_36] : memref<81920xi32, #tpu.memory_space<hbm>> -> memref<128xi32, #tpu.memory_space<hbm>>
    %dma_start3A_38 = tpu.memref_slice %arg2[%add3A_36] : memref<81920xi32, #tpu.memory_space<hbm>> -> memref<128xi32, #tpu.memory_space<hbm>>
    tpu.enqueue_dma source(%dma_start3A_38 : memref<128xi32, #tpu.memory_space<hbm>>) target(%arg6 : memref<128xi32, #tpu.memory_space<vmem>>) target_semaphore(%arg10 : memref<!tpu.dma_semaphore, #tpu.memory_space<semaphore_mem>>)
    %add3A_39 = arith.constant 128 : i32
    %add3A_40 = arith.addi %mul3A_2, %add3A_39 : i32
    %dma_start3A_41 = arith.constant 0 : i32
    %dma_start3A_42 = tpu.memref_slice %arg4[%add3A_40, %dma_start3A_41] : memref<81920x128xf32, #tpu.memory_space<hbm>> -> memref<128x128xf32, #tpu.memory_space<hbm>>
    %dma_start3A_43 = arith.constant 0 : i32
    %dma_start3A_44 = tpu.memref_slice %arg4[%add3A_40, %dma_start3A_43] : memref<81920x128xf32, #tpu.memory_space<hbm>> -> memref<128x128xf32, #tpu.memory_space<hbm>>
    tpu.enqueue_dma source(%arg8 : memref<128x128xf32, #tpu.memory_space<vmem>>) target(%dma_start3A_44 : memref<128x128xf32, #tpu.memory_space<hbm>>) target_semaphore(%arg14 : memref<!tpu.dma_semaphore, #tpu.memory_space<semaphore_mem>>)
    %dma_wait3A_45 = tpu.memref_slice %arg2[%add3A_18] : memref<81920xi32, #tpu.memory_space<hbm>> -> memref<128xi32, #tpu.memory_space<hbm>>
    %dma_wait3A_46 = tpu.memref_slice %arg2[%add3A_18] : memref<81920xi32, #tpu.memory_space<hbm>> -> memref<128xi32, #tpu.memory_space<hbm>>
    tpu.wait_dma2 semaphore(%arg9 : memref<!tpu.dma_semaphore, #tpu.memory_space<semaphore_mem>>) src(%dma_wait3A_46 : memref<128xi32, #tpu.memory_space<hbm>>) dst(%arg5 : memref<128xi32, #tpu.memory_space<vmem>>)
    %dma_wait3A_47 = arith.constant 0 : i32
    %dma_wait3A_48 = tpu.memref_slice %arg4[%add3A_22, %dma_wait3A_47] : memref<81920x128xf32, #tpu.memory_space<hbm>> -> memref<128x128xf32, #tpu.memory_space<hbm>>
    %dma_wait3A_49 = arith.constant 0 : i32
    %dma_wait3A_50 = tpu.memref_slice %arg4[%add3A_22, %dma_wait3A_49] : memref<81920x128xf32, #tpu.memory_space<hbm>> -> memref<128x128xf32, #tpu.memory_space<hbm>>
    tpu.wait_dma2 semaphore(%arg13 : memref<!tpu.dma_semaphore, #tpu.memory_space<semaphore_mem>>) src(%arg7 : memref<128x128xf32, #tpu.memory_space<vmem>>) dst(%dma_wait3A_50 : memref<128x128xf32, #tpu.memory_space<hbm>>)
    %dma_start3A_51 = arith.constant 0 : i32
    %dma_start3A_52 = arith.constant 0 : i32
    %dma_start3A_53 = tpu.memref_slice %arg3[%dma_start3A_51, %dma_start3A_52] : memref<100000x128xf32, #tpu.memory_space<hbm>> -> memref<100000x128xf32, #tpu.memory_space<hbm>>
    tpu.enqueue_indirect_dma source(%dma_start3A_53 : memref<100000x128xf32, #tpu.memory_space<hbm>>) target(%arg7 : memref<128x128xf32, #tpu.memory_space<vmem>>) offsets(%arg5 : memref<128xi32, #tpu.memory_space<vmem>>) semaphore(%arg11 : memref<!tpu.dma_semaphore, #tpu.memory_space<semaphore_mem>>)
    %dma_wait3A_54 = arith.constant 0 : i32
    %dma_wait3A_55 = arith.constant 0 : i32
    %dma_wait3A_56 = tpu.memref_slice %arg3[%dma_wait3A_54, %dma_wait3A_55] : memref<100000x128xf32, #tpu.memory_space<hbm>> -> memref<100000x128xf32, #tpu.memory_space<hbm>>
    tpu.wait_indirect_dma semaphore(%arg11 : memref<!tpu.dma_semaphore, #tpu.memory_space<semaphore_mem>>) src(%dma_wait3A_56 : memref<100000x128xf32, #tpu.memory_space<hbm>>) dst(%arg7 : memref<128x128xf32, #tpu.memory_space<vmem>>)
    %add3A_57 = arith.constant 512 : i32
    %add3A_58 = arith.addi %mul3A_2, %add3A_57 : i32
    %dma_start3A_59 = tpu.memref_slice %arg2[%add3A_58] : memref<81920xi32, #tpu.memory_space<hbm>> -> memref<128xi32, #tpu.memory_space<hbm>>
    %dma_start3A_60 = tpu.memref_slice %arg2[%add3A_58] : memref<81920xi32, #tpu.memory_space<hbm>> -> memref<128xi32, #tpu.memory_space<hbm>>
    tpu.enqueue_dma source(%dma_start3A_60 : memref<128xi32, #tpu.memory_space<hbm>>) target(%arg5 : memref<128xi32, #tpu.memory_space<vmem>>) target_semaphore(%arg9 : memref<!tpu.dma_semaphore, #tpu.memory_space<semaphore_mem>>)
    %add3A_61 = arith.constant 256 : i32
    %add3A_62 = arith.addi %mul3A_2, %add3A_61 : i32
    %dma_start3A_63 = arith.constant 0 : i32
    %dma_start3A_64 = tpu.memref_slice %arg4[%add3A_62, %dma_start3A_63] : memref<81920x128xf32, #tpu.memory_space<hbm>> -> memref<128x128xf32, #tpu.memory_space<hbm>>
    %dma_start3A_65 = arith.constant 0 : i32
    %dma_start3A_66 = tpu.memref_slice %arg4[%add3A_62, %dma_start3A_65] : memref<81920x128xf32, #tpu.memory_space<hbm>> -> memref<128x128xf32, #tpu.memory_space<hbm>>
    tpu.enqueue_dma source(%arg7 : memref<128x128xf32, #tpu.memory_space<vmem>>) target(%dma_start3A_66 : memref<128x128xf32, #tpu.memory_space<hbm>>) target_semaphore(%arg13 : memref<!tpu.dma_semaphore, #tpu.memory_space<semaphore_mem>>)
    %dma_wait3A_67 = tpu.memref_slice %arg2[%add3A_36] : memref<81920xi32, #tpu.memory_space<hbm>> -> memref<128xi32, #tpu.memory_space<hbm>>
    %dma_wait3A_68 = tpu.memref_slice %arg2[%add3A_36] : memref<81920xi32, #tpu.memory_space<hbm>> -> memref<128xi32, #tpu.memory_space<hbm>>
    tpu.wait_dma2 semaphore(%arg10 : memref<!tpu.dma_semaphore, #tpu.memory_space<semaphore_mem>>) src(%dma_wait3A_68 : memref<128xi32, #tpu.memory_space<hbm>>) dst(%arg6 : memref<128xi32, #tpu.memory_space<vmem>>)
    %dma_wait3A_69 = arith.constant 0 : i32
    %dma_wait3A_70 = tpu.memref_slice %arg4[%add3A_40, %dma_wait3A_69] : memref<81920x128xf32, #tpu.memory_space<hbm>> -> memref<128x128xf32, #tpu.memory_space<hbm>>
    %dma_wait3A_71 = arith.constant 0 : i32
    %dma_wait3A_72 = tpu.memref_slice %arg4[%add3A_40, %dma_wait3A_71] : memref<81920x128xf32, #tpu.memory_space<hbm>> -> memref<128x128xf32, #tpu.memory_space<hbm>>
    tpu.wait_dma2 semaphore(%arg14 : memref<!tpu.dma_semaphore, #tpu.memory_space<semaphore_mem>>) src(%arg8 : memref<128x128xf32, #tpu.memory_space<vmem>>) dst(%dma_wait3A_72 : memref<128x128xf32, #tpu.memory_space<hbm>>)
    %dma_start3A_73 = arith.constant 0 : i32
    %dma_start3A_74 = arith.constant 0 : i32
    %dma_start3A_75 = tpu.memref_slice %arg3[%dma_start3A_73, %dma_start3A_74] : memref<100000x128xf32, #tpu.memory_space<hbm>> -> memref<100000x128xf32, #tpu.memory_space<hbm>>
    tpu.enqueue_indirect_dma source(%dma_start3A_75 : memref<100000x128xf32, #tpu.memory_space<hbm>>) target(%arg8 : memref<128x128xf32, #tpu.memory_space<vmem>>) offsets(%arg6 : memref<128xi32, #tpu.memory_space<vmem>>) semaphore(%arg12 : memref<!tpu.dma_semaphore, #tpu.memory_space<semaphore_mem>>)
    %dma_wait3A_76 = arith.constant 0 : i32
    %dma_wait3A_77 = arith.constant 0 : i32
    %dma_wait3A_78 = tpu.memref_slice %arg3[%dma_wait3A_76, %dma_wait3A_77] : memref<100000x128xf32, #tpu.memory_space<hbm>> -> memref<100000x128xf32, #tpu.memory_space<hbm>>
    tpu.wait_indirect_dma semaphore(%arg12 : memref<!tpu.dma_semaphore, #tpu.memory_space<semaphore_mem>>) src(%dma_wait3A_78 : memref<100000x128xf32, #tpu.memory_space<hbm>>) dst(%arg8 : memref<128x128xf32, #tpu.memory_space<vmem>>)
    %add3A_79 = arith.constant 640 : i32
    %add3A_80 = arith.addi %mul3A_2, %add3A_79 : i32
    %dma_start3A_81 = tpu.memref_slice %arg2[%add3A_80] : memref<81920xi32, #tpu.memory_space<hbm>> -> memref<128xi32, #tpu.memory_space<hbm>>
    %dma_start3A_82 = tpu.memref_slice %arg2[%add3A_80] : memref<81920xi32, #tpu.memory_space<hbm>> -> memref<128xi32, #tpu.memory_space<hbm>>
    tpu.enqueue_dma source(%dma_start3A_82 : memref<128xi32, #tpu.memory_space<hbm>>) target(%arg6 : memref<128xi32, #tpu.memory_space<vmem>>) target_semaphore(%arg10 : memref<!tpu.dma_semaphore, #tpu.memory_space<semaphore_mem>>)
    %add3A_83 = arith.constant 384 : i32
    %add3A_84 = arith.addi %mul3A_2, %add3A_83 : i32
    %dma_start3A_85 = arith.constant 0 : i32
    %dma_start3A_86 = tpu.memref_slice %arg4[%add3A_84, %dma_start3A_85] : memref<81920x128xf32, #tpu.memory_space<hbm>> -> memref<128x128xf32, #tpu.memory_space<hbm>>
    %dma_start3A_87 = arith.constant 0 : i32
    %dma_start3A_88 = tpu.memref_slice %arg4[%add3A_84, %dma_start3A_87] : memref<81920x128xf32, #tpu.memory_space<hbm>> -> memref<128x128xf32, #tpu.memory_space<hbm>>
    tpu.enqueue_dma source(%arg8 : memref<128x128xf32, #tpu.memory_space<vmem>>) target(%dma_start3A_88 : memref<128x128xf32, #tpu.memory_space<hbm>>) target_semaphore(%arg14 : memref<!tpu.dma_semaphore, #tpu.memory_space<semaphore_mem>>)
    %dma_wait3A_89 = tpu.memref_slice %arg2[%add3A_58] : memref<81920xi32, #tpu.memory_space<hbm>> -> memref<128xi32, #tpu.memory_space<hbm>>
    %dma_wait3A_90 = tpu.memref_slice %arg2[%add3A_58] : memref<81920xi32, #tpu.memory_space<hbm>> -> memref<128xi32, #tpu.memory_space<hbm>>
    tpu.wait_dma2 semaphore(%arg9 : memref<!tpu.dma_semaphore, #tpu.memory_space<semaphore_mem>>) src(%dma_wait3A_90 : memref<128xi32, #tpu.memory_space<hbm>>) dst(%arg5 : memref<128xi32, #tpu.memory_space<vmem>>)
    %dma_wait3A_91 = arith.constant 0 : i32
    %dma_wait3A_92 = tpu.memref_slice %arg4[%add3A_62, %dma_wait3A_91] : memref<81920x128xf32, #tpu.memory_space<hbm>> -> memref<128x128xf32, #tpu.memory_space<hbm>>
    %dma_wait3A_93 = arith.constant 0 : i32
    %dma_wait3A_94 = tpu.memref_slice %arg4[%add3A_62, %dma_wait3A_93] : memref<81920x128xf32, #tpu.memory_space<hbm>> -> memref<128x128xf32, #tpu.memory_space<hbm>>
    tpu.wait_dma2 semaphore(%arg13 : memref<!tpu.dma_semaphore, #tpu.memory_space<semaphore_mem>>) src(%arg7 : memref<128x128xf32, #tpu.memory_space<vmem>>) dst(%dma_wait3A_94 : memref<128x128xf32, #tpu.memory_space<hbm>>)
    %dma_start3A_95 = arith.constant 0 : i32
    %dma_start3A_96 = arith.constant 0 : i32
    %dma_start3A_97 = tpu.memref_slice %arg3[%dma_start3A_95, %dma_start3A_96] : memref<100000x128xf32, #tpu.memory_space<hbm>> -> memref<100000x128xf32, #tpu.memory_space<hbm>>
    tpu.enqueue_indirect_dma source(%dma_start3A_97 : memref<100000x128xf32, #tpu.memory_space<hbm>>) target(%arg7 : memref<128x128xf32, #tpu.memory_space<vmem>>) offsets(%arg5 : memref<128xi32, #tpu.memory_space<vmem>>) semaphore(%arg11 : memref<!tpu.dma_semaphore, #tpu.memory_space<semaphore_mem>>)
    %dma_wait3A_98 = arith.constant 0 : i32
    %dma_wait3A_99 = arith.constant 0 : i32
    %dma_wait3A_100 = tpu.memref_slice %arg3[%dma_wait3A_98, %dma_wait3A_99] : memref<100000x128xf32, #tpu.memory_space<hbm>> -> memref<100000x128xf32, #tpu.memory_space<hbm>>
    tpu.wait_indirect_dma semaphore(%arg11 : memref<!tpu.dma_semaphore, #tpu.memory_space<semaphore_mem>>) src(%dma_wait3A_100 : memref<100000x128xf32, #tpu.memory_space<hbm>>) dst(%arg7 : memref<128x128xf32, #tpu.memory_space<vmem>>)
    %add3A_101 = arith.constant 768 : i32
    %add3A_102 = arith.addi %mul3A_2, %add3A_101 : i32
    %dma_start3A_103 = tpu.memref_slice %arg2[%add3A_102] : memref<81920xi32, #tpu.memory_space<hbm>> -> memref<128xi32, #tpu.memory_space<hbm>>
    %dma_start3A_104 = tpu.memref_slice %arg2[%add3A_102] : memref<81920xi32, #tpu.memory_space<hbm>> -> memref<128xi32, #tpu.memory_space<hbm>>
    tpu.enqueue_dma source(%dma_start3A_104 : memref<128xi32, #tpu.memory_space<hbm>>) target(%arg5 : memref<128xi32, #tpu.memory_space<vmem>>) target_semaphore(%arg9 : memref<!tpu.dma_semaphore, #tpu.memory_space<semaphore_mem>>)
    %add3A_105 = arith.constant 512 : i32
    %add3A_106 = arith.addi %mul3A_2, %add3A_105 : i32
    %dma_start3A_107 = arith.constant 0 : i32
    %dma_start3A_108 = tpu.memref_slice %arg4[%add3A_106, %dma_start3A_107] : memref<81920x128xf32, #tpu.memory_space<hbm>> -> memref<128x128xf32, #tpu.memory_space<hbm>>
    %dma_start3A_109 = arith.constant 0 : i32
    %dma_start3A_110 = tpu.memref_slice %arg4[%add3A_106, %dma_start3A_109] : memref<81920x128xf32, #tpu.memory_space<hbm>> -> memref<128x128xf32, #tpu.memory_space<hbm>>
    tpu.enqueue_dma source(%arg7 : memref<128x128xf32, #tpu.memory_space<vmem>>) target(%dma_start3A_110 : memref<128x128xf32, #tpu.memory_space<hbm>>) target_semaphore(%arg13 : memref<!tpu.dma_semaphore, #tpu.memory_space<semaphore_mem>>)
    %dma_wait3A_111 = tpu.memref_slice %arg2[%add3A_80] : memref<81920xi32, #tpu.memory_space<hbm>> -> memref<128xi32, #tpu.memory_space<hbm>>
    %dma_wait3A_112 = tpu.memref_slice %arg2[%add3A_80] : memref<81920xi32, #tpu.memory_space<hbm>> -> memref<128xi32, #tpu.memory_space<hbm>>
    tpu.wait_dma2 semaphore(%arg10 : memref<!tpu.dma_semaphore, #tpu.memory_space<semaphore_mem>>) src(%dma_wait3A_112 : memref<128xi32, #tpu.memory_space<hbm>>) dst(%arg6 : memref<128xi32, #tpu.memory_space<vmem>>)
    %dma_wait3A_113 = arith.constant 0 : i32
    %dma_wait3A_114 = tpu.memref_slice %arg4[%add3A_84, %dma_wait3A_113] : memref<81920x128xf32, #tpu.memory_space<hbm>> -> memref<128x128xf32, #tpu.memory_space<hbm>>
    %dma_wait3A_115 = arith.constant 0 : i32
    %dma_wait3A_116 = tpu.memref_slice %arg4[%add3A_84, %dma_wait3A_115] : memref<81920x128xf32, #tpu.memory_space<hbm>> -> memref<128x128xf32, #tpu.memory_space<hbm>>
    tpu.wait_dma2 semaphore(%arg14 : memref<!tpu.dma_semaphore, #tpu.memory_space<semaphore_mem>>) src(%arg8 : memref<128x128xf32, #tpu.memory_space<vmem>>) dst(%dma_wait3A_116 : memref<128x128xf32, #tpu.memory_space<hbm>>)
    %dma_start3A_117 = arith.constant 0 : i32
    %dma_start3A_118 = arith.constant 0 : i32
    %dma_start3A_119 = tpu.memref_slice %arg3[%dma_start3A_117, %dma_start3A_118] : memref<100000x128xf32, #tpu.memory_space<hbm>> -> memref<100000x128xf32, #tpu.memory_space<hbm>>
    tpu.enqueue_indirect_dma source(%dma_start3A_119 : memref<100000x128xf32, #tpu.memory_space<hbm>>) target(%arg8 : memref<128x128xf32, #tpu.memory_space<vmem>>) offsets(%arg6 : memref<128xi32, #tpu.memory_space<vmem>>) semaphore(%arg12 : memref<!tpu.dma_semaphore, #tpu.memory_space<semaphore_mem>>)
    %dma_wait3A_120 = arith.constant 0 : i32
    %dma_wait3A_121 = arith.constant 0 : i32
    %dma_wait3A_122 = tpu.memref_slice %arg3[%dma_wait3A_120, %dma_wait3A_121] : memref<100000x128xf32, #tpu.memory_space<hbm>> -> memref<100000x128xf32, #tpu.memory_space<hbm>>
    tpu.wait_indirect_dma semaphore(%arg12 : memref<!tpu.dma_semaphore, #tpu.memory_space<semaphore_mem>>) src(%dma_wait3A_122 : memref<100000x128xf32, #tpu.memory_space<hbm>>) dst(%arg8 : memref<128x128xf32, #tpu.memory_space<vmem>>)
    %add3A_123 = arith.constant 896 : i32
    %add3A_124 = arith.addi %mul3A_2, %add3A_123 : i32
    %dma_start3A_125 = tpu.memref_slice %arg2[%add3A_124] : memref<81920xi32, #tpu.memory_space<hbm>> -> memref<128xi32, #tpu.memory_space<hbm>>
    %dma_start3A_126 = tpu.memref_slice %arg2[%add3A_124] : memref<81920xi32, #tpu.memory_space<hbm>> -> memref<128xi32, #tpu.memory_space<hbm>>
    tpu.enqueue_dma source(%dma_start3A_126 : memref<128xi32, #tpu.memory_space<hbm>>) target(%arg6 : memref<128xi32, #tpu.memory_space<vmem>>) target_semaphore(%arg10 : memref<!tpu.dma_semaphore, #tpu.memory_space<semaphore_mem>>)
    %add3A_127 = arith.constant 640 : i32
    %add3A_128 = arith.addi %mul3A_2, %add3A_127 : i32
    %dma_start3A_129 = arith.constant 0 : i32
    %dma_start3A_130 = tpu.memref_slice %arg4[%add3A_128, %dma_start3A_129] : memref<81920x128xf32, #tpu.memory_space<hbm>> -> memref<128x128xf32, #tpu.memory_space<hbm>>
    %dma_start3A_131 = arith.constant 0 : i32
    %dma_start3A_132 = tpu.memref_slice %arg4[%add3A_128, %dma_start3A_131] : memref<81920x128xf32, #tpu.memory_space<hbm>> -> memref<128x128xf32, #tpu.memory_space<hbm>>
    tpu.enqueue_dma source(%arg8 : memref<128x128xf32, #tpu.memory_space<vmem>>) target(%dma_start3A_132 : memref<128x128xf32, #tpu.memory_space<hbm>>) target_semaphore(%arg14 : memref<!tpu.dma_semaphore, #tpu.memory_space<semaphore_mem>>)
    %dma_wait3A_133 = tpu.memref_slice %arg2[%add3A_102] : memref<81920xi32, #tpu.memory_space<hbm>> -> memref<128xi32, #tpu.memory_space<hbm>>
    %dma_wait3A_134 = tpu.memref_slice %arg2[%add3A_102] : memref<81920xi32, #tpu.memory_space<hbm>> -> memref<128xi32, #tpu.memory_space<hbm>>
    tpu.wait_dma2 semaphore(%arg9 : memref<!tpu.dma_semaphore, #tpu.memory_space<semaphore_mem>>) src(%dma_wait3A_134 : memref<128xi32, #tpu.memory_space<hbm>>) dst(%arg5 : memref<128xi32, #tpu.memory_space<vmem>>)
    %dma_wait3A_135 = arith.constant 0 : i32
    %dma_wait3A_136 = tpu.memref_slice %arg4[%add3A_106, %dma_wait3A_135] : memref<81920x128xf32, #tpu.memory_space<hbm>> -> memref<128x128xf32, #tpu.memory_space<hbm>>
    %dma_wait3A_137 = arith.constant 0 : i32
    %dma_wait3A_138 = tpu.memref_slice %arg4[%add3A_106, %dma_wait3A_137] : memref<81920x128xf32, #tpu.memory_space<hbm>> -> memref<128x128xf32, #tpu.memory_space<hbm>>
    tpu.wait_dma2 semaphore(%arg13 : memref<!tpu.dma_semaphore, #tpu.memory_space<semaphore_mem>>) src(%arg7 : memref<128x128xf32, #tpu.memory_space<vmem>>) dst(%dma_wait3A_138 : memref<128x128xf32, #tpu.memory_space<hbm>>)
    %dma_start3A_139 = arith.constant 0 : i32
    %dma_start3A_140 = arith.constant 0 : i32
    %dma_start3A_141 = tpu.memref_slice %arg3[%dma_start3A_139, %dma_start3A_140] : memref<100000x128xf32, #tpu.memory_space<hbm>> -> memref<100000x128xf32, #tpu.memory_space<hbm>>
    tpu.enqueue_indirect_dma source(%dma_start3A_141 : memref<100000x128xf32, #tpu.memory_space<hbm>>) target(%arg7 : memref<128x128xf32, #tpu.memory_space<vmem>>) offsets(%arg5 : memref<128xi32, #tpu.memory_space<vmem>>) semaphore(%arg11 : memref<!tpu.dma_semaphore, #tpu.memory_space<semaphore_mem>>)
    %dma_wait3A_142 = arith.constant 0 : i32
    %dma_wait3A_143 = arith.constant 0 : i32
    %dma_wait3A_144 = tpu.memref_slice %arg3[%dma_wait3A_142, %dma_wait3A_143] : memref<100000x128xf32, #tpu.memory_space<hbm>> -> memref<100000x128xf32, #tpu.memory_space<hbm>>
    tpu.wait_indirect_dma semaphore(%arg11 : memref<!tpu.dma_semaphore, #tpu.memory_space<semaphore_mem>>) src(%dma_wait3A_144 : memref<100000x128xf32, #tpu.memory_space<hbm>>) dst(%arg7 : memref<128x128xf32, #tpu.memory_space<vmem>>)
    %add3A_145 = arith.constant 1024 : i32
    %add3A_146 = arith.addi %mul3A_2, %add3A_145 : i32
    %dma_start3A_147 = tpu.memref_slice %arg2[%add3A_146] : memref<81920xi32, #tpu.memory_space<hbm>> -> memref<128xi32, #tpu.memory_space<hbm>>
    %dma_start3A_148 = tpu.memref_slice %arg2[%add3A_146] : memref<81920xi32, #tpu.memory_space<hbm>> -> memref<128xi32, #tpu.memory_space<hbm>>
    tpu.enqueue_dma source(%dma_start3A_148 : memref<128xi32, #tpu.memory_space<hbm>>) target(%arg5 : memref<128xi32, #tpu.memory_space<vmem>>) target_semaphore(%arg9 : memref<!tpu.dma_semaphore, #tpu.memory_space<semaphore_mem>>)
    %add3A_149 = arith.constant 768 : i32
    %add3A_150 = arith.addi %mul3A_2, %add3A_149 : i32
    %dma_start3A_151 = arith.constant 0 : i32
    %dma_start3A_152 = tpu.memref_slice %arg4[%add3A_150, %dma_start3A_151] : memref<81920x128xf32, #tpu.memory_space<hbm>> -> memref<128x128xf32, #tpu.memory_space<hbm>>
    %dma_start3A_153 = arith.constant 0 : i32
    %dma_start3A_154 = tpu.memref_slice %arg4[%add3A_150, %dma_start3A_153] : memref<81920x128xf32, #tpu.memory_space<hbm>> -> memref<128x128xf32, #tpu.memory_space<hbm>>
    tpu.enqueue_dma source(%arg7 : memref<128x128xf32, #tpu.memory_space<vmem>>) target(%dma_start3A_154 : memref<128x128xf32, #tpu.memory_space<hbm>>) target_semaphore(%arg13 : memref<!tpu.dma_semaphore, #tpu.memory_space<semaphore_mem>>)
    %dma_wait3A_155 = tpu.memref_slice %arg2[%add3A_124] : memref<81920xi32, #tpu.memory_space<hbm>> -> memref<128xi32, #tpu.memory_space<hbm>>
    %dma_wait3A_156 = tpu.memref_slice %arg2[%add3A_124] : memref<81920xi32, #tpu.memory_space<hbm>> -> memref<128xi32, #tpu.memory_space<hbm>>
    tpu.wait_dma2 semaphore(%arg10 : memref<!tpu.dma_semaphore, #tpu.memory_space<semaphore_mem>>) src(%dma_wait3A_156 : memref<128xi32, #tpu.memory_space<hbm>>) dst(%arg6 : memref<128xi32, #tpu.memory_space<vmem>>)
    %dma_wait3A_157 = arith.constant 0 : i32
    %dma_wait3A_158 = tpu.memref_slice %arg4[%add3A_128, %dma_wait3A_157] : memref<81920x128xf32, #tpu.memory_space<hbm>> -> memref<128x128xf32, #tpu.memory_space<hbm>>
    %dma_wait3A_159 = arith.constant 0 : i32
    %dma_wait3A_160 = tpu.memref_slice %arg4[%add3A_128, %dma_wait3A_159] : memref<81920x128xf32, #tpu.memory_space<hbm>> -> memref<128x128xf32, #tpu.memory_space<hbm>>
    tpu.wait_dma2 semaphore(%arg14 : memref<!tpu.dma_semaphore, #tpu.memory_space<semaphore_mem>>) src(%arg8 : memref<128x128xf32, #tpu.memory_space<vmem>>) dst(%dma_wait3A_160 : memref<128x128xf32, #tpu.memory_space<hbm>>)
    %dma_start3A_161 = arith.constant 0 : i32
    %dma_start3A_162 = arith.constant 0 : i32
    %dma_start3A_163 = tpu.memref_slice %arg3[%dma_start3A_161, %dma_start3A_162] : memref<100000x128xf32, #tpu.memory_space<hbm>> -> memref<100000x128xf32, #tpu.memory_space<hbm>>
    tpu.enqueue_indirect_dma source(%dma_start3A_163 : memref<100000x128xf32, #tpu.memory_space<hbm>>) target(%arg8 : memref<128x128xf32, #tpu.memory_space<vmem>>) offsets(%arg6 : memref<128xi32, #tpu.memory_space<vmem>>) semaphore(%arg12 : memref<!tpu.dma_semaphore, #tpu.memory_space<semaphore_mem>>)
    %dma_wait3A_164 = arith.constant 0 : i32
    %dma_wait3A_165 = arith.constant 0 : i32
    %dma_wait3A_166 = tpu.memref_slice %arg3[%dma_wait3A_164, %dma_wait3A_165] : memref<100000x128xf32, #tpu.memory_space<hbm>> -> memref<100000x128xf32, #tpu.memory_space<hbm>>
    tpu.wait_indirect_dma semaphore(%arg12 : memref<!tpu.dma_semaphore, #tpu.memory_space<semaphore_mem>>) src(%dma_wait3A_166 : memref<100000x128xf32, #tpu.memory_space<hbm>>) dst(%arg8 : memref<128x128xf32, #tpu.memory_space<vmem>>)
    %add3A_167 = arith.constant 1152 : i32
    %add3A_168 = arith.addi %mul3A_2, %add3A_167 : i32
    %dma_start3A_169 = tpu.memref_slice %arg2[%add3A_168] : memref<81920xi32, #tpu.memory_space<hbm>> -> memref<128xi32, #tpu.memory_space<hbm>>
    %dma_start3A_170 = tpu.memref_slice %arg2[%add3A_168] : memref<81920xi32, #tpu.memory_space<hbm>> -> memref<128xi32, #tpu.memory_space<hbm>>
    tpu.enqueue_dma source(%dma_start3A_170 : memref<128xi32, #tpu.memory_space<hbm>>) target(%arg6 : memref<128xi32, #tpu.memory_space<vmem>>) target_semaphore(%arg10 : memref<!tpu.dma_semaphore, #tpu.memory_space<semaphore_mem>>)
    %add3A_171 = arith.constant 896 : i32
    %add3A_172 = arith.addi %mul3A_2, %add3A_171 : i32
    %dma_start3A_173 = arith.constant 0 : i32
    %dma_start3A_174 = tpu.memref_slice %arg4[%add3A_172, %dma_start3A_173] : memref<81920x128xf32, #tpu.memory_space<hbm>> -> memref<128x128xf32, #tpu.memory_space<hbm>>
    %dma_start3A_175 = arith.constant 0 : i32
    %dma_start3A_176 = tpu.memref_slice %arg4[%add3A_172, %dma_start3A_175] : memref<81920x128xf32, #tpu.memory_space<hbm>> -> memref<128x128xf32, #tpu.memory_space<hbm>>
    tpu.enqueue_dma source(%arg8 : memref<128x128xf32, #tpu.memory_space<vmem>>) target(%dma_start3A_176 : memref<128x128xf32, #tpu.memory_space<hbm>>) target_semaphore(%arg14 : memref<!tpu.dma_semaphore, #tpu.memory_space<semaphore_mem>>)
    %dma_wait3A_177 = tpu.memref_slice %arg2[%add3A_146] : memref<81920xi32, #tpu.memory_space<hbm>> -> memref<128xi32, #tpu.memory_space<hbm>>
    %dma_wait3A_178 = tpu.memref_slice %arg2[%add3A_146] : memref<81920xi32, #tpu.memory_space<hbm>> -> memref<128xi32, #tpu.memory_space<hbm>>
    tpu.wait_dma2 semaphore(%arg9 : memref<!tpu.dma_semaphore, #tpu.memory_space<semaphore_mem>>) src(%dma_wait3A_178 : memref<128xi32, #tpu.memory_space<hbm>>) dst(%arg5 : memref<128xi32, #tpu.memory_space<vmem>>)
    %dma_wait3A_179 = arith.constant 0 : i32
    %dma_wait3A_180 = tpu.memref_slice %arg4[%add3A_150, %dma_wait3A_179] : memref<81920x128xf32, #tpu.memory_space<hbm>> -> memref<128x128xf32, #tpu.memory_space<hbm>>
    %dma_wait3A_181 = arith.constant 0 : i32
    %dma_wait3A_182 = tpu.memref_slice %arg4[%add3A_150, %dma_wait3A_181] : memref<81920x128xf32, #tpu.memory_space<hbm>> -> memref<128x128xf32, #tpu.memory_space<hbm>>
    tpu.wait_dma2 semaphore(%arg13 : memref<!tpu.dma_semaphore, #tpu.memory_space<semaphore_mem>>) src(%arg7 : memref<128x128xf32, #tpu.memory_space<vmem>>) dst(%dma_wait3A_182 : memref<128x128xf32, #tpu.memory_space<hbm>>)
    %dma_start3A_183 = arith.constant 0 : i32
    %dma_start3A_184 = arith.constant 0 : i32
    %dma_start3A_185 = tpu.memref_slice %arg3[%dma_start3A_183, %dma_start3A_184] : memref<100000x128xf32, #tpu.memory_space<hbm>> -> memref<100000x128xf32, #tpu.memory_space<hbm>>
    tpu.enqueue_indirect_dma source(%dma_start3A_185 : memref<100000x128xf32, #tpu.memory_space<hbm>>) target(%arg7 : memref<128x128xf32, #tpu.memory_space<vmem>>) offsets(%arg5 : memref<128xi32, #tpu.memory_space<vmem>>) semaphore(%arg11 : memref<!tpu.dma_semaphore, #tpu.memory_space<semaphore_mem>>)
    %dma_wait3A_186 = arith.constant 0 : i32
    %dma_wait3A_187 = arith.constant 0 : i32
    %dma_wait3A_188 = tpu.memref_slice %arg3[%dma_wait3A_186, %dma_wait3A_187] : memref<100000x128xf32, #tpu.memory_space<hbm>> -> memref<100000x128xf32, #tpu.memory_space<hbm>>
    tpu.wait_indirect_dma semaphore(%arg11 : memref<!tpu.dma_semaphore, #tpu.memory_space<semaphore_mem>>) src(%dma_wait3A_188 : memref<100000x128xf32, #tpu.memory_space<hbm>>) dst(%arg7 : memref<128x128xf32, #tpu.memory_space<vmem>>)
    %add3A_189 = arith.constant 1280 : i32
    %add3A_190 = arith.addi %mul3A_2, %add3A_189 : i32
    %dma_start3A_191 = tpu.memref_slice %arg2[%add3A_190] : memref<81920xi32, #tpu.memory_space<hbm>> -> memref<128xi32, #tpu.memory_space<hbm>>
    %dma_start3A_192 = tpu.memref_slice %arg2[%add3A_190] : memref<81920xi32, #tpu.memory_space<hbm>> -> memref<128xi32, #tpu.memory_space<hbm>>
    tpu.enqueue_dma source(%dma_start3A_192 : memref<128xi32, #tpu.memory_space<hbm>>) target(%arg5 : memref<128xi32, #tpu.memory_space<vmem>>) target_semaphore(%arg9 : memref<!tpu.dma_semaphore, #tpu.memory_space<semaphore_mem>>)
    %add3A_193 = arith.constant 1024 : i32
    %add3A_194 = arith.addi %mul3A_2, %add3A_193 : i32
    %dma_start3A_195 = arith.constant 0 : i32
    %dma_start3A_196 = tpu.memref_slice %arg4[%add3A_194, %dma_start3A_195] : memref<81920x128xf32, #tpu.memory_space<hbm>> -> memref<128x128xf32, #tpu.memory_space<hbm>>
    %dma_start3A_197 = arith.constant 0 : i32
    %dma_start3A_198 = tpu.memref_slice %arg4[%add3A_194, %dma_start3A_197] : memref<81920x128xf32, #tpu.memory_space<hbm>> -> memref<128x128xf32, #tpu.memory_space<hbm>>
    tpu.enqueue_dma source(%arg7 : memref<128x128xf32, #tpu.memory_space<vmem>>) target(%dma_start3A_198 : memref<128x128xf32, #tpu.memory_space<hbm>>) target_semaphore(%arg13 : memref<!tpu.dma_semaphore, #tpu.memory_space<semaphore_mem>>)
    %dma_wait3A_199 = tpu.memref_slice %arg2[%add3A_168] : memref<81920xi32, #tpu.memory_space<hbm>> -> memref<128xi32, #tpu.memory_space<hbm>>
    %dma_wait3A_200 = tpu.memref_slice %arg2[%add3A_168] : memref<81920xi32, #tpu.memory_space<hbm>> -> memref<128xi32, #tpu.memory_space<hbm>>
    tpu.wait_dma2 semaphore(%arg10 : memref<!tpu.dma_semaphore, #tpu.memory_space<semaphore_mem>>) src(%dma_wait3A_200 : memref<128xi32, #tpu.memory_space<hbm>>) dst(%arg6 : memref<128xi32, #tpu.memory_space<vmem>>)
    %dma_wait3A_201 = arith.constant 0 : i32
    %dma_wait3A_202 = tpu.memref_slice %arg4[%add3A_172, %dma_wait3A_201] : memref<81920x128xf32, #tpu.memory_space<hbm>> -> memref<128x128xf32, #tpu.memory_space<hbm>>
    %dma_wait3A_203 = arith.constant 0 : i32
    %dma_wait3A_204 = tpu.memref_slice %arg4[%add3A_172, %dma_wait3A_203] : memref<81920x128xf32, #tpu.memory_space<hbm>> -> memref<128x128xf32, #tpu.memory_space<hbm>>
    tpu.wait_dma2 semaphore(%arg14 : memref<!tpu.dma_semaphore, #tpu.memory_space<semaphore_mem>>) src(%arg8 : memref<128x128xf32, #tpu.memory_space<vmem>>) dst(%dma_wait3A_204 : memref<128x128xf32, #tpu.memory_space<hbm>>)
    %dma_start3A_205 = arith.constant 0 : i32
    %dma_start3A_206 = arith.constant 0 : i32
    %dma_start3A_207 = tpu.memref_slice %arg3[%dma_start3A_205, %dma_start3A_206] : memref<100000x128xf32, #tpu.memory_space<hbm>> -> memref<100000x128xf32, #tpu.memory_space<hbm>>
    tpu.enqueue_indirect_dma source(%dma_start3A_207 : memref<100000x128xf32, #tpu.memory_space<hbm>>) target(%arg8 : memref<128x128xf32, #tpu.memory_space<vmem>>) offsets(%arg6 : memref<128xi32, #tpu.memory_space<vmem>>) semaphore(%arg12 : memref<!tpu.dma_semaphore, #tpu.memory_space<semaphore_mem>>)
    %dma_wait3A_208 = arith.constant 0 : i32
    %dma_wait3A_209 = arith.constant 0 : i32
    %dma_wait3A_210 = tpu.memref_slice %arg3[%dma_wait3A_208, %dma_wait3A_209] : memref<100000x128xf32, #tpu.memory_space<hbm>> -> memref<100000x128xf32, #tpu.memory_space<hbm>>
    tpu.wait_indirect_dma semaphore(%arg12 : memref<!tpu.dma_semaphore, #tpu.memory_space<semaphore_mem>>) src(%dma_wait3A_210 : memref<100000x128xf32, #tpu.memory_space<hbm>>) dst(%arg8 : memref<128x128xf32, #tpu.memory_space<vmem>>)
    %add3A_211 = arith.constant 1408 : i32
    %add3A_212 = arith.addi %mul3A_2, %add3A_211 : i32
    %dma_start3A_213 = tpu.memref_slice %arg2[%add3A_212] : memref<81920xi32, #tpu.memory_space<hbm>> -> memref<128xi32, #tpu.memory_space<hbm>>
    %dma_start3A_214 = tpu.memref_slice %arg2[%add3A_212] : memref<81920xi32, #tpu.memory_space<hbm>> -> memref<128xi32, #tpu.memory_space<hbm>>
    tpu.enqueue_dma source(%dma_start3A_214 : memref<128xi32, #tpu.memory_space<hbm>>) target(%arg6 : memref<128xi32, #tpu.memory_space<vmem>>) target_semaphore(%arg10 : memref<!tpu.dma_semaphore, #tpu.memory_space<semaphore_mem>>)
    %add3A_215 = arith.constant 1152 : i32
    %add3A_216 = arith.addi %mul3A_2, %add3A_215 : i32
    %dma_start3A_217 = arith.constant 0 : i32
    %dma_start3A_218 = tpu.memref_slice %arg4[%add3A_216, %dma_start3A_217] : memref<81920x128xf32, #tpu.memory_space<hbm>> -> memref<128x128xf32, #tpu.memory_space<hbm>>
    %dma_start3A_219 = arith.constant 0 : i32
    %dma_start3A_220 = tpu.memref_slice %arg4[%add3A_216, %dma_start3A_219] : memref<81920x128xf32, #tpu.memory_space<hbm>> -> memref<128x128xf32, #tpu.memory_space<hbm>>
    tpu.enqueue_dma source(%arg8 : memref<128x128xf32, #tpu.memory_space<vmem>>) target(%dma_start3A_220 : memref<128x128xf32, #tpu.memory_space<hbm>>) target_semaphore(%arg14 : memref<!tpu.dma_semaphore, #tpu.memory_space<semaphore_mem>>)
    %dma_wait3A_221 = tpu.memref_slice %arg2[%add3A_190] : memref<81920xi32, #tpu.memory_space<hbm>> -> memref<128xi32, #tpu.memory_space<hbm>>
    %dma_wait3A_222 = tpu.memref_slice %arg2[%add3A_190] : memref<81920xi32, #tpu.memory_space<hbm>> -> memref<128xi32, #tpu.memory_space<hbm>>
    tpu.wait_dma2 semaphore(%arg9 : memref<!tpu.dma_semaphore, #tpu.memory_space<semaphore_mem>>) src(%dma_wait3A_222 : memref<128xi32, #tpu.memory_space<hbm>>) dst(%arg5 : memref<128xi32, #tpu.memory_space<vmem>>)
    %dma_wait3A_223 = arith.constant 0 : i32
    %dma_wait3A_224 = tpu.memref_slice %arg4[%add3A_194, %dma_wait3A_223] : memref<81920x128xf32, #tpu.memory_space<hbm>> -> memref<128x128xf32, #tpu.memory_space<hbm>>
    %dma_wait3A_225 = arith.constant 0 : i32
    %dma_wait3A_226 = tpu.memref_slice %arg4[%add3A_194, %dma_wait3A_225] : memref<81920x128xf32, #tpu.memory_space<hbm>> -> memref<128x128xf32, #tpu.memory_space<hbm>>
    tpu.wait_dma2 semaphore(%arg13 : memref<!tpu.dma_semaphore, #tpu.memory_space<semaphore_mem>>) src(%arg7 : memref<128x128xf32, #tpu.memory_space<vmem>>) dst(%dma_wait3A_226 : memref<128x128xf32, #tpu.memory_space<hbm>>)
    %dma_start3A_227 = arith.constant 0 : i32
    %dma_start3A_228 = arith.constant 0 : i32
    %dma_start3A_229 = tpu.memref_slice %arg3[%dma_start3A_227, %dma_start3A_228] : memref<100000x128xf32, #tpu.memory_space<hbm>> -> memref<100000x128xf32, #tpu.memory_space<hbm>>
    tpu.enqueue_indirect_dma source(%dma_start3A_229 : memref<100000x128xf32, #tpu.memory_space<hbm>>) target(%arg7 : memref<128x128xf32, #tpu.memory_space<vmem>>) offsets(%arg5 : memref<128xi32, #tpu.memory_space<vmem>>) semaphore(%arg11 : memref<!tpu.dma_semaphore, #tpu.memory_space<semaphore_mem>>)
    %dma_wait3A_230 = arith.constant 0 : i32
    %dma_wait3A_231 = arith.constant 0 : i32
    %dma_wait3A_232 = tpu.memref_slice %arg3[%dma_wait3A_230, %dma_wait3A_231] : memref<100000x128xf32, #tpu.memory_space<hbm>> -> memref<100000x128xf32, #tpu.memory_space<hbm>>
    tpu.wait_indirect_dma semaphore(%arg11 : memref<!tpu.dma_semaphore, #tpu.memory_space<semaphore_mem>>) src(%dma_wait3A_232 : memref<100000x128xf32, #tpu.memory_space<hbm>>) dst(%arg7 : memref<128x128xf32, #tpu.memory_space<vmem>>)
    %add3A_233 = arith.constant 1536 : i32
    %add3A_234 = arith.addi %mul3A_2, %add3A_233 : i32
    %dma_start3A_235 = tpu.memref_slice %arg2[%add3A_234] : memref<81920xi32, #tpu.memory_space<hbm>> -> memref<128xi32, #tpu.memory_space<hbm>>
    %dma_start3A_236 = tpu.memref_slice %arg2[%add3A_234] : memref<81920xi32, #tpu.memory_space<hbm>> -> memref<128xi32, #tpu.memory_space<hbm>>
    tpu.enqueue_dma source(%dma_start3A_236 : memref<128xi32, #tpu.memory_space<hbm>>) target(%arg5 : memref<128xi32, #tpu.memory_space<vmem>>) target_semaphore(%arg9 : memref<!tpu.dma_semaphore, #tpu.memory_space<semaphore_mem>>)
    %add3A_237 = arith.constant 1280 : i32
    %add3A_238 = arith.addi %mul3A_2, %add3A_237 : i32
    %dma_start3A_239 = arith.constant 0 : i32
    %dma_start3A_240 = tpu.memref_slice %arg4[%add3A_238, %dma_start3A_239] : memref<81920x128xf32, #tpu.memory_space<hbm>> -> memref<128x128xf32, #tpu.memory_space<hbm>>
    %dma_start3A_241 = arith.constant 0 : i32
    %dma_start3A_242 = tpu.memref_slice %arg4[%add3A_238, %dma_start3A_241] : memref<81920x128xf32, #tpu.memory_space<hbm>> -> memref<128x128xf32, #tpu.memory_space<hbm>>
    tpu.enqueue_dma source(%arg7 : memref<128x128xf32, #tpu.memory_space<vmem>>) target(%dma_start3A_242 : memref<128x128xf32, #tpu.memory_space<hbm>>) target_semaphore(%arg13 : memref<!tpu.dma_semaphore, #tpu.memory_space<semaphore_mem>>)
    %dma_wait3A_243 = tpu.memref_slice %arg2[%add3A_212] : memref<81920xi32, #tpu.memory_space<hbm>> -> memref<128xi32, #tpu.memory_space<hbm>>
    %dma_wait3A_244 = tpu.memref_slice %arg2[%add3A_212] : memref<81920xi32, #tpu.memory_space<hbm>> -> memref<128xi32, #tpu.memory_space<hbm>>
    tpu.wait_dma2 semaphore(%arg10 : memref<!tpu.dma_semaphore, #tpu.memory_space<semaphore_mem>>) src(%dma_wait3A_244 : memref<128xi32, #tpu.memory_space<hbm>>) dst(%arg6 : memref<128xi32, #tpu.memory_space<vmem>>)
    %dma_wait3A_245 = arith.constant 0 : i32
    %dma_wait3A_246 = tpu.memref_slice %arg4[%add3A_216, %dma_wait3A_245] : memref<81920x128xf32, #tpu.memory_space<hbm>> -> memref<128x128xf32, #tpu.memory_space<hbm>>
    %dma_wait3A_247 = arith.constant 0 : i32
    %dma_wait3A_248 = tpu.memref_slice %arg4[%add3A_216, %dma_wait3A_247] : memref<81920x128xf32, #tpu.memory_space<hbm>> -> memref<128x128xf32, #tpu.memory_space<hbm>>
    tpu.wait_dma2 semaphore(%arg14 : memref<!tpu.dma_semaphore, #tpu.memory_space<semaphore_mem>>) src(%arg8 : memref<128x128xf32, #tpu.memory_space<vmem>>) dst(%dma_wait3A_248 : memref<128x128xf32, #tpu.memory_space<hbm>>)
    %dma_start3A_249 = arith.constant 0 : i32
    %dma_start3A_250 = arith.constant 0 : i32
    %dma_start3A_251 = tpu.memref_slice %arg3[%dma_start3A_249, %dma_start3A_250] : memref<100000x128xf32, #tpu.memory_space<hbm>> -> memref<100000x128xf32, #tpu.memory_space<hbm>>
    tpu.enqueue_indirect_dma source(%dma_start3A_251 : memref<100000x128xf32, #tpu.memory_space<hbm>>) target(%arg8 : memref<128x128xf32, #tpu.memory_space<vmem>>) offsets(%arg6 : memref<128xi32, #tpu.memory_space<vmem>>) semaphore(%arg12 : memref<!tpu.dma_semaphore, #tpu.memory_space<semaphore_mem>>)
    %dma_wait3A_252 = arith.constant 0 : i32
    %dma_wait3A_253 = arith.constant 0 : i32
    %dma_wait3A_254 = tpu.memref_slice %arg3[%dma_wait3A_252, %dma_wait3A_253] : memref<100000x128xf32, #tpu.memory_space<hbm>> -> memref<100000x128xf32, #tpu.memory_space<hbm>>
    tpu.wait_indirect_dma semaphore(%arg12 : memref<!tpu.dma_semaphore, #tpu.memory_space<semaphore_mem>>) src(%dma_wait3A_254 : memref<100000x128xf32, #tpu.memory_space<hbm>>) dst(%arg8 : memref<128x128xf32, #tpu.memory_space<vmem>>)
    %add3A_255 = arith.constant 1664 : i32
    %add3A_256 = arith.addi %mul3A_2, %add3A_255 : i32
    %dma_start3A_257 = tpu.memref_slice %arg2[%add3A_256] : memref<81920xi32, #tpu.memory_space<hbm>> -> memref<128xi32, #tpu.memory_space<hbm>>
    %dma_start3A_258 = tpu.memref_slice %arg2[%add3A_256] : memref<81920xi32, #tpu.memory_space<hbm>> -> memref<128xi32, #tpu.memory_space<hbm>>
    tpu.enqueue_dma source(%dma_start3A_258 : memref<128xi32, #tpu.memory_space<hbm>>) target(%arg6 : memref<128xi32, #tpu.memory_space<vmem>>) target_semaphore(%arg10 : memref<!tpu.dma_semaphore, #tpu.memory_space<semaphore_mem>>)
    %add3A_259 = arith.constant 1408 : i32
    %add3A_260 = arith.addi %mul3A_2, %add3A_259 : i32
    %dma_start3A_261 = arith.constant 0 : i32
    %dma_start3A_262 = tpu.memref_slice %arg4[%add3A_260, %dma_start3A_261] : memref<81920x128xf32, #tpu.memory_space<hbm>> -> memref<128x128xf32, #tpu.memory_space<hbm>>
    %dma_start3A_263 = arith.constant 0 : i32
    %dma_start3A_264 = tpu.memref_slice %arg4[%add3A_260, %dma_start3A_263] : memref<81920x128xf32, #tpu.memory_space<hbm>> -> memref<128x128xf32, #tpu.memory_space<hbm>>
    tpu.enqueue_dma source(%arg8 : memref<128x128xf32, #tpu.memory_space<vmem>>) target(%dma_start3A_264 : memref<128x128xf32, #tpu.memory_space<hbm>>) target_semaphore(%arg14 : memref<!tpu.dma_semaphore, #tpu.memory_space<semaphore_mem>>)
    %dma_wait3A_265 = tpu.memref_slice %arg2[%add3A_234] : memref<81920xi32, #tpu.memory_space<hbm>> -> memref<128xi32, #tpu.memory_space<hbm>>
    %dma_wait3A_266 = tpu.memref_slice %arg2[%add3A_234] : memref<81920xi32, #tpu.memory_space<hbm>> -> memref<128xi32, #tpu.memory_space<hbm>>
    tpu.wait_dma2 semaphore(%arg9 : memref<!tpu.dma_semaphore, #tpu.memory_space<semaphore_mem>>) src(%dma_wait3A_266 : memref<128xi32, #tpu.memory_space<hbm>>) dst(%arg5 : memref<128xi32, #tpu.memory_space<vmem>>)
    %dma_wait3A_267 = arith.constant 0 : i32
    %dma_wait3A_268 = tpu.memref_slice %arg4[%add3A_238, %dma_wait3A_267] : memref<81920x128xf32, #tpu.memory_space<hbm>> -> memref<128x128xf32, #tpu.memory_space<hbm>>
    %dma_wait3A_269 = arith.constant 0 : i32
    %dma_wait3A_270 = tpu.memref_slice %arg4[%add3A_238, %dma_wait3A_269] : memref<81920x128xf32, #tpu.memory_space<hbm>> -> memref<128x128xf32, #tpu.memory_space<hbm>>
    tpu.wait_dma2 semaphore(%arg13 : memref<!tpu.dma_semaphore, #tpu.memory_space<semaphore_mem>>) src(%arg7 : memref<128x128xf32, #tpu.memory_space<vmem>>) dst(%dma_wait3A_270 : memref<128x128xf32, #tpu.memory_space<hbm>>)
    %dma_start3A_271 = arith.constant 0 : i32
    %dma_start3A_272 = arith.constant 0 : i32
    %dma_start3A_273 = tpu.memref_slice %arg3[%dma_start3A_271, %dma_start3A_272] : memref<100000x128xf32, #tpu.memory_space<hbm>> -> memref<100000x128xf32, #tpu.memory_space<hbm>>
    tpu.enqueue_indirect_dma source(%dma_start3A_273 : memref<100000x128xf32, #tpu.memory_space<hbm>>) target(%arg7 : memref<128x128xf32, #tpu.memory_space<vmem>>) offsets(%arg5 : memref<128xi32, #tpu.memory_space<vmem>>) semaphore(%arg11 : memref<!tpu.dma_semaphore, #tpu.memory_space<semaphore_mem>>)
    %dma_wait3A_274 = arith.constant 0 : i32
    %dma_wait3A_275 = arith.constant 0 : i32
    %dma_wait3A_276 = tpu.memref_slice %arg3[%dma_wait3A_274, %dma_wait3A_275] : memref<100000x128xf32, #tpu.memory_space<hbm>> -> memref<100000x128xf32, #tpu.memory_space<hbm>>
    tpu.wait_indirect_dma semaphore(%arg11 : memref<!tpu.dma_semaphore, #tpu.memory_space<semaphore_mem>>) src(%dma_wait3A_276 : memref<100000x128xf32, #tpu.memory_space<hbm>>) dst(%arg7 : memref<128x128xf32, #tpu.memory_space<vmem>>)
    %add3A_277 = arith.constant 1792 : i32
    %add3A_278 = arith.addi %mul3A_2, %add3A_277 : i32
    %dma_start3A_279 = tpu.memref_slice %arg2[%add3A_278] : memref<81920xi32, #tpu.memory_space<hbm>> -> memref<128xi32, #tpu.memory_space<hbm>>
    %dma_start3A_280 = tpu.memref_slice %arg2[%add3A_278] : memref<81920xi32, #tpu.memory_space<hbm>> -> memref<128xi32, #tpu.memory_space<hbm>>
    tpu.enqueue_dma source(%dma_start3A_280 : memref<128xi32, #tpu.memory_space<hbm>>) target(%arg5 : memref<128xi32, #tpu.memory_space<vmem>>) target_semaphore(%arg9 : memref<!tpu.dma_semaphore, #tpu.memory_space<semaphore_mem>>)
    %add3A_281 = arith.constant 1536 : i32
    %add3A_282 = arith.addi %mul3A_2, %add3A_281 : i32
    %dma_start3A_283 = arith.constant 0 : i32
    %dma_start3A_284 = tpu.memref_slice %arg4[%add3A_282, %dma_start3A_283] : memref<81920x128xf32, #tpu.memory_space<hbm>> -> memref<128x128xf32, #tpu.memory_space<hbm>>
    %dma_start3A_285 = arith.constant 0 : i32
    %dma_start3A_286 = tpu.memref_slice %arg4[%add3A_282, %dma_start3A_285] : memref<81920x128xf32, #tpu.memory_space<hbm>> -> memref<128x128xf32, #tpu.memory_space<hbm>>
    tpu.enqueue_dma source(%arg7 : memref<128x128xf32, #tpu.memory_space<vmem>>) target(%dma_start3A_286 : memref<128x128xf32, #tpu.memory_space<hbm>>) target_semaphore(%arg13 : memref<!tpu.dma_semaphore, #tpu.memory_space<semaphore_mem>>)
    %dma_wait3A_287 = tpu.memref_slice %arg2[%add3A_256] : memref<81920xi32, #tpu.memory_space<hbm>> -> memref<128xi32, #tpu.memory_space<hbm>>
    %dma_wait3A_288 = tpu.memref_slice %arg2[%add3A_256] : memref<81920xi32, #tpu.memory_space<hbm>> -> memref<128xi32, #tpu.memory_space<hbm>>
    tpu.wait_dma2 semaphore(%arg10 : memref<!tpu.dma_semaphore, #tpu.memory_space<semaphore_mem>>) src(%dma_wait3A_288 : memref<128xi32, #tpu.memory_space<hbm>>) dst(%arg6 : memref<128xi32, #tpu.memory_space<vmem>>)
    %dma_wait3A_289 = arith.constant 0 : i32
    %dma_wait3A_290 = tpu.memref_slice %arg4[%add3A_260, %dma_wait3A_289] : memref<81920x128xf32, #tpu.memory_space<hbm>> -> memref<128x128xf32, #tpu.memory_space<hbm>>
    %dma_wait3A_291 = arith.constant 0 : i32
    %dma_wait3A_292 = tpu.memref_slice %arg4[%add3A_260, %dma_wait3A_291] : memref<81920x128xf32, #tpu.memory_space<hbm>> -> memref<128x128xf32, #tpu.memory_space<hbm>>
    tpu.wait_dma2 semaphore(%arg14 : memref<!tpu.dma_semaphore, #tpu.memory_space<semaphore_mem>>) src(%arg8 : memref<128x128xf32, #tpu.memory_space<vmem>>) dst(%dma_wait3A_292 : memref<128x128xf32, #tpu.memory_space<hbm>>)
    %dma_start3A_293 = arith.constant 0 : i32
    %dma_start3A_294 = arith.constant 0 : i32
    %dma_start3A_295 = tpu.memref_slice %arg3[%dma_start3A_293, %dma_start3A_294] : memref<100000x128xf32, #tpu.memory_space<hbm>> -> memref<100000x128xf32, #tpu.memory_space<hbm>>
    tpu.enqueue_indirect_dma source(%dma_start3A_295 : memref<100000x128xf32, #tpu.memory_space<hbm>>) target(%arg8 : memref<128x128xf32, #tpu.memory_space<vmem>>) offsets(%arg6 : memref<128xi32, #tpu.memory_space<vmem>>) semaphore(%arg12 : memref<!tpu.dma_semaphore, #tpu.memory_space<semaphore_mem>>)
    %dma_wait3A_296 = arith.constant 0 : i32
    %dma_wait3A_297 = arith.constant 0 : i32
    %dma_wait3A_298 = tpu.memref_slice %arg3[%dma_wait3A_296, %dma_wait3A_297] : memref<100000x128xf32, #tpu.memory_space<hbm>> -> memref<100000x128xf32, #tpu.memory_space<hbm>>
    tpu.wait_indirect_dma semaphore(%arg12 : memref<!tpu.dma_semaphore, #tpu.memory_space<semaphore_mem>>) src(%dma_wait3A_298 : memref<100000x128xf32, #tpu.memory_space<hbm>>) dst(%arg8 : memref<128x128xf32, #tpu.memory_space<vmem>>)
    %add3A_299 = arith.constant 1920 : i32
    %add3A_300 = arith.addi %mul3A_2, %add3A_299 : i32
    %dma_start3A_301 = tpu.memref_slice %arg2[%add3A_300] : memref<81920xi32, #tpu.memory_space<hbm>> -> memref<128xi32, #tpu.memory_space<hbm>>
    %dma_start3A_302 = tpu.memref_slice %arg2[%add3A_300] : memref<81920xi32, #tpu.memory_space<hbm>> -> memref<128xi32, #tpu.memory_space<hbm>>
    tpu.enqueue_dma source(%dma_start3A_302 : memref<128xi32, #tpu.memory_space<hbm>>) target(%arg6 : memref<128xi32, #tpu.memory_space<vmem>>) target_semaphore(%arg10 : memref<!tpu.dma_semaphore, #tpu.memory_space<semaphore_mem>>)
    %add3A_303 = arith.constant 1664 : i32
    %add3A_304 = arith.addi %mul3A_2, %add3A_303 : i32
    %dma_start3A_305 = arith.constant 0 : i32
    %dma_start3A_306 = tpu.memref_slice %arg4[%add3A_304, %dma_start3A_305] : memref<81920x128xf32, #tpu.memory_space<hbm>> -> memref<128x128xf32, #tpu.memory_space<hbm>>
    %dma_start3A_307 = arith.constant 0 : i32
    %dma_start3A_308 = tpu.memref_slice %arg4[%add3A_304, %dma_start3A_307] : memref<81920x128xf32, #tpu.memory_space<hbm>> -> memref<128x128xf32, #tpu.memory_space<hbm>>
    tpu.enqueue_dma source(%arg8 : memref<128x128xf32, #tpu.memory_space<vmem>>) target(%dma_start3A_308 : memref<128x128xf32, #tpu.memory_space<hbm>>) target_semaphore(%arg14 : memref<!tpu.dma_semaphore, #tpu.memory_space<semaphore_mem>>)
    %dma_wait3A_309 = tpu.memref_slice %arg2[%add3A_278] : memref<81920xi32, #tpu.memory_space<hbm>> -> memref<128xi32, #tpu.memory_space<hbm>>
    %dma_wait3A_310 = tpu.memref_slice %arg2[%add3A_278] : memref<81920xi32, #tpu.memory_space<hbm>> -> memref<128xi32, #tpu.memory_space<hbm>>
    tpu.wait_dma2 semaphore(%arg9 : memref<!tpu.dma_semaphore, #tpu.memory_space<semaphore_mem>>) src(%dma_wait3A_310 : memref<128xi32, #tpu.memory_space<hbm>>) dst(%arg5 : memref<128xi32, #tpu.memory_space<vmem>>)
    %dma_wait3A_311 = arith.constant 0 : i32
    %dma_wait3A_312 = tpu.memref_slice %arg4[%add3A_282, %dma_wait3A_311] : memref<81920x128xf32, #tpu.memory_space<hbm>> -> memref<128x128xf32, #tpu.memory_space<hbm>>
    %dma_wait3A_313 = arith.constant 0 : i32
    %dma_wait3A_314 = tpu.memref_slice %arg4[%add3A_282, %dma_wait3A_313] : memref<81920x128xf32, #tpu.memory_space<hbm>> -> memref<128x128xf32, #tpu.memory_space<hbm>>
    tpu.wait_dma2 semaphore(%arg13 : memref<!tpu.dma_semaphore, #tpu.memory_space<semaphore_mem>>) src(%arg7 : memref<128x128xf32, #tpu.memory_space<vmem>>) dst(%dma_wait3A_314 : memref<128x128xf32, #tpu.memory_space<hbm>>)
    %dma_start3A_315 = arith.constant 0 : i32
    %dma_start3A_316 = arith.constant 0 : i32
    %dma_start3A_317 = tpu.memref_slice %arg3[%dma_start3A_315, %dma_start3A_316] : memref<100000x128xf32, #tpu.memory_space<hbm>> -> memref<100000x128xf32, #tpu.memory_space<hbm>>
    tpu.enqueue_indirect_dma source(%dma_start3A_317 : memref<100000x128xf32, #tpu.memory_space<hbm>>) target(%arg7 : memref<128x128xf32, #tpu.memory_space<vmem>>) offsets(%arg5 : memref<128xi32, #tpu.memory_space<vmem>>) semaphore(%arg11 : memref<!tpu.dma_semaphore, #tpu.memory_space<semaphore_mem>>)
    %dma_wait3A_318 = arith.constant 0 : i32
    %dma_wait3A_319 = arith.constant 0 : i32
    %dma_wait3A_320 = tpu.memref_slice %arg3[%dma_wait3A_318, %dma_wait3A_319] : memref<100000x128xf32, #tpu.memory_space<hbm>> -> memref<100000x128xf32, #tpu.memory_space<hbm>>
    tpu.wait_indirect_dma semaphore(%arg11 : memref<!tpu.dma_semaphore, #tpu.memory_space<semaphore_mem>>) src(%dma_wait3A_320 : memref<100000x128xf32, #tpu.memory_space<hbm>>) dst(%arg7 : memref<128x128xf32, #tpu.memory_space<vmem>>)
    %add3A_321 = arith.constant 2048 : i32
    %add3A_322 = arith.addi %mul3A_2, %add3A_321 : i32
    %dma_start3A_323 = tpu.memref_slice %arg2[%add3A_322] : memref<81920xi32, #tpu.memory_space<hbm>> -> memref<128xi32, #tpu.memory_space<hbm>>
    %dma_start3A_324 = tpu.memref_slice %arg2[%add3A_322] : memref<81920xi32, #tpu.memory_space<hbm>> -> memref<128xi32, #tpu.memory_space<hbm>>
    tpu.enqueue_dma source(%dma_start3A_324 : memref<128xi32, #tpu.memory_space<hbm>>) target(%arg5 : memref<128xi32, #tpu.memory_space<vmem>>) target_semaphore(%arg9 : memref<!tpu.dma_semaphore, #tpu.memory_space<semaphore_mem>>)
    %add3A_325 = arith.constant 1792 : i32
    %add3A_326 = arith.addi %mul3A_2, %add3A_325 : i32
    %dma_start3A_327 = arith.constant 0 : i32
    %dma_start3A_328 = tpu.memref_slice %arg4[%add3A_326, %dma_start3A_327] : memref<81920x128xf32, #tpu.memory_space<hbm>> -> memref<128x128xf32, #tpu.memory_space<hbm>>
    %dma_start3A_329 = arith.constant 0 : i32
    %dma_start3A_330 = tpu.memref_slice %arg4[%add3A_326, %dma_start3A_329] : memref<81920x128xf32, #tpu.memory_space<hbm>> -> memref<128x128xf32, #tpu.memory_space<hbm>>
    tpu.enqueue_dma source(%arg7 : memref<128x128xf32, #tpu.memory_space<vmem>>) target(%dma_start3A_330 : memref<128x128xf32, #tpu.memory_space<hbm>>) target_semaphore(%arg13 : memref<!tpu.dma_semaphore, #tpu.memory_space<semaphore_mem>>)
    %dma_wait3A_331 = tpu.memref_slice %arg2[%add3A_300] : memref<81920xi32, #tpu.memory_space<hbm>> -> memref<128xi32, #tpu.memory_space<hbm>>
    %dma_wait3A_332 = tpu.memref_slice %arg2[%add3A_300] : memref<81920xi32, #tpu.memory_space<hbm>> -> memref<128xi32, #tpu.memory_space<hbm>>
    tpu.wait_dma2 semaphore(%arg10 : memref<!tpu.dma_semaphore, #tpu.memory_space<semaphore_mem>>) src(%dma_wait3A_332 : memref<128xi32, #tpu.memory_space<hbm>>) dst(%arg6 : memref<128xi32, #tpu.memory_space<vmem>>)
    %dma_wait3A_333 = arith.constant 0 : i32
    %dma_wait3A_334 = tpu.memref_slice %arg4[%add3A_304, %dma_wait3A_333] : memref<81920x128xf32, #tpu.memory_space<hbm>> -> memref<128x128xf32, #tpu.memory_space<hbm>>
    %dma_wait3A_335 = arith.constant 0 : i32
    %dma_wait3A_336 = tpu.memref_slice %arg4[%add3A_304, %dma_wait3A_335] : memref<81920x128xf32, #tpu.memory_space<hbm>> -> memref<128x128xf32, #tpu.memory_space<hbm>>
    tpu.wait_dma2 semaphore(%arg14 : memref<!tpu.dma_semaphore, #tpu.memory_space<semaphore_mem>>) src(%arg8 : memref<128x128xf32, #tpu.memory_space<vmem>>) dst(%dma_wait3A_336 : memref<128x128xf32, #tpu.memory_space<hbm>>)
    %dma_start3A_337 = arith.constant 0 : i32
    %dma_start3A_338 = arith.constant 0 : i32
    %dma_start3A_339 = tpu.memref_slice %arg3[%dma_start3A_337, %dma_start3A_338] : memref<100000x128xf32, #tpu.memory_space<hbm>> -> memref<100000x128xf32, #tpu.memory_space<hbm>>
    tpu.enqueue_indirect_dma source(%dma_start3A_339 : memref<100000x128xf32, #tpu.memory_space<hbm>>) target(%arg8 : memref<128x128xf32, #tpu.memory_space<vmem>>) offsets(%arg6 : memref<128xi32, #tpu.memory_space<vmem>>) semaphore(%arg12 : memref<!tpu.dma_semaphore, #tpu.memory_space<semaphore_mem>>)
    %dma_wait3A_340 = arith.constant 0 : i32
    %dma_wait3A_341 = arith.constant 0 : i32
    %dma_wait3A_342 = tpu.memref_slice %arg3[%dma_wait3A_340, %dma_wait3A_341] : memref<100000x128xf32, #tpu.memory_space<hbm>> -> memref<100000x128xf32, #tpu.memory_space<hbm>>
    tpu.wait_indirect_dma semaphore(%arg12 : memref<!tpu.dma_semaphore, #tpu.memory_space<semaphore_mem>>) src(%dma_wait3A_342 : memref<100000x128xf32, #tpu.memory_space<hbm>>) dst(%arg8 : memref<128x128xf32, #tpu.memory_space<vmem>>)
    %add3A_343 = arith.constant 2176 : i32
    %add3A_344 = arith.addi %mul3A_2, %add3A_343 : i32
    %dma_start3A_345 = tpu.memref_slice %arg2[%add3A_344] : memref<81920xi32, #tpu.memory_space<hbm>> -> memref<128xi32, #tpu.memory_space<hbm>>
    %dma_start3A_346 = tpu.memref_slice %arg2[%add3A_344] : memref<81920xi32, #tpu.memory_space<hbm>> -> memref<128xi32, #tpu.memory_space<hbm>>
    tpu.enqueue_dma source(%dma_start3A_346 : memref<128xi32, #tpu.memory_space<hbm>>) target(%arg6 : memref<128xi32, #tpu.memory_space<vmem>>) target_semaphore(%arg10 : memref<!tpu.dma_semaphore, #tpu.memory_space<semaphore_mem>>)
    %add3A_347 = arith.constant 1920 : i32
    %add3A_348 = arith.addi %mul3A_2, %add3A_347 : i32
    %dma_start3A_349 = arith.constant 0 : i32
    %dma_start3A_350 = tpu.memref_slice %arg4[%add3A_348, %dma_start3A_349] : memref<81920x128xf32, #tpu.memory_space<hbm>> -> memref<128x128xf32, #tpu.memory_space<hbm>>
    %dma_start3A_351 = arith.constant 0 : i32
    %dma_start3A_352 = tpu.memref_slice %arg4[%add3A_348, %dma_start3A_351] : memref<81920x128xf32, #tpu.memory_space<hbm>> -> memref<128x128xf32, #tpu.memory_space<hbm>>
    tpu.enqueue_dma source(%arg8 : memref<128x128xf32, #tpu.memory_space<vmem>>) target(%dma_start3A_352 : memref<128x128xf32, #tpu.memory_space<hbm>>) target_semaphore(%arg14 : memref<!tpu.dma_semaphore, #tpu.memory_space<semaphore_mem>>)
    %dma_wait3A_353 = tpu.memref_slice %arg2[%add3A_322] : memref<81920xi32, #tpu.memory_space<hbm>> -> memref<128xi32, #tpu.memory_space<hbm>>
    %dma_wait3A_354 = tpu.memref_slice %arg2[%add3A_322] : memref<81920xi32, #tpu.memory_space<hbm>> -> memref<128xi32, #tpu.memory_space<hbm>>
    tpu.wait_dma2 semaphore(%arg9 : memref<!tpu.dma_semaphore, #tpu.memory_space<semaphore_mem>>) src(%dma_wait3A_354 : memref<128xi32, #tpu.memory_space<hbm>>) dst(%arg5 : memref<128xi32, #tpu.memory_space<vmem>>)
    %dma_wait3A_355 = arith.constant 0 : i32
    %dma_wait3A_356 = tpu.memref_slice %arg4[%add3A_326, %dma_wait3A_355] : memref<81920x128xf32, #tpu.memory_space<hbm>> -> memref<128x128xf32, #tpu.memory_space<hbm>>
    %dma_wait3A_357 = arith.constant 0 : i32
    %dma_wait3A_358 = tpu.memref_slice %arg4[%add3A_326, %dma_wait3A_357] : memref<81920x128xf32, #tpu.memory_space<hbm>> -> memref<128x128xf32, #tpu.memory_space<hbm>>
    tpu.wait_dma2 semaphore(%arg13 : memref<!tpu.dma_semaphore, #tpu.memory_space<semaphore_mem>>) src(%arg7 : memref<128x128xf32, #tpu.memory_space<vmem>>) dst(%dma_wait3A_358 : memref<128x128xf32, #tpu.memory_space<hbm>>)
    %dma_start3A_359 = arith.constant 0 : i32
    %dma_start3A_360 = arith.constant 0 : i32
    %dma_start3A_361 = tpu.memref_slice %arg3[%dma_start3A_359, %dma_start3A_360] : memref<100000x128xf32, #tpu.memory_space<hbm>> -> memref<100000x128xf32, #tpu.memory_space<hbm>>
    tpu.enqueue_indirect_dma source(%dma_start3A_361 : memref<100000x128xf32, #tpu.memory_space<hbm>>) target(%arg7 : memref<128x128xf32, #tpu.memory_space<vmem>>) offsets(%arg5 : memref<128xi32, #tpu.memory_space<vmem>>) semaphore(%arg11 : memref<!tpu.dma_semaphore, #tpu.memory_space<semaphore_mem>>)
    %dma_wait3A_362 = arith.constant 0 : i32
    %dma_wait3A_363 = arith.constant 0 : i32
    %dma_wait3A_364 = tpu.memref_slice %arg3[%dma_wait3A_362, %dma_wait3A_363] : memref<100000x128xf32, #tpu.memory_space<hbm>> -> memref<100000x128xf32, #tpu.memory_space<hbm>>
    tpu.wait_indirect_dma semaphore(%arg11 : memref<!tpu.dma_semaphore, #tpu.memory_space<semaphore_mem>>) src(%dma_wait3A_364 : memref<100000x128xf32, #tpu.memory_space<hbm>>) dst(%arg7 : memref<128x128xf32, #tpu.memory_space<vmem>>)
    %add3A_365 = arith.constant 2304 : i32
    %add3A_366 = arith.addi %mul3A_2, %add3A_365 : i32
    %dma_start3A_367 = tpu.memref_slice %arg2[%add3A_366] : memref<81920xi32, #tpu.memory_space<hbm>> -> memref<128xi32, #tpu.memory_space<hbm>>
    %dma_start3A_368 = tpu.memref_slice %arg2[%add3A_366] : memref<81920xi32, #tpu.memory_space<hbm>> -> memref<128xi32, #tpu.memory_space<hbm>>
    tpu.enqueue_dma source(%dma_start3A_368 : memref<128xi32, #tpu.memory_space<hbm>>) target(%arg5 : memref<128xi32, #tpu.memory_space<vmem>>) target_semaphore(%arg9 : memref<!tpu.dma_semaphore, #tpu.memory_space<semaphore_mem>>)
    %add3A_369 = arith.constant 2048 : i32
    %add3A_370 = arith.addi %mul3A_2, %add3A_369 : i32
    %dma_start3A_371 = arith.constant 0 : i32
    %dma_start3A_372 = tpu.memref_slice %arg4[%add3A_370, %dma_start3A_371] : memref<81920x128xf32, #tpu.memory_space<hbm>> -> memref<128x128xf32, #tpu.memory_space<hbm>>
    %dma_start3A_373 = arith.constant 0 : i32
    %dma_start3A_374 = tpu.memref_slice %arg4[%add3A_370, %dma_start3A_373] : memref<81920x128xf32, #tpu.memory_space<hbm>> -> memref<128x128xf32, #tpu.memory_space<hbm>>
    tpu.enqueue_dma source(%arg7 : memref<128x128xf32, #tpu.memory_space<vmem>>) target(%dma_start3A_374 : memref<128x128xf32, #tpu.memory_space<hbm>>) target_semaphore(%arg13 : memref<!tpu.dma_semaphore, #tpu.memory_space<semaphore_mem>>)
    %dma_wait3A_375 = tpu.memref_slice %arg2[%add3A_344] : memref<81920xi32, #tpu.memory_space<hbm>> -> memref<128xi32, #tpu.memory_space<hbm>>
    %dma_wait3A_376 = tpu.memref_slice %arg2[%add3A_344] : memref<81920xi32, #tpu.memory_space<hbm>> -> memref<128xi32, #tpu.memory_space<hbm>>
    tpu.wait_dma2 semaphore(%arg10 : memref<!tpu.dma_semaphore, #tpu.memory_space<semaphore_mem>>) src(%dma_wait3A_376 : memref<128xi32, #tpu.memory_space<hbm>>) dst(%arg6 : memref<128xi32, #tpu.memory_space<vmem>>)
    %dma_wait3A_377 = arith.constant 0 : i32
    %dma_wait3A_378 = tpu.memref_slice %arg4[%add3A_348, %dma_wait3A_377] : memref<81920x128xf32, #tpu.memory_space<hbm>> -> memref<128x128xf32, #tpu.memory_space<hbm>>
    %dma_wait3A_379 = arith.constant 0 : i32
    %dma_wait3A_380 = tpu.memref_slice %arg4[%add3A_348, %dma_wait3A_379] : memref<81920x128xf32, #tpu.memory_space<hbm>> -> memref<128x128xf32, #tpu.memory_space<hbm>>
    tpu.wait_dma2 semaphore(%arg14 : memref<!tpu.dma_semaphore, #tpu.memory_space<semaphore_mem>>) src(%arg8 : memref<128x128xf32, #tpu.memory_space<vmem>>) dst(%dma_wait3A_380 : memref<128x128xf32, #tpu.memory_space<hbm>>)
    %dma_start3A_381 = arith.constant 0 : i32
    %dma_start3A_382 = arith.constant 0 : i32
    %dma_start3A_383 = tpu.memref_slice %arg3[%dma_start3A_381, %dma_start3A_382] : memref<100000x128xf32, #tpu.memory_space<hbm>> -> memref<100000x128xf32, #tpu.memory_space<hbm>>
    tpu.enqueue_indirect_dma source(%dma_start3A_383 : memref<100000x128xf32, #tpu.memory_space<hbm>>) target(%arg8 : memref<128x128xf32, #tpu.memory_space<vmem>>) offsets(%arg6 : memref<128xi32, #tpu.memory_space<vmem>>) semaphore(%arg12 : memref<!tpu.dma_semaphore, #tpu.memory_space<semaphore_mem>>)
    %dma_wait3A_384 = arith.constant 0 : i32
    %dma_wait3A_385 = arith.constant 0 : i32
    %dma_wait3A_386 = tpu.memref_slice %arg3[%dma_wait3A_384, %dma_wait3A_385] : memref<100000x128xf32, #tpu.memory_space<hbm>> -> memref<100000x128xf32, #tpu.memory_space<hbm>>
    tpu.wait_indirect_dma semaphore(%arg12 : memref<!tpu.dma_semaphore, #tpu.memory_space<semaphore_mem>>) src(%dma_wait3A_386 : memref<100000x128xf32, #tpu.memory_space<hbm>>) dst(%arg8 : memref<128x128xf32, #tpu.memory_space<vmem>>)
    %add3A_387 = arith.constant 2432 : i32
    %add3A_388 = arith.addi %mul3A_2, %add3A_387 : i32
    %dma_start3A_389 = tpu.memref_slice %arg2[%add3A_388] : memref<81920xi32, #tpu.memory_space<hbm>> -> memref<128xi32, #tpu.memory_space<hbm>>
    %dma_start3A_390 = tpu.memref_slice %arg2[%add3A_388] : memref<81920xi32, #tpu.memory_space<hbm>> -> memref<128xi32, #tpu.memory_space<hbm>>
    tpu.enqueue_dma source(%dma_start3A_390 : memref<128xi32, #tpu.memory_space<hbm>>) target(%arg6 : memref<128xi32, #tpu.memory_space<vmem>>) target_semaphore(%arg10 : memref<!tpu.dma_semaphore, #tpu.memory_space<semaphore_mem>>)
    %add3A_391 = arith.constant 2176 : i32
    %add3A_392 = arith.addi %mul3A_2, %add3A_391 : i32
    %dma_start3A_393 = arith.constant 0 : i32
    %dma_start3A_394 = tpu.memref_slice %arg4[%add3A_392, %dma_start3A_393] : memref<81920x128xf32, #tpu.memory_space<hbm>> -> memref<128x128xf32, #tpu.memory_space<hbm>>
    %dma_start3A_395 = arith.constant 0 : i32
    %dma_start3A_396 = tpu.memref_slice %arg4[%add3A_392, %dma_start3A_395] : memref<81920x128xf32, #tpu.memory_space<hbm>> -> memref<128x128xf32, #tpu.memory_space<hbm>>
    tpu.enqueue_dma source(%arg8 : memref<128x128xf32, #tpu.memory_space<vmem>>) target(%dma_start3A_396 : memref<128x128xf32, #tpu.memory_space<hbm>>) target_semaphore(%arg14 : memref<!tpu.dma_semaphore, #tpu.memory_space<semaphore_mem>>)
    %dma_wait3A_397 = tpu.memref_slice %arg2[%add3A_366] : memref<81920xi32, #tpu.memory_space<hbm>> -> memref<128xi32, #tpu.memory_space<hbm>>
    %dma_wait3A_398 = tpu.memref_slice %arg2[%add3A_366] : memref<81920xi32, #tpu.memory_space<hbm>> -> memref<128xi32, #tpu.memory_space<hbm>>
    tpu.wait_dma2 semaphore(%arg9 : memref<!tpu.dma_semaphore, #tpu.memory_space<semaphore_mem>>) src(%dma_wait3A_398 : memref<128xi32, #tpu.memory_space<hbm>>) dst(%arg5 : memref<128xi32, #tpu.memory_space<vmem>>)
    %dma_wait3A_399 = arith.constant 0 : i32
    %dma_wait3A_400 = tpu.memref_slice %arg4[%add3A_370, %dma_wait3A_399] : memref<81920x128xf32, #tpu.memory_space<hbm>> -> memref<128x128xf32, #tpu.memory_space<hbm>>
    %dma_wait3A_401 = arith.constant 0 : i32
    %dma_wait3A_402 = tpu.memref_slice %arg4[%add3A_370, %dma_wait3A_401] : memref<81920x128xf32, #tpu.memory_space<hbm>> -> memref<128x128xf32, #tpu.memory_space<hbm>>
    tpu.wait_dma2 semaphore(%arg13 : memref<!tpu.dma_semaphore, #tpu.memory_space<semaphore_mem>>) src(%arg7 : memref<128x128xf32, #tpu.memory_space<vmem>>) dst(%dma_wait3A_402 : memref<128x128xf32, #tpu.memory_space<hbm>>)
    %dma_start3A_403 = arith.constant 0 : i32
    %dma_start3A_404 = arith.constant 0 : i32
    %dma_start3A_405 = tpu.memref_slice %arg3[%dma_start3A_403, %dma_start3A_404] : memref<100000x128xf32, #tpu.memory_space<hbm>> -> memref<100000x128xf32, #tpu.memory_space<hbm>>
    tpu.enqueue_indirect_dma source(%dma_start3A_405 : memref<100000x128xf32, #tpu.memory_space<hbm>>) target(%arg7 : memref<128x128xf32, #tpu.memory_space<vmem>>) offsets(%arg5 : memref<128xi32, #tpu.memory_space<vmem>>) semaphore(%arg11 : memref<!tpu.dma_semaphore, #tpu.memory_space<semaphore_mem>>)
    %dma_wait3A_406 = arith.constant 0 : i32
    %dma_wait3A_407 = arith.constant 0 : i32
    %dma_wait3A_408 = tpu.memref_slice %arg3[%dma_wait3A_406, %dma_wait3A_407] : memref<100000x128xf32, #tpu.memory_space<hbm>> -> memref<100000x128xf32, #tpu.memory_space<hbm>>
    tpu.wait_indirect_dma semaphore(%arg11 : memref<!tpu.dma_semaphore, #tpu.memory_space<semaphore_mem>>) src(%dma_wait3A_408 : memref<100000x128xf32, #tpu.memory_space<hbm>>) dst(%arg7 : memref<128x128xf32, #tpu.memory_space<vmem>>)
    %add3A_409 = arith.constant 2304 : i32
    %add3A_410 = arith.addi %mul3A_2, %add3A_409 : i32
    %dma_start3A_411 = arith.constant 0 : i32
    %dma_start3A_412 = tpu.memref_slice %arg4[%add3A_410, %dma_start3A_411] : memref<81920x128xf32, #tpu.memory_space<hbm>> -> memref<128x128xf32, #tpu.memory_space<hbm>>
    %dma_start3A_413 = arith.constant 0 : i32
    %dma_start3A_414 = tpu.memref_slice %arg4[%add3A_410, %dma_start3A_413] : memref<81920x128xf32, #tpu.memory_space<hbm>> -> memref<128x128xf32, #tpu.memory_space<hbm>>
    tpu.enqueue_dma source(%arg7 : memref<128x128xf32, #tpu.memory_space<vmem>>) target(%dma_start3A_414 : memref<128x128xf32, #tpu.memory_space<hbm>>) target_semaphore(%arg13 : memref<!tpu.dma_semaphore, #tpu.memory_space<semaphore_mem>>)
    %dma_wait3A_415 = tpu.memref_slice %arg2[%add3A_388] : memref<81920xi32, #tpu.memory_space<hbm>> -> memref<128xi32, #tpu.memory_space<hbm>>
    %dma_wait3A_416 = tpu.memref_slice %arg2[%add3A_388] : memref<81920xi32, #tpu.memory_space<hbm>> -> memref<128xi32, #tpu.memory_space<hbm>>
    tpu.wait_dma2 semaphore(%arg10 : memref<!tpu.dma_semaphore, #tpu.memory_space<semaphore_mem>>) src(%dma_wait3A_416 : memref<128xi32, #tpu.memory_space<hbm>>) dst(%arg6 : memref<128xi32, #tpu.memory_space<vmem>>)
    %dma_wait3A_417 = arith.constant 0 : i32
    %dma_wait3A_418 = tpu.memref_slice %arg4[%add3A_392, %dma_wait3A_417] : memref<81920x128xf32, #tpu.memory_space<hbm>> -> memref<128x128xf32, #tpu.memory_space<hbm>>
    %dma_wait3A_419 = arith.constant 0 : i32
    %dma_wait3A_420 = tpu.memref_slice %arg4[%add3A_392, %dma_wait3A_419] : memref<81920x128xf32, #tpu.memory_space<hbm>> -> memref<128x128xf32, #tpu.memory_space<hbm>>
    tpu.wait_dma2 semaphore(%arg14 : memref<!tpu.dma_semaphore, #tpu.memory_space<semaphore_mem>>) src(%arg8 : memref<128x128xf32, #tpu.memory_space<vmem>>) dst(%dma_wait3A_420 : memref<128x128xf32, #tpu.memory_space<hbm>>)
    %dma_start3A_421 = arith.constant 0 : i32
    %dma_start3A_422 = arith.constant 0 : i32
    %dma_start3A_423 = tpu.memref_slice %arg3[%dma_start3A_421, %dma_start3A_422] : memref<100000x128xf32, #tpu.memory_space<hbm>> -> memref<100000x128xf32, #tpu.memory_space<hbm>>
    tpu.enqueue_indirect_dma source(%dma_start3A_423 : memref<100000x128xf32, #tpu.memory_space<hbm>>) target(%arg8 : memref<128x128xf32, #tpu.memory_space<vmem>>) offsets(%arg6 : memref<128xi32, #tpu.memory_space<vmem>>) semaphore(%arg12 : memref<!tpu.dma_semaphore, #tpu.memory_space<semaphore_mem>>)
    %dma_wait3A_424 = arith.constant 0 : i32
    %dma_wait3A_425 = arith.constant 0 : i32
    %dma_wait3A_426 = tpu.memref_slice %arg3[%dma_wait3A_424, %dma_wait3A_425] : memref<100000x128xf32, #tpu.memory_space<hbm>> -> memref<100000x128xf32, #tpu.memory_space<hbm>>
    tpu.wait_indirect_dma semaphore(%arg12 : memref<!tpu.dma_semaphore, #tpu.memory_space<semaphore_mem>>) src(%dma_wait3A_426 : memref<100000x128xf32, #tpu.memory_space<hbm>>) dst(%arg8 : memref<128x128xf32, #tpu.memory_space<vmem>>)
    %add3A_427 = arith.constant 2432 : i32
    %add3A_428 = arith.addi %mul3A_2, %add3A_427 : i32
    %dma_start3A_429 = arith.constant 0 : i32
    %dma_start3A_430 = tpu.memref_slice %arg4[%add3A_428, %dma_start3A_429] : memref<81920x128xf32, #tpu.memory_space<hbm>> -> memref<128x128xf32, #tpu.memory_space<hbm>>
    %dma_start3A_431 = arith.constant 0 : i32
    %dma_start3A_432 = tpu.memref_slice %arg4[%add3A_428, %dma_start3A_431] : memref<81920x128xf32, #tpu.memory_space<hbm>> -> memref<128x128xf32, #tpu.memory_space<hbm>>
    tpu.enqueue_dma source(%arg8 : memref<128x128xf32, #tpu.memory_space<vmem>>) target(%dma_start3A_432 : memref<128x128xf32, #tpu.memory_space<hbm>>) target_semaphore(%arg14 : memref<!tpu.dma_semaphore, #tpu.memory_space<semaphore_mem>>)
    %dma_wait3A_433 = arith.constant 0 : i32
    %dma_wait3A_434 = tpu.memref_slice %arg4[%add3A_410, %dma_wait3A_433] : memref<81920x128xf32, #tpu.memory_space<hbm>> -> memref<128x128xf32, #tpu.memory_space<hbm>>
    %dma_wait3A_435 = arith.constant 0 : i32
    %dma_wait3A_436 = tpu.memref_slice %arg4[%add3A_410, %dma_wait3A_435] : memref<81920x128xf32, #tpu.memory_space<hbm>> -> memref<128x128xf32, #tpu.memory_space<hbm>>
    tpu.wait_dma2 semaphore(%arg13 : memref<!tpu.dma_semaphore, #tpu.memory_space<semaphore_mem>>) src(%arg7 : memref<128x128xf32, #tpu.memory_space<vmem>>) dst(%dma_wait3A_436 : memref<128x128xf32, #tpu.memory_space<hbm>>)
    %dma_wait3A_437 = arith.constant 0 : i32
    %dma_wait3A_438 = tpu.memref_slice %arg4[%add3A_428, %dma_wait3A_437] : memref<81920x128xf32, #tpu.memory_space<hbm>> -> memref<128x128xf32, #tpu.memory_space<hbm>>
    %dma_wait3A_439 = arith.constant 0 : i32
    %dma_wait3A_440 = tpu.memref_slice %arg4[%add3A_428, %dma_wait3A_439] : memref<81920x128xf32, #tpu.memory_space<hbm>> -> memref<128x128xf32, #tpu.memory_space<hbm>>
    tpu.wait_dma2 semaphore(%arg14 : memref<!tpu.dma_semaphore, #tpu.memory_space<semaphore_mem>>) src(%arg8 : memref<128x128xf32, #tpu.memory_space<vmem>>) dst(%dma_wait3A_440 : memref<128x128xf32, #tpu.memory_space<hbm>>)
    return
  }
}

module attributes {stable_mosaic.version = 14 : i64} {
  func.func @_encoder_kernel(%arg0: i32, %arg1: memref<5120x128xf32, #tpu.memory_space<vmem>>, %arg2: memref<128x192xbf16, #tpu.memory_space<vmem>>, %arg3: memref<128x64xbf16, #tpu.memory_space<vmem>>, %arg4: memref<128x256xbf16, #tpu.memory_space<vmem>>, %arg5: memref<2x256xf32, #tpu.memory_space<vmem>>, %arg6: memref<512x64xbf16, #tpu.memory_space<vmem>>, %arg7: memref<2x64xf32, #tpu.memory_space<vmem>>, %arg8: memref<8x64xf32, #tpu.memory_space<vmem>>, %arg9: memref<5120x64xf32, #tpu.memory_space<vmem>>, %arg10: memref<5120x64xf32, #tpu.memory_space<vmem>>, %arg11: memref<5120x192xbf16, #tpu.memory_space<vmem>>, %arg12: memref<5120x160xbf16, #tpu.memory_space<vmem>>, %arg13: memref<5120x72xf32, #tpu.memory_space<vmem>>) attributes {dimension_semantics = [#tpu.dimension_semantics<arbitrary>], iteration_bounds = array<i64: 16>, scalar_prefetch = 0 : i64, scratch_operands = 4 : i64, tpu.core_type = #tpu.core_type<tc>, window_params = [{transform_indices = @transform_0, window_bounds = array<i64: 5120, 128>}, {pipeline_mode = #tpu.pipeline_mode<synchronous>, transform_indices = @transform_1, window_bounds = array<i64: 128, 192>}, {pipeline_mode = #tpu.pipeline_mode<synchronous>, transform_indices = @transform_2, window_bounds = array<i64: 128, 64>}, {pipeline_mode = #tpu.pipeline_mode<synchronous>, transform_indices = @transform_3, window_bounds = array<i64: 128, 256>}, {pipeline_mode = #tpu.pipeline_mode<synchronous>, transform_indices = @transform_4, window_bounds = array<i64: 2, 256>}, {pipeline_mode = #tpu.pipeline_mode<synchronous>, transform_indices = @transform_5, window_bounds = array<i64: 512, 64>}, {pipeline_mode = #tpu.pipeline_mode<synchronous>, transform_indices = @transform_6, window_bounds = array<i64: 2, 64>}, {pipeline_mode = #tpu.pipeline_mode<synchronous>, transform_indices = @transform_7, window_bounds = array<i64: 8, 64>}, {transform_indices = @transform_8, window_bounds = array<i64: 5120, 64>}]} {
    %broadcast_in_dim3A = arith.constant 1.562500e-02 : f32
    %broadcast_in_dim3A_0 = vector.broadcast %broadcast_in_dim3A : f32 to vector<64x1xf32>
    %broadcast_in_dim3A_1 = arith.constant 1.000000e+00 : bf16
    %broadcast_in_dim3A_2 = vector.broadcast %broadcast_in_dim3A_1 : bf16 to vector<160x1xbf16>
    %iota3A = tpu.iota {dimensions = array<i32: 0>} : vector<160x160xi32>
    %jit3A = arith.constant 20 : i32
    %div3A = vector.broadcast %jit3A : i32 to vector<160x160xi32>
    %div3A_3 = arith.divsi %iota3A, %div3A : vector<160x160xi32>
    %sign3A = arith.constant 0 : i32
    %sign3A_4 = vector.broadcast %sign3A : i32 to vector<160x160xi32>
    %sign3A_5 = arith.cmpi sgt, %iota3A, %sign3A_4 : vector<160x160xi32>
    %sign3A_6 = arith.extui %sign3A_5 : vector<160x160xi1> to vector<160x160xi32>
    %sign3A_7 = arith.constant 0 : i32
    %sign3A_8 = vector.broadcast %sign3A_7 : i32 to vector<160x160xi32>
    %sign3A_9 = arith.cmpi slt, %iota3A, %sign3A_8 : vector<160x160xi32>
    %sign3A_10 = arith.extui %sign3A_9 : vector<160x160xi1> to vector<160x160xi32>
    %sign3A_11 = arith.subi %sign3A_6, %sign3A_10 : vector<160x160xi32>
    %sign3A_12 = arith.constant 0 : i32
    %sign3A_13 = arith.cmpi sgt, %jit3A, %sign3A_12 : i32
    %sign3A_14 = arith.extui %sign3A_13 : i1 to i32
    %sign3A_15 = arith.constant 0 : i32
    %sign3A_16 = arith.cmpi slt, %jit3A, %sign3A_15 : i32
    %sign3A_17 = arith.extui %sign3A_16 : i1 to i32
    %sign3A_18 = arith.subi %sign3A_14, %sign3A_17 : i32
    %ne3A = vector.broadcast %sign3A_18 : i32 to vector<160x160xi32>
    %ne3A_19 = arith.cmpi ne, %sign3A_11, %ne3A : vector<160x160xi32>
    %rem3A = vector.broadcast %jit3A : i32 to vector<160x160xi32>
    %rem3A_20 = arith.remsi %iota3A, %rem3A : vector<160x160xi32>
    %ne3A_21 = arith.constant 0 : i32
    %ne3A_22 = vector.broadcast %ne3A_21 : i32 to vector<160x160xi32>
    %ne3A_23 = arith.cmpi ne, %rem3A_20, %ne3A_22 : vector<160x160xi32>
    %and3A = arith.andi %ne3A_19, %ne3A_23 : vector<160x160xi1>
    %sub3A = arith.constant 1 : i32
    %sub3A_24 = vector.broadcast %sub3A : i32 to vector<160x160xi32>
    %sub3A_25 = arith.subi %div3A_3, %sub3A_24 : vector<160x160xi32>
    %select_n3A = arith.select %and3A, %sub3A_25, %div3A_3 : vector<160x160xi1>, vector<160x160xi32>
    %iota3A_26 = tpu.iota {dimensions = array<i32: 1>} : vector<160x160xi32>
    %jit3A_27 = arith.constant 20 : i32
    %div3A_28 = vector.broadcast %jit3A_27 : i32 to vector<160x160xi32>
    %div3A_29 = arith.divsi %iota3A_26, %div3A_28 : vector<160x160xi32>
    %sign3A_30 = arith.constant 0 : i32
    %sign3A_31 = vector.broadcast %sign3A_30 : i32 to vector<160x160xi32>
    %sign3A_32 = arith.cmpi sgt, %iota3A_26, %sign3A_31 : vector<160x160xi32>
    %sign3A_33 = arith.extui %sign3A_32 : vector<160x160xi1> to vector<160x160xi32>
    %sign3A_34 = arith.constant 0 : i32
    %sign3A_35 = vector.broadcast %sign3A_34 : i32 to vector<160x160xi32>
    %sign3A_36 = arith.cmpi slt, %iota3A_26, %sign3A_35 : vector<160x160xi32>
    %sign3A_37 = arith.extui %sign3A_36 : vector<160x160xi1> to vector<160x160xi32>
    %sign3A_38 = arith.subi %sign3A_33, %sign3A_37 : vector<160x160xi32>
    %sign3A_39 = arith.constant 0 : i32
    %sign3A_40 = arith.cmpi sgt, %jit3A_27, %sign3A_39 : i32
    %sign3A_41 = arith.extui %sign3A_40 : i1 to i32
    %sign3A_42 = arith.constant 0 : i32
    %sign3A_43 = arith.cmpi slt, %jit3A_27, %sign3A_42 : i32
    %sign3A_44 = arith.extui %sign3A_43 : i1 to i32
    %sign3A_45 = arith.subi %sign3A_41, %sign3A_44 : i32
    %ne3A_46 = vector.broadcast %sign3A_45 : i32 to vector<160x160xi32>
    %ne3A_47 = arith.cmpi ne, %sign3A_38, %ne3A_46 : vector<160x160xi32>
    %rem3A_48 = vector.broadcast %jit3A_27 : i32 to vector<160x160xi32>
    %rem3A_49 = arith.remsi %iota3A_26, %rem3A_48 : vector<160x160xi32>
    %ne3A_50 = arith.constant 0 : i32
    %ne3A_51 = vector.broadcast %ne3A_50 : i32 to vector<160x160xi32>
    %ne3A_52 = arith.cmpi ne, %rem3A_49, %ne3A_51 : vector<160x160xi32>
    %and3A_53 = arith.andi %ne3A_47, %ne3A_52 : vector<160x160xi1>
    %sub3A_54 = arith.constant 1 : i32
    %sub3A_55 = vector.broadcast %sub3A_54 : i32 to vector<160x160xi32>
    %sub3A_56 = arith.subi %div3A_29, %sub3A_55 : vector<160x160xi32>
    %select_n3A_57 = arith.select %and3A_53, %sub3A_56, %div3A_29 : vector<160x160xi1>, vector<160x160xi32>
    %eq3A = arith.cmpi eq, %select_n3A, %select_n3A_57 : vector<160x160xi32>
    %convert_element_type3A = arith.extui %eq3A : vector<160x160xi1> to vector<160x160xi32>
    %convert_element_type3A_58 = arith.sitofp %convert_element_type3A : vector<160x160xi32> to vector<160x160xf32>
    %get3A = arith.constant 0 : index
    %get3A_59 = arith.constant 0 : index
    %get3A_60 = vector.load %arg1[%get3A, %get3A_59] : memref<5120x128xf32, #tpu.memory_space<vmem>>, vector<5120x64xf32>
    %swap3A = arith.constant 0 : index
    %swap3A_61 = arith.constant 0 : index
    %swap3A_62 = vector.load %arg10[%swap3A, %swap3A_61] : memref<5120x64xf32, #tpu.memory_space<vmem>>, vector<5120x64xf32>
    tpu.vector_store %arg10[%swap3A, %swap3A_61], %get3A_60 {strides = array<i32>} : memref<5120x64xf32, #tpu.memory_space<vmem>>, vector<5120x64xf32>,
    %get3A_63 = arith.constant 0 : index
    %get3A_64 = arith.constant 0 : index
    %get3A_65 = vector.load %arg10[%get3A_63, %get3A_64] : memref<5120x64xf32, #tpu.memory_space<vmem>>, vector<5120x64xf32>
    %convert_element_type3A_66 = arith.truncf %get3A_65 : vector<5120x64xf32> to vector<5120x64xbf16>
    %get3A_67 = arith.constant 0 : index
    %get3A_68 = arith.constant 0 : index
    %get3A_69 = vector.load %arg2[%get3A_67, %get3A_68] : memref<128x192xbf16, #tpu.memory_space<vmem>>, vector<64x192xbf16>
    %dot_general3A = arith.constant dense<0.000000e+00> : vector<5120x192xf32>
    %dot_general3A_70 = tpu.matmul %convert_element_type3A_66, %get3A_69, %dot_general3A {dimension_numbers = #tpu.dot_dimension_numbers<[1], [0], [0], [1], [0, 0, 1, 1], [], []>, transpose_lhs_hint = false} : vector<5120x64xbf16>, vector<64x192xbf16>, vector<5120x192xf32> -> vector<5120x192xf32>
    %convert_element_type3A_71 = arith.truncf %dot_general3A_70 : vector<5120x192xf32> to vector<5120x192xbf16>
    %swap3A_72 = arith.constant 0 : index
    %swap3A_73 = arith.constant 0 : index
    %swap3A_74 = vector.load %arg11[%swap3A_72, %swap3A_73] : memref<5120x192xbf16, #tpu.memory_space<vmem>>, vector<5120x192xbf16>
    tpu.vector_store %arg11[%swap3A_72, %swap3A_73], %convert_element_type3A_71 {strides = array<i32>} : memref<5120x192xbf16, #tpu.memory_space<vmem>>, vector<5120x192xbf16>,
    %get3A_75 = arith.constant 0 : index
    %get3A_76 = arith.constant 0 : index
    %get3A_77 = vector.load %arg11[%get3A_75, %get3A_76] : memref<5120x192xbf16, #tpu.memory_space<vmem>>, vector<160x64xbf16>
    %get3A_78 = arith.constant 0 : index
    %get3A_79 = arith.constant 64 : index
    %get3A_80 = vector.load %arg11[%get3A_78, %get3A_79] : memref<5120x192xbf16, #tpu.memory_space<vmem>>, vector<160x64xbf16>
    %dot_general3A_81 = arith.constant dense<0.000000e+00> : vector<160x160xf32>
    %dot_general3A_82 = tpu.matmul %get3A_77, %get3A_80, %dot_general3A_81 {dimension_numbers = #tpu.dot_dimension_numbers<[1], [1], [0], [0], [0, 0, 1, 0], [], []>, transpose_lhs_hint = false} : vector<160x64xbf16>, vector<160x64xbf16>, vector<160x160xf32> -> vector<160x160xf32>
    %min3A = arith.constant 8.000000e+01 : f32
    %min3A_83 = vector.broadcast %min3A : f32 to vector<160x160xf32>
    %min3A_84 = arith.minimumf %dot_general3A_82, %min3A_83 : vector<160x160xf32>
    %exp3A = math.exp %min3A_84 : vector<160x160xf32>
    %mul3A = arith.mulf %exp3A, %convert_element_type3A_58 : vector<160x160xf32>
    %convert_element_type3A_85 = arith.truncf %mul3A : vector<160x160xf32> to vector<160x160xbf16>
    %swap3A_86 = arith.constant 0 : index
    %swap3A_87 = arith.constant 0 : index
    %swap3A_88 = vector.load %arg12[%swap3A_86, %swap3A_87] : memref<5120x160xbf16, #tpu.memory_space<vmem>>, vector<160x160xbf16>
    tpu.vector_store %arg12[%swap3A_86, %swap3A_87], %convert_element_type3A_85 {strides = array<i32>} : memref<5120x160xbf16, #tpu.memory_space<vmem>>, vector<160x160xbf16>,
    %get3A_89 = arith.constant 160 : index
    %get3A_90 = arith.constant 0 : index
    %get3A_91 = vector.load %arg11[%get3A_89, %get3A_90] : memref<5120x192xbf16, #tpu.memory_space<vmem>>, vector<160x64xbf16>
    %get3A_92 = arith.constant 160 : index
    %get3A_93 = arith.constant 64 : index
    %get3A_94 = vector.load %arg11[%get3A_92, %get3A_93] : memref<5120x192xbf16, #tpu.memory_space<vmem>>, vector<160x64xbf16>
    %dot_general3A_95 = arith.constant dense<0.000000e+00> : vector<160x160xf32>
    %dot_general3A_96 = tpu.matmul %get3A_91, %get3A_94, %dot_general3A_95 {dimension_numbers = #tpu.dot_dimension_numbers<[1], [1], [0], [0], [0, 0, 1, 0], [], []>, transpose_lhs_hint = false} : vector<160x64xbf16>, vector<160x64xbf16>, vector<160x160xf32> -> vector<160x160xf32>
    %min3A_97 = arith.constant 8.000000e+01 : f32
    %min3A_98 = vector.broadcast %min3A_97 : f32 to vector<160x160xf32>
    %min3A_99 = arith.minimumf %dot_general3A_96, %min3A_98 : vector<160x160xf32>
    %exp3A_100 = math.exp %min3A_99 : vector<160x160xf32>
    %mul3A_101 = arith.mulf %exp3A_100, %convert_element_type3A_58 : vector<160x160xf32>
    %convert_element_type3A_102 = arith.truncf %mul3A_101 : vector<160x160xf32> to vector<160x160xbf16>
    %swap3A_103 = arith.constant 160 : index
    %swap3A_104 = arith.constant 0 : index
    %swap3A_105 = vector.load %arg12[%swap3A_103, %swap3A_104] : memref<5120x160xbf16, #tpu.memory_space<vmem>>, vector<160x160xbf16>
    tpu.vector_store %arg12[%swap3A_103, %swap3A_104], %convert_element_type3A_102 {strides = array<i32>} : memref<5120x160xbf16, #tpu.memory_space<vmem>>, vector<160x160xbf16>,
    %get3A_106 = arith.constant 320 : index
    %get3A_107 = arith.constant 0 : index
    %get3A_108 = vector.load %arg11[%get3A_106, %get3A_107] : memref<5120x192xbf16, #tpu.memory_space<vmem>>, vector<160x64xbf16>
    %get3A_109 = arith.constant 320 : index
    %get3A_110 = arith.constant 64 : index
    %get3A_111 = vector.load %arg11[%get3A_109, %get3A_110] : memref<5120x192xbf16, #tpu.memory_space<vmem>>, vector<160x64xbf16>
    %dot_general3A_112 = arith.constant dense<0.000000e+00> : vector<160x160xf32>
    %dot_general3A_113 = tpu.matmul %get3A_108, %get3A_111, %dot_general3A_112 {dimension_numbers = #tpu.dot_dimension_numbers<[1], [1], [0], [0], [0, 0, 1, 0], [], []>, transpose_lhs_hint = false} : vector<160x64xbf16>, vector<160x64xbf16>, vector<160x160xf32> -> vector<160x160xf32>
    %min3A_114 = arith.constant 8.000000e+01 : f32
    %min3A_115 = vector.broadcast %min3A_114 : f32 to vector<160x160xf32>
    %min3A_116 = arith.minimumf %dot_general3A_113, %min3A_115 : vector<160x160xf32>
    %exp3A_117 = math.exp %min3A_116 : vector<160x160xf32>
    %mul3A_118 = arith.mulf %exp3A_117, %convert_element_type3A_58 : vector<160x160xf32>
    %convert_element_type3A_119 = arith.truncf %mul3A_118 : vector<160x160xf32> to vector<160x160xbf16>
    %swap3A_120 = arith.constant 320 : index
    %swap3A_121 = arith.constant 0 : index
    %swap3A_122 = vector.load %arg12[%swap3A_120, %swap3A_121] : memref<5120x160xbf16, #tpu.memory_space<vmem>>, vector<160x160xbf16>
    tpu.vector_store %arg12[%swap3A_120, %swap3A_121], %convert_element_type3A_119 {strides = array<i32>} : memref<5120x160xbf16, #tpu.memory_space<vmem>>, vector<160x160xbf16>,
    %get3A_123 = arith.constant 480 : index
    %get3A_124 = arith.constant 0 : index
    %get3A_125 = vector.load %arg11[%get3A_123, %get3A_124] : memref<5120x192xbf16, #tpu.memory_space<vmem>>, vector<160x64xbf16>
    %get3A_126 = arith.constant 480 : index
    %get3A_127 = arith.constant 64 : index
    %get3A_128 = vector.load %arg11[%get3A_126, %get3A_127] : memref<5120x192xbf16, #tpu.memory_space<vmem>>, vector<160x64xbf16>
    %dot_general3A_129 = arith.constant dense<0.000000e+00> : vector<160x160xf32>
    %dot_general3A_130 = tpu.matmul %get3A_125, %get3A_128, %dot_general3A_129 {dimension_numbers = #tpu.dot_dimension_numbers<[1], [1], [0], [0], [0, 0, 1, 0], [], []>, transpose_lhs_hint = false} : vector<160x64xbf16>, vector<160x64xbf16>, vector<160x160xf32> -> vector<160x160xf32>
    %min3A_131 = arith.constant 8.000000e+01 : f32
    %min3A_132 = vector.broadcast %min3A_131 : f32 to vector<160x160xf32>
    %min3A_133 = arith.minimumf %dot_general3A_130, %min3A_132 : vector<160x160xf32>
    %exp3A_134 = math.exp %min3A_133 : vector<160x160xf32>
    %mul3A_135 = arith.mulf %exp3A_134, %convert_element_type3A_58 : vector<160x160xf32>
    %convert_element_type3A_136 = arith.truncf %mul3A_135 : vector<160x160xf32> to vector<160x160xbf16>
    %swap3A_137 = arith.constant 480 : index
    %swap3A_138 = arith.constant 0 : index
    %swap3A_139 = vector.load %arg12[%swap3A_137, %swap3A_138] : memref<5120x160xbf16, #tpu.memory_space<vmem>>, vector<160x160xbf16>
    tpu.vector_store %arg12[%swap3A_137, %swap3A_138], %convert_element_type3A_136 {strides = array<i32>} : memref<5120x160xbf16, #tpu.memory_space<vmem>>, vector<160x160xbf16>,
    %get3A_140 = arith.constant 640 : index
    %get3A_141 = arith.constant 0 : index
    %get3A_142 = vector.load %arg11[%get3A_140, %get3A_141] : memref<5120x192xbf16, #tpu.memory_space<vmem>>, vector<160x64xbf16>
    %get3A_143 = arith.constant 640 : index
    %get3A_144 = arith.constant 64 : index
    %get3A_145 = vector.load %arg11[%get3A_143, %get3A_144] : memref<5120x192xbf16, #tpu.memory_space<vmem>>, vector<160x64xbf16>
    %dot_general3A_146 = arith.constant dense<0.000000e+00> : vector<160x160xf32>
    %dot_general3A_147 = tpu.matmul %get3A_142, %get3A_145, %dot_general3A_146 {dimension_numbers = #tpu.dot_dimension_numbers<[1], [1], [0], [0], [0, 0, 1, 0], [], []>, transpose_lhs_hint = false} : vector<160x64xbf16>, vector<160x64xbf16>, vector<160x160xf32> -> vector<160x160xf32>
    %min3A_148 = arith.constant 8.000000e+01 : f32
    %min3A_149 = vector.broadcast %min3A_148 : f32 to vector<160x160xf32>
    %min3A_150 = arith.minimumf %dot_general3A_147, %min3A_149 : vector<160x160xf32>
    %exp3A_151 = math.exp %min3A_150 : vector<160x160xf32>
    %mul3A_152 = arith.mulf %exp3A_151, %convert_element_type3A_58 : vector<160x160xf32>
    %convert_element_type3A_153 = arith.truncf %mul3A_152 : vector<160x160xf32> to vector<160x160xbf16>
    %swap3A_154 = arith.constant 640 : index
    %swap3A_155 = arith.constant 0 : index
    %swap3A_156 = vector.load %arg12[%swap3A_154, %swap3A_155] : memref<5120x160xbf16, #tpu.memory_space<vmem>>, vector<160x160xbf16>
    tpu.vector_store %arg12[%swap3A_154, %swap3A_155], %convert_element_type3A_153 {strides = array<i32>} : memref<5120x160xbf16, #tpu.memory_space<vmem>>, vector<160x160xbf16>,
    %get3A_157 = arith.constant 800 : index
    %get3A_158 = arith.constant 0 : index
    %get3A_159 = vector.load %arg11[%get3A_157, %get3A_158] : memref<5120x192xbf16, #tpu.memory_space<vmem>>, vector<160x64xbf16>
    %get3A_160 = arith.constant 800 : index
    %get3A_161 = arith.constant 64 : index
    %get3A_162 = vector.load %arg11[%get3A_160, %get3A_161] : memref<5120x192xbf16, #tpu.memory_space<vmem>>, vector<160x64xbf16>
    %dot_general3A_163 = arith.constant dense<0.000000e+00> : vector<160x160xf32>
    %dot_general3A_164 = tpu.matmul %get3A_159, %get3A_162, %dot_general3A_163 {dimension_numbers = #tpu.dot_dimension_numbers<[1], [1], [0], [0], [0, 0, 1, 0], [], []>, transpose_lhs_hint = false} : vector<160x64xbf16>, vector<160x64xbf16>, vector<160x160xf32> -> vector<160x160xf32>
    %min3A_165 = arith.constant 8.000000e+01 : f32
    %min3A_166 = vector.broadcast %min3A_165 : f32 to vector<160x160xf32>
    %min3A_167 = arith.minimumf %dot_general3A_164, %min3A_166 : vector<160x160xf32>
    %exp3A_168 = math.exp %min3A_167 : vector<160x160xf32>
    %mul3A_169 = arith.mulf %exp3A_168, %convert_element_type3A_58 : vector<160x160xf32>
    %convert_element_type3A_170 = arith.truncf %mul3A_169 : vector<160x160xf32> to vector<160x160xbf16>
    %swap3A_171 = arith.constant 800 : index
    %swap3A_172 = arith.constant 0 : index
    %swap3A_173 = vector.load %arg12[%swap3A_171, %swap3A_172] : memref<5120x160xbf16, #tpu.memory_space<vmem>>, vector<160x160xbf16>
    tpu.vector_store %arg12[%swap3A_171, %swap3A_172], %convert_element_type3A_170 {strides = array<i32>} : memref<5120x160xbf16, #tpu.memory_space<vmem>>, vector<160x160xbf16>,
    %get3A_174 = arith.constant 960 : index
    %get3A_175 = arith.constant 0 : index
    %get3A_176 = vector.load %arg11[%get3A_174, %get3A_175] : memref<5120x192xbf16, #tpu.memory_space<vmem>>, vector<160x64xbf16>
    %get3A_177 = arith.constant 960 : index
    %get3A_178 = arith.constant 64 : index
    %get3A_179 = vector.load %arg11[%get3A_177, %get3A_178] : memref<5120x192xbf16, #tpu.memory_space<vmem>>, vector<160x64xbf16>
    %dot_general3A_180 = arith.constant dense<0.000000e+00> : vector<160x160xf32>
    %dot_general3A_181 = tpu.matmul %get3A_176, %get3A_179, %dot_general3A_180 {dimension_numbers = #tpu.dot_dimension_numbers<[1], [1], [0], [0], [0, 0, 1, 0], [], []>, transpose_lhs_hint = false} : vector<160x64xbf16>, vector<160x64xbf16>, vector<160x160xf32> -> vector<160x160xf32>
    %min3A_182 = arith.constant 8.000000e+01 : f32
    %min3A_183 = vector.broadcast %min3A_182 : f32 to vector<160x160xf32>
    %min3A_184 = arith.minimumf %dot_general3A_181, %min3A_183 : vector<160x160xf32>
    %exp3A_185 = math.exp %min3A_184 : vector<160x160xf32>
    %mul3A_186 = arith.mulf %exp3A_185, %convert_element_type3A_58 : vector<160x160xf32>
    %convert_element_type3A_187 = arith.truncf %mul3A_186 : vector<160x160xf32> to vector<160x160xbf16>
    %swap3A_188 = arith.constant 960 : index
    %swap3A_189 = arith.constant 0 : index
    %swap3A_190 = vector.load %arg12[%swap3A_188, %swap3A_189] : memref<5120x160xbf16, #tpu.memory_space<vmem>>, vector<160x160xbf16>
    tpu.vector_store %arg12[%swap3A_188, %swap3A_189], %convert_element_type3A_187 {strides = array<i32>} : memref<5120x160xbf16, #tpu.memory_space<vmem>>, vector<160x160xbf16>,
    %get3A_191 = arith.constant 1120 : index
    %get3A_192 = arith.constant 0 : index
    %get3A_193 = vector.load %arg11[%get3A_191, %get3A_192] : memref<5120x192xbf16, #tpu.memory_space<vmem>>, vector<160x64xbf16>
    %get3A_194 = arith.constant 1120 : index
    %get3A_195 = arith.constant 64 : index
    %get3A_196 = vector.load %arg11[%get3A_194, %get3A_195] : memref<5120x192xbf16, #tpu.memory_space<vmem>>, vector<160x64xbf16>
    %dot_general3A_197 = arith.constant dense<0.000000e+00> : vector<160x160xf32>
    %dot_general3A_198 = tpu.matmul %get3A_193, %get3A_196, %dot_general3A_197 {dimension_numbers = #tpu.dot_dimension_numbers<[1], [1], [0], [0], [0, 0, 1, 0], [], []>, transpose_lhs_hint = false} : vector<160x64xbf16>, vector<160x64xbf16>, vector<160x160xf32> -> vector<160x160xf32>
    %min3A_199 = arith.constant 8.000000e+01 : f32
    %min3A_200 = vector.broadcast %min3A_199 : f32 to vector<160x160xf32>
    %min3A_201 = arith.minimumf %dot_general3A_198, %min3A_200 : vector<160x160xf32>
    %exp3A_202 = math.exp %min3A_201 : vector<160x160xf32>
    %mul3A_203 = arith.mulf %exp3A_202, %convert_element_type3A_58 : vector<160x160xf32>
    %convert_element_type3A_204 = arith.truncf %mul3A_203 : vector<160x160xf32> to vector<160x160xbf16>
    %swap3A_205 = arith.constant 1120 : index
    %swap3A_206 = arith.constant 0 : index
    %swap3A_207 = vector.load %arg12[%swap3A_205, %swap3A_206] : memref<5120x160xbf16, #tpu.memory_space<vmem>>, vector<160x160xbf16>
    tpu.vector_store %arg12[%swap3A_205, %swap3A_206], %convert_element_type3A_204 {strides = array<i32>} : memref<5120x160xbf16, #tpu.memory_space<vmem>>, vector<160x160xbf16>,
    %get3A_208 = arith.constant 1280 : index
    %get3A_209 = arith.constant 0 : index
    %get3A_210 = vector.load %arg11[%get3A_208, %get3A_209] : memref<5120x192xbf16, #tpu.memory_space<vmem>>, vector<160x64xbf16>
    %get3A_211 = arith.constant 1280 : index
    %get3A_212 = arith.constant 64 : index
    %get3A_213 = vector.load %arg11[%get3A_211, %get3A_212] : memref<5120x192xbf16, #tpu.memory_space<vmem>>, vector<160x64xbf16>
    %dot_general3A_214 = arith.constant dense<0.000000e+00> : vector<160x160xf32>
    %dot_general3A_215 = tpu.matmul %get3A_210, %get3A_213, %dot_general3A_214 {dimension_numbers = #tpu.dot_dimension_numbers<[1], [1], [0], [0], [0, 0, 1, 0], [], []>, transpose_lhs_hint = false} : vector<160x64xbf16>, vector<160x64xbf16>, vector<160x160xf32> -> vector<160x160xf32>
    %min3A_216 = arith.constant 8.000000e+01 : f32
    %min3A_217 = vector.broadcast %min3A_216 : f32 to vector<160x160xf32>
    %min3A_218 = arith.minimumf %dot_general3A_215, %min3A_217 : vector<160x160xf32>
    %exp3A_219 = math.exp %min3A_218 : vector<160x160xf32>
    %mul3A_220 = arith.mulf %exp3A_219, %convert_element_type3A_58 : vector<160x160xf32>
    %convert_element_type3A_221 = arith.truncf %mul3A_220 : vector<160x160xf32> to vector<160x160xbf16>
    %swap3A_222 = arith.constant 1280 : index
    %swap3A_223 = arith.constant 0 : index
    %swap3A_224 = vector.load %arg12[%swap3A_222, %swap3A_223] : memref<5120x160xbf16, #tpu.memory_space<vmem>>, vector<160x160xbf16>
    tpu.vector_store %arg12[%swap3A_222, %swap3A_223], %convert_element_type3A_221 {strides = array<i32>} : memref<5120x160xbf16, #tpu.memory_space<vmem>>, vector<160x160xbf16>,
    %get3A_225 = arith.constant 1440 : index
    %get3A_226 = arith.constant 0 : index
    %get3A_227 = vector.load %arg11[%get3A_225, %get3A_226] : memref<5120x192xbf16, #tpu.memory_space<vmem>>, vector<160x64xbf16>
    %get3A_228 = arith.constant 1440 : index
    %get3A_229 = arith.constant 64 : index
    %get3A_230 = vector.load %arg11[%get3A_228, %get3A_229] : memref<5120x192xbf16, #tpu.memory_space<vmem>>, vector<160x64xbf16>
    %dot_general3A_231 = arith.constant dense<0.000000e+00> : vector<160x160xf32>
    %dot_general3A_232 = tpu.matmul %get3A_227, %get3A_230, %dot_general3A_231 {dimension_numbers = #tpu.dot_dimension_numbers<[1], [1], [0], [0], [0, 0, 1, 0], [], []>, transpose_lhs_hint = false} : vector<160x64xbf16>, vector<160x64xbf16>, vector<160x160xf32> -> vector<160x160xf32>
    %min3A_233 = arith.constant 8.000000e+01 : f32
    %min3A_234 = vector.broadcast %min3A_233 : f32 to vector<160x160xf32>
    %min3A_235 = arith.minimumf %dot_general3A_232, %min3A_234 : vector<160x160xf32>
    %exp3A_236 = math.exp %min3A_235 : vector<160x160xf32>
    %mul3A_237 = arith.mulf %exp3A_236, %convert_element_type3A_58 : vector<160x160xf32>
    %convert_element_type3A_238 = arith.truncf %mul3A_237 : vector<160x160xf32> to vector<160x160xbf16>
    %swap3A_239 = arith.constant 1440 : index
    %swap3A_240 = arith.constant 0 : index
    %swap3A_241 = vector.load %arg12[%swap3A_239, %swap3A_240] : memref<5120x160xbf16, #tpu.memory_space<vmem>>, vector<160x160xbf16>
    tpu.vector_store %arg12[%swap3A_239, %swap3A_240], %convert_element_type3A_238 {strides = array<i32>} : memref<5120x160xbf16, #tpu.memory_space<vmem>>, vector<160x160xbf16>,
    %get3A_242 = arith.constant 1600 : index
    %get3A_243 = arith.constant 0 : index
    %get3A_244 = vector.load %arg11[%get3A_242, %get3A_243] : memref<5120x192xbf16, #tpu.memory_space<vmem>>, vector<160x64xbf16>
    %get3A_245 = arith.constant 1600 : index
    %get3A_246 = arith.constant 64 : index
    %get3A_247 = vector.load %arg11[%get3A_245, %get3A_246] : memref<5120x192xbf16, #tpu.memory_space<vmem>>, vector<160x64xbf16>
    %dot_general3A_248 = arith.constant dense<0.000000e+00> : vector<160x160xf32>
    %dot_general3A_249 = tpu.matmul %get3A_244, %get3A_247, %dot_general3A_248 {dimension_numbers = #tpu.dot_dimension_numbers<[1], [1], [0], [0], [0, 0, 1, 0], [], []>, transpose_lhs_hint = false} : vector<160x64xbf16>, vector<160x64xbf16>, vector<160x160xf32> -> vector<160x160xf32>
    %min3A_250 = arith.constant 8.000000e+01 : f32
    %min3A_251 = vector.broadcast %min3A_250 : f32 to vector<160x160xf32>
    %min3A_252 = arith.minimumf %dot_general3A_249, %min3A_251 : vector<160x160xf32>
    %exp3A_253 = math.exp %min3A_252 : vector<160x160xf32>
    %mul3A_254 = arith.mulf %exp3A_253, %convert_element_type3A_58 : vector<160x160xf32>
    %convert_element_type3A_255 = arith.truncf %mul3A_254 : vector<160x160xf32> to vector<160x160xbf16>
    %swap3A_256 = arith.constant 1600 : index
    %swap3A_257 = arith.constant 0 : index
    %swap3A_258 = vector.load %arg12[%swap3A_256, %swap3A_257] : memref<5120x160xbf16, #tpu.memory_space<vmem>>, vector<160x160xbf16>
    tpu.vector_store %arg12[%swap3A_256, %swap3A_257], %convert_element_type3A_255 {strides = array<i32>} : memref<5120x160xbf16, #tpu.memory_space<vmem>>, vector<160x160xbf16>,
    %get3A_259 = arith.constant 1760 : index
    %get3A_260 = arith.constant 0 : index
    %get3A_261 = vector.load %arg11[%get3A_259, %get3A_260] : memref<5120x192xbf16, #tpu.memory_space<vmem>>, vector<160x64xbf16>
    %get3A_262 = arith.constant 1760 : index
    %get3A_263 = arith.constant 64 : index
    %get3A_264 = vector.load %arg11[%get3A_262, %get3A_263] : memref<5120x192xbf16, #tpu.memory_space<vmem>>, vector<160x64xbf16>
    %dot_general3A_265 = arith.constant dense<0.000000e+00> : vector<160x160xf32>
    %dot_general3A_266 = tpu.matmul %get3A_261, %get3A_264, %dot_general3A_265 {dimension_numbers = #tpu.dot_dimension_numbers<[1], [1], [0], [0], [0, 0, 1, 0], [], []>, transpose_lhs_hint = false} : vector<160x64xbf16>, vector<160x64xbf16>, vector<160x160xf32> -> vector<160x160xf32>
    %min3A_267 = arith.constant 8.000000e+01 : f32
    %min3A_268 = vector.broadcast %min3A_267 : f32 to vector<160x160xf32>
    %min3A_269 = arith.minimumf %dot_general3A_266, %min3A_268 : vector<160x160xf32>
    %exp3A_270 = math.exp %min3A_269 : vector<160x160xf32>
    %mul3A_271 = arith.mulf %exp3A_270, %convert_element_type3A_58 : vector<160x160xf32>
    %convert_element_type3A_272 = arith.truncf %mul3A_271 : vector<160x160xf32> to vector<160x160xbf16>
    %swap3A_273 = arith.constant 1760 : index
    %swap3A_274 = arith.constant 0 : index
    %swap3A_275 = vector.load %arg12[%swap3A_273, %swap3A_274] : memref<5120x160xbf16, #tpu.memory_space<vmem>>, vector<160x160xbf16>
    tpu.vector_store %arg12[%swap3A_273, %swap3A_274], %convert_element_type3A_272 {strides = array<i32>} : memref<5120x160xbf16, #tpu.memory_space<vmem>>, vector<160x160xbf16>,
    %get3A_276 = arith.constant 1920 : index
    %get3A_277 = arith.constant 0 : index
    %get3A_278 = vector.load %arg11[%get3A_276, %get3A_277] : memref<5120x192xbf16, #tpu.memory_space<vmem>>, vector<160x64xbf16>
    %get3A_279 = arith.constant 1920 : index
    %get3A_280 = arith.constant 64 : index
    %get3A_281 = vector.load %arg11[%get3A_279, %get3A_280] : memref<5120x192xbf16, #tpu.memory_space<vmem>>, vector<160x64xbf16>
    %dot_general3A_282 = arith.constant dense<0.000000e+00> : vector<160x160xf32>
    %dot_general3A_283 = tpu.matmul %get3A_278, %get3A_281, %dot_general3A_282 {dimension_numbers = #tpu.dot_dimension_numbers<[1], [1], [0], [0], [0, 0, 1, 0], [], []>, transpose_lhs_hint = false} : vector<160x64xbf16>, vector<160x64xbf16>, vector<160x160xf32> -> vector<160x160xf32>
    %min3A_284 = arith.constant 8.000000e+01 : f32
    %min3A_285 = vector.broadcast %min3A_284 : f32 to vector<160x160xf32>
    %min3A_286 = arith.minimumf %dot_general3A_283, %min3A_285 : vector<160x160xf32>
    %exp3A_287 = math.exp %min3A_286 : vector<160x160xf32>
    %mul3A_288 = arith.mulf %exp3A_287, %convert_element_type3A_58 : vector<160x160xf32>
    %convert_element_type3A_289 = arith.truncf %mul3A_288 : vector<160x160xf32> to vector<160x160xbf16>
    %swap3A_290 = arith.constant 1920 : index
    %swap3A_291 = arith.constant 0 : index
    %swap3A_292 = vector.load %arg12[%swap3A_290, %swap3A_291] : memref<5120x160xbf16, #tpu.memory_space<vmem>>, vector<160x160xbf16>
    tpu.vector_store %arg12[%swap3A_290, %swap3A_291], %convert_element_type3A_289 {strides = array<i32>} : memref<5120x160xbf16, #tpu.memory_space<vmem>>, vector<160x160xbf16>,
    %get3A_293 = arith.constant 2080 : index
    %get3A_294 = arith.constant 0 : index
    %get3A_295 = vector.load %arg11[%get3A_293, %get3A_294] : memref<5120x192xbf16, #tpu.memory_space<vmem>>, vector<160x64xbf16>
    %get3A_296 = arith.constant 2080 : index
    %get3A_297 = arith.constant 64 : index
    %get3A_298 = vector.load %arg11[%get3A_296, %get3A_297] : memref<5120x192xbf16, #tpu.memory_space<vmem>>, vector<160x64xbf16>
    %dot_general3A_299 = arith.constant dense<0.000000e+00> : vector<160x160xf32>
    %dot_general3A_300 = tpu.matmul %get3A_295, %get3A_298, %dot_general3A_299 {dimension_numbers = #tpu.dot_dimension_numbers<[1], [1], [0], [0], [0, 0, 1, 0], [], []>, transpose_lhs_hint = false} : vector<160x64xbf16>, vector<160x64xbf16>, vector<160x160xf32> -> vector<160x160xf32>
    %min3A_301 = arith.constant 8.000000e+01 : f32
    %min3A_302 = vector.broadcast %min3A_301 : f32 to vector<160x160xf32>
    %min3A_303 = arith.minimumf %dot_general3A_300, %min3A_302 : vector<160x160xf32>
    %exp3A_304 = math.exp %min3A_303 : vector<160x160xf32>
    %mul3A_305 = arith.mulf %exp3A_304, %convert_element_type3A_58 : vector<160x160xf32>
    %convert_element_type3A_306 = arith.truncf %mul3A_305 : vector<160x160xf32> to vector<160x160xbf16>
    %swap3A_307 = arith.constant 2080 : index
    %swap3A_308 = arith.constant 0 : index
    %swap3A_309 = vector.load %arg12[%swap3A_307, %swap3A_308] : memref<5120x160xbf16, #tpu.memory_space<vmem>>, vector<160x160xbf16>
    tpu.vector_store %arg12[%swap3A_307, %swap3A_308], %convert_element_type3A_306 {strides = array<i32>} : memref<5120x160xbf16, #tpu.memory_space<vmem>>, vector<160x160xbf16>,
    %get3A_310 = arith.constant 2240 : index
    %get3A_311 = arith.constant 0 : index
    %get3A_312 = vector.load %arg11[%get3A_310, %get3A_311] : memref<5120x192xbf16, #tpu.memory_space<vmem>>, vector<160x64xbf16>
    %get3A_313 = arith.constant 2240 : index
    %get3A_314 = arith.constant 64 : index
    %get3A_315 = vector.load %arg11[%get3A_313, %get3A_314] : memref<5120x192xbf16, #tpu.memory_space<vmem>>, vector<160x64xbf16>
    %dot_general3A_316 = arith.constant dense<0.000000e+00> : vector<160x160xf32>
    %dot_general3A_317 = tpu.matmul %get3A_312, %get3A_315, %dot_general3A_316 {dimension_numbers = #tpu.dot_dimension_numbers<[1], [1], [0], [0], [0, 0, 1, 0], [], []>, transpose_lhs_hint = false} : vector<160x64xbf16>, vector<160x64xbf16>, vector<160x160xf32> -> vector<160x160xf32>
    %min3A_318 = arith.constant 8.000000e+01 : f32
    %min3A_319 = vector.broadcast %min3A_318 : f32 to vector<160x160xf32>
    %min3A_320 = arith.minimumf %dot_general3A_317, %min3A_319 : vector<160x160xf32>
    %exp3A_321 = math.exp %min3A_320 : vector<160x160xf32>
    %mul3A_322 = arith.mulf %exp3A_321, %convert_element_type3A_58 : vector<160x160xf32>
    %convert_element_type3A_323 = arith.truncf %mul3A_322 : vector<160x160xf32> to vector<160x160xbf16>
    %swap3A_324 = arith.constant 2240 : index
    %swap3A_325 = arith.constant 0 : index
    %swap3A_326 = vector.load %arg12[%swap3A_324, %swap3A_325] : memref<5120x160xbf16, #tpu.memory_space<vmem>>, vector<160x160xbf16>
    tpu.vector_store %arg12[%swap3A_324, %swap3A_325], %convert_element_type3A_323 {strides = array<i32>} : memref<5120x160xbf16, #tpu.memory_space<vmem>>, vector<160x160xbf16>,
    %get3A_327 = arith.constant 2400 : index
    %get3A_328 = arith.constant 0 : index
    %get3A_329 = vector.load %arg11[%get3A_327, %get3A_328] : memref<5120x192xbf16, #tpu.memory_space<vmem>>, vector<160x64xbf16>
    %get3A_330 = arith.constant 2400 : index
    %get3A_331 = arith.constant 64 : index
    %get3A_332 = vector.load %arg11[%get3A_330, %get3A_331] : memref<5120x192xbf16, #tpu.memory_space<vmem>>, vector<160x64xbf16>
    %dot_general3A_333 = arith.constant dense<0.000000e+00> : vector<160x160xf32>
    %dot_general3A_334 = tpu.matmul %get3A_329, %get3A_332, %dot_general3A_333 {dimension_numbers = #tpu.dot_dimension_numbers<[1], [1], [0], [0], [0, 0, 1, 0], [], []>, transpose_lhs_hint = false} : vector<160x64xbf16>, vector<160x64xbf16>, vector<160x160xf32> -> vector<160x160xf32>
    %min3A_335 = arith.constant 8.000000e+01 : f32
    %min3A_336 = vector.broadcast %min3A_335 : f32 to vector<160x160xf32>
    %min3A_337 = arith.minimumf %dot_general3A_334, %min3A_336 : vector<160x160xf32>
    %exp3A_338 = math.exp %min3A_337 : vector<160x160xf32>
    %mul3A_339 = arith.mulf %exp3A_338, %convert_element_type3A_58 : vector<160x160xf32>
    %convert_element_type3A_340 = arith.truncf %mul3A_339 : vector<160x160xf32> to vector<160x160xbf16>
    %swap3A_341 = arith.constant 2400 : index
    %swap3A_342 = arith.constant 0 : index
    %swap3A_343 = vector.load %arg12[%swap3A_341, %swap3A_342] : memref<5120x160xbf16, #tpu.memory_space<vmem>>, vector<160x160xbf16>
    tpu.vector_store %arg12[%swap3A_341, %swap3A_342], %convert_element_type3A_340 {strides = array<i32>} : memref<5120x160xbf16, #tpu.memory_space<vmem>>, vector<160x160xbf16>,
    %get3A_344 = arith.constant 2560 : index
    %get3A_345 = arith.constant 0 : index
    %get3A_346 = vector.load %arg11[%get3A_344, %get3A_345] : memref<5120x192xbf16, #tpu.memory_space<vmem>>, vector<160x64xbf16>
    %get3A_347 = arith.constant 2560 : index
    %get3A_348 = arith.constant 64 : index
    %get3A_349 = vector.load %arg11[%get3A_347, %get3A_348] : memref<5120x192xbf16, #tpu.memory_space<vmem>>, vector<160x64xbf16>
    %dot_general3A_350 = arith.constant dense<0.000000e+00> : vector<160x160xf32>
    %dot_general3A_351 = tpu.matmul %get3A_346, %get3A_349, %dot_general3A_350 {dimension_numbers = #tpu.dot_dimension_numbers<[1], [1], [0], [0], [0, 0, 1, 0], [], []>, transpose_lhs_hint = false} : vector<160x64xbf16>, vector<160x64xbf16>, vector<160x160xf32> -> vector<160x160xf32>
    %min3A_352 = arith.constant 8.000000e+01 : f32
    %min3A_353 = vector.broadcast %min3A_352 : f32 to vector<160x160xf32>
    %min3A_354 = arith.minimumf %dot_general3A_351, %min3A_353 : vector<160x160xf32>
    %exp3A_355 = math.exp %min3A_354 : vector<160x160xf32>
    %mul3A_356 = arith.mulf %exp3A_355, %convert_element_type3A_58 : vector<160x160xf32>
    %convert_element_type3A_357 = arith.truncf %mul3A_356 : vector<160x160xf32> to vector<160x160xbf16>
    %swap3A_358 = arith.constant 2560 : index
    %swap3A_359 = arith.constant 0 : index
    %swap3A_360 = vector.load %arg12[%swap3A_358, %swap3A_359] : memref<5120x160xbf16, #tpu.memory_space<vmem>>, vector<160x160xbf16>
    tpu.vector_store %arg12[%swap3A_358, %swap3A_359], %convert_element_type3A_357 {strides = array<i32>} : memref<5120x160xbf16, #tpu.memory_space<vmem>>, vector<160x160xbf16>,
    %get3A_361 = arith.constant 2720 : index
    %get3A_362 = arith.constant 0 : index
    %get3A_363 = vector.load %arg11[%get3A_361, %get3A_362] : memref<5120x192xbf16, #tpu.memory_space<vmem>>, vector<160x64xbf16>
    %get3A_364 = arith.constant 2720 : index
    %get3A_365 = arith.constant 64 : index
    %get3A_366 = vector.load %arg11[%get3A_364, %get3A_365] : memref<5120x192xbf16, #tpu.memory_space<vmem>>, vector<160x64xbf16>
    %dot_general3A_367 = arith.constant dense<0.000000e+00> : vector<160x160xf32>
    %dot_general3A_368 = tpu.matmul %get3A_363, %get3A_366, %dot_general3A_367 {dimension_numbers = #tpu.dot_dimension_numbers<[1], [1], [0], [0], [0, 0, 1, 0], [], []>, transpose_lhs_hint = false} : vector<160x64xbf16>, vector<160x64xbf16>, vector<160x160xf32> -> vector<160x160xf32>
    %min3A_369 = arith.constant 8.000000e+01 : f32
    %min3A_370 = vector.broadcast %min3A_369 : f32 to vector<160x160xf32>
    %min3A_371 = arith.minimumf %dot_general3A_368, %min3A_370 : vector<160x160xf32>
    %exp3A_372 = math.exp %min3A_371 : vector<160x160xf32>
    %mul3A_373 = arith.mulf %exp3A_372, %convert_element_type3A_58 : vector<160x160xf32>
    %convert_element_type3A_374 = arith.truncf %mul3A_373 : vector<160x160xf32> to vector<160x160xbf16>
    %swap3A_375 = arith.constant 2720 : index
    %swap3A_376 = arith.constant 0 : index
    %swap3A_377 = vector.load %arg12[%swap3A_375, %swap3A_376] : memref<5120x160xbf16, #tpu.memory_space<vmem>>, vector<160x160xbf16>
    tpu.vector_store %arg12[%swap3A_375, %swap3A_376], %convert_element_type3A_374 {strides = array<i32>} : memref<5120x160xbf16, #tpu.memory_space<vmem>>, vector<160x160xbf16>,
    %get3A_378 = arith.constant 2880 : index
    %get3A_379 = arith.constant 0 : index
    %get3A_380 = vector.load %arg11[%get3A_378, %get3A_379] : memref<5120x192xbf16, #tpu.memory_space<vmem>>, vector<160x64xbf16>
    %get3A_381 = arith.constant 2880 : index
    %get3A_382 = arith.constant 64 : index
    %get3A_383 = vector.load %arg11[%get3A_381, %get3A_382] : memref<5120x192xbf16, #tpu.memory_space<vmem>>, vector<160x64xbf16>
    %dot_general3A_384 = arith.constant dense<0.000000e+00> : vector<160x160xf32>
    %dot_general3A_385 = tpu.matmul %get3A_380, %get3A_383, %dot_general3A_384 {dimension_numbers = #tpu.dot_dimension_numbers<[1], [1], [0], [0], [0, 0, 1, 0], [], []>, transpose_lhs_hint = false} : vector<160x64xbf16>, vector<160x64xbf16>, vector<160x160xf32> -> vector<160x160xf32>
    %min3A_386 = arith.constant 8.000000e+01 : f32
    %min3A_387 = vector.broadcast %min3A_386 : f32 to vector<160x160xf32>
    %min3A_388 = arith.minimumf %dot_general3A_385, %min3A_387 : vector<160x160xf32>
    %exp3A_389 = math.exp %min3A_388 : vector<160x160xf32>
    %mul3A_390 = arith.mulf %exp3A_389, %convert_element_type3A_58 : vector<160x160xf32>
    %convert_element_type3A_391 = arith.truncf %mul3A_390 : vector<160x160xf32> to vector<160x160xbf16>
    %swap3A_392 = arith.constant 2880 : index
    %swap3A_393 = arith.constant 0 : index
    %swap3A_394 = vector.load %arg12[%swap3A_392, %swap3A_393] : memref<5120x160xbf16, #tpu.memory_space<vmem>>, vector<160x160xbf16>
    tpu.vector_store %arg12[%swap3A_392, %swap3A_393], %convert_element_type3A_391 {strides = array<i32>} : memref<5120x160xbf16, #tpu.memory_space<vmem>>, vector<160x160xbf16>,
    %get3A_395 = arith.constant 3040 : index
    %get3A_396 = arith.constant 0 : index
    %get3A_397 = vector.load %arg11[%get3A_395, %get3A_396] : memref<5120x192xbf16, #tpu.memory_space<vmem>>, vector<160x64xbf16>
    %get3A_398 = arith.constant 3040 : index
    %get3A_399 = arith.constant 64 : index
    %get3A_400 = vector.load %arg11[%get3A_398, %get3A_399] : memref<5120x192xbf16, #tpu.memory_space<vmem>>, vector<160x64xbf16>
    %dot_general3A_401 = arith.constant dense<0.000000e+00> : vector<160x160xf32>
    %dot_general3A_402 = tpu.matmul %get3A_397, %get3A_400, %dot_general3A_401 {dimension_numbers = #tpu.dot_dimension_numbers<[1], [1], [0], [0], [0, 0, 1, 0], [], []>, transpose_lhs_hint = false} : vector<160x64xbf16>, vector<160x64xbf16>, vector<160x160xf32> -> vector<160x160xf32>
    %min3A_403 = arith.constant 8.000000e+01 : f32
    %min3A_404 = vector.broadcast %min3A_403 : f32 to vector<160x160xf32>
    %min3A_405 = arith.minimumf %dot_general3A_402, %min3A_404 : vector<160x160xf32>
    %exp3A_406 = math.exp %min3A_405 : vector<160x160xf32>
    %mul3A_407 = arith.mulf %exp3A_406, %convert_element_type3A_58 : vector<160x160xf32>
    %convert_element_type3A_408 = arith.truncf %mul3A_407 : vector<160x160xf32> to vector<160x160xbf16>
    %swap3A_409 = arith.constant 3040 : index
    %swap3A_410 = arith.constant 0 : index
    %swap3A_411 = vector.load %arg12[%swap3A_409, %swap3A_410] : memref<5120x160xbf16, #tpu.memory_space<vmem>>, vector<160x160xbf16>
    tpu.vector_store %arg12[%swap3A_409, %swap3A_410], %convert_element_type3A_408 {strides = array<i32>} : memref<5120x160xbf16, #tpu.memory_space<vmem>>, vector<160x160xbf16>,
    %get3A_412 = arith.constant 3200 : index
    %get3A_413 = arith.constant 0 : index
    %get3A_414 = vector.load %arg11[%get3A_412, %get3A_413] : memref<5120x192xbf16, #tpu.memory_space<vmem>>, vector<160x64xbf16>
    %get3A_415 = arith.constant 3200 : index
    %get3A_416 = arith.constant 64 : index
    %get3A_417 = vector.load %arg11[%get3A_415, %get3A_416] : memref<5120x192xbf16, #tpu.memory_space<vmem>>, vector<160x64xbf16>
    %dot_general3A_418 = arith.constant dense<0.000000e+00> : vector<160x160xf32>
    %dot_general3A_419 = tpu.matmul %get3A_414, %get3A_417, %dot_general3A_418 {dimension_numbers = #tpu.dot_dimension_numbers<[1], [1], [0], [0], [0, 0, 1, 0], [], []>, transpose_lhs_hint = false} : vector<160x64xbf16>, vector<160x64xbf16>, vector<160x160xf32> -> vector<160x160xf32>
    %min3A_420 = arith.constant 8.000000e+01 : f32
    %min3A_421 = vector.broadcast %min3A_420 : f32 to vector<160x160xf32>
    %min3A_422 = arith.minimumf %dot_general3A_419, %min3A_421 : vector<160x160xf32>
    %exp3A_423 = math.exp %min3A_422 : vector<160x160xf32>
    %mul3A_424 = arith.mulf %exp3A_423, %convert_element_type3A_58 : vector<160x160xf32>
    %convert_element_type3A_425 = arith.truncf %mul3A_424 : vector<160x160xf32> to vector<160x160xbf16>
    %swap3A_426 = arith.constant 3200 : index
    %swap3A_427 = arith.constant 0 : index
    %swap3A_428 = vector.load %arg12[%swap3A_426, %swap3A_427] : memref<5120x160xbf16, #tpu.memory_space<vmem>>, vector<160x160xbf16>
    tpu.vector_store %arg12[%swap3A_426, %swap3A_427], %convert_element_type3A_425 {strides = array<i32>} : memref<5120x160xbf16, #tpu.memory_space<vmem>>, vector<160x160xbf16>,
    %get3A_429 = arith.constant 3360 : index
    %get3A_430 = arith.constant 0 : index
    %get3A_431 = vector.load %arg11[%get3A_429, %get3A_430] : memref<5120x192xbf16, #tpu.memory_space<vmem>>, vector<160x64xbf16>
    %get3A_432 = arith.constant 3360 : index
    %get3A_433 = arith.constant 64 : index
    %get3A_434 = vector.load %arg11[%get3A_432, %get3A_433] : memref<5120x192xbf16, #tpu.memory_space<vmem>>, vector<160x64xbf16>
    %dot_general3A_435 = arith.constant dense<0.000000e+00> : vector<160x160xf32>
    %dot_general3A_436 = tpu.matmul %get3A_431, %get3A_434, %dot_general3A_435 {dimension_numbers = #tpu.dot_dimension_numbers<[1], [1], [0], [0], [0, 0, 1, 0], [], []>, transpose_lhs_hint = false} : vector<160x64xbf16>, vector<160x64xbf16>, vector<160x160xf32> -> vector<160x160xf32>
    %min3A_437 = arith.constant 8.000000e+01 : f32
    %min3A_438 = vector.broadcast %min3A_437 : f32 to vector<160x160xf32>
    %min3A_439 = arith.minimumf %dot_general3A_436, %min3A_438 : vector<160x160xf32>
    %exp3A_440 = math.exp %min3A_439 : vector<160x160xf32>
    %mul3A_441 = arith.mulf %exp3A_440, %convert_element_type3A_58 : vector<160x160xf32>
    %convert_element_type3A_442 = arith.truncf %mul3A_441 : vector<160x160xf32> to vector<160x160xbf16>
    %swap3A_443 = arith.constant 3360 : index
    %swap3A_444 = arith.constant 0 : index
    %swap3A_445 = vector.load %arg12[%swap3A_443, %swap3A_444] : memref<5120x160xbf16, #tpu.memory_space<vmem>>, vector<160x160xbf16>
    tpu.vector_store %arg12[%swap3A_443, %swap3A_444], %convert_element_type3A_442 {strides = array<i32>} : memref<5120x160xbf16, #tpu.memory_space<vmem>>, vector<160x160xbf16>,
    %get3A_446 = arith.constant 3520 : index
    %get3A_447 = arith.constant 0 : index
    %get3A_448 = vector.load %arg11[%get3A_446, %get3A_447] : memref<5120x192xbf16, #tpu.memory_space<vmem>>, vector<160x64xbf16>
    %get3A_449 = arith.constant 3520 : index
    %get3A_450 = arith.constant 64 : index
    %get3A_451 = vector.load %arg11[%get3A_449, %get3A_450] : memref<5120x192xbf16, #tpu.memory_space<vmem>>, vector<160x64xbf16>
    %dot_general3A_452 = arith.constant dense<0.000000e+00> : vector<160x160xf32>
    %dot_general3A_453 = tpu.matmul %get3A_448, %get3A_451, %dot_general3A_452 {dimension_numbers = #tpu.dot_dimension_numbers<[1], [1], [0], [0], [0, 0, 1, 0], [], []>, transpose_lhs_hint = false} : vector<160x64xbf16>, vector<160x64xbf16>, vector<160x160xf32> -> vector<160x160xf32>
    %min3A_454 = arith.constant 8.000000e+01 : f32
    %min3A_455 = vector.broadcast %min3A_454 : f32 to vector<160x160xf32>
    %min3A_456 = arith.minimumf %dot_general3A_453, %min3A_455 : vector<160x160xf32>
    %exp3A_457 = math.exp %min3A_456 : vector<160x160xf32>
    %mul3A_458 = arith.mulf %exp3A_457, %convert_element_type3A_58 : vector<160x160xf32>
    %convert_element_type3A_459 = arith.truncf %mul3A_458 : vector<160x160xf32> to vector<160x160xbf16>
    %swap3A_460 = arith.constant 3520 : index
    %swap3A_461 = arith.constant 0 : index
    %swap3A_462 = vector.load %arg12[%swap3A_460, %swap3A_461] : memref<5120x160xbf16, #tpu.memory_space<vmem>>, vector<160x160xbf16>
    tpu.vector_store %arg12[%swap3A_460, %swap3A_461], %convert_element_type3A_459 {strides = array<i32>} : memref<5120x160xbf16, #tpu.memory_space<vmem>>, vector<160x160xbf16>,
    %get3A_463 = arith.constant 3680 : index
    %get3A_464 = arith.constant 0 : index
    %get3A_465 = vector.load %arg11[%get3A_463, %get3A_464] : memref<5120x192xbf16, #tpu.memory_space<vmem>>, vector<160x64xbf16>
    %get3A_466 = arith.constant 3680 : index
    %get3A_467 = arith.constant 64 : index
    %get3A_468 = vector.load %arg11[%get3A_466, %get3A_467] : memref<5120x192xbf16, #tpu.memory_space<vmem>>, vector<160x64xbf16>
    %dot_general3A_469 = arith.constant dense<0.000000e+00> : vector<160x160xf32>
    %dot_general3A_470 = tpu.matmul %get3A_465, %get3A_468, %dot_general3A_469 {dimension_numbers = #tpu.dot_dimension_numbers<[1], [1], [0], [0], [0, 0, 1, 0], [], []>, transpose_lhs_hint = false} : vector<160x64xbf16>, vector<160x64xbf16>, vector<160x160xf32> -> vector<160x160xf32>
    %min3A_471 = arith.constant 8.000000e+01 : f32
    %min3A_472 = vector.broadcast %min3A_471 : f32 to vector<160x160xf32>
    %min3A_473 = arith.minimumf %dot_general3A_470, %min3A_472 : vector<160x160xf32>
    %exp3A_474 = math.exp %min3A_473 : vector<160x160xf32>
    %mul3A_475 = arith.mulf %exp3A_474, %convert_element_type3A_58 : vector<160x160xf32>
    %convert_element_type3A_476 = arith.truncf %mul3A_475 : vector<160x160xf32> to vector<160x160xbf16>
    %swap3A_477 = arith.constant 3680 : index
    %swap3A_478 = arith.constant 0 : index
    %swap3A_479 = vector.load %arg12[%swap3A_477, %swap3A_478] : memref<5120x160xbf16, #tpu.memory_space<vmem>>, vector<160x160xbf16>
    tpu.vector_store %arg12[%swap3A_477, %swap3A_478], %convert_element_type3A_476 {strides = array<i32>} : memref<5120x160xbf16, #tpu.memory_space<vmem>>, vector<160x160xbf16>,
    %get3A_480 = arith.constant 3840 : index
    %get3A_481 = arith.constant 0 : index
    %get3A_482 = vector.load %arg11[%get3A_480, %get3A_481] : memref<5120x192xbf16, #tpu.memory_space<vmem>>, vector<160x64xbf16>
    %get3A_483 = arith.constant 3840 : index
    %get3A_484 = arith.constant 64 : index
    %get3A_485 = vector.load %arg11[%get3A_483, %get3A_484] : memref<5120x192xbf16, #tpu.memory_space<vmem>>, vector<160x64xbf16>
    %dot_general3A_486 = arith.constant dense<0.000000e+00> : vector<160x160xf32>
    %dot_general3A_487 = tpu.matmul %get3A_482, %get3A_485, %dot_general3A_486 {dimension_numbers = #tpu.dot_dimension_numbers<[1], [1], [0], [0], [0, 0, 1, 0], [], []>, transpose_lhs_hint = false} : vector<160x64xbf16>, vector<160x64xbf16>, vector<160x160xf32> -> vector<160x160xf32>
    %min3A_488 = arith.constant 8.000000e+01 : f32
    %min3A_489 = vector.broadcast %min3A_488 : f32 to vector<160x160xf32>
    %min3A_490 = arith.minimumf %dot_general3A_487, %min3A_489 : vector<160x160xf32>
    %exp3A_491 = math.exp %min3A_490 : vector<160x160xf32>
    %mul3A_492 = arith.mulf %exp3A_491, %convert_element_type3A_58 : vector<160x160xf32>
    %convert_element_type3A_493 = arith.truncf %mul3A_492 : vector<160x160xf32> to vector<160x160xbf16>
    %swap3A_494 = arith.constant 3840 : index
    %swap3A_495 = arith.constant 0 : index
    %swap3A_496 = vector.load %arg12[%swap3A_494, %swap3A_495] : memref<5120x160xbf16, #tpu.memory_space<vmem>>, vector<160x160xbf16>
    tpu.vector_store %arg12[%swap3A_494, %swap3A_495], %convert_element_type3A_493 {strides = array<i32>} : memref<5120x160xbf16, #tpu.memory_space<vmem>>, vector<160x160xbf16>,
    %get3A_497 = arith.constant 4000 : index
    %get3A_498 = arith.constant 0 : index
    %get3A_499 = vector.load %arg11[%get3A_497, %get3A_498] : memref<5120x192xbf16, #tpu.memory_space<vmem>>, vector<160x64xbf16>
    %get3A_500 = arith.constant 4000 : index
    %get3A_501 = arith.constant 64 : index
    %get3A_502 = vector.load %arg11[%get3A_500, %get3A_501] : memref<5120x192xbf16, #tpu.memory_space<vmem>>, vector<160x64xbf16>
    %dot_general3A_503 = arith.constant dense<0.000000e+00> : vector<160x160xf32>
    %dot_general3A_504 = tpu.matmul %get3A_499, %get3A_502, %dot_general3A_503 {dimension_numbers = #tpu.dot_dimension_numbers<[1], [1], [0], [0], [0, 0, 1, 0], [], []>, transpose_lhs_hint = false} : vector<160x64xbf16>, vector<160x64xbf16>, vector<160x160xf32> -> vector<160x160xf32>
    %min3A_505 = arith.constant 8.000000e+01 : f32
    %min3A_506 = vector.broadcast %min3A_505 : f32 to vector<160x160xf32>
    %min3A_507 = arith.minimumf %dot_general3A_504, %min3A_506 : vector<160x160xf32>
    %exp3A_508 = math.exp %min3A_507 : vector<160x160xf32>
    %mul3A_509 = arith.mulf %exp3A_508, %convert_element_type3A_58 : vector<160x160xf32>
    %convert_element_type3A_510 = arith.truncf %mul3A_509 : vector<160x160xf32> to vector<160x160xbf16>
    %swap3A_511 = arith.constant 4000 : index
    %swap3A_512 = arith.constant 0 : index
    %swap3A_513 = vector.load %arg12[%swap3A_511, %swap3A_512] : memref<5120x160xbf16, #tpu.memory_space<vmem>>, vector<160x160xbf16>
    tpu.vector_store %arg12[%swap3A_511, %swap3A_512], %convert_element_type3A_510 {strides = array<i32>} : memref<5120x160xbf16, #tpu.memory_space<vmem>>, vector<160x160xbf16>,
    %get3A_514 = arith.constant 4160 : index
    %get3A_515 = arith.constant 0 : index
    %get3A_516 = vector.load %arg11[%get3A_514, %get3A_515] : memref<5120x192xbf16, #tpu.memory_space<vmem>>, vector<160x64xbf16>
    %get3A_517 = arith.constant 4160 : index
    %get3A_518 = arith.constant 64 : index
    %get3A_519 = vector.load %arg11[%get3A_517, %get3A_518] : memref<5120x192xbf16, #tpu.memory_space<vmem>>, vector<160x64xbf16>
    %dot_general3A_520 = arith.constant dense<0.000000e+00> : vector<160x160xf32>
    %dot_general3A_521 = tpu.matmul %get3A_516, %get3A_519, %dot_general3A_520 {dimension_numbers = #tpu.dot_dimension_numbers<[1], [1], [0], [0], [0, 0, 1, 0], [], []>, transpose_lhs_hint = false} : vector<160x64xbf16>, vector<160x64xbf16>, vector<160x160xf32> -> vector<160x160xf32>
    %min3A_522 = arith.constant 8.000000e+01 : f32
    %min3A_523 = vector.broadcast %min3A_522 : f32 to vector<160x160xf32>
    %min3A_524 = arith.minimumf %dot_general3A_521, %min3A_523 : vector<160x160xf32>
    %exp3A_525 = math.exp %min3A_524 : vector<160x160xf32>
    %mul3A_526 = arith.mulf %exp3A_525, %convert_element_type3A_58 : vector<160x160xf32>
    %convert_element_type3A_527 = arith.truncf %mul3A_526 : vector<160x160xf32> to vector<160x160xbf16>
    %swap3A_528 = arith.constant 4160 : index
    %swap3A_529 = arith.constant 0 : index
    %swap3A_530 = vector.load %arg12[%swap3A_528, %swap3A_529] : memref<5120x160xbf16, #tpu.memory_space<vmem>>, vector<160x160xbf16>
    tpu.vector_store %arg12[%swap3A_528, %swap3A_529], %convert_element_type3A_527 {strides = array<i32>} : memref<5120x160xbf16, #tpu.memory_space<vmem>>, vector<160x160xbf16>,
    %get3A_531 = arith.constant 4320 : index
    %get3A_532 = arith.constant 0 : index
    %get3A_533 = vector.load %arg11[%get3A_531, %get3A_532] : memref<5120x192xbf16, #tpu.memory_space<vmem>>, vector<160x64xbf16>
    %get3A_534 = arith.constant 4320 : index
    %get3A_535 = arith.constant 64 : index
    %get3A_536 = vector.load %arg11[%get3A_534, %get3A_535] : memref<5120x192xbf16, #tpu.memory_space<vmem>>, vector<160x64xbf16>
    %dot_general3A_537 = arith.constant dense<0.000000e+00> : vector<160x160xf32>
    %dot_general3A_538 = tpu.matmul %get3A_533, %get3A_536, %dot_general3A_537 {dimension_numbers = #tpu.dot_dimension_numbers<[1], [1], [0], [0], [0, 0, 1, 0], [], []>, transpose_lhs_hint = false} : vector<160x64xbf16>, vector<160x64xbf16>, vector<160x160xf32> -> vector<160x160xf32>
    %min3A_539 = arith.constant 8.000000e+01 : f32
    %min3A_540 = vector.broadcast %min3A_539 : f32 to vector<160x160xf32>
    %min3A_541 = arith.minimumf %dot_general3A_538, %min3A_540 : vector<160x160xf32>
    %exp3A_542 = math.exp %min3A_541 : vector<160x160xf32>
    %mul3A_543 = arith.mulf %exp3A_542, %convert_element_type3A_58 : vector<160x160xf32>
    %convert_element_type3A_544 = arith.truncf %mul3A_543 : vector<160x160xf32> to vector<160x160xbf16>
    %swap3A_545 = arith.constant 4320 : index
    %swap3A_546 = arith.constant 0 : index
    %swap3A_547 = vector.load %arg12[%swap3A_545, %swap3A_546] : memref<5120x160xbf16, #tpu.memory_space<vmem>>, vector<160x160xbf16>
    tpu.vector_store %arg12[%swap3A_545, %swap3A_546], %convert_element_type3A_544 {strides = array<i32>} : memref<5120x160xbf16, #tpu.memory_space<vmem>>, vector<160x160xbf16>,
    %get3A_548 = arith.constant 4480 : index
    %get3A_549 = arith.constant 0 : index
    %get3A_550 = vector.load %arg11[%get3A_548, %get3A_549] : memref<5120x192xbf16, #tpu.memory_space<vmem>>, vector<160x64xbf16>
    %get3A_551 = arith.constant 4480 : index
    %get3A_552 = arith.constant 64 : index
    %get3A_553 = vector.load %arg11[%get3A_551, %get3A_552] : memref<5120x192xbf16, #tpu.memory_space<vmem>>, vector<160x64xbf16>
    %dot_general3A_554 = arith.constant dense<0.000000e+00> : vector<160x160xf32>
    %dot_general3A_555 = tpu.matmul %get3A_550, %get3A_553, %dot_general3A_554 {dimension_numbers = #tpu.dot_dimension_numbers<[1], [1], [0], [0], [0, 0, 1, 0], [], []>, transpose_lhs_hint = false} : vector<160x64xbf16>, vector<160x64xbf16>, vector<160x160xf32> -> vector<160x160xf32>
    %min3A_556 = arith.constant 8.000000e+01 : f32
    %min3A_557 = vector.broadcast %min3A_556 : f32 to vector<160x160xf32>
    %min3A_558 = arith.minimumf %dot_general3A_555, %min3A_557 : vector<160x160xf32>
    %exp3A_559 = math.exp %min3A_558 : vector<160x160xf32>
    %mul3A_560 = arith.mulf %exp3A_559, %convert_element_type3A_58 : vector<160x160xf32>
    %convert_element_type3A_561 = arith.truncf %mul3A_560 : vector<160x160xf32> to vector<160x160xbf16>
    %swap3A_562 = arith.constant 4480 : index
    %swap3A_563 = arith.constant 0 : index
    %swap3A_564 = vector.load %arg12[%swap3A_562, %swap3A_563] : memref<5120x160xbf16, #tpu.memory_space<vmem>>, vector<160x160xbf16>
    tpu.vector_store %arg12[%swap3A_562, %swap3A_563], %convert_element_type3A_561 {strides = array<i32>} : memref<5120x160xbf16, #tpu.memory_space<vmem>>, vector<160x160xbf16>,
    %get3A_565 = arith.constant 4640 : index
    %get3A_566 = arith.constant 0 : index
    %get3A_567 = vector.load %arg11[%get3A_565, %get3A_566] : memref<5120x192xbf16, #tpu.memory_space<vmem>>, vector<160x64xbf16>
    %get3A_568 = arith.constant 4640 : index
    %get3A_569 = arith.constant 64 : index
    %get3A_570 = vector.load %arg11[%get3A_568, %get3A_569] : memref<5120x192xbf16, #tpu.memory_space<vmem>>, vector<160x64xbf16>
    %dot_general3A_571 = arith.constant dense<0.000000e+00> : vector<160x160xf32>
    %dot_general3A_572 = tpu.matmul %get3A_567, %get3A_570, %dot_general3A_571 {dimension_numbers = #tpu.dot_dimension_numbers<[1], [1], [0], [0], [0, 0, 1, 0], [], []>, transpose_lhs_hint = false} : vector<160x64xbf16>, vector<160x64xbf16>, vector<160x160xf32> -> vector<160x160xf32>
    %min3A_573 = arith.constant 8.000000e+01 : f32
    %min3A_574 = vector.broadcast %min3A_573 : f32 to vector<160x160xf32>
    %min3A_575 = arith.minimumf %dot_general3A_572, %min3A_574 : vector<160x160xf32>
    %exp3A_576 = math.exp %min3A_575 : vector<160x160xf32>
    %mul3A_577 = arith.mulf %exp3A_576, %convert_element_type3A_58 : vector<160x160xf32>
    %convert_element_type3A_578 = arith.truncf %mul3A_577 : vector<160x160xf32> to vector<160x160xbf16>
    %swap3A_579 = arith.constant 4640 : index
    %swap3A_580 = arith.constant 0 : index
    %swap3A_581 = vector.load %arg12[%swap3A_579, %swap3A_580] : memref<5120x160xbf16, #tpu.memory_space<vmem>>, vector<160x160xbf16>
    tpu.vector_store %arg12[%swap3A_579, %swap3A_580], %convert_element_type3A_578 {strides = array<i32>} : memref<5120x160xbf16, #tpu.memory_space<vmem>>, vector<160x160xbf16>,
    %get3A_582 = arith.constant 4800 : index
    %get3A_583 = arith.constant 0 : index
    %get3A_584 = vector.load %arg11[%get3A_582, %get3A_583] : memref<5120x192xbf16, #tpu.memory_space<vmem>>, vector<160x64xbf16>
    %get3A_585 = arith.constant 4800 : index
    %get3A_586 = arith.constant 64 : index
    %get3A_587 = vector.load %arg11[%get3A_585, %get3A_586] : memref<5120x192xbf16, #tpu.memory_space<vmem>>, vector<160x64xbf16>
    %dot_general3A_588 = arith.constant dense<0.000000e+00> : vector<160x160xf32>
    %dot_general3A_589 = tpu.matmul %get3A_584, %get3A_587, %dot_general3A_588 {dimension_numbers = #tpu.dot_dimension_numbers<[1], [1], [0], [0], [0, 0, 1, 0], [], []>, transpose_lhs_hint = false} : vector<160x64xbf16>, vector<160x64xbf16>, vector<160x160xf32> -> vector<160x160xf32>
    %min3A_590 = arith.constant 8.000000e+01 : f32
    %min3A_591 = vector.broadcast %min3A_590 : f32 to vector<160x160xf32>
    %min3A_592 = arith.minimumf %dot_general3A_589, %min3A_591 : vector<160x160xf32>
    %exp3A_593 = math.exp %min3A_592 : vector<160x160xf32>
    %mul3A_594 = arith.mulf %exp3A_593, %convert_element_type3A_58 : vector<160x160xf32>
    %convert_element_type3A_595 = arith.truncf %mul3A_594 : vector<160x160xf32> to vector<160x160xbf16>
    %swap3A_596 = arith.constant 4800 : index
    %swap3A_597 = arith.constant 0 : index
    %swap3A_598 = vector.load %arg12[%swap3A_596, %swap3A_597] : memref<5120x160xbf16, #tpu.memory_space<vmem>>, vector<160x160xbf16>
    tpu.vector_store %arg12[%swap3A_596, %swap3A_597], %convert_element_type3A_595 {strides = array<i32>} : memref<5120x160xbf16, #tpu.memory_space<vmem>>, vector<160x160xbf16>,
    %get3A_599 = arith.constant 4960 : index
    %get3A_600 = arith.constant 0 : index
    %get3A_601 = vector.load %arg11[%get3A_599, %get3A_600] : memref<5120x192xbf16, #tpu.memory_space<vmem>>, vector<160x64xbf16>
    %get3A_602 = arith.constant 4960 : index
    %get3A_603 = arith.constant 64 : index
    %get3A_604 = vector.load %arg11[%get3A_602, %get3A_603] : memref<5120x192xbf16, #tpu.memory_space<vmem>>, vector<160x64xbf16>
    %dot_general3A_605 = arith.constant dense<0.000000e+00> : vector<160x160xf32>
    %dot_general3A_606 = tpu.matmul %get3A_601, %get3A_604, %dot_general3A_605 {dimension_numbers = #tpu.dot_dimension_numbers<[1], [1], [0], [0], [0, 0, 1, 0], [], []>, transpose_lhs_hint = false} : vector<160x64xbf16>, vector<160x64xbf16>, vector<160x160xf32> -> vector<160x160xf32>
    %min3A_607 = arith.constant 8.000000e+01 : f32
    %min3A_608 = vector.broadcast %min3A_607 : f32 to vector<160x160xf32>
    %min3A_609 = arith.minimumf %dot_general3A_606, %min3A_608 : vector<160x160xf32>
    %exp3A_610 = math.exp %min3A_609 : vector<160x160xf32>
    %mul3A_611 = arith.mulf %exp3A_610, %convert_element_type3A_58 : vector<160x160xf32>
    %convert_element_type3A_612 = arith.truncf %mul3A_611 : vector<160x160xf32> to vector<160x160xbf16>
    %swap3A_613 = arith.constant 4960 : index
    %swap3A_614 = arith.constant 0 : index
    %swap3A_615 = vector.load %arg12[%swap3A_613, %swap3A_614] : memref<5120x160xbf16, #tpu.memory_space<vmem>>, vector<160x160xbf16>
    tpu.vector_store %arg12[%swap3A_613, %swap3A_614], %convert_element_type3A_612 {strides = array<i32>} : memref<5120x160xbf16, #tpu.memory_space<vmem>>, vector<160x160xbf16>,
    %get3A_616 = arith.constant 0 : index
    %get3A_617 = arith.constant 128 : index
    %get3A_618 = vector.load %arg11[%get3A_616, %get3A_617] : memref<5120x192xbf16, #tpu.memory_space<vmem>>, vector<160x64xbf16>
    %concatenate3A = tpu.concatenate %get3A_618, %broadcast_in_dim3A_2 in 1 : vector<160x64xbf16>, vector<160x1xbf16> -> vector<160x65xbf16>
    %get3A_619 = arith.constant 0 : index
    %get3A_620 = arith.constant 0 : index
    %get3A_621 = vector.load %arg12[%get3A_619, %get3A_620] : memref<5120x160xbf16, #tpu.memory_space<vmem>>, vector<160x160xbf16>
    %dot_general3A_622 = arith.constant dense<0.000000e+00> : vector<160x65xf32>
    %dot_general3A_623 = tpu.matmul %get3A_621, %concatenate3A, %dot_general3A_622 {dimension_numbers = #tpu.dot_dimension_numbers<[1], [0], [0], [1], [0, 0, 1, 1], [], []>, transpose_lhs_hint = false} : vector<160x160xbf16>, vector<160x65xbf16>, vector<160x65xf32> -> vector<160x65xf32>
    %swap3A_624 = arith.constant 0 : index
    %swap3A_625 = arith.constant 0 : index
    %swap3A_626 = vector.load %arg13[%swap3A_624, %swap3A_625] : memref<5120x72xf32, #tpu.memory_space<vmem>>, vector<160x65xf32>
    tpu.vector_store %arg13[%swap3A_624, %swap3A_625], %dot_general3A_623 {strides = array<i32>} : memref<5120x72xf32, #tpu.memory_space<vmem>>, vector<160x65xf32>,
    %get3A_627 = arith.constant 160 : index
    %get3A_628 = arith.constant 128 : index
    %get3A_629 = vector.load %arg11[%get3A_627, %get3A_628] : memref<5120x192xbf16, #tpu.memory_space<vmem>>, vector<160x64xbf16>
    %concatenate3A_630 = tpu.concatenate %get3A_629, %broadcast_in_dim3A_2 in 1 : vector<160x64xbf16>, vector<160x1xbf16> -> vector<160x65xbf16>
    %get3A_631 = arith.constant 160 : index
    %get3A_632 = arith.constant 0 : index
    %get3A_633 = vector.load %arg12[%get3A_631, %get3A_632] : memref<5120x160xbf16, #tpu.memory_space<vmem>>, vector<160x160xbf16>
    %dot_general3A_634 = arith.constant dense<0.000000e+00> : vector<160x65xf32>
    %dot_general3A_635 = tpu.matmul %get3A_633, %concatenate3A_630, %dot_general3A_634 {dimension_numbers = #tpu.dot_dimension_numbers<[1], [0], [0], [1], [0, 0, 1, 1], [], []>, transpose_lhs_hint = false} : vector<160x160xbf16>, vector<160x65xbf16>, vector<160x65xf32> -> vector<160x65xf32>
    %swap3A_636 = arith.constant 160 : index
    %swap3A_637 = arith.constant 0 : index
    %swap3A_638 = vector.load %arg13[%swap3A_636, %swap3A_637] : memref<5120x72xf32, #tpu.memory_space<vmem>>, vector<160x65xf32>
    tpu.vector_store %arg13[%swap3A_636, %swap3A_637], %dot_general3A_635 {strides = array<i32>} : memref<5120x72xf32, #tpu.memory_space<vmem>>, vector<160x65xf32>,
    %get3A_639 = arith.constant 320 : index
    %get3A_640 = arith.constant 128 : index
    %get3A_641 = vector.load %arg11[%get3A_639, %get3A_640] : memref<5120x192xbf16, #tpu.memory_space<vmem>>, vector<160x64xbf16>
    %concatenate3A_642 = tpu.concatenate %get3A_641, %broadcast_in_dim3A_2 in 1 : vector<160x64xbf16>, vector<160x1xbf16> -> vector<160x65xbf16>
    %get3A_643 = arith.constant 320 : index
    %get3A_644 = arith.constant 0 : index
    %get3A_645 = vector.load %arg12[%get3A_643, %get3A_644] : memref<5120x160xbf16, #tpu.memory_space<vmem>>, vector<160x160xbf16>
    %dot_general3A_646 = arith.constant dense<0.000000e+00> : vector<160x65xf32>
    %dot_general3A_647 = tpu.matmul %get3A_645, %concatenate3A_642, %dot_general3A_646 {dimension_numbers = #tpu.dot_dimension_numbers<[1], [0], [0], [1], [0, 0, 1, 1], [], []>, transpose_lhs_hint = false} : vector<160x160xbf16>, vector<160x65xbf16>, vector<160x65xf32> -> vector<160x65xf32>
    %swap3A_648 = arith.constant 320 : index
    %swap3A_649 = arith.constant 0 : index
    %swap3A_650 = vector.load %arg13[%swap3A_648, %swap3A_649] : memref<5120x72xf32, #tpu.memory_space<vmem>>, vector<160x65xf32>
    tpu.vector_store %arg13[%swap3A_648, %swap3A_649], %dot_general3A_647 {strides = array<i32>} : memref<5120x72xf32, #tpu.memory_space<vmem>>, vector<160x65xf32>,
    %get3A_651 = arith.constant 480 : index
    %get3A_652 = arith.constant 128 : index
    %get3A_653 = vector.load %arg11[%get3A_651, %get3A_652] : memref<5120x192xbf16, #tpu.memory_space<vmem>>, vector<160x64xbf16>
    %concatenate3A_654 = tpu.concatenate %get3A_653, %broadcast_in_dim3A_2 in 1 : vector<160x64xbf16>, vector<160x1xbf16> -> vector<160x65xbf16>
    %get3A_655 = arith.constant 480 : index
    %get3A_656 = arith.constant 0 : index
    %get3A_657 = vector.load %arg12[%get3A_655, %get3A_656] : memref<5120x160xbf16, #tpu.memory_space<vmem>>, vector<160x160xbf16>
    %dot_general3A_658 = arith.constant dense<0.000000e+00> : vector<160x65xf32>
    %dot_general3A_659 = tpu.matmul %get3A_657, %concatenate3A_654, %dot_general3A_658 {dimension_numbers = #tpu.dot_dimension_numbers<[1], [0], [0], [1], [0, 0, 1, 1], [], []>, transpose_lhs_hint = false} : vector<160x160xbf16>, vector<160x65xbf16>, vector<160x65xf32> -> vector<160x65xf32>
    %swap3A_660 = arith.constant 480 : index
    %swap3A_661 = arith.constant 0 : index
    %swap3A_662 = vector.load %arg13[%swap3A_660, %swap3A_661] : memref<5120x72xf32, #tpu.memory_space<vmem>>, vector<160x65xf32>
    tpu.vector_store %arg13[%swap3A_660, %swap3A_661], %dot_general3A_659 {strides = array<i32>} : memref<5120x72xf32, #tpu.memory_space<vmem>>, vector<160x65xf32>,
    %get3A_663 = arith.constant 640 : index
    %get3A_664 = arith.constant 128 : index
    %get3A_665 = vector.load %arg11[%get3A_663, %get3A_664] : memref<5120x192xbf16, #tpu.memory_space<vmem>>, vector<160x64xbf16>
    %concatenate3A_666 = tpu.concatenate %get3A_665, %broadcast_in_dim3A_2 in 1 : vector<160x64xbf16>, vector<160x1xbf16> -> vector<160x65xbf16>
    %get3A_667 = arith.constant 640 : index
    %get3A_668 = arith.constant 0 : index
    %get3A_669 = vector.load %arg12[%get3A_667, %get3A_668] : memref<5120x160xbf16, #tpu.memory_space<vmem>>, vector<160x160xbf16>
    %dot_general3A_670 = arith.constant dense<0.000000e+00> : vector<160x65xf32>
    %dot_general3A_671 = tpu.matmul %get3A_669, %concatenate3A_666, %dot_general3A_670 {dimension_numbers = #tpu.dot_dimension_numbers<[1], [0], [0], [1], [0, 0, 1, 1], [], []>, transpose_lhs_hint = false} : vector<160x160xbf16>, vector<160x65xbf16>, vector<160x65xf32> -> vector<160x65xf32>
    %swap3A_672 = arith.constant 640 : index
    %swap3A_673 = arith.constant 0 : index
    %swap3A_674 = vector.load %arg13[%swap3A_672, %swap3A_673] : memref<5120x72xf32, #tpu.memory_space<vmem>>, vector<160x65xf32>
    tpu.vector_store %arg13[%swap3A_672, %swap3A_673], %dot_general3A_671 {strides = array<i32>} : memref<5120x72xf32, #tpu.memory_space<vmem>>, vector<160x65xf32>,
    %get3A_675 = arith.constant 800 : index
    %get3A_676 = arith.constant 128 : index
    %get3A_677 = vector.load %arg11[%get3A_675, %get3A_676] : memref<5120x192xbf16, #tpu.memory_space<vmem>>, vector<160x64xbf16>
    %concatenate3A_678 = tpu.concatenate %get3A_677, %broadcast_in_dim3A_2 in 1 : vector<160x64xbf16>, vector<160x1xbf16> -> vector<160x65xbf16>
    %get3A_679 = arith.constant 800 : index
    %get3A_680 = arith.constant 0 : index
    %get3A_681 = vector.load %arg12[%get3A_679, %get3A_680] : memref<5120x160xbf16, #tpu.memory_space<vmem>>, vector<160x160xbf16>
    %dot_general3A_682 = arith.constant dense<0.000000e+00> : vector<160x65xf32>
    %dot_general3A_683 = tpu.matmul %get3A_681, %concatenate3A_678, %dot_general3A_682 {dimension_numbers = #tpu.dot_dimension_numbers<[1], [0], [0], [1], [0, 0, 1, 1], [], []>, transpose_lhs_hint = false} : vector<160x160xbf16>, vector<160x65xbf16>, vector<160x65xf32> -> vector<160x65xf32>
    %swap3A_684 = arith.constant 800 : index
    %swap3A_685 = arith.constant 0 : index
    %swap3A_686 = vector.load %arg13[%swap3A_684, %swap3A_685] : memref<5120x72xf32, #tpu.memory_space<vmem>>, vector<160x65xf32>
    tpu.vector_store %arg13[%swap3A_684, %swap3A_685], %dot_general3A_683 {strides = array<i32>} : memref<5120x72xf32, #tpu.memory_space<vmem>>, vector<160x65xf32>,
    %get3A_687 = arith.constant 960 : index
    %get3A_688 = arith.constant 128 : index
    %get3A_689 = vector.load %arg11[%get3A_687, %get3A_688] : memref<5120x192xbf16, #tpu.memory_space<vmem>>, vector<160x64xbf16>
    %concatenate3A_690 = tpu.concatenate %get3A_689, %broadcast_in_dim3A_2 in 1 : vector<160x64xbf16>, vector<160x1xbf16> -> vector<160x65xbf16>
    %get3A_691 = arith.constant 960 : index
    %get3A_692 = arith.constant 0 : index
    %get3A_693 = vector.load %arg12[%get3A_691, %get3A_692] : memref<5120x160xbf16, #tpu.memory_space<vmem>>, vector<160x160xbf16>
    %dot_general3A_694 = arith.constant dense<0.000000e+00> : vector<160x65xf32>
    %dot_general3A_695 = tpu.matmul %get3A_693, %concatenate3A_690, %dot_general3A_694 {dimension_numbers = #tpu.dot_dimension_numbers<[1], [0], [0], [1], [0, 0, 1, 1], [], []>, transpose_lhs_hint = false} : vector<160x160xbf16>, vector<160x65xbf16>, vector<160x65xf32> -> vector<160x65xf32>
    %swap3A_696 = arith.constant 960 : index
    %swap3A_697 = arith.constant 0 : index
    %swap3A_698 = vector.load %arg13[%swap3A_696, %swap3A_697] : memref<5120x72xf32, #tpu.memory_space<vmem>>, vector<160x65xf32>
    tpu.vector_store %arg13[%swap3A_696, %swap3A_697], %dot_general3A_695 {strides = array<i32>} : memref<5120x72xf32, #tpu.memory_space<vmem>>, vector<160x65xf32>,
    %get3A_699 = arith.constant 1120 : index
    %get3A_700 = arith.constant 128 : index
    %get3A_701 = vector.load %arg11[%get3A_699, %get3A_700] : memref<5120x192xbf16, #tpu.memory_space<vmem>>, vector<160x64xbf16>
    %concatenate3A_702 = tpu.concatenate %get3A_701, %broadcast_in_dim3A_2 in 1 : vector<160x64xbf16>, vector<160x1xbf16> -> vector<160x65xbf16>
    %get3A_703 = arith.constant 1120 : index
    %get3A_704 = arith.constant 0 : index
    %get3A_705 = vector.load %arg12[%get3A_703, %get3A_704] : memref<5120x160xbf16, #tpu.memory_space<vmem>>, vector<160x160xbf16>
    %dot_general3A_706 = arith.constant dense<0.000000e+00> : vector<160x65xf32>
    %dot_general3A_707 = tpu.matmul %get3A_705, %concatenate3A_702, %dot_general3A_706 {dimension_numbers = #tpu.dot_dimension_numbers<[1], [0], [0], [1], [0, 0, 1, 1], [], []>, transpose_lhs_hint = false} : vector<160x160xbf16>, vector<160x65xbf16>, vector<160x65xf32> -> vector<160x65xf32>
    %swap3A_708 = arith.constant 1120 : index
    %swap3A_709 = arith.constant 0 : index
    %swap3A_710 = vector.load %arg13[%swap3A_708, %swap3A_709] : memref<5120x72xf32, #tpu.memory_space<vmem>>, vector<160x65xf32>
    tpu.vector_store %arg13[%swap3A_708, %swap3A_709], %dot_general3A_707 {strides = array<i32>} : memref<5120x72xf32, #tpu.memory_space<vmem>>, vector<160x65xf32>,
    %get3A_711 = arith.constant 1280 : index
    %get3A_712 = arith.constant 128 : index
    %get3A_713 = vector.load %arg11[%get3A_711, %get3A_712] : memref<5120x192xbf16, #tpu.memory_space<vmem>>, vector<160x64xbf16>
    %concatenate3A_714 = tpu.concatenate %get3A_713, %broadcast_in_dim3A_2 in 1 : vector<160x64xbf16>, vector<160x1xbf16> -> vector<160x65xbf16>
    %get3A_715 = arith.constant 1280 : index
    %get3A_716 = arith.constant 0 : index
    %get3A_717 = vector.load %arg12[%get3A_715, %get3A_716] : memref<5120x160xbf16, #tpu.memory_space<vmem>>, vector<160x160xbf16>
    %dot_general3A_718 = arith.constant dense<0.000000e+00> : vector<160x65xf32>
    %dot_general3A_719 = tpu.matmul %get3A_717, %concatenate3A_714, %dot_general3A_718 {dimension_numbers = #tpu.dot_dimension_numbers<[1], [0], [0], [1], [0, 0, 1, 1], [], []>, transpose_lhs_hint = false} : vector<160x160xbf16>, vector<160x65xbf16>, vector<160x65xf32> -> vector<160x65xf32>
    %swap3A_720 = arith.constant 1280 : index
    %swap3A_721 = arith.constant 0 : index
    %swap3A_722 = vector.load %arg13[%swap3A_720, %swap3A_721] : memref<5120x72xf32, #tpu.memory_space<vmem>>, vector<160x65xf32>
    tpu.vector_store %arg13[%swap3A_720, %swap3A_721], %dot_general3A_719 {strides = array<i32>} : memref<5120x72xf32, #tpu.memory_space<vmem>>, vector<160x65xf32>,
    %get3A_723 = arith.constant 1440 : index
    %get3A_724 = arith.constant 128 : index
    %get3A_725 = vector.load %arg11[%get3A_723, %get3A_724] : memref<5120x192xbf16, #tpu.memory_space<vmem>>, vector<160x64xbf16>
    %concatenate3A_726 = tpu.concatenate %get3A_725, %broadcast_in_dim3A_2 in 1 : vector<160x64xbf16>, vector<160x1xbf16> -> vector<160x65xbf16>
    %get3A_727 = arith.constant 1440 : index
    %get3A_728 = arith.constant 0 : index
    %get3A_729 = vector.load %arg12[%get3A_727, %get3A_728] : memref<5120x160xbf16, #tpu.memory_space<vmem>>, vector<160x160xbf16>
    %dot_general3A_730 = arith.constant dense<0.000000e+00> : vector<160x65xf32>
    %dot_general3A_731 = tpu.matmul %get3A_729, %concatenate3A_726, %dot_general3A_730 {dimension_numbers = #tpu.dot_dimension_numbers<[1], [0], [0], [1], [0, 0, 1, 1], [], []>, transpose_lhs_hint = false} : vector<160x160xbf16>, vector<160x65xbf16>, vector<160x65xf32> -> vector<160x65xf32>
    %swap3A_732 = arith.constant 1440 : index
    %swap3A_733 = arith.constant 0 : index
    %swap3A_734 = vector.load %arg13[%swap3A_732, %swap3A_733] : memref<5120x72xf32, #tpu.memory_space<vmem>>, vector<160x65xf32>
    tpu.vector_store %arg13[%swap3A_732, %swap3A_733], %dot_general3A_731 {strides = array<i32>} : memref<5120x72xf32, #tpu.memory_space<vmem>>, vector<160x65xf32>,
    %get3A_735 = arith.constant 1600 : index
    %get3A_736 = arith.constant 128 : index
    %get3A_737 = vector.load %arg11[%get3A_735, %get3A_736] : memref<5120x192xbf16, #tpu.memory_space<vmem>>, vector<160x64xbf16>
    %concatenate3A_738 = tpu.concatenate %get3A_737, %broadcast_in_dim3A_2 in 1 : vector<160x64xbf16>, vector<160x1xbf16> -> vector<160x65xbf16>
    %get3A_739 = arith.constant 1600 : index
    %get3A_740 = arith.constant 0 : index
    %get3A_741 = vector.load %arg12[%get3A_739, %get3A_740] : memref<5120x160xbf16, #tpu.memory_space<vmem>>, vector<160x160xbf16>
    %dot_general3A_742 = arith.constant dense<0.000000e+00> : vector<160x65xf32>
    %dot_general3A_743 = tpu.matmul %get3A_741, %concatenate3A_738, %dot_general3A_742 {dimension_numbers = #tpu.dot_dimension_numbers<[1], [0], [0], [1], [0, 0, 1, 1], [], []>, transpose_lhs_hint = false} : vector<160x160xbf16>, vector<160x65xbf16>, vector<160x65xf32> -> vector<160x65xf32>
    %swap3A_744 = arith.constant 1600 : index
    %swap3A_745 = arith.constant 0 : index
    %swap3A_746 = vector.load %arg13[%swap3A_744, %swap3A_745] : memref<5120x72xf32, #tpu.memory_space<vmem>>, vector<160x65xf32>
    tpu.vector_store %arg13[%swap3A_744, %swap3A_745], %dot_general3A_743 {strides = array<i32>} : memref<5120x72xf32, #tpu.memory_space<vmem>>, vector<160x65xf32>,
    %get3A_747 = arith.constant 1760 : index
    %get3A_748 = arith.constant 128 : index
    %get3A_749 = vector.load %arg11[%get3A_747, %get3A_748] : memref<5120x192xbf16, #tpu.memory_space<vmem>>, vector<160x64xbf16>
    %concatenate3A_750 = tpu.concatenate %get3A_749, %broadcast_in_dim3A_2 in 1 : vector<160x64xbf16>, vector<160x1xbf16> -> vector<160x65xbf16>
    %get3A_751 = arith.constant 1760 : index
    %get3A_752 = arith.constant 0 : index
    %get3A_753 = vector.load %arg12[%get3A_751, %get3A_752] : memref<5120x160xbf16, #tpu.memory_space<vmem>>, vector<160x160xbf16>
    %dot_general3A_754 = arith.constant dense<0.000000e+00> : vector<160x65xf32>
    %dot_general3A_755 = tpu.matmul %get3A_753, %concatenate3A_750, %dot_general3A_754 {dimension_numbers = #tpu.dot_dimension_numbers<[1], [0], [0], [1], [0, 0, 1, 1], [], []>, transpose_lhs_hint = false} : vector<160x160xbf16>, vector<160x65xbf16>, vector<160x65xf32> -> vector<160x65xf32>
    %swap3A_756 = arith.constant 1760 : index
    %swap3A_757 = arith.constant 0 : index
    %swap3A_758 = vector.load %arg13[%swap3A_756, %swap3A_757] : memref<5120x72xf32, #tpu.memory_space<vmem>>, vector<160x65xf32>
    tpu.vector_store %arg13[%swap3A_756, %swap3A_757], %dot_general3A_755 {strides = array<i32>} : memref<5120x72xf32, #tpu.memory_space<vmem>>, vector<160x65xf32>,
    %get3A_759 = arith.constant 1920 : index
    %get3A_760 = arith.constant 128 : index
    %get3A_761 = vector.load %arg11[%get3A_759, %get3A_760] : memref<5120x192xbf16, #tpu.memory_space<vmem>>, vector<160x64xbf16>
    %concatenate3A_762 = tpu.concatenate %get3A_761, %broadcast_in_dim3A_2 in 1 : vector<160x64xbf16>, vector<160x1xbf16> -> vector<160x65xbf16>
    %get3A_763 = arith.constant 1920 : index
    %get3A_764 = arith.constant 0 : index
    %get3A_765 = vector.load %arg12[%get3A_763, %get3A_764] : memref<5120x160xbf16, #tpu.memory_space<vmem>>, vector<160x160xbf16>
    %dot_general3A_766 = arith.constant dense<0.000000e+00> : vector<160x65xf32>
    %dot_general3A_767 = tpu.matmul %get3A_765, %concatenate3A_762, %dot_general3A_766 {dimension_numbers = #tpu.dot_dimension_numbers<[1], [0], [0], [1], [0, 0, 1, 1], [], []>, transpose_lhs_hint = false} : vector<160x160xbf16>, vector<160x65xbf16>, vector<160x65xf32> -> vector<160x65xf32>
    %swap3A_768 = arith.constant 1920 : index
    %swap3A_769 = arith.constant 0 : index
    %swap3A_770 = vector.load %arg13[%swap3A_768, %swap3A_769] : memref<5120x72xf32, #tpu.memory_space<vmem>>, vector<160x65xf32>
    tpu.vector_store %arg13[%swap3A_768, %swap3A_769], %dot_general3A_767 {strides = array<i32>} : memref<5120x72xf32, #tpu.memory_space<vmem>>, vector<160x65xf32>,
    %get3A_771 = arith.constant 2080 : index
    %get3A_772 = arith.constant 128 : index
    %get3A_773 = vector.load %arg11[%get3A_771, %get3A_772] : memref<5120x192xbf16, #tpu.memory_space<vmem>>, vector<160x64xbf16>
    %concatenate3A_774 = tpu.concatenate %get3A_773, %broadcast_in_dim3A_2 in 1 : vector<160x64xbf16>, vector<160x1xbf16> -> vector<160x65xbf16>
    %get3A_775 = arith.constant 2080 : index
    %get3A_776 = arith.constant 0 : index
    %get3A_777 = vector.load %arg12[%get3A_775, %get3A_776] : memref<5120x160xbf16, #tpu.memory_space<vmem>>, vector<160x160xbf16>
    %dot_general3A_778 = arith.constant dense<0.000000e+00> : vector<160x65xf32>
    %dot_general3A_779 = tpu.matmul %get3A_777, %concatenate3A_774, %dot_general3A_778 {dimension_numbers = #tpu.dot_dimension_numbers<[1], [0], [0], [1], [0, 0, 1, 1], [], []>, transpose_lhs_hint = false} : vector<160x160xbf16>, vector<160x65xbf16>, vector<160x65xf32> -> vector<160x65xf32>
    %swap3A_780 = arith.constant 2080 : index
    %swap3A_781 = arith.constant 0 : index
    %swap3A_782 = vector.load %arg13[%swap3A_780, %swap3A_781] : memref<5120x72xf32, #tpu.memory_space<vmem>>, vector<160x65xf32>
    tpu.vector_store %arg13[%swap3A_780, %swap3A_781], %dot_general3A_779 {strides = array<i32>} : memref<5120x72xf32, #tpu.memory_space<vmem>>, vector<160x65xf32>,
    %get3A_783 = arith.constant 2240 : index
    %get3A_784 = arith.constant 128 : index
    %get3A_785 = vector.load %arg11[%get3A_783, %get3A_784] : memref<5120x192xbf16, #tpu.memory_space<vmem>>, vector<160x64xbf16>
    %concatenate3A_786 = tpu.concatenate %get3A_785, %broadcast_in_dim3A_2 in 1 : vector<160x64xbf16>, vector<160x1xbf16> -> vector<160x65xbf16>
    %get3A_787 = arith.constant 2240 : index
    %get3A_788 = arith.constant 0 : index
    %get3A_789 = vector.load %arg12[%get3A_787, %get3A_788] : memref<5120x160xbf16, #tpu.memory_space<vmem>>, vector<160x160xbf16>
    %dot_general3A_790 = arith.constant dense<0.000000e+00> : vector<160x65xf32>
    %dot_general3A_791 = tpu.matmul %get3A_789, %concatenate3A_786, %dot_general3A_790 {dimension_numbers = #tpu.dot_dimension_numbers<[1], [0], [0], [1], [0, 0, 1, 1], [], []>, transpose_lhs_hint = false} : vector<160x160xbf16>, vector<160x65xbf16>, vector<160x65xf32> -> vector<160x65xf32>
    %swap3A_792 = arith.constant 2240 : index
    %swap3A_793 = arith.constant 0 : index
    %swap3A_794 = vector.load %arg13[%swap3A_792, %swap3A_793] : memref<5120x72xf32, #tpu.memory_space<vmem>>, vector<160x65xf32>
    tpu.vector_store %arg13[%swap3A_792, %swap3A_793], %dot_general3A_791 {strides = array<i32>} : memref<5120x72xf32, #tpu.memory_space<vmem>>, vector<160x65xf32>,
    %get3A_795 = arith.constant 2400 : index
    %get3A_796 = arith.constant 128 : index
    %get3A_797 = vector.load %arg11[%get3A_795, %get3A_796] : memref<5120x192xbf16, #tpu.memory_space<vmem>>, vector<160x64xbf16>
    %concatenate3A_798 = tpu.concatenate %get3A_797, %broadcast_in_dim3A_2 in 1 : vector<160x64xbf16>, vector<160x1xbf16> -> vector<160x65xbf16>
    %get3A_799 = arith.constant 2400 : index
    %get3A_800 = arith.constant 0 : index
    %get3A_801 = vector.load %arg12[%get3A_799, %get3A_800] : memref<5120x160xbf16, #tpu.memory_space<vmem>>, vector<160x160xbf16>
    %dot_general3A_802 = arith.constant dense<0.000000e+00> : vector<160x65xf32>
    %dot_general3A_803 = tpu.matmul %get3A_801, %concatenate3A_798, %dot_general3A_802 {dimension_numbers = #tpu.dot_dimension_numbers<[1], [0], [0], [1], [0, 0, 1, 1], [], []>, transpose_lhs_hint = false} : vector<160x160xbf16>, vector<160x65xbf16>, vector<160x65xf32> -> vector<160x65xf32>
    %swap3A_804 = arith.constant 2400 : index
    %swap3A_805 = arith.constant 0 : index
    %swap3A_806 = vector.load %arg13[%swap3A_804, %swap3A_805] : memref<5120x72xf32, #tpu.memory_space<vmem>>, vector<160x65xf32>
    tpu.vector_store %arg13[%swap3A_804, %swap3A_805], %dot_general3A_803 {strides = array<i32>} : memref<5120x72xf32, #tpu.memory_space<vmem>>, vector<160x65xf32>,
    %get3A_807 = arith.constant 2560 : index
    %get3A_808 = arith.constant 128 : index
    %get3A_809 = vector.load %arg11[%get3A_807, %get3A_808] : memref<5120x192xbf16, #tpu.memory_space<vmem>>, vector<160x64xbf16>
    %concatenate3A_810 = tpu.concatenate %get3A_809, %broadcast_in_dim3A_2 in 1 : vector<160x64xbf16>, vector<160x1xbf16> -> vector<160x65xbf16>
    %get3A_811 = arith.constant 2560 : index
    %get3A_812 = arith.constant 0 : index
    %get3A_813 = vector.load %arg12[%get3A_811, %get3A_812] : memref<5120x160xbf16, #tpu.memory_space<vmem>>, vector<160x160xbf16>
    %dot_general3A_814 = arith.constant dense<0.000000e+00> : vector<160x65xf32>
    %dot_general3A_815 = tpu.matmul %get3A_813, %concatenate3A_810, %dot_general3A_814 {dimension_numbers = #tpu.dot_dimension_numbers<[1], [0], [0], [1], [0, 0, 1, 1], [], []>, transpose_lhs_hint = false} : vector<160x160xbf16>, vector<160x65xbf16>, vector<160x65xf32> -> vector<160x65xf32>
    %swap3A_816 = arith.constant 2560 : index
    %swap3A_817 = arith.constant 0 : index
    %swap3A_818 = vector.load %arg13[%swap3A_816, %swap3A_817] : memref<5120x72xf32, #tpu.memory_space<vmem>>, vector<160x65xf32>
    tpu.vector_store %arg13[%swap3A_816, %swap3A_817], %dot_general3A_815 {strides = array<i32>} : memref<5120x72xf32, #tpu.memory_space<vmem>>, vector<160x65xf32>,
    %get3A_819 = arith.constant 2720 : index
    %get3A_820 = arith.constant 128 : index
    %get3A_821 = vector.load %arg11[%get3A_819, %get3A_820] : memref<5120x192xbf16, #tpu.memory_space<vmem>>, vector<160x64xbf16>
    %concatenate3A_822 = tpu.concatenate %get3A_821, %broadcast_in_dim3A_2 in 1 : vector<160x64xbf16>, vector<160x1xbf16> -> vector<160x65xbf16>
    %get3A_823 = arith.constant 2720 : index
    %get3A_824 = arith.constant 0 : index
    %get3A_825 = vector.load %arg12[%get3A_823, %get3A_824] : memref<5120x160xbf16, #tpu.memory_space<vmem>>, vector<160x160xbf16>
    %dot_general3A_826 = arith.constant dense<0.000000e+00> : vector<160x65xf32>
    %dot_general3A_827 = tpu.matmul %get3A_825, %concatenate3A_822, %dot_general3A_826 {dimension_numbers = #tpu.dot_dimension_numbers<[1], [0], [0], [1], [0, 0, 1, 1], [], []>, transpose_lhs_hint = false} : vector<160x160xbf16>, vector<160x65xbf16>, vector<160x65xf32> -> vector<160x65xf32>
    %swap3A_828 = arith.constant 2720 : index
    %swap3A_829 = arith.constant 0 : index
    %swap3A_830 = vector.load %arg13[%swap3A_828, %swap3A_829] : memref<5120x72xf32, #tpu.memory_space<vmem>>, vector<160x65xf32>
    tpu.vector_store %arg13[%swap3A_828, %swap3A_829], %dot_general3A_827 {strides = array<i32>} : memref<5120x72xf32, #tpu.memory_space<vmem>>, vector<160x65xf32>,
    %get3A_831 = arith.constant 2880 : index
    %get3A_832 = arith.constant 128 : index
    %get3A_833 = vector.load %arg11[%get3A_831, %get3A_832] : memref<5120x192xbf16, #tpu.memory_space<vmem>>, vector<160x64xbf16>
    %concatenate3A_834 = tpu.concatenate %get3A_833, %broadcast_in_dim3A_2 in 1 : vector<160x64xbf16>, vector<160x1xbf16> -> vector<160x65xbf16>
    %get3A_835 = arith.constant 2880 : index
    %get3A_836 = arith.constant 0 : index
    %get3A_837 = vector.load %arg12[%get3A_835, %get3A_836] : memref<5120x160xbf16, #tpu.memory_space<vmem>>, vector<160x160xbf16>
    %dot_general3A_838 = arith.constant dense<0.000000e+00> : vector<160x65xf32>
    %dot_general3A_839 = tpu.matmul %get3A_837, %concatenate3A_834, %dot_general3A_838 {dimension_numbers = #tpu.dot_dimension_numbers<[1], [0], [0], [1], [0, 0, 1, 1], [], []>, transpose_lhs_hint = false} : vector<160x160xbf16>, vector<160x65xbf16>, vector<160x65xf32> -> vector<160x65xf32>
    %swap3A_840 = arith.constant 2880 : index
    %swap3A_841 = arith.constant 0 : index
    %swap3A_842 = vector.load %arg13[%swap3A_840, %swap3A_841] : memref<5120x72xf32, #tpu.memory_space<vmem>>, vector<160x65xf32>
    tpu.vector_store %arg13[%swap3A_840, %swap3A_841], %dot_general3A_839 {strides = array<i32>} : memref<5120x72xf32, #tpu.memory_space<vmem>>, vector<160x65xf32>,
    %get3A_843 = arith.constant 3040 : index
    %get3A_844 = arith.constant 128 : index
    %get3A_845 = vector.load %arg11[%get3A_843, %get3A_844] : memref<5120x192xbf16, #tpu.memory_space<vmem>>, vector<160x64xbf16>
    %concatenate3A_846 = tpu.concatenate %get3A_845, %broadcast_in_dim3A_2 in 1 : vector<160x64xbf16>, vector<160x1xbf16> -> vector<160x65xbf16>
    %get3A_847 = arith.constant 3040 : index
    %get3A_848 = arith.constant 0 : index
    %get3A_849 = vector.load %arg12[%get3A_847, %get3A_848] : memref<5120x160xbf16, #tpu.memory_space<vmem>>, vector<160x160xbf16>
    %dot_general3A_850 = arith.constant dense<0.000000e+00> : vector<160x65xf32>
    %dot_general3A_851 = tpu.matmul %get3A_849, %concatenate3A_846, %dot_general3A_850 {dimension_numbers = #tpu.dot_dimension_numbers<[1], [0], [0], [1], [0, 0, 1, 1], [], []>, transpose_lhs_hint = false} : vector<160x160xbf16>, vector<160x65xbf16>, vector<160x65xf32> -> vector<160x65xf32>
    %swap3A_852 = arith.constant 3040 : index
    %swap3A_853 = arith.constant 0 : index
    %swap3A_854 = vector.load %arg13[%swap3A_852, %swap3A_853] : memref<5120x72xf32, #tpu.memory_space<vmem>>, vector<160x65xf32>
    tpu.vector_store %arg13[%swap3A_852, %swap3A_853], %dot_general3A_851 {strides = array<i32>} : memref<5120x72xf32, #tpu.memory_space<vmem>>, vector<160x65xf32>,
    %get3A_855 = arith.constant 3200 : index
    %get3A_856 = arith.constant 128 : index
    %get3A_857 = vector.load %arg11[%get3A_855, %get3A_856] : memref<5120x192xbf16, #tpu.memory_space<vmem>>, vector<160x64xbf16>
    %concatenate3A_858 = tpu.concatenate %get3A_857, %broadcast_in_dim3A_2 in 1 : vector<160x64xbf16>, vector<160x1xbf16> -> vector<160x65xbf16>
    %get3A_859 = arith.constant 3200 : index
    %get3A_860 = arith.constant 0 : index
    %get3A_861 = vector.load %arg12[%get3A_859, %get3A_860] : memref<5120x160xbf16, #tpu.memory_space<vmem>>, vector<160x160xbf16>
    %dot_general3A_862 = arith.constant dense<0.000000e+00> : vector<160x65xf32>
    %dot_general3A_863 = tpu.matmul %get3A_861, %concatenate3A_858, %dot_general3A_862 {dimension_numbers = #tpu.dot_dimension_numbers<[1], [0], [0], [1], [0, 0, 1, 1], [], []>, transpose_lhs_hint = false} : vector<160x160xbf16>, vector<160x65xbf16>, vector<160x65xf32> -> vector<160x65xf32>
    %swap3A_864 = arith.constant 3200 : index
    %swap3A_865 = arith.constant 0 : index
    %swap3A_866 = vector.load %arg13[%swap3A_864, %swap3A_865] : memref<5120x72xf32, #tpu.memory_space<vmem>>, vector<160x65xf32>
    tpu.vector_store %arg13[%swap3A_864, %swap3A_865], %dot_general3A_863 {strides = array<i32>} : memref<5120x72xf32, #tpu.memory_space<vmem>>, vector<160x65xf32>,
    %get3A_867 = arith.constant 3360 : index
    %get3A_868 = arith.constant 128 : index
    %get3A_869 = vector.load %arg11[%get3A_867, %get3A_868] : memref<5120x192xbf16, #tpu.memory_space<vmem>>, vector<160x64xbf16>
    %concatenate3A_870 = tpu.concatenate %get3A_869, %broadcast_in_dim3A_2 in 1 : vector<160x64xbf16>, vector<160x1xbf16> -> vector<160x65xbf16>
    %get3A_871 = arith.constant 3360 : index
    %get3A_872 = arith.constant 0 : index
    %get3A_873 = vector.load %arg12[%get3A_871, %get3A_872] : memref<5120x160xbf16, #tpu.memory_space<vmem>>, vector<160x160xbf16>
    %dot_general3A_874 = arith.constant dense<0.000000e+00> : vector<160x65xf32>
    %dot_general3A_875 = tpu.matmul %get3A_873, %concatenate3A_870, %dot_general3A_874 {dimension_numbers = #tpu.dot_dimension_numbers<[1], [0], [0], [1], [0, 0, 1, 1], [], []>, transpose_lhs_hint = false} : vector<160x160xbf16>, vector<160x65xbf16>, vector<160x65xf32> -> vector<160x65xf32>
    %swap3A_876 = arith.constant 3360 : index
    %swap3A_877 = arith.constant 0 : index
    %swap3A_878 = vector.load %arg13[%swap3A_876, %swap3A_877] : memref<5120x72xf32, #tpu.memory_space<vmem>>, vector<160x65xf32>
    tpu.vector_store %arg13[%swap3A_876, %swap3A_877], %dot_general3A_875 {strides = array<i32>} : memref<5120x72xf32, #tpu.memory_space<vmem>>, vector<160x65xf32>,
    %get3A_879 = arith.constant 3520 : index
    %get3A_880 = arith.constant 128 : index
    %get3A_881 = vector.load %arg11[%get3A_879, %get3A_880] : memref<5120x192xbf16, #tpu.memory_space<vmem>>, vector<160x64xbf16>
    %concatenate3A_882 = tpu.concatenate %get3A_881, %broadcast_in_dim3A_2 in 1 : vector<160x64xbf16>, vector<160x1xbf16> -> vector<160x65xbf16>
    %get3A_883 = arith.constant 3520 : index
    %get3A_884 = arith.constant 0 : index
    %get3A_885 = vector.load %arg12[%get3A_883, %get3A_884] : memref<5120x160xbf16, #tpu.memory_space<vmem>>, vector<160x160xbf16>
    %dot_general3A_886 = arith.constant dense<0.000000e+00> : vector<160x65xf32>
    %dot_general3A_887 = tpu.matmul %get3A_885, %concatenate3A_882, %dot_general3A_886 {dimension_numbers = #tpu.dot_dimension_numbers<[1], [0], [0], [1], [0, 0, 1, 1], [], []>, transpose_lhs_hint = false} : vector<160x160xbf16>, vector<160x65xbf16>, vector<160x65xf32> -> vector<160x65xf32>
    %swap3A_888 = arith.constant 3520 : index
    %swap3A_889 = arith.constant 0 : index
    %swap3A_890 = vector.load %arg13[%swap3A_888, %swap3A_889] : memref<5120x72xf32, #tpu.memory_space<vmem>>, vector<160x65xf32>
    tpu.vector_store %arg13[%swap3A_888, %swap3A_889], %dot_general3A_887 {strides = array<i32>} : memref<5120x72xf32, #tpu.memory_space<vmem>>, vector<160x65xf32>,
    %get3A_891 = arith.constant 3680 : index
    %get3A_892 = arith.constant 128 : index
    %get3A_893 = vector.load %arg11[%get3A_891, %get3A_892] : memref<5120x192xbf16, #tpu.memory_space<vmem>>, vector<160x64xbf16>
    %concatenate3A_894 = tpu.concatenate %get3A_893, %broadcast_in_dim3A_2 in 1 : vector<160x64xbf16>, vector<160x1xbf16> -> vector<160x65xbf16>
    %get3A_895 = arith.constant 3680 : index
    %get3A_896 = arith.constant 0 : index
    %get3A_897 = vector.load %arg12[%get3A_895, %get3A_896] : memref<5120x160xbf16, #tpu.memory_space<vmem>>, vector<160x160xbf16>
    %dot_general3A_898 = arith.constant dense<0.000000e+00> : vector<160x65xf32>
    %dot_general3A_899 = tpu.matmul %get3A_897, %concatenate3A_894, %dot_general3A_898 {dimension_numbers = #tpu.dot_dimension_numbers<[1], [0], [0], [1], [0, 0, 1, 1], [], []>, transpose_lhs_hint = false} : vector<160x160xbf16>, vector<160x65xbf16>, vector<160x65xf32> -> vector<160x65xf32>
    %swap3A_900 = arith.constant 3680 : index
    %swap3A_901 = arith.constant 0 : index
    %swap3A_902 = vector.load %arg13[%swap3A_900, %swap3A_901] : memref<5120x72xf32, #tpu.memory_space<vmem>>, vector<160x65xf32>
    tpu.vector_store %arg13[%swap3A_900, %swap3A_901], %dot_general3A_899 {strides = array<i32>} : memref<5120x72xf32, #tpu.memory_space<vmem>>, vector<160x65xf32>,
    %get3A_903 = arith.constant 3840 : index
    %get3A_904 = arith.constant 128 : index
    %get3A_905 = vector.load %arg11[%get3A_903, %get3A_904] : memref<5120x192xbf16, #tpu.memory_space<vmem>>, vector<160x64xbf16>
    %concatenate3A_906 = tpu.concatenate %get3A_905, %broadcast_in_dim3A_2 in 1 : vector<160x64xbf16>, vector<160x1xbf16> -> vector<160x65xbf16>
    %get3A_907 = arith.constant 3840 : index
    %get3A_908 = arith.constant 0 : index
    %get3A_909 = vector.load %arg12[%get3A_907, %get3A_908] : memref<5120x160xbf16, #tpu.memory_space<vmem>>, vector<160x160xbf16>
    %dot_general3A_910 = arith.constant dense<0.000000e+00> : vector<160x65xf32>
    %dot_general3A_911 = tpu.matmul %get3A_909, %concatenate3A_906, %dot_general3A_910 {dimension_numbers = #tpu.dot_dimension_numbers<[1], [0], [0], [1], [0, 0, 1, 1], [], []>, transpose_lhs_hint = false} : vector<160x160xbf16>, vector<160x65xbf16>, vector<160x65xf32> -> vector<160x65xf32>
    %swap3A_912 = arith.constant 3840 : index
    %swap3A_913 = arith.constant 0 : index
    %swap3A_914 = vector.load %arg13[%swap3A_912, %swap3A_913] : memref<5120x72xf32, #tpu.memory_space<vmem>>, vector<160x65xf32>
    tpu.vector_store %arg13[%swap3A_912, %swap3A_913], %dot_general3A_911 {strides = array<i32>} : memref<5120x72xf32, #tpu.memory_space<vmem>>, vector<160x65xf32>,
    %get3A_915 = arith.constant 4000 : index
    %get3A_916 = arith.constant 128 : index
    %get3A_917 = vector.load %arg11[%get3A_915, %get3A_916] : memref<5120x192xbf16, #tpu.memory_space<vmem>>, vector<160x64xbf16>
    %concatenate3A_918 = tpu.concatenate %get3A_917, %broadcast_in_dim3A_2 in 1 : vector<160x64xbf16>, vector<160x1xbf16> -> vector<160x65xbf16>
    %get3A_919 = arith.constant 4000 : index
    %get3A_920 = arith.constant 0 : index
    %get3A_921 = vector.load %arg12[%get3A_919, %get3A_920] : memref<5120x160xbf16, #tpu.memory_space<vmem>>, vector<160x160xbf16>
    %dot_general3A_922 = arith.constant dense<0.000000e+00> : vector<160x65xf32>
    %dot_general3A_923 = tpu.matmul %get3A_921, %concatenate3A_918, %dot_general3A_922 {dimension_numbers = #tpu.dot_dimension_numbers<[1], [0], [0], [1], [0, 0, 1, 1], [], []>, transpose_lhs_hint = false} : vector<160x160xbf16>, vector<160x65xbf16>, vector<160x65xf32> -> vector<160x65xf32>
    %swap3A_924 = arith.constant 4000 : index
    %swap3A_925 = arith.constant 0 : index
    %swap3A_926 = vector.load %arg13[%swap3A_924, %swap3A_925] : memref<5120x72xf32, #tpu.memory_space<vmem>>, vector<160x65xf32>
    tpu.vector_store %arg13[%swap3A_924, %swap3A_925], %dot_general3A_923 {strides = array<i32>} : memref<5120x72xf32, #tpu.memory_space<vmem>>, vector<160x65xf32>,
    %get3A_927 = arith.constant 4160 : index
    %get3A_928 = arith.constant 128 : index
    %get3A_929 = vector.load %arg11[%get3A_927, %get3A_928] : memref<5120x192xbf16, #tpu.memory_space<vmem>>, vector<160x64xbf16>
    %concatenate3A_930 = tpu.concatenate %get3A_929, %broadcast_in_dim3A_2 in 1 : vector<160x64xbf16>, vector<160x1xbf16> -> vector<160x65xbf16>
    %get3A_931 = arith.constant 4160 : index
    %get3A_932 = arith.constant 0 : index
    %get3A_933 = vector.load %arg12[%get3A_931, %get3A_932] : memref<5120x160xbf16, #tpu.memory_space<vmem>>, vector<160x160xbf16>
    %dot_general3A_934 = arith.constant dense<0.000000e+00> : vector<160x65xf32>
    %dot_general3A_935 = tpu.matmul %get3A_933, %concatenate3A_930, %dot_general3A_934 {dimension_numbers = #tpu.dot_dimension_numbers<[1], [0], [0], [1], [0, 0, 1, 1], [], []>, transpose_lhs_hint = false} : vector<160x160xbf16>, vector<160x65xbf16>, vector<160x65xf32> -> vector<160x65xf32>
    %swap3A_936 = arith.constant 4160 : index
    %swap3A_937 = arith.constant 0 : index
    %swap3A_938 = vector.load %arg13[%swap3A_936, %swap3A_937] : memref<5120x72xf32, #tpu.memory_space<vmem>>, vector<160x65xf32>
    tpu.vector_store %arg13[%swap3A_936, %swap3A_937], %dot_general3A_935 {strides = array<i32>} : memref<5120x72xf32, #tpu.memory_space<vmem>>, vector<160x65xf32>,
    %get3A_939 = arith.constant 4320 : index
    %get3A_940 = arith.constant 128 : index
    %get3A_941 = vector.load %arg11[%get3A_939, %get3A_940] : memref<5120x192xbf16, #tpu.memory_space<vmem>>, vector<160x64xbf16>
    %concatenate3A_942 = tpu.concatenate %get3A_941, %broadcast_in_dim3A_2 in 1 : vector<160x64xbf16>, vector<160x1xbf16> -> vector<160x65xbf16>
    %get3A_943 = arith.constant 4320 : index
    %get3A_944 = arith.constant 0 : index
    %get3A_945 = vector.load %arg12[%get3A_943, %get3A_944] : memref<5120x160xbf16, #tpu.memory_space<vmem>>, vector<160x160xbf16>
    %dot_general3A_946 = arith.constant dense<0.000000e+00> : vector<160x65xf32>
    %dot_general3A_947 = tpu.matmul %get3A_945, %concatenate3A_942, %dot_general3A_946 {dimension_numbers = #tpu.dot_dimension_numbers<[1], [0], [0], [1], [0, 0, 1, 1], [], []>, transpose_lhs_hint = false} : vector<160x160xbf16>, vector<160x65xbf16>, vector<160x65xf32> -> vector<160x65xf32>
    %swap3A_948 = arith.constant 4320 : index
    %swap3A_949 = arith.constant 0 : index
    %swap3A_950 = vector.load %arg13[%swap3A_948, %swap3A_949] : memref<5120x72xf32, #tpu.memory_space<vmem>>, vector<160x65xf32>
    tpu.vector_store %arg13[%swap3A_948, %swap3A_949], %dot_general3A_947 {strides = array<i32>} : memref<5120x72xf32, #tpu.memory_space<vmem>>, vector<160x65xf32>,
    %get3A_951 = arith.constant 4480 : index
    %get3A_952 = arith.constant 128 : index
    %get3A_953 = vector.load %arg11[%get3A_951, %get3A_952] : memref<5120x192xbf16, #tpu.memory_space<vmem>>, vector<160x64xbf16>
    %concatenate3A_954 = tpu.concatenate %get3A_953, %broadcast_in_dim3A_2 in 1 : vector<160x64xbf16>, vector<160x1xbf16> -> vector<160x65xbf16>
    %get3A_955 = arith.constant 4480 : index
    %get3A_956 = arith.constant 0 : index
    %get3A_957 = vector.load %arg12[%get3A_955, %get3A_956] : memref<5120x160xbf16, #tpu.memory_space<vmem>>, vector<160x160xbf16>
    %dot_general3A_958 = arith.constant dense<0.000000e+00> : vector<160x65xf32>
    %dot_general3A_959 = tpu.matmul %get3A_957, %concatenate3A_954, %dot_general3A_958 {dimension_numbers = #tpu.dot_dimension_numbers<[1], [0], [0], [1], [0, 0, 1, 1], [], []>, transpose_lhs_hint = false} : vector<160x160xbf16>, vector<160x65xbf16>, vector<160x65xf32> -> vector<160x65xf32>
    %swap3A_960 = arith.constant 4480 : index
    %swap3A_961 = arith.constant 0 : index
    %swap3A_962 = vector.load %arg13[%swap3A_960, %swap3A_961] : memref<5120x72xf32, #tpu.memory_space<vmem>>, vector<160x65xf32>
    tpu.vector_store %arg13[%swap3A_960, %swap3A_961], %dot_general3A_959 {strides = array<i32>} : memref<5120x72xf32, #tpu.memory_space<vmem>>, vector<160x65xf32>,
    %get3A_963 = arith.constant 4640 : index
    %get3A_964 = arith.constant 128 : index
    %get3A_965 = vector.load %arg11[%get3A_963, %get3A_964] : memref<5120x192xbf16, #tpu.memory_space<vmem>>, vector<160x64xbf16>
    %concatenate3A_966 = tpu.concatenate %get3A_965, %broadcast_in_dim3A_2 in 1 : vector<160x64xbf16>, vector<160x1xbf16> -> vector<160x65xbf16>
    %get3A_967 = arith.constant 4640 : index
    %get3A_968 = arith.constant 0 : index
    %get3A_969 = vector.load %arg12[%get3A_967, %get3A_968] : memref<5120x160xbf16, #tpu.memory_space<vmem>>, vector<160x160xbf16>
    %dot_general3A_970 = arith.constant dense<0.000000e+00> : vector<160x65xf32>
    %dot_general3A_971 = tpu.matmul %get3A_969, %concatenate3A_966, %dot_general3A_970 {dimension_numbers = #tpu.dot_dimension_numbers<[1], [0], [0], [1], [0, 0, 1, 1], [], []>, transpose_lhs_hint = false} : vector<160x160xbf16>, vector<160x65xbf16>, vector<160x65xf32> -> vector<160x65xf32>
    %swap3A_972 = arith.constant 4640 : index
    %swap3A_973 = arith.constant 0 : index
    %swap3A_974 = vector.load %arg13[%swap3A_972, %swap3A_973] : memref<5120x72xf32, #tpu.memory_space<vmem>>, vector<160x65xf32>
    tpu.vector_store %arg13[%swap3A_972, %swap3A_973], %dot_general3A_971 {strides = array<i32>} : memref<5120x72xf32, #tpu.memory_space<vmem>>, vector<160x65xf32>,
    %get3A_975 = arith.constant 4800 : index
    %get3A_976 = arith.constant 128 : index
    %get3A_977 = vector.load %arg11[%get3A_975, %get3A_976] : memref<5120x192xbf16, #tpu.memory_space<vmem>>, vector<160x64xbf16>
    %concatenate3A_978 = tpu.concatenate %get3A_977, %broadcast_in_dim3A_2 in 1 : vector<160x64xbf16>, vector<160x1xbf16> -> vector<160x65xbf16>
    %get3A_979 = arith.constant 4800 : index
    %get3A_980 = arith.constant 0 : index
    %get3A_981 = vector.load %arg12[%get3A_979, %get3A_980] : memref<5120x160xbf16, #tpu.memory_space<vmem>>, vector<160x160xbf16>
    %dot_general3A_982 = arith.constant dense<0.000000e+00> : vector<160x65xf32>
    %dot_general3A_983 = tpu.matmul %get3A_981, %concatenate3A_978, %dot_general3A_982 {dimension_numbers = #tpu.dot_dimension_numbers<[1], [0], [0], [1], [0, 0, 1, 1], [], []>, transpose_lhs_hint = false} : vector<160x160xbf16>, vector<160x65xbf16>, vector<160x65xf32> -> vector<160x65xf32>
    %swap3A_984 = arith.constant 4800 : index
    %swap3A_985 = arith.constant 0 : index
    %swap3A_986 = vector.load %arg13[%swap3A_984, %swap3A_985] : memref<5120x72xf32, #tpu.memory_space<vmem>>, vector<160x65xf32>
    tpu.vector_store %arg13[%swap3A_984, %swap3A_985], %dot_general3A_983 {strides = array<i32>} : memref<5120x72xf32, #tpu.memory_space<vmem>>, vector<160x65xf32>,
    %get3A_987 = arith.constant 4960 : index
    %get3A_988 = arith.constant 128 : index
    %get3A_989 = vector.load %arg11[%get3A_987, %get3A_988] : memref<5120x192xbf16, #tpu.memory_space<vmem>>, vector<160x64xbf16>
    %concatenate3A_990 = tpu.concatenate %get3A_989, %broadcast_in_dim3A_2 in 1 : vector<160x64xbf16>, vector<160x1xbf16> -> vector<160x65xbf16>
    %get3A_991 = arith.constant 4960 : index
    %get3A_992 = arith.constant 0 : index
    %get3A_993 = vector.load %arg12[%get3A_991, %get3A_992] : memref<5120x160xbf16, #tpu.memory_space<vmem>>, vector<160x160xbf16>
    %dot_general3A_994 = arith.constant dense<0.000000e+00> : vector<160x65xf32>
    %dot_general3A_995 = tpu.matmul %get3A_993, %concatenate3A_990, %dot_general3A_994 {dimension_numbers = #tpu.dot_dimension_numbers<[1], [0], [0], [1], [0, 0, 1, 1], [], []>, transpose_lhs_hint = false} : vector<160x160xbf16>, vector<160x65xbf16>, vector<160x65xf32> -> vector<160x65xf32>
    %swap3A_996 = arith.constant 4960 : index
    %swap3A_997 = arith.constant 0 : index
    %swap3A_998 = vector.load %arg13[%swap3A_996, %swap3A_997] : memref<5120x72xf32, #tpu.memory_space<vmem>>, vector<160x65xf32>
    tpu.vector_store %arg13[%swap3A_996, %swap3A_997], %dot_general3A_995 {strides = array<i32>} : memref<5120x72xf32, #tpu.memory_space<vmem>>, vector<160x65xf32>,
    %get3A_999 = arith.constant 0 : index
    %get3A_1000 = arith.constant 64 : index
    %get3A_1001 = vector.load %arg13[%get3A_999, %get3A_1000] : memref<5120x72xf32, #tpu.memory_space<vmem>>, vector<5120x1xf32>
    %div3A_1002 = arith.constant 1.000000e+00 : f32
    %div3A_1003 = vector.broadcast %div3A_1002 : f32 to vector<5120x1xf32>
    %div3A_1004 = arith.divf %div3A_1003, %get3A_1001 : vector<5120x1xf32>
    %get3A_1005 = arith.constant 0 : index
    %get3A_1006 = arith.constant 0 : index
    %get3A_1007 = vector.load %arg13[%get3A_1005, %get3A_1006] : memref<5120x72xf32, #tpu.memory_space<vmem>>, vector<5120x64xf32>
    %mul3A_1008 = vector.broadcast %div3A_1004 : vector<5120x1xf32> to vector<5120x64xf32>
    %mul3A_1009 = arith.mulf %get3A_1007, %mul3A_1008 : vector<5120x64xf32>
    %add3A = arith.addf %get3A_65, %mul3A_1009 : vector<5120x64xf32>
    %get3A_1010 = arith.constant 0 : index
    %get3A_1011 = arith.constant 0 : index
    %get3A_1012 = vector.load %arg8[%get3A_1010, %get3A_1011] : memref<8x64xf32, #tpu.memory_space<vmem>>, vector<1x64xf32>
    %get3A_1013 = arith.constant 1 : index
    %get3A_1014 = arith.constant 0 : index
    %get3A_1015 = vector.load %arg8[%get3A_1013, %get3A_1014] : memref<8x64xf32, #tpu.memory_space<vmem>>, vector<1x64xf32>
    %dot_general3A_1016 = arith.constant dense<0.000000e+00> : vector<5120x1xf32>
    %dot_general3A_1017 = tpu.matmul %add3A, %broadcast_in_dim3A_0, %dot_general3A_1016 {dimension_numbers = #tpu.dot_dimension_numbers<[1], [0], [0], [1], [0, 0, 1, 1], [], []>, transpose_lhs_hint = false} : vector<5120x64xf32>, vector<64x1xf32>, vector<5120x1xf32> -> vector<5120x1xf32>
    %mul3A_1018 = arith.mulf %add3A, %add3A : vector<5120x64xf32>
    %dot_general3A_1019 = arith.constant dense<0.000000e+00> : vector<5120x1xf32>
    %dot_general3A_1020 = tpu.matmul %mul3A_1018, %broadcast_in_dim3A_0, %dot_general3A_1019 {dimension_numbers = #tpu.dot_dimension_numbers<[1], [0], [0], [1], [0, 0, 1, 1], [], []>, transpose_lhs_hint = false} : vector<5120x64xf32>, vector<64x1xf32>, vector<5120x1xf32> -> vector<5120x1xf32>
    %mul3A_1021 = arith.mulf %dot_general3A_1017, %dot_general3A_1017 : vector<5120x1xf32>
    %sub3A_1022 = arith.subf %dot_general3A_1020, %mul3A_1021 : vector<5120x1xf32>
    %add3A_1023 = arith.constant 9.99999997E-7 : f32
    %add3A_1024 = vector.broadcast %add3A_1023 : f32 to vector<5120x1xf32>
    %add3A_1025 = arith.addf %sub3A_1022, %add3A_1024 : vector<5120x1xf32>
    %rsqrt3A = math.rsqrt %add3A_1025 : vector<5120x1xf32>
    %sub3A_1026 = vector.broadcast %dot_general3A_1017 : vector<5120x1xf32> to vector<5120x64xf32>
    %sub3A_1027 = arith.subf %add3A, %sub3A_1026 : vector<5120x64xf32>
    %mul3A_1028 = vector.broadcast %rsqrt3A : vector<5120x1xf32> to vector<5120x64xf32>
    %mul3A_1029 = arith.mulf %sub3A_1027, %mul3A_1028 : vector<5120x64xf32>
    %mul3A_1030 = vector.broadcast %get3A_1012 : vector<1x64xf32> to vector<5120x64xf32>
    %mul3A_1031 = arith.mulf %mul3A_1029, %mul3A_1030 : vector<5120x64xf32>
    %add3A_1032 = vector.broadcast %get3A_1015 : vector<1x64xf32> to vector<5120x64xf32>
    %add3A_1033 = arith.addf %mul3A_1031, %add3A_1032 : vector<5120x64xf32>
    %convert_element_type3A_1034 = arith.truncf %add3A_1033 : vector<5120x64xf32> to vector<5120x64xbf16>
    %get3A_1035 = arith.constant 0 : index
    %get3A_1036 = arith.constant 0 : index
    %get3A_1037 = vector.load %arg4[%get3A_1035, %get3A_1036] : memref<128x256xbf16, #tpu.memory_space<vmem>>, vector<64x256xbf16>
    %dot_general3A_1038 = arith.constant dense<0.000000e+00> : vector<5120x256xf32>
    %dot_general3A_1039 = tpu.matmul %convert_element_type3A_1034, %get3A_1037, %dot_general3A_1038 {dimension_numbers = #tpu.dot_dimension_numbers<[1], [0], [0], [1], [0, 0, 1, 1], [], []>, transpose_lhs_hint = false} : vector<5120x64xbf16>, vector<64x256xbf16>, vector<5120x256xf32> -> vector<5120x256xf32>
    %get3A_1040 = arith.constant 0 : index
    %get3A_1041 = arith.constant 0 : index
    %get3A_1042 = vector.load %arg5[%get3A_1040, %get3A_1041] : memref<2x256xf32, #tpu.memory_space<vmem>>, vector<1x256xf32>
    %add3A_1043 = vector.broadcast %get3A_1042 : vector<1x256xf32> to vector<5120x256xf32>
    %add3A_1044 = arith.addf %dot_general3A_1039, %add3A_1043 : vector<5120x256xf32>
    %max3A = arith.constant 0.000000e+00 : f32
    %max3A_1045 = vector.broadcast %max3A : f32 to vector<5120x256xf32>
    %max3A_1046 = arith.maximumf %add3A_1044, %max3A_1045 : vector<5120x256xf32>
    %convert_element_type3A_1047 = arith.truncf %max3A_1046 : vector<5120x256xf32> to vector<5120x256xbf16>
    %get3A_1048 = arith.constant 0 : index
    %get3A_1049 = arith.constant 0 : index
    %get3A_1050 = vector.load %arg6[%get3A_1048, %get3A_1049] : memref<512x64xbf16, #tpu.memory_space<vmem>>, vector<256x64xbf16>
    %dot_general3A_1051 = arith.constant dense<0.000000e+00> : vector<5120x64xf32>
    %dot_general3A_1052 = tpu.matmul %convert_element_type3A_1047, %get3A_1050, %dot_general3A_1051 {dimension_numbers = #tpu.dot_dimension_numbers<[1], [0], [0], [1], [0, 0, 1, 1], [], []>, transpose_lhs_hint = false} : vector<5120x256xbf16>, vector<256x64xbf16>, vector<5120x64xf32> -> vector<5120x64xf32>
    %get3A_1053 = arith.constant 0 : index
    %get3A_1054 = arith.constant 0 : index
    %get3A_1055 = vector.load %arg7[%get3A_1053, %get3A_1054] : memref<2x64xf32, #tpu.memory_space<vmem>>, vector<1x64xf32>
    %add3A_1056 = vector.broadcast %get3A_1055 : vector<1x64xf32> to vector<5120x64xf32>
    %add3A_1057 = arith.addf %dot_general3A_1052, %add3A_1056 : vector<5120x64xf32>
    %add3A_1058 = arith.addf %add3A_1033, %add3A_1057 : vector<5120x64xf32>
    %get3A_1059 = arith.constant 2 : index
    %get3A_1060 = arith.constant 0 : index
    %get3A_1061 = vector.load %arg8[%get3A_1059, %get3A_1060] : memref<8x64xf32, #tpu.memory_space<vmem>>, vector<1x64xf32>
    %get3A_1062 = arith.constant 3 : index
    %get3A_1063 = arith.constant 0 : index
    %get3A_1064 = vector.load %arg8[%get3A_1062, %get3A_1063] : memref<8x64xf32, #tpu.memory_space<vmem>>, vector<1x64xf32>
    %dot_general3A_1065 = arith.constant dense<0.000000e+00> : vector<5120x1xf32>
    %dot_general3A_1066 = tpu.matmul %add3A_1058, %broadcast_in_dim3A_0, %dot_general3A_1065 {dimension_numbers = #tpu.dot_dimension_numbers<[1], [0], [0], [1], [0, 0, 1, 1], [], []>, transpose_lhs_hint = false} : vector<5120x64xf32>, vector<64x1xf32>, vector<5120x1xf32> -> vector<5120x1xf32>
    %mul3A_1067 = arith.mulf %add3A_1058, %add3A_1058 : vector<5120x64xf32>
    %dot_general3A_1068 = arith.constant dense<0.000000e+00> : vector<5120x1xf32>
    %dot_general3A_1069 = tpu.matmul %mul3A_1067, %broadcast_in_dim3A_0, %dot_general3A_1068 {dimension_numbers = #tpu.dot_dimension_numbers<[1], [0], [0], [1], [0, 0, 1, 1], [], []>, transpose_lhs_hint = false} : vector<5120x64xf32>, vector<64x1xf32>, vector<5120x1xf32> -> vector<5120x1xf32>
    %mul3A_1070 = arith.mulf %dot_general3A_1066, %dot_general3A_1066 : vector<5120x1xf32>
    %sub3A_1071 = arith.subf %dot_general3A_1069, %mul3A_1070 : vector<5120x1xf32>
    %add3A_1072 = arith.constant 9.99999997E-7 : f32
    %add3A_1073 = vector.broadcast %add3A_1072 : f32 to vector<5120x1xf32>
    %add3A_1074 = arith.addf %sub3A_1071, %add3A_1073 : vector<5120x1xf32>
    %rsqrt3A_1075 = math.rsqrt %add3A_1074 : vector<5120x1xf32>
    %sub3A_1076 = vector.broadcast %dot_general3A_1066 : vector<5120x1xf32> to vector<5120x64xf32>
    %sub3A_1077 = arith.subf %add3A_1058, %sub3A_1076 : vector<5120x64xf32>
    %mul3A_1078 = vector.broadcast %rsqrt3A_1075 : vector<5120x1xf32> to vector<5120x64xf32>
    %mul3A_1079 = arith.mulf %sub3A_1077, %mul3A_1078 : vector<5120x64xf32>
    %mul3A_1080 = vector.broadcast %get3A_1061 : vector<1x64xf32> to vector<5120x64xf32>
    %mul3A_1081 = arith.mulf %mul3A_1079, %mul3A_1080 : vector<5120x64xf32>
    %add3A_1082 = vector.broadcast %get3A_1064 : vector<1x64xf32> to vector<5120x64xf32>
    %add3A_1083 = arith.addf %mul3A_1081, %add3A_1082 : vector<5120x64xf32>
    %swap3A_1084 = arith.constant 0 : index
    %swap3A_1085 = arith.constant 0 : index
    %swap3A_1086 = vector.load %arg10[%swap3A_1084, %swap3A_1085] : memref<5120x64xf32, #tpu.memory_space<vmem>>, vector<5120x64xf32>
    tpu.vector_store %arg10[%swap3A_1084, %swap3A_1085], %add3A_1083 {strides = array<i32>} : memref<5120x64xf32, #tpu.memory_space<vmem>>, vector<5120x64xf32>,
    %get3A_1087 = arith.constant 0 : index
    %get3A_1088 = arith.constant 0 : index
    %get3A_1089 = vector.load %arg10[%get3A_1087, %get3A_1088] : memref<5120x64xf32, #tpu.memory_space<vmem>>, vector<5120x64xf32>
    %convert_element_type3A_1090 = arith.truncf %get3A_1089 : vector<5120x64xf32> to vector<5120x64xbf16>
    %get3A_1091 = arith.constant 64 : index
    %get3A_1092 = arith.constant 0 : index
    %get3A_1093 = vector.load %arg2[%get3A_1091, %get3A_1092] : memref<128x192xbf16, #tpu.memory_space<vmem>>, vector<64x192xbf16>
    %dot_general3A_1094 = arith.constant dense<0.000000e+00> : vector<5120x192xf32>
    %dot_general3A_1095 = tpu.matmul %convert_element_type3A_1090, %get3A_1093, %dot_general3A_1094 {dimension_numbers = #tpu.dot_dimension_numbers<[1], [0], [0], [1], [0, 0, 1, 1], [], []>, transpose_lhs_hint = false} : vector<5120x64xbf16>, vector<64x192xbf16>, vector<5120x192xf32> -> vector<5120x192xf32>
    %convert_element_type3A_1096 = arith.truncf %dot_general3A_1095 : vector<5120x192xf32> to vector<5120x192xbf16>
    %swap3A_1097 = arith.constant 0 : index
    %swap3A_1098 = arith.constant 0 : index
    %swap3A_1099 = vector.load %arg11[%swap3A_1097, %swap3A_1098] : memref<5120x192xbf16, #tpu.memory_space<vmem>>, vector<5120x192xbf16>
    tpu.vector_store %arg11[%swap3A_1097, %swap3A_1098], %convert_element_type3A_1096 {strides = array<i32>} : memref<5120x192xbf16, #tpu.memory_space<vmem>>, vector<5120x192xbf16>,
    %get3A_1100 = arith.constant 0 : index
    %get3A_1101 = arith.constant 0 : index
    %get3A_1102 = vector.load %arg11[%get3A_1100, %get3A_1101] : memref<5120x192xbf16, #tpu.memory_space<vmem>>, vector<160x64xbf16>
    %get3A_1103 = arith.constant 0 : index
    %get3A_1104 = arith.constant 64 : index
    %get3A_1105 = vector.load %arg11[%get3A_1103, %get3A_1104] : memref<5120x192xbf16, #tpu.memory_space<vmem>>, vector<160x64xbf16>
    %dot_general3A_1106 = arith.constant dense<0.000000e+00> : vector<160x160xf32>
    %dot_general3A_1107 = tpu.matmul %get3A_1102, %get3A_1105, %dot_general3A_1106 {dimension_numbers = #tpu.dot_dimension_numbers<[1], [1], [0], [0], [0, 0, 1, 0], [], []>, transpose_lhs_hint = false} : vector<160x64xbf16>, vector<160x64xbf16>, vector<160x160xf32> -> vector<160x160xf32>
    %min3A_1108 = arith.constant 8.000000e+01 : f32
    %min3A_1109 = vector.broadcast %min3A_1108 : f32 to vector<160x160xf32>
    %min3A_1110 = arith.minimumf %dot_general3A_1107, %min3A_1109 : vector<160x160xf32>
    %exp3A_1111 = math.exp %min3A_1110 : vector<160x160xf32>
    %mul3A_1112 = arith.mulf %exp3A_1111, %convert_element_type3A_58 : vector<160x160xf32>
    %convert_element_type3A_1113 = arith.truncf %mul3A_1112 : vector<160x160xf32> to vector<160x160xbf16>
    %swap3A_1114 = arith.constant 0 : index
    %swap3A_1115 = arith.constant 0 : index
    %swap3A_1116 = vector.load %arg12[%swap3A_1114, %swap3A_1115] : memref<5120x160xbf16, #tpu.memory_space<vmem>>, vector<160x160xbf16>
    tpu.vector_store %arg12[%swap3A_1114, %swap3A_1115], %convert_element_type3A_1113 {strides = array<i32>} : memref<5120x160xbf16, #tpu.memory_space<vmem>>, vector<160x160xbf16>,
    %get3A_1117 = arith.constant 160 : index
    %get3A_1118 = arith.constant 0 : index
    %get3A_1119 = vector.load %arg11[%get3A_1117, %get3A_1118] : memref<5120x192xbf16, #tpu.memory_space<vmem>>, vector<160x64xbf16>
    %get3A_1120 = arith.constant 160 : index
    %get3A_1121 = arith.constant 64 : index
    %get3A_1122 = vector.load %arg11[%get3A_1120, %get3A_1121] : memref<5120x192xbf16, #tpu.memory_space<vmem>>, vector<160x64xbf16>
    %dot_general3A_1123 = arith.constant dense<0.000000e+00> : vector<160x160xf32>
    %dot_general3A_1124 = tpu.matmul %get3A_1119, %get3A_1122, %dot_general3A_1123 {dimension_numbers = #tpu.dot_dimension_numbers<[1], [1], [0], [0], [0, 0, 1, 0], [], []>, transpose_lhs_hint = false} : vector<160x64xbf16>, vector<160x64xbf16>, vector<160x160xf32> -> vector<160x160xf32>
    %min3A_1125 = arith.constant 8.000000e+01 : f32
    %min3A_1126 = vector.broadcast %min3A_1125 : f32 to vector<160x160xf32>
    %min3A_1127 = arith.minimumf %dot_general3A_1124, %min3A_1126 : vector<160x160xf32>
    %exp3A_1128 = math.exp %min3A_1127 : vector<160x160xf32>
    %mul3A_1129 = arith.mulf %exp3A_1128, %convert_element_type3A_58 : vector<160x160xf32>
    %convert_element_type3A_1130 = arith.truncf %mul3A_1129 : vector<160x160xf32> to vector<160x160xbf16>
    %swap3A_1131 = arith.constant 160 : index
    %swap3A_1132 = arith.constant 0 : index
    %swap3A_1133 = vector.load %arg12[%swap3A_1131, %swap3A_1132] : memref<5120x160xbf16, #tpu.memory_space<vmem>>, vector<160x160xbf16>
    tpu.vector_store %arg12[%swap3A_1131, %swap3A_1132], %convert_element_type3A_1130 {strides = array<i32>} : memref<5120x160xbf16, #tpu.memory_space<vmem>>, vector<160x160xbf16>,
    %get3A_1134 = arith.constant 320 : index
    %get3A_1135 = arith.constant 0 : index
    %get3A_1136 = vector.load %arg11[%get3A_1134, %get3A_1135] : memref<5120x192xbf16, #tpu.memory_space<vmem>>, vector<160x64xbf16>
    %get3A_1137 = arith.constant 320 : index
    %get3A_1138 = arith.constant 64 : index
    %get3A_1139 = vector.load %arg11[%get3A_1137, %get3A_1138] : memref<5120x192xbf16, #tpu.memory_space<vmem>>, vector<160x64xbf16>
    %dot_general3A_1140 = arith.constant dense<0.000000e+00> : vector<160x160xf32>
    %dot_general3A_1141 = tpu.matmul %get3A_1136, %get3A_1139, %dot_general3A_1140 {dimension_numbers = #tpu.dot_dimension_numbers<[1], [1], [0], [0], [0, 0, 1, 0], [], []>, transpose_lhs_hint = false} : vector<160x64xbf16>, vector<160x64xbf16>, vector<160x160xf32> -> vector<160x160xf32>
    %min3A_1142 = arith.constant 8.000000e+01 : f32
    %min3A_1143 = vector.broadcast %min3A_1142 : f32 to vector<160x160xf32>
    %min3A_1144 = arith.minimumf %dot_general3A_1141, %min3A_1143 : vector<160x160xf32>
    %exp3A_1145 = math.exp %min3A_1144 : vector<160x160xf32>
    %mul3A_1146 = arith.mulf %exp3A_1145, %convert_element_type3A_58 : vector<160x160xf32>
    %convert_element_type3A_1147 = arith.truncf %mul3A_1146 : vector<160x160xf32> to vector<160x160xbf16>
    %swap3A_1148 = arith.constant 320 : index
    %swap3A_1149 = arith.constant 0 : index
    %swap3A_1150 = vector.load %arg12[%swap3A_1148, %swap3A_1149] : memref<5120x160xbf16, #tpu.memory_space<vmem>>, vector<160x160xbf16>
    tpu.vector_store %arg12[%swap3A_1148, %swap3A_1149], %convert_element_type3A_1147 {strides = array<i32>} : memref<5120x160xbf16, #tpu.memory_space<vmem>>, vector<160x160xbf16>,
    %get3A_1151 = arith.constant 480 : index
    %get3A_1152 = arith.constant 0 : index
    %get3A_1153 = vector.load %arg11[%get3A_1151, %get3A_1152] : memref<5120x192xbf16, #tpu.memory_space<vmem>>, vector<160x64xbf16>
    %get3A_1154 = arith.constant 480 : index
    %get3A_1155 = arith.constant 64 : index
    %get3A_1156 = vector.load %arg11[%get3A_1154, %get3A_1155] : memref<5120x192xbf16, #tpu.memory_space<vmem>>, vector<160x64xbf16>
    %dot_general3A_1157 = arith.constant dense<0.000000e+00> : vector<160x160xf32>
    %dot_general3A_1158 = tpu.matmul %get3A_1153, %get3A_1156, %dot_general3A_1157 {dimension_numbers = #tpu.dot_dimension_numbers<[1], [1], [0], [0], [0, 0, 1, 0], [], []>, transpose_lhs_hint = false} : vector<160x64xbf16>, vector<160x64xbf16>, vector<160x160xf32> -> vector<160x160xf32>
    %min3A_1159 = arith.constant 8.000000e+01 : f32
    %min3A_1160 = vector.broadcast %min3A_1159 : f32 to vector<160x160xf32>
    %min3A_1161 = arith.minimumf %dot_general3A_1158, %min3A_1160 : vector<160x160xf32>
    %exp3A_1162 = math.exp %min3A_1161 : vector<160x160xf32>
    %mul3A_1163 = arith.mulf %exp3A_1162, %convert_element_type3A_58 : vector<160x160xf32>
    %convert_element_type3A_1164 = arith.truncf %mul3A_1163 : vector<160x160xf32> to vector<160x160xbf16>
    %swap3A_1165 = arith.constant 480 : index
    %swap3A_1166 = arith.constant 0 : index
    %swap3A_1167 = vector.load %arg12[%swap3A_1165, %swap3A_1166] : memref<5120x160xbf16, #tpu.memory_space<vmem>>, vector<160x160xbf16>
    tpu.vector_store %arg12[%swap3A_1165, %swap3A_1166], %convert_element_type3A_1164 {strides = array<i32>} : memref<5120x160xbf16, #tpu.memory_space<vmem>>, vector<160x160xbf16>,
    %get3A_1168 = arith.constant 640 : index
    %get3A_1169 = arith.constant 0 : index
    %get3A_1170 = vector.load %arg11[%get3A_1168, %get3A_1169] : memref<5120x192xbf16, #tpu.memory_space<vmem>>, vector<160x64xbf16>
    %get3A_1171 = arith.constant 640 : index
    %get3A_1172 = arith.constant 64 : index
    %get3A_1173 = vector.load %arg11[%get3A_1171, %get3A_1172] : memref<5120x192xbf16, #tpu.memory_space<vmem>>, vector<160x64xbf16>
    %dot_general3A_1174 = arith.constant dense<0.000000e+00> : vector<160x160xf32>
    %dot_general3A_1175 = tpu.matmul %get3A_1170, %get3A_1173, %dot_general3A_1174 {dimension_numbers = #tpu.dot_dimension_numbers<[1], [1], [0], [0], [0, 0, 1, 0], [], []>, transpose_lhs_hint = false} : vector<160x64xbf16>, vector<160x64xbf16>, vector<160x160xf32> -> vector<160x160xf32>
    %min3A_1176 = arith.constant 8.000000e+01 : f32
    %min3A_1177 = vector.broadcast %min3A_1176 : f32 to vector<160x160xf32>
    %min3A_1178 = arith.minimumf %dot_general3A_1175, %min3A_1177 : vector<160x160xf32>
    %exp3A_1179 = math.exp %min3A_1178 : vector<160x160xf32>
    %mul3A_1180 = arith.mulf %exp3A_1179, %convert_element_type3A_58 : vector<160x160xf32>
    %convert_element_type3A_1181 = arith.truncf %mul3A_1180 : vector<160x160xf32> to vector<160x160xbf16>
    %swap3A_1182 = arith.constant 640 : index
    %swap3A_1183 = arith.constant 0 : index
    %swap3A_1184 = vector.load %arg12[%swap3A_1182, %swap3A_1183] : memref<5120x160xbf16, #tpu.memory_space<vmem>>, vector<160x160xbf16>
    tpu.vector_store %arg12[%swap3A_1182, %swap3A_1183], %convert_element_type3A_1181 {strides = array<i32>} : memref<5120x160xbf16, #tpu.memory_space<vmem>>, vector<160x160xbf16>,
    %get3A_1185 = arith.constant 800 : index
    %get3A_1186 = arith.constant 0 : index
    %get3A_1187 = vector.load %arg11[%get3A_1185, %get3A_1186] : memref<5120x192xbf16, #tpu.memory_space<vmem>>, vector<160x64xbf16>
    %get3A_1188 = arith.constant 800 : index
    %get3A_1189 = arith.constant 64 : index
    %get3A_1190 = vector.load %arg11[%get3A_1188, %get3A_1189] : memref<5120x192xbf16, #tpu.memory_space<vmem>>, vector<160x64xbf16>
    %dot_general3A_1191 = arith.constant dense<0.000000e+00> : vector<160x160xf32>
    %dot_general3A_1192 = tpu.matmul %get3A_1187, %get3A_1190, %dot_general3A_1191 {dimension_numbers = #tpu.dot_dimension_numbers<[1], [1], [0], [0], [0, 0, 1, 0], [], []>, transpose_lhs_hint = false} : vector<160x64xbf16>, vector<160x64xbf16>, vector<160x160xf32> -> vector<160x160xf32>
    %min3A_1193 = arith.constant 8.000000e+01 : f32
    %min3A_1194 = vector.broadcast %min3A_1193 : f32 to vector<160x160xf32>
    %min3A_1195 = arith.minimumf %dot_general3A_1192, %min3A_1194 : vector<160x160xf32>
    %exp3A_1196 = math.exp %min3A_1195 : vector<160x160xf32>
    %mul3A_1197 = arith.mulf %exp3A_1196, %convert_element_type3A_58 : vector<160x160xf32>
    %convert_element_type3A_1198 = arith.truncf %mul3A_1197 : vector<160x160xf32> to vector<160x160xbf16>
    %swap3A_1199 = arith.constant 800 : index
    %swap3A_1200 = arith.constant 0 : index
    %swap3A_1201 = vector.load %arg12[%swap3A_1199, %swap3A_1200] : memref<5120x160xbf16, #tpu.memory_space<vmem>>, vector<160x160xbf16>
    tpu.vector_store %arg12[%swap3A_1199, %swap3A_1200], %convert_element_type3A_1198 {strides = array<i32>} : memref<5120x160xbf16, #tpu.memory_space<vmem>>, vector<160x160xbf16>,
    %get3A_1202 = arith.constant 960 : index
    %get3A_1203 = arith.constant 0 : index
    %get3A_1204 = vector.load %arg11[%get3A_1202, %get3A_1203] : memref<5120x192xbf16, #tpu.memory_space<vmem>>, vector<160x64xbf16>
    %get3A_1205 = arith.constant 960 : index
    %get3A_1206 = arith.constant 64 : index
    %get3A_1207 = vector.load %arg11[%get3A_1205, %get3A_1206] : memref<5120x192xbf16, #tpu.memory_space<vmem>>, vector<160x64xbf16>
    %dot_general3A_1208 = arith.constant dense<0.000000e+00> : vector<160x160xf32>
    %dot_general3A_1209 = tpu.matmul %get3A_1204, %get3A_1207, %dot_general3A_1208 {dimension_numbers = #tpu.dot_dimension_numbers<[1], [1], [0], [0], [0, 0, 1, 0], [], []>, transpose_lhs_hint = false} : vector<160x64xbf16>, vector<160x64xbf16>, vector<160x160xf32> -> vector<160x160xf32>
    %min3A_1210 = arith.constant 8.000000e+01 : f32
    %min3A_1211 = vector.broadcast %min3A_1210 : f32 to vector<160x160xf32>
    %min3A_1212 = arith.minimumf %dot_general3A_1209, %min3A_1211 : vector<160x160xf32>
    %exp3A_1213 = math.exp %min3A_1212 : vector<160x160xf32>
    %mul3A_1214 = arith.mulf %exp3A_1213, %convert_element_type3A_58 : vector<160x160xf32>
    %convert_element_type3A_1215 = arith.truncf %mul3A_1214 : vector<160x160xf32> to vector<160x160xbf16>
    %swap3A_1216 = arith.constant 960 : index
    %swap3A_1217 = arith.constant 0 : index
    %swap3A_1218 = vector.load %arg12[%swap3A_1216, %swap3A_1217] : memref<5120x160xbf16, #tpu.memory_space<vmem>>, vector<160x160xbf16>
    tpu.vector_store %arg12[%swap3A_1216, %swap3A_1217], %convert_element_type3A_1215 {strides = array<i32>} : memref<5120x160xbf16, #tpu.memory_space<vmem>>, vector<160x160xbf16>,
    %get3A_1219 = arith.constant 1120 : index
    %get3A_1220 = arith.constant 0 : index
    %get3A_1221 = vector.load %arg11[%get3A_1219, %get3A_1220] : memref<5120x192xbf16, #tpu.memory_space<vmem>>, vector<160x64xbf16>
    %get3A_1222 = arith.constant 1120 : index
    %get3A_1223 = arith.constant 64 : index
    %get3A_1224 = vector.load %arg11[%get3A_1222, %get3A_1223] : memref<5120x192xbf16, #tpu.memory_space<vmem>>, vector<160x64xbf16>
    %dot_general3A_1225 = arith.constant dense<0.000000e+00> : vector<160x160xf32>
    %dot_general3A_1226 = tpu.matmul %get3A_1221, %get3A_1224, %dot_general3A_1225 {dimension_numbers = #tpu.dot_dimension_numbers<[1], [1], [0], [0], [0, 0, 1, 0], [], []>, transpose_lhs_hint = false} : vector<160x64xbf16>, vector<160x64xbf16>, vector<160x160xf32> -> vector<160x160xf32>
    %min3A_1227 = arith.constant 8.000000e+01 : f32
    %min3A_1228 = vector.broadcast %min3A_1227 : f32 to vector<160x160xf32>
    %min3A_1229 = arith.minimumf %dot_general3A_1226, %min3A_1228 : vector<160x160xf32>
    %exp3A_1230 = math.exp %min3A_1229 : vector<160x160xf32>
    %mul3A_1231 = arith.mulf %exp3A_1230, %convert_element_type3A_58 : vector<160x160xf32>
    %convert_element_type3A_1232 = arith.truncf %mul3A_1231 : vector<160x160xf32> to vector<160x160xbf16>
    %swap3A_1233 = arith.constant 1120 : index
    %swap3A_1234 = arith.constant 0 : index
    %swap3A_1235 = vector.load %arg12[%swap3A_1233, %swap3A_1234] : memref<5120x160xbf16, #tpu.memory_space<vmem>>, vector<160x160xbf16>
    tpu.vector_store %arg12[%swap3A_1233, %swap3A_1234], %convert_element_type3A_1232 {strides = array<i32>} : memref<5120x160xbf16, #tpu.memory_space<vmem>>, vector<160x160xbf16>,
    %get3A_1236 = arith.constant 1280 : index
    %get3A_1237 = arith.constant 0 : index
    %get3A_1238 = vector.load %arg11[%get3A_1236, %get3A_1237] : memref<5120x192xbf16, #tpu.memory_space<vmem>>, vector<160x64xbf16>
    %get3A_1239 = arith.constant 1280 : index
    %get3A_1240 = arith.constant 64 : index
    %get3A_1241 = vector.load %arg11[%get3A_1239, %get3A_1240] : memref<5120x192xbf16, #tpu.memory_space<vmem>>, vector<160x64xbf16>
    %dot_general3A_1242 = arith.constant dense<0.000000e+00> : vector<160x160xf32>
    %dot_general3A_1243 = tpu.matmul %get3A_1238, %get3A_1241, %dot_general3A_1242 {dimension_numbers = #tpu.dot_dimension_numbers<[1], [1], [0], [0], [0, 0, 1, 0], [], []>, transpose_lhs_hint = false} : vector<160x64xbf16>, vector<160x64xbf16>, vector<160x160xf32> -> vector<160x160xf32>
    %min3A_1244 = arith.constant 8.000000e+01 : f32
    %min3A_1245 = vector.broadcast %min3A_1244 : f32 to vector<160x160xf32>
    %min3A_1246 = arith.minimumf %dot_general3A_1243, %min3A_1245 : vector<160x160xf32>
    %exp3A_1247 = math.exp %min3A_1246 : vector<160x160xf32>
    %mul3A_1248 = arith.mulf %exp3A_1247, %convert_element_type3A_58 : vector<160x160xf32>
    %convert_element_type3A_1249 = arith.truncf %mul3A_1248 : vector<160x160xf32> to vector<160x160xbf16>
    %swap3A_1250 = arith.constant 1280 : index
    %swap3A_1251 = arith.constant 0 : index
    %swap3A_1252 = vector.load %arg12[%swap3A_1250, %swap3A_1251] : memref<5120x160xbf16, #tpu.memory_space<vmem>>, vector<160x160xbf16>
    tpu.vector_store %arg12[%swap3A_1250, %swap3A_1251], %convert_element_type3A_1249 {strides = array<i32>} : memref<5120x160xbf16, #tpu.memory_space<vmem>>, vector<160x160xbf16>,
    %get3A_1253 = arith.constant 1440 : index
    %get3A_1254 = arith.constant 0 : index
    %get3A_1255 = vector.load %arg11[%get3A_1253, %get3A_1254] : memref<5120x192xbf16, #tpu.memory_space<vmem>>, vector<160x64xbf16>
    %get3A_1256 = arith.constant 1440 : index
    %get3A_1257 = arith.constant 64 : index
    %get3A_1258 = vector.load %arg11[%get3A_1256, %get3A_1257] : memref<5120x192xbf16, #tpu.memory_space<vmem>>, vector<160x64xbf16>
    %dot_general3A_1259 = arith.constant dense<0.000000e+00> : vector<160x160xf32>
    %dot_general3A_1260 = tpu.matmul %get3A_1255, %get3A_1258, %dot_general3A_1259 {dimension_numbers = #tpu.dot_dimension_numbers<[1], [1], [0], [0], [0, 0, 1, 0], [], []>, transpose_lhs_hint = false} : vector<160x64xbf16>, vector<160x64xbf16>, vector<160x160xf32> -> vector<160x160xf32>
    %min3A_1261 = arith.constant 8.000000e+01 : f32
    %min3A_1262 = vector.broadcast %min3A_1261 : f32 to vector<160x160xf32>
    %min3A_1263 = arith.minimumf %dot_general3A_1260, %min3A_1262 : vector<160x160xf32>
    %exp3A_1264 = math.exp %min3A_1263 : vector<160x160xf32>
    %mul3A_1265 = arith.mulf %exp3A_1264, %convert_element_type3A_58 : vector<160x160xf32>
    %convert_element_type3A_1266 = arith.truncf %mul3A_1265 : vector<160x160xf32> to vector<160x160xbf16>
    %swap3A_1267 = arith.constant 1440 : index
    %swap3A_1268 = arith.constant 0 : index
    %swap3A_1269 = vector.load %arg12[%swap3A_1267, %swap3A_1268] : memref<5120x160xbf16, #tpu.memory_space<vmem>>, vector<160x160xbf16>
    tpu.vector_store %arg12[%swap3A_1267, %swap3A_1268], %convert_element_type3A_1266 {strides = array<i32>} : memref<5120x160xbf16, #tpu.memory_space<vmem>>, vector<160x160xbf16>,
    %get3A_1270 = arith.constant 1600 : index
    %get3A_1271 = arith.constant 0 : index
    %get3A_1272 = vector.load %arg11[%get3A_1270, %get3A_1271] : memref<5120x192xbf16, #tpu.memory_space<vmem>>, vector<160x64xbf16>
    %get3A_1273 = arith.constant 1600 : index
    %get3A_1274 = arith.constant 64 : index
    %get3A_1275 = vector.load %arg11[%get3A_1273, %get3A_1274] : memref<5120x192xbf16, #tpu.memory_space<vmem>>, vector<160x64xbf16>
    %dot_general3A_1276 = arith.constant dense<0.000000e+00> : vector<160x160xf32>
    %dot_general3A_1277 = tpu.matmul %get3A_1272, %get3A_1275, %dot_general3A_1276 {dimension_numbers = #tpu.dot_dimension_numbers<[1], [1], [0], [0], [0, 0, 1, 0], [], []>, transpose_lhs_hint = false} : vector<160x64xbf16>, vector<160x64xbf16>, vector<160x160xf32> -> vector<160x160xf32>
    %min3A_1278 = arith.constant 8.000000e+01 : f32
    %min3A_1279 = vector.broadcast %min3A_1278 : f32 to vector<160x160xf32>
    %min3A_1280 = arith.minimumf %dot_general3A_1277, %min3A_1279 : vector<160x160xf32>
    %exp3A_1281 = math.exp %min3A_1280 : vector<160x160xf32>
    %mul3A_1282 = arith.mulf %exp3A_1281, %convert_element_type3A_58 : vector<160x160xf32>
    %convert_element_type3A_1283 = arith.truncf %mul3A_1282 : vector<160x160xf32> to vector<160x160xbf16>
    %swap3A_1284 = arith.constant 1600 : index
    %swap3A_1285 = arith.constant 0 : index
    %swap3A_1286 = vector.load %arg12[%swap3A_1284, %swap3A_1285] : memref<5120x160xbf16, #tpu.memory_space<vmem>>, vector<160x160xbf16>
    tpu.vector_store %arg12[%swap3A_1284, %swap3A_1285], %convert_element_type3A_1283 {strides = array<i32>} : memref<5120x160xbf16, #tpu.memory_space<vmem>>, vector<160x160xbf16>,
    %get3A_1287 = arith.constant 1760 : index
    %get3A_1288 = arith.constant 0 : index
    %get3A_1289 = vector.load %arg11[%get3A_1287, %get3A_1288] : memref<5120x192xbf16, #tpu.memory_space<vmem>>, vector<160x64xbf16>
    %get3A_1290 = arith.constant 1760 : index
    %get3A_1291 = arith.constant 64 : index
    %get3A_1292 = vector.load %arg11[%get3A_1290, %get3A_1291] : memref<5120x192xbf16, #tpu.memory_space<vmem>>, vector<160x64xbf16>
    %dot_general3A_1293 = arith.constant dense<0.000000e+00> : vector<160x160xf32>
    %dot_general3A_1294 = tpu.matmul %get3A_1289, %get3A_1292, %dot_general3A_1293 {dimension_numbers = #tpu.dot_dimension_numbers<[1], [1], [0], [0], [0, 0, 1, 0], [], []>, transpose_lhs_hint = false} : vector<160x64xbf16>, vector<160x64xbf16>, vector<160x160xf32> -> vector<160x160xf32>
    %min3A_1295 = arith.constant 8.000000e+01 : f32
    %min3A_1296 = vector.broadcast %min3A_1295 : f32 to vector<160x160xf32>
    %min3A_1297 = arith.minimumf %dot_general3A_1294, %min3A_1296 : vector<160x160xf32>
    %exp3A_1298 = math.exp %min3A_1297 : vector<160x160xf32>
    %mul3A_1299 = arith.mulf %exp3A_1298, %convert_element_type3A_58 : vector<160x160xf32>
    %convert_element_type3A_1300 = arith.truncf %mul3A_1299 : vector<160x160xf32> to vector<160x160xbf16>
    %swap3A_1301 = arith.constant 1760 : index
    %swap3A_1302 = arith.constant 0 : index
    %swap3A_1303 = vector.load %arg12[%swap3A_1301, %swap3A_1302] : memref<5120x160xbf16, #tpu.memory_space<vmem>>, vector<160x160xbf16>
    tpu.vector_store %arg12[%swap3A_1301, %swap3A_1302], %convert_element_type3A_1300 {strides = array<i32>} : memref<5120x160xbf16, #tpu.memory_space<vmem>>, vector<160x160xbf16>,
    %get3A_1304 = arith.constant 1920 : index
    %get3A_1305 = arith.constant 0 : index
    %get3A_1306 = vector.load %arg11[%get3A_1304, %get3A_1305] : memref<5120x192xbf16, #tpu.memory_space<vmem>>, vector<160x64xbf16>
    %get3A_1307 = arith.constant 1920 : index
    %get3A_1308 = arith.constant 64 : index
    %get3A_1309 = vector.load %arg11[%get3A_1307, %get3A_1308] : memref<5120x192xbf16, #tpu.memory_space<vmem>>, vector<160x64xbf16>
    %dot_general3A_1310 = arith.constant dense<0.000000e+00> : vector<160x160xf32>
    %dot_general3A_1311 = tpu.matmul %get3A_1306, %get3A_1309, %dot_general3A_1310 {dimension_numbers = #tpu.dot_dimension_numbers<[1], [1], [0], [0], [0, 0, 1, 0], [], []>, transpose_lhs_hint = false} : vector<160x64xbf16>, vector<160x64xbf16>, vector<160x160xf32> -> vector<160x160xf32>
    %min3A_1312 = arith.constant 8.000000e+01 : f32
    %min3A_1313 = vector.broadcast %min3A_1312 : f32 to vector<160x160xf32>
    %min3A_1314 = arith.minimumf %dot_general3A_1311, %min3A_1313 : vector<160x160xf32>
    %exp3A_1315 = math.exp %min3A_1314 : vector<160x160xf32>
    %mul3A_1316 = arith.mulf %exp3A_1315, %convert_element_type3A_58 : vector<160x160xf32>
    %convert_element_type3A_1317 = arith.truncf %mul3A_1316 : vector<160x160xf32> to vector<160x160xbf16>
    %swap3A_1318 = arith.constant 1920 : index
    %swap3A_1319 = arith.constant 0 : index
    %swap3A_1320 = vector.load %arg12[%swap3A_1318, %swap3A_1319] : memref<5120x160xbf16, #tpu.memory_space<vmem>>, vector<160x160xbf16>
    tpu.vector_store %arg12[%swap3A_1318, %swap3A_1319], %convert_element_type3A_1317 {strides = array<i32>} : memref<5120x160xbf16, #tpu.memory_space<vmem>>, vector<160x160xbf16>,
    %get3A_1321 = arith.constant 2080 : index
    %get3A_1322 = arith.constant 0 : index
    %get3A_1323 = vector.load %arg11[%get3A_1321, %get3A_1322] : memref<5120x192xbf16, #tpu.memory_space<vmem>>, vector<160x64xbf16>
    %get3A_1324 = arith.constant 2080 : index
    %get3A_1325 = arith.constant 64 : index
    %get3A_1326 = vector.load %arg11[%get3A_1324, %get3A_1325] : memref<5120x192xbf16, #tpu.memory_space<vmem>>, vector<160x64xbf16>
    %dot_general3A_1327 = arith.constant dense<0.000000e+00> : vector<160x160xf32>
    %dot_general3A_1328 = tpu.matmul %get3A_1323, %get3A_1326, %dot_general3A_1327 {dimension_numbers = #tpu.dot_dimension_numbers<[1], [1], [0], [0], [0, 0, 1, 0], [], []>, transpose_lhs_hint = false} : vector<160x64xbf16>, vector<160x64xbf16>, vector<160x160xf32> -> vector<160x160xf32>
    %min3A_1329 = arith.constant 8.000000e+01 : f32
    %min3A_1330 = vector.broadcast %min3A_1329 : f32 to vector<160x160xf32>
    %min3A_1331 = arith.minimumf %dot_general3A_1328, %min3A_1330 : vector<160x160xf32>
    %exp3A_1332 = math.exp %min3A_1331 : vector<160x160xf32>
    %mul3A_1333 = arith.mulf %exp3A_1332, %convert_element_type3A_58 : vector<160x160xf32>
    %convert_element_type3A_1334 = arith.truncf %mul3A_1333 : vector<160x160xf32> to vector<160x160xbf16>
    %swap3A_1335 = arith.constant 2080 : index
    %swap3A_1336 = arith.constant 0 : index
    %swap3A_1337 = vector.load %arg12[%swap3A_1335, %swap3A_1336] : memref<5120x160xbf16, #tpu.memory_space<vmem>>, vector<160x160xbf16>
    tpu.vector_store %arg12[%swap3A_1335, %swap3A_1336], %convert_element_type3A_1334 {strides = array<i32>} : memref<5120x160xbf16, #tpu.memory_space<vmem>>, vector<160x160xbf16>,
    %get3A_1338 = arith.constant 2240 : index
    %get3A_1339 = arith.constant 0 : index
    %get3A_1340 = vector.load %arg11[%get3A_1338, %get3A_1339] : memref<5120x192xbf16, #tpu.memory_space<vmem>>, vector<160x64xbf16>
    %get3A_1341 = arith.constant 2240 : index
    %get3A_1342 = arith.constant 64 : index
    %get3A_1343 = vector.load %arg11[%get3A_1341, %get3A_1342] : memref<5120x192xbf16, #tpu.memory_space<vmem>>, vector<160x64xbf16>
    %dot_general3A_1344 = arith.constant dense<0.000000e+00> : vector<160x160xf32>
    %dot_general3A_1345 = tpu.matmul %get3A_1340, %get3A_1343, %dot_general3A_1344 {dimension_numbers = #tpu.dot_dimension_numbers<[1], [1], [0], [0], [0, 0, 1, 0], [], []>, transpose_lhs_hint = false} : vector<160x64xbf16>, vector<160x64xbf16>, vector<160x160xf32> -> vector<160x160xf32>
    %min3A_1346 = arith.constant 8.000000e+01 : f32
    %min3A_1347 = vector.broadcast %min3A_1346 : f32 to vector<160x160xf32>
    %min3A_1348 = arith.minimumf %dot_general3A_1345, %min3A_1347 : vector<160x160xf32>
    %exp3A_1349 = math.exp %min3A_1348 : vector<160x160xf32>
    %mul3A_1350 = arith.mulf %exp3A_1349, %convert_element_type3A_58 : vector<160x160xf32>
    %convert_element_type3A_1351 = arith.truncf %mul3A_1350 : vector<160x160xf32> to vector<160x160xbf16>
    %swap3A_1352 = arith.constant 2240 : index
    %swap3A_1353 = arith.constant 0 : index
    %swap3A_1354 = vector.load %arg12[%swap3A_1352, %swap3A_1353] : memref<5120x160xbf16, #tpu.memory_space<vmem>>, vector<160x160xbf16>
    tpu.vector_store %arg12[%swap3A_1352, %swap3A_1353], %convert_element_type3A_1351 {strides = array<i32>} : memref<5120x160xbf16, #tpu.memory_space<vmem>>, vector<160x160xbf16>,
    %get3A_1355 = arith.constant 2400 : index
    %get3A_1356 = arith.constant 0 : index
    %get3A_1357 = vector.load %arg11[%get3A_1355, %get3A_1356] : memref<5120x192xbf16, #tpu.memory_space<vmem>>, vector<160x64xbf16>
    %get3A_1358 = arith.constant 2400 : index
    %get3A_1359 = arith.constant 64 : index
    %get3A_1360 = vector.load %arg11[%get3A_1358, %get3A_1359] : memref<5120x192xbf16, #tpu.memory_space<vmem>>, vector<160x64xbf16>
    %dot_general3A_1361 = arith.constant dense<0.000000e+00> : vector<160x160xf32>
    %dot_general3A_1362 = tpu.matmul %get3A_1357, %get3A_1360, %dot_general3A_1361 {dimension_numbers = #tpu.dot_dimension_numbers<[1], [1], [0], [0], [0, 0, 1, 0], [], []>, transpose_lhs_hint = false} : vector<160x64xbf16>, vector<160x64xbf16>, vector<160x160xf32> -> vector<160x160xf32>
    %min3A_1363 = arith.constant 8.000000e+01 : f32
    %min3A_1364 = vector.broadcast %min3A_1363 : f32 to vector<160x160xf32>
    %min3A_1365 = arith.minimumf %dot_general3A_1362, %min3A_1364 : vector<160x160xf32>
    %exp3A_1366 = math.exp %min3A_1365 : vector<160x160xf32>
    %mul3A_1367 = arith.mulf %exp3A_1366, %convert_element_type3A_58 : vector<160x160xf32>
    %convert_element_type3A_1368 = arith.truncf %mul3A_1367 : vector<160x160xf32> to vector<160x160xbf16>
    %swap3A_1369 = arith.constant 2400 : index
    %swap3A_1370 = arith.constant 0 : index
    %swap3A_1371 = vector.load %arg12[%swap3A_1369, %swap3A_1370] : memref<5120x160xbf16, #tpu.memory_space<vmem>>, vector<160x160xbf16>
    tpu.vector_store %arg12[%swap3A_1369, %swap3A_1370], %convert_element_type3A_1368 {strides = array<i32>} : memref<5120x160xbf16, #tpu.memory_space<vmem>>, vector<160x160xbf16>,
    %get3A_1372 = arith.constant 2560 : index
    %get3A_1373 = arith.constant 0 : index
    %get3A_1374 = vector.load %arg11[%get3A_1372, %get3A_1373] : memref<5120x192xbf16, #tpu.memory_space<vmem>>, vector<160x64xbf16>
    %get3A_1375 = arith.constant 2560 : index
    %get3A_1376 = arith.constant 64 : index
    %get3A_1377 = vector.load %arg11[%get3A_1375, %get3A_1376] : memref<5120x192xbf16, #tpu.memory_space<vmem>>, vector<160x64xbf16>
    %dot_general3A_1378 = arith.constant dense<0.000000e+00> : vector<160x160xf32>
    %dot_general3A_1379 = tpu.matmul %get3A_1374, %get3A_1377, %dot_general3A_1378 {dimension_numbers = #tpu.dot_dimension_numbers<[1], [1], [0], [0], [0, 0, 1, 0], [], []>, transpose_lhs_hint = false} : vector<160x64xbf16>, vector<160x64xbf16>, vector<160x160xf32> -> vector<160x160xf32>
    %min3A_1380 = arith.constant 8.000000e+01 : f32
    %min3A_1381 = vector.broadcast %min3A_1380 : f32 to vector<160x160xf32>
    %min3A_1382 = arith.minimumf %dot_general3A_1379, %min3A_1381 : vector<160x160xf32>
    %exp3A_1383 = math.exp %min3A_1382 : vector<160x160xf32>
    %mul3A_1384 = arith.mulf %exp3A_1383, %convert_element_type3A_58 : vector<160x160xf32>
    %convert_element_type3A_1385 = arith.truncf %mul3A_1384 : vector<160x160xf32> to vector<160x160xbf16>
    %swap3A_1386 = arith.constant 2560 : index
    %swap3A_1387 = arith.constant 0 : index
    %swap3A_1388 = vector.load %arg12[%swap3A_1386, %swap3A_1387] : memref<5120x160xbf16, #tpu.memory_space<vmem>>, vector<160x160xbf16>
    tpu.vector_store %arg12[%swap3A_1386, %swap3A_1387], %convert_element_type3A_1385 {strides = array<i32>} : memref<5120x160xbf16, #tpu.memory_space<vmem>>, vector<160x160xbf16>,
    %get3A_1389 = arith.constant 2720 : index
    %get3A_1390 = arith.constant 0 : index
    %get3A_1391 = vector.load %arg11[%get3A_1389, %get3A_1390] : memref<5120x192xbf16, #tpu.memory_space<vmem>>, vector<160x64xbf16>
    %get3A_1392 = arith.constant 2720 : index
    %get3A_1393 = arith.constant 64 : index
    %get3A_1394 = vector.load %arg11[%get3A_1392, %get3A_1393] : memref<5120x192xbf16, #tpu.memory_space<vmem>>, vector<160x64xbf16>
    %dot_general3A_1395 = arith.constant dense<0.000000e+00> : vector<160x160xf32>
    %dot_general3A_1396 = tpu.matmul %get3A_1391, %get3A_1394, %dot_general3A_1395 {dimension_numbers = #tpu.dot_dimension_numbers<[1], [1], [0], [0], [0, 0, 1, 0], [], []>, transpose_lhs_hint = false} : vector<160x64xbf16>, vector<160x64xbf16>, vector<160x160xf32> -> vector<160x160xf32>
    %min3A_1397 = arith.constant 8.000000e+01 : f32
    %min3A_1398 = vector.broadcast %min3A_1397 : f32 to vector<160x160xf32>
    %min3A_1399 = arith.minimumf %dot_general3A_1396, %min3A_1398 : vector<160x160xf32>
    %exp3A_1400 = math.exp %min3A_1399 : vector<160x160xf32>
    %mul3A_1401 = arith.mulf %exp3A_1400, %convert_element_type3A_58 : vector<160x160xf32>
    %convert_element_type3A_1402 = arith.truncf %mul3A_1401 : vector<160x160xf32> to vector<160x160xbf16>
    %swap3A_1403 = arith.constant 2720 : index
    %swap3A_1404 = arith.constant 0 : index
    %swap3A_1405 = vector.load %arg12[%swap3A_1403, %swap3A_1404] : memref<5120x160xbf16, #tpu.memory_space<vmem>>, vector<160x160xbf16>
    tpu.vector_store %arg12[%swap3A_1403, %swap3A_1404], %convert_element_type3A_1402 {strides = array<i32>} : memref<5120x160xbf16, #tpu.memory_space<vmem>>, vector<160x160xbf16>,
    %get3A_1406 = arith.constant 2880 : index
    %get3A_1407 = arith.constant 0 : index
    %get3A_1408 = vector.load %arg11[%get3A_1406, %get3A_1407] : memref<5120x192xbf16, #tpu.memory_space<vmem>>, vector<160x64xbf16>
    %get3A_1409 = arith.constant 2880 : index
    %get3A_1410 = arith.constant 64 : index
    %get3A_1411 = vector.load %arg11[%get3A_1409, %get3A_1410] : memref<5120x192xbf16, #tpu.memory_space<vmem>>, vector<160x64xbf16>
    %dot_general3A_1412 = arith.constant dense<0.000000e+00> : vector<160x160xf32>
    %dot_general3A_1413 = tpu.matmul %get3A_1408, %get3A_1411, %dot_general3A_1412 {dimension_numbers = #tpu.dot_dimension_numbers<[1], [1], [0], [0], [0, 0, 1, 0], [], []>, transpose_lhs_hint = false} : vector<160x64xbf16>, vector<160x64xbf16>, vector<160x160xf32> -> vector<160x160xf32>
    %min3A_1414 = arith.constant 8.000000e+01 : f32
    %min3A_1415 = vector.broadcast %min3A_1414 : f32 to vector<160x160xf32>
    %min3A_1416 = arith.minimumf %dot_general3A_1413, %min3A_1415 : vector<160x160xf32>
    %exp3A_1417 = math.exp %min3A_1416 : vector<160x160xf32>
    %mul3A_1418 = arith.mulf %exp3A_1417, %convert_element_type3A_58 : vector<160x160xf32>
    %convert_element_type3A_1419 = arith.truncf %mul3A_1418 : vector<160x160xf32> to vector<160x160xbf16>
    %swap3A_1420 = arith.constant 2880 : index
    %swap3A_1421 = arith.constant 0 : index
    %swap3A_1422 = vector.load %arg12[%swap3A_1420, %swap3A_1421] : memref<5120x160xbf16, #tpu.memory_space<vmem>>, vector<160x160xbf16>
    tpu.vector_store %arg12[%swap3A_1420, %swap3A_1421], %convert_element_type3A_1419 {strides = array<i32>} : memref<5120x160xbf16, #tpu.memory_space<vmem>>, vector<160x160xbf16>,
    %get3A_1423 = arith.constant 3040 : index
    %get3A_1424 = arith.constant 0 : index
    %get3A_1425 = vector.load %arg11[%get3A_1423, %get3A_1424] : memref<5120x192xbf16, #tpu.memory_space<vmem>>, vector<160x64xbf16>
    %get3A_1426 = arith.constant 3040 : index
    %get3A_1427 = arith.constant 64 : index
    %get3A_1428 = vector.load %arg11[%get3A_1426, %get3A_1427] : memref<5120x192xbf16, #tpu.memory_space<vmem>>, vector<160x64xbf16>
    %dot_general3A_1429 = arith.constant dense<0.000000e+00> : vector<160x160xf32>
    %dot_general3A_1430 = tpu.matmul %get3A_1425, %get3A_1428, %dot_general3A_1429 {dimension_numbers = #tpu.dot_dimension_numbers<[1], [1], [0], [0], [0, 0, 1, 0], [], []>, transpose_lhs_hint = false} : vector<160x64xbf16>, vector<160x64xbf16>, vector<160x160xf32> -> vector<160x160xf32>
    %min3A_1431 = arith.constant 8.000000e+01 : f32
    %min3A_1432 = vector.broadcast %min3A_1431 : f32 to vector<160x160xf32>
    %min3A_1433 = arith.minimumf %dot_general3A_1430, %min3A_1432 : vector<160x160xf32>
    %exp3A_1434 = math.exp %min3A_1433 : vector<160x160xf32>
    %mul3A_1435 = arith.mulf %exp3A_1434, %convert_element_type3A_58 : vector<160x160xf32>
    %convert_element_type3A_1436 = arith.truncf %mul3A_1435 : vector<160x160xf32> to vector<160x160xbf16>
    %swap3A_1437 = arith.constant 3040 : index
    %swap3A_1438 = arith.constant 0 : index
    %swap3A_1439 = vector.load %arg12[%swap3A_1437, %swap3A_1438] : memref<5120x160xbf16, #tpu.memory_space<vmem>>, vector<160x160xbf16>
    tpu.vector_store %arg12[%swap3A_1437, %swap3A_1438], %convert_element_type3A_1436 {strides = array<i32>} : memref<5120x160xbf16, #tpu.memory_space<vmem>>, vector<160x160xbf16>,
    %get3A_1440 = arith.constant 3200 : index
    %get3A_1441 = arith.constant 0 : index
    %get3A_1442 = vector.load %arg11[%get3A_1440, %get3A_1441] : memref<5120x192xbf16, #tpu.memory_space<vmem>>, vector<160x64xbf16>
    %get3A_1443 = arith.constant 3200 : index
    %get3A_1444 = arith.constant 64 : index
    %get3A_1445 = vector.load %arg11[%get3A_1443, %get3A_1444] : memref<5120x192xbf16, #tpu.memory_space<vmem>>, vector<160x64xbf16>
    %dot_general3A_1446 = arith.constant dense<0.000000e+00> : vector<160x160xf32>
    %dot_general3A_1447 = tpu.matmul %get3A_1442, %get3A_1445, %dot_general3A_1446 {dimension_numbers = #tpu.dot_dimension_numbers<[1], [1], [0], [0], [0, 0, 1, 0], [], []>, transpose_lhs_hint = false} : vector<160x64xbf16>, vector<160x64xbf16>, vector<160x160xf32> -> vector<160x160xf32>
    %min3A_1448 = arith.constant 8.000000e+01 : f32
    %min3A_1449 = vector.broadcast %min3A_1448 : f32 to vector<160x160xf32>
    %min3A_1450 = arith.minimumf %dot_general3A_1447, %min3A_1449 : vector<160x160xf32>
    %exp3A_1451 = math.exp %min3A_1450 : vector<160x160xf32>
    %mul3A_1452 = arith.mulf %exp3A_1451, %convert_element_type3A_58 : vector<160x160xf32>
    %convert_element_type3A_1453 = arith.truncf %mul3A_1452 : vector<160x160xf32> to vector<160x160xbf16>
    %swap3A_1454 = arith.constant 3200 : index
    %swap3A_1455 = arith.constant 0 : index
    %swap3A_1456 = vector.load %arg12[%swap3A_1454, %swap3A_1455] : memref<5120x160xbf16, #tpu.memory_space<vmem>>, vector<160x160xbf16>
    tpu.vector_store %arg12[%swap3A_1454, %swap3A_1455], %convert_element_type3A_1453 {strides = array<i32>} : memref<5120x160xbf16, #tpu.memory_space<vmem>>, vector<160x160xbf16>,
    %get3A_1457 = arith.constant 3360 : index
    %get3A_1458 = arith.constant 0 : index
    %get3A_1459 = vector.load %arg11[%get3A_1457, %get3A_1458] : memref<5120x192xbf16, #tpu.memory_space<vmem>>, vector<160x64xbf16>
    %get3A_1460 = arith.constant 3360 : index
    %get3A_1461 = arith.constant 64 : index
    %get3A_1462 = vector.load %arg11[%get3A_1460, %get3A_1461] : memref<5120x192xbf16, #tpu.memory_space<vmem>>, vector<160x64xbf16>
    %dot_general3A_1463 = arith.constant dense<0.000000e+00> : vector<160x160xf32>
    %dot_general3A_1464 = tpu.matmul %get3A_1459, %get3A_1462, %dot_general3A_1463 {dimension_numbers = #tpu.dot_dimension_numbers<[1], [1], [0], [0], [0, 0, 1, 0], [], []>, transpose_lhs_hint = false} : vector<160x64xbf16>, vector<160x64xbf16>, vector<160x160xf32> -> vector<160x160xf32>
    %min3A_1465 = arith.constant 8.000000e+01 : f32
    %min3A_1466 = vector.broadcast %min3A_1465 : f32 to vector<160x160xf32>
    %min3A_1467 = arith.minimumf %dot_general3A_1464, %min3A_1466 : vector<160x160xf32>
    %exp3A_1468 = math.exp %min3A_1467 : vector<160x160xf32>
    %mul3A_1469 = arith.mulf %exp3A_1468, %convert_element_type3A_58 : vector<160x160xf32>
    %convert_element_type3A_1470 = arith.truncf %mul3A_1469 : vector<160x160xf32> to vector<160x160xbf16>
    %swap3A_1471 = arith.constant 3360 : index
    %swap3A_1472 = arith.constant 0 : index
    %swap3A_1473 = vector.load %arg12[%swap3A_1471, %swap3A_1472] : memref<5120x160xbf16, #tpu.memory_space<vmem>>, vector<160x160xbf16>
    tpu.vector_store %arg12[%swap3A_1471, %swap3A_1472], %convert_element_type3A_1470 {strides = array<i32>} : memref<5120x160xbf16, #tpu.memory_space<vmem>>, vector<160x160xbf16>,
    %get3A_1474 = arith.constant 3520 : index
    %get3A_1475 = arith.constant 0 : index
    %get3A_1476 = vector.load %arg11[%get3A_1474, %get3A_1475] : memref<5120x192xbf16, #tpu.memory_space<vmem>>, vector<160x64xbf16>
    %get3A_1477 = arith.constant 3520 : index
    %get3A_1478 = arith.constant 64 : index
    %get3A_1479 = vector.load %arg11[%get3A_1477, %get3A_1478] : memref<5120x192xbf16, #tpu.memory_space<vmem>>, vector<160x64xbf16>
    %dot_general3A_1480 = arith.constant dense<0.000000e+00> : vector<160x160xf32>
    %dot_general3A_1481 = tpu.matmul %get3A_1476, %get3A_1479, %dot_general3A_1480 {dimension_numbers = #tpu.dot_dimension_numbers<[1], [1], [0], [0], [0, 0, 1, 0], [], []>, transpose_lhs_hint = false} : vector<160x64xbf16>, vector<160x64xbf16>, vector<160x160xf32> -> vector<160x160xf32>
    %min3A_1482 = arith.constant 8.000000e+01 : f32
    %min3A_1483 = vector.broadcast %min3A_1482 : f32 to vector<160x160xf32>
    %min3A_1484 = arith.minimumf %dot_general3A_1481, %min3A_1483 : vector<160x160xf32>
    %exp3A_1485 = math.exp %min3A_1484 : vector<160x160xf32>
    %mul3A_1486 = arith.mulf %exp3A_1485, %convert_element_type3A_58 : vector<160x160xf32>
    %convert_element_type3A_1487 = arith.truncf %mul3A_1486 : vector<160x160xf32> to vector<160x160xbf16>
    %swap3A_1488 = arith.constant 3520 : index
    %swap3A_1489 = arith.constant 0 : index
    %swap3A_1490 = vector.load %arg12[%swap3A_1488, %swap3A_1489] : memref<5120x160xbf16, #tpu.memory_space<vmem>>, vector<160x160xbf16>
    tpu.vector_store %arg12[%swap3A_1488, %swap3A_1489], %convert_element_type3A_1487 {strides = array<i32>} : memref<5120x160xbf16, #tpu.memory_space<vmem>>, vector<160x160xbf16>,
    %get3A_1491 = arith.constant 3680 : index
    %get3A_1492 = arith.constant 0 : index
    %get3A_1493 = vector.load %arg11[%get3A_1491, %get3A_1492] : memref<5120x192xbf16, #tpu.memory_space<vmem>>, vector<160x64xbf16>
    %get3A_1494 = arith.constant 3680 : index
    %get3A_1495 = arith.constant 64 : index
    %get3A_1496 = vector.load %arg11[%get3A_1494, %get3A_1495] : memref<5120x192xbf16, #tpu.memory_space<vmem>>, vector<160x64xbf16>
    %dot_general3A_1497 = arith.constant dense<0.000000e+00> : vector<160x160xf32>
    %dot_general3A_1498 = tpu.matmul %get3A_1493, %get3A_1496, %dot_general3A_1497 {dimension_numbers = #tpu.dot_dimension_numbers<[1], [1], [0], [0], [0, 0, 1, 0], [], []>, transpose_lhs_hint = false} : vector<160x64xbf16>, vector<160x64xbf16>, vector<160x160xf32> -> vector<160x160xf32>
    %min3A_1499 = arith.constant 8.000000e+01 : f32
    %min3A_1500 = vector.broadcast %min3A_1499 : f32 to vector<160x160xf32>
    %min3A_1501 = arith.minimumf %dot_general3A_1498, %min3A_1500 : vector<160x160xf32>
    %exp3A_1502 = math.exp %min3A_1501 : vector<160x160xf32>
    %mul3A_1503 = arith.mulf %exp3A_1502, %convert_element_type3A_58 : vector<160x160xf32>
    %convert_element_type3A_1504 = arith.truncf %mul3A_1503 : vector<160x160xf32> to vector<160x160xbf16>
    %swap3A_1505 = arith.constant 3680 : index
    %swap3A_1506 = arith.constant 0 : index
    %swap3A_1507 = vector.load %arg12[%swap3A_1505, %swap3A_1506] : memref<5120x160xbf16, #tpu.memory_space<vmem>>, vector<160x160xbf16>
    tpu.vector_store %arg12[%swap3A_1505, %swap3A_1506], %convert_element_type3A_1504 {strides = array<i32>} : memref<5120x160xbf16, #tpu.memory_space<vmem>>, vector<160x160xbf16>,
    %get3A_1508 = arith.constant 3840 : index
    %get3A_1509 = arith.constant 0 : index
    %get3A_1510 = vector.load %arg11[%get3A_1508, %get3A_1509] : memref<5120x192xbf16, #tpu.memory_space<vmem>>, vector<160x64xbf16>
    %get3A_1511 = arith.constant 3840 : index
    %get3A_1512 = arith.constant 64 : index
    %get3A_1513 = vector.load %arg11[%get3A_1511, %get3A_1512] : memref<5120x192xbf16, #tpu.memory_space<vmem>>, vector<160x64xbf16>
    %dot_general3A_1514 = arith.constant dense<0.000000e+00> : vector<160x160xf32>
    %dot_general3A_1515 = tpu.matmul %get3A_1510, %get3A_1513, %dot_general3A_1514 {dimension_numbers = #tpu.dot_dimension_numbers<[1], [1], [0], [0], [0, 0, 1, 0], [], []>, transpose_lhs_hint = false} : vector<160x64xbf16>, vector<160x64xbf16>, vector<160x160xf32> -> vector<160x160xf32>
    %min3A_1516 = arith.constant 8.000000e+01 : f32
    %min3A_1517 = vector.broadcast %min3A_1516 : f32 to vector<160x160xf32>
    %min3A_1518 = arith.minimumf %dot_general3A_1515, %min3A_1517 : vector<160x160xf32>
    %exp3A_1519 = math.exp %min3A_1518 : vector<160x160xf32>
    %mul3A_1520 = arith.mulf %exp3A_1519, %convert_element_type3A_58 : vector<160x160xf32>
    %convert_element_type3A_1521 = arith.truncf %mul3A_1520 : vector<160x160xf32> to vector<160x160xbf16>
    %swap3A_1522 = arith.constant 3840 : index
    %swap3A_1523 = arith.constant 0 : index
    %swap3A_1524 = vector.load %arg12[%swap3A_1522, %swap3A_1523] : memref<5120x160xbf16, #tpu.memory_space<vmem>>, vector<160x160xbf16>
    tpu.vector_store %arg12[%swap3A_1522, %swap3A_1523], %convert_element_type3A_1521 {strides = array<i32>} : memref<5120x160xbf16, #tpu.memory_space<vmem>>, vector<160x160xbf16>,
    %get3A_1525 = arith.constant 4000 : index
    %get3A_1526 = arith.constant 0 : index
    %get3A_1527 = vector.load %arg11[%get3A_1525, %get3A_1526] : memref<5120x192xbf16, #tpu.memory_space<vmem>>, vector<160x64xbf16>
    %get3A_1528 = arith.constant 4000 : index
    %get3A_1529 = arith.constant 64 : index
    %get3A_1530 = vector.load %arg11[%get3A_1528, %get3A_1529] : memref<5120x192xbf16, #tpu.memory_space<vmem>>, vector<160x64xbf16>
    %dot_general3A_1531 = arith.constant dense<0.000000e+00> : vector<160x160xf32>
    %dot_general3A_1532 = tpu.matmul %get3A_1527, %get3A_1530, %dot_general3A_1531 {dimension_numbers = #tpu.dot_dimension_numbers<[1], [1], [0], [0], [0, 0, 1, 0], [], []>, transpose_lhs_hint = false} : vector<160x64xbf16>, vector<160x64xbf16>, vector<160x160xf32> -> vector<160x160xf32>
    %min3A_1533 = arith.constant 8.000000e+01 : f32
    %min3A_1534 = vector.broadcast %min3A_1533 : f32 to vector<160x160xf32>
    %min3A_1535 = arith.minimumf %dot_general3A_1532, %min3A_1534 : vector<160x160xf32>
    %exp3A_1536 = math.exp %min3A_1535 : vector<160x160xf32>
    %mul3A_1537 = arith.mulf %exp3A_1536, %convert_element_type3A_58 : vector<160x160xf32>
    %convert_element_type3A_1538 = arith.truncf %mul3A_1537 : vector<160x160xf32> to vector<160x160xbf16>
    %swap3A_1539 = arith.constant 4000 : index
    %swap3A_1540 = arith.constant 0 : index
    %swap3A_1541 = vector.load %arg12[%swap3A_1539, %swap3A_1540] : memref<5120x160xbf16, #tpu.memory_space<vmem>>, vector<160x160xbf16>
    tpu.vector_store %arg12[%swap3A_1539, %swap3A_1540], %convert_element_type3A_1538 {strides = array<i32>} : memref<5120x160xbf16, #tpu.memory_space<vmem>>, vector<160x160xbf16>,
    %get3A_1542 = arith.constant 4160 : index
    %get3A_1543 = arith.constant 0 : index
    %get3A_1544 = vector.load %arg11[%get3A_1542, %get3A_1543] : memref<5120x192xbf16, #tpu.memory_space<vmem>>, vector<160x64xbf16>
    %get3A_1545 = arith.constant 4160 : index
    %get3A_1546 = arith.constant 64 : index
    %get3A_1547 = vector.load %arg11[%get3A_1545, %get3A_1546] : memref<5120x192xbf16, #tpu.memory_space<vmem>>, vector<160x64xbf16>
    %dot_general3A_1548 = arith.constant dense<0.000000e+00> : vector<160x160xf32>
    %dot_general3A_1549 = tpu.matmul %get3A_1544, %get3A_1547, %dot_general3A_1548 {dimension_numbers = #tpu.dot_dimension_numbers<[1], [1], [0], [0], [0, 0, 1, 0], [], []>, transpose_lhs_hint = false} : vector<160x64xbf16>, vector<160x64xbf16>, vector<160x160xf32> -> vector<160x160xf32>
    %min3A_1550 = arith.constant 8.000000e+01 : f32
    %min3A_1551 = vector.broadcast %min3A_1550 : f32 to vector<160x160xf32>
    %min3A_1552 = arith.minimumf %dot_general3A_1549, %min3A_1551 : vector<160x160xf32>
    %exp3A_1553 = math.exp %min3A_1552 : vector<160x160xf32>
    %mul3A_1554 = arith.mulf %exp3A_1553, %convert_element_type3A_58 : vector<160x160xf32>
    %convert_element_type3A_1555 = arith.truncf %mul3A_1554 : vector<160x160xf32> to vector<160x160xbf16>
    %swap3A_1556 = arith.constant 4160 : index
    %swap3A_1557 = arith.constant 0 : index
    %swap3A_1558 = vector.load %arg12[%swap3A_1556, %swap3A_1557] : memref<5120x160xbf16, #tpu.memory_space<vmem>>, vector<160x160xbf16>
    tpu.vector_store %arg12[%swap3A_1556, %swap3A_1557], %convert_element_type3A_1555 {strides = array<i32>} : memref<5120x160xbf16, #tpu.memory_space<vmem>>, vector<160x160xbf16>,
    %get3A_1559 = arith.constant 4320 : index
    %get3A_1560 = arith.constant 0 : index
    %get3A_1561 = vector.load %arg11[%get3A_1559, %get3A_1560] : memref<5120x192xbf16, #tpu.memory_space<vmem>>, vector<160x64xbf16>
    %get3A_1562 = arith.constant 4320 : index
    %get3A_1563 = arith.constant 64 : index
    %get3A_1564 = vector.load %arg11[%get3A_1562, %get3A_1563] : memref<5120x192xbf16, #tpu.memory_space<vmem>>, vector<160x64xbf16>
    %dot_general3A_1565 = arith.constant dense<0.000000e+00> : vector<160x160xf32>
    %dot_general3A_1566 = tpu.matmul %get3A_1561, %get3A_1564, %dot_general3A_1565 {dimension_numbers = #tpu.dot_dimension_numbers<[1], [1], [0], [0], [0, 0, 1, 0], [], []>, transpose_lhs_hint = false} : vector<160x64xbf16>, vector<160x64xbf16>, vector<160x160xf32> -> vector<160x160xf32>
    %min3A_1567 = arith.constant 8.000000e+01 : f32
    %min3A_1568 = vector.broadcast %min3A_1567 : f32 to vector<160x160xf32>
    %min3A_1569 = arith.minimumf %dot_general3A_1566, %min3A_1568 : vector<160x160xf32>
    %exp3A_1570 = math.exp %min3A_1569 : vector<160x160xf32>
    %mul3A_1571 = arith.mulf %exp3A_1570, %convert_element_type3A_58 : vector<160x160xf32>
    %convert_element_type3A_1572 = arith.truncf %mul3A_1571 : vector<160x160xf32> to vector<160x160xbf16>
    %swap3A_1573 = arith.constant 4320 : index
    %swap3A_1574 = arith.constant 0 : index
    %swap3A_1575 = vector.load %arg12[%swap3A_1573, %swap3A_1574] : memref<5120x160xbf16, #tpu.memory_space<vmem>>, vector<160x160xbf16>
    tpu.vector_store %arg12[%swap3A_1573, %swap3A_1574], %convert_element_type3A_1572 {strides = array<i32>} : memref<5120x160xbf16, #tpu.memory_space<vmem>>, vector<160x160xbf16>,
    %get3A_1576 = arith.constant 4480 : index
    %get3A_1577 = arith.constant 0 : index
    %get3A_1578 = vector.load %arg11[%get3A_1576, %get3A_1577] : memref<5120x192xbf16, #tpu.memory_space<vmem>>, vector<160x64xbf16>
    %get3A_1579 = arith.constant 4480 : index
    %get3A_1580 = arith.constant 64 : index
    %get3A_1581 = vector.load %arg11[%get3A_1579, %get3A_1580] : memref<5120x192xbf16, #tpu.memory_space<vmem>>, vector<160x64xbf16>
    %dot_general3A_1582 = arith.constant dense<0.000000e+00> : vector<160x160xf32>
    %dot_general3A_1583 = tpu.matmul %get3A_1578, %get3A_1581, %dot_general3A_1582 {dimension_numbers = #tpu.dot_dimension_numbers<[1], [1], [0], [0], [0, 0, 1, 0], [], []>, transpose_lhs_hint = false} : vector<160x64xbf16>, vector<160x64xbf16>, vector<160x160xf32> -> vector<160x160xf32>
    %min3A_1584 = arith.constant 8.000000e+01 : f32
    %min3A_1585 = vector.broadcast %min3A_1584 : f32 to vector<160x160xf32>
    %min3A_1586 = arith.minimumf %dot_general3A_1583, %min3A_1585 : vector<160x160xf32>
    %exp3A_1587 = math.exp %min3A_1586 : vector<160x160xf32>
    %mul3A_1588 = arith.mulf %exp3A_1587, %convert_element_type3A_58 : vector<160x160xf32>
    %convert_element_type3A_1589 = arith.truncf %mul3A_1588 : vector<160x160xf32> to vector<160x160xbf16>
    %swap3A_1590 = arith.constant 4480 : index
    %swap3A_1591 = arith.constant 0 : index
    %swap3A_1592 = vector.load %arg12[%swap3A_1590, %swap3A_1591] : memref<5120x160xbf16, #tpu.memory_space<vmem>>, vector<160x160xbf16>
    tpu.vector_store %arg12[%swap3A_1590, %swap3A_1591], %convert_element_type3A_1589 {strides = array<i32>} : memref<5120x160xbf16, #tpu.memory_space<vmem>>, vector<160x160xbf16>,
    %get3A_1593 = arith.constant 4640 : index
    %get3A_1594 = arith.constant 0 : index
    %get3A_1595 = vector.load %arg11[%get3A_1593, %get3A_1594] : memref<5120x192xbf16, #tpu.memory_space<vmem>>, vector<160x64xbf16>
    %get3A_1596 = arith.constant 4640 : index
    %get3A_1597 = arith.constant 64 : index
    %get3A_1598 = vector.load %arg11[%get3A_1596, %get3A_1597] : memref<5120x192xbf16, #tpu.memory_space<vmem>>, vector<160x64xbf16>
    %dot_general3A_1599 = arith.constant dense<0.000000e+00> : vector<160x160xf32>
    %dot_general3A_1600 = tpu.matmul %get3A_1595, %get3A_1598, %dot_general3A_1599 {dimension_numbers = #tpu.dot_dimension_numbers<[1], [1], [0], [0], [0, 0, 1, 0], [], []>, transpose_lhs_hint = false} : vector<160x64xbf16>, vector<160x64xbf16>, vector<160x160xf32> -> vector<160x160xf32>
    %min3A_1601 = arith.constant 8.000000e+01 : f32
    %min3A_1602 = vector.broadcast %min3A_1601 : f32 to vector<160x160xf32>
    %min3A_1603 = arith.minimumf %dot_general3A_1600, %min3A_1602 : vector<160x160xf32>
    %exp3A_1604 = math.exp %min3A_1603 : vector<160x160xf32>
    %mul3A_1605 = arith.mulf %exp3A_1604, %convert_element_type3A_58 : vector<160x160xf32>
    %convert_element_type3A_1606 = arith.truncf %mul3A_1605 : vector<160x160xf32> to vector<160x160xbf16>
    %swap3A_1607 = arith.constant 4640 : index
    %swap3A_1608 = arith.constant 0 : index
    %swap3A_1609 = vector.load %arg12[%swap3A_1607, %swap3A_1608] : memref<5120x160xbf16, #tpu.memory_space<vmem>>, vector<160x160xbf16>
    tpu.vector_store %arg12[%swap3A_1607, %swap3A_1608], %convert_element_type3A_1606 {strides = array<i32>} : memref<5120x160xbf16, #tpu.memory_space<vmem>>, vector<160x160xbf16>,
    %get3A_1610 = arith.constant 4800 : index
    %get3A_1611 = arith.constant 0 : index
    %get3A_1612 = vector.load %arg11[%get3A_1610, %get3A_1611] : memref<5120x192xbf16, #tpu.memory_space<vmem>>, vector<160x64xbf16>
    %get3A_1613 = arith.constant 4800 : index
    %get3A_1614 = arith.constant 64 : index
    %get3A_1615 = vector.load %arg11[%get3A_1613, %get3A_1614] : memref<5120x192xbf16, #tpu.memory_space<vmem>>, vector<160x64xbf16>
    %dot_general3A_1616 = arith.constant dense<0.000000e+00> : vector<160x160xf32>
    %dot_general3A_1617 = tpu.matmul %get3A_1612, %get3A_1615, %dot_general3A_1616 {dimension_numbers = #tpu.dot_dimension_numbers<[1], [1], [0], [0], [0, 0, 1, 0], [], []>, transpose_lhs_hint = false} : vector<160x64xbf16>, vector<160x64xbf16>, vector<160x160xf32> -> vector<160x160xf32>
    %min3A_1618 = arith.constant 8.000000e+01 : f32
    %min3A_1619 = vector.broadcast %min3A_1618 : f32 to vector<160x160xf32>
    %min3A_1620 = arith.minimumf %dot_general3A_1617, %min3A_1619 : vector<160x160xf32>
    %exp3A_1621 = math.exp %min3A_1620 : vector<160x160xf32>
    %mul3A_1622 = arith.mulf %exp3A_1621, %convert_element_type3A_58 : vector<160x160xf32>
    %convert_element_type3A_1623 = arith.truncf %mul3A_1622 : vector<160x160xf32> to vector<160x160xbf16>
    %swap3A_1624 = arith.constant 4800 : index
    %swap3A_1625 = arith.constant 0 : index
    %swap3A_1626 = vector.load %arg12[%swap3A_1624, %swap3A_1625] : memref<5120x160xbf16, #tpu.memory_space<vmem>>, vector<160x160xbf16>
    tpu.vector_store %arg12[%swap3A_1624, %swap3A_1625], %convert_element_type3A_1623 {strides = array<i32>} : memref<5120x160xbf16, #tpu.memory_space<vmem>>, vector<160x160xbf16>,
    %get3A_1627 = arith.constant 4960 : index
    %get3A_1628 = arith.constant 0 : index
    %get3A_1629 = vector.load %arg11[%get3A_1627, %get3A_1628] : memref<5120x192xbf16, #tpu.memory_space<vmem>>, vector<160x64xbf16>
    %get3A_1630 = arith.constant 4960 : index
    %get3A_1631 = arith.constant 64 : index
    %get3A_1632 = vector.load %arg11[%get3A_1630, %get3A_1631] : memref<5120x192xbf16, #tpu.memory_space<vmem>>, vector<160x64xbf16>
    %dot_general3A_1633 = arith.constant dense<0.000000e+00> : vector<160x160xf32>
    %dot_general3A_1634 = tpu.matmul %get3A_1629, %get3A_1632, %dot_general3A_1633 {dimension_numbers = #tpu.dot_dimension_numbers<[1], [1], [0], [0], [0, 0, 1, 0], [], []>, transpose_lhs_hint = false} : vector<160x64xbf16>, vector<160x64xbf16>, vector<160x160xf32> -> vector<160x160xf32>
    %min3A_1635 = arith.constant 8.000000e+01 : f32
    %min3A_1636 = vector.broadcast %min3A_1635 : f32 to vector<160x160xf32>
    %min3A_1637 = arith.minimumf %dot_general3A_1634, %min3A_1636 : vector<160x160xf32>
    %exp3A_1638 = math.exp %min3A_1637 : vector<160x160xf32>
    %mul3A_1639 = arith.mulf %exp3A_1638, %convert_element_type3A_58 : vector<160x160xf32>
    %convert_element_type3A_1640 = arith.truncf %mul3A_1639 : vector<160x160xf32> to vector<160x160xbf16>
    %swap3A_1641 = arith.constant 4960 : index
    %swap3A_1642 = arith.constant 0 : index
    %swap3A_1643 = vector.load %arg12[%swap3A_1641, %swap3A_1642] : memref<5120x160xbf16, #tpu.memory_space<vmem>>, vector<160x160xbf16>
    tpu.vector_store %arg12[%swap3A_1641, %swap3A_1642], %convert_element_type3A_1640 {strides = array<i32>} : memref<5120x160xbf16, #tpu.memory_space<vmem>>, vector<160x160xbf16>,
    %get3A_1644 = arith.constant 0 : index
    %get3A_1645 = arith.constant 128 : index
    %get3A_1646 = vector.load %arg11[%get3A_1644, %get3A_1645] : memref<5120x192xbf16, #tpu.memory_space<vmem>>, vector<160x64xbf16>
    %concatenate3A_1647 = tpu.concatenate %get3A_1646, %broadcast_in_dim3A_2 in 1 : vector<160x64xbf16>, vector<160x1xbf16> -> vector<160x65xbf16>
    %get3A_1648 = arith.constant 0 : index
    %get3A_1649 = arith.constant 0 : index
    %get3A_1650 = vector.load %arg12[%get3A_1648, %get3A_1649] : memref<5120x160xbf16, #tpu.memory_space<vmem>>, vector<160x160xbf16>
    %dot_general3A_1651 = arith.constant dense<0.000000e+00> : vector<160x65xf32>
    %dot_general3A_1652 = tpu.matmul %get3A_1650, %concatenate3A_1647, %dot_general3A_1651 {dimension_numbers = #tpu.dot_dimension_numbers<[1], [0], [0], [1], [0, 0, 1, 1], [], []>, transpose_lhs_hint = false} : vector<160x160xbf16>, vector<160x65xbf16>, vector<160x65xf32> -> vector<160x65xf32>
    %swap3A_1653 = arith.constant 0 : index
    %swap3A_1654 = arith.constant 0 : index
    %swap3A_1655 = vector.load %arg13[%swap3A_1653, %swap3A_1654] : memref<5120x72xf32, #tpu.memory_space<vmem>>, vector<160x65xf32>
    tpu.vector_store %arg13[%swap3A_1653, %swap3A_1654], %dot_general3A_1652 {strides = array<i32>} : memref<5120x72xf32, #tpu.memory_space<vmem>>, vector<160x65xf32>,
    %get3A_1656 = arith.constant 160 : index
    %get3A_1657 = arith.constant 128 : index
    %get3A_1658 = vector.load %arg11[%get3A_1656, %get3A_1657] : memref<5120x192xbf16, #tpu.memory_space<vmem>>, vector<160x64xbf16>
    %concatenate3A_1659 = tpu.concatenate %get3A_1658, %broadcast_in_dim3A_2 in 1 : vector<160x64xbf16>, vector<160x1xbf16> -> vector<160x65xbf16>
    %get3A_1660 = arith.constant 160 : index
    %get3A_1661 = arith.constant 0 : index
    %get3A_1662 = vector.load %arg12[%get3A_1660, %get3A_1661] : memref<5120x160xbf16, #tpu.memory_space<vmem>>, vector<160x160xbf16>
    %dot_general3A_1663 = arith.constant dense<0.000000e+00> : vector<160x65xf32>
    %dot_general3A_1664 = tpu.matmul %get3A_1662, %concatenate3A_1659, %dot_general3A_1663 {dimension_numbers = #tpu.dot_dimension_numbers<[1], [0], [0], [1], [0, 0, 1, 1], [], []>, transpose_lhs_hint = false} : vector<160x160xbf16>, vector<160x65xbf16>, vector<160x65xf32> -> vector<160x65xf32>
    %swap3A_1665 = arith.constant 160 : index
    %swap3A_1666 = arith.constant 0 : index
    %swap3A_1667 = vector.load %arg13[%swap3A_1665, %swap3A_1666] : memref<5120x72xf32, #tpu.memory_space<vmem>>, vector<160x65xf32>
    tpu.vector_store %arg13[%swap3A_1665, %swap3A_1666], %dot_general3A_1664 {strides = array<i32>} : memref<5120x72xf32, #tpu.memory_space<vmem>>, vector<160x65xf32>,
    %get3A_1668 = arith.constant 320 : index
    %get3A_1669 = arith.constant 128 : index
    %get3A_1670 = vector.load %arg11[%get3A_1668, %get3A_1669] : memref<5120x192xbf16, #tpu.memory_space<vmem>>, vector<160x64xbf16>
    %concatenate3A_1671 = tpu.concatenate %get3A_1670, %broadcast_in_dim3A_2 in 1 : vector<160x64xbf16>, vector<160x1xbf16> -> vector<160x65xbf16>
    %get3A_1672 = arith.constant 320 : index
    %get3A_1673 = arith.constant 0 : index
    %get3A_1674 = vector.load %arg12[%get3A_1672, %get3A_1673] : memref<5120x160xbf16, #tpu.memory_space<vmem>>, vector<160x160xbf16>
    %dot_general3A_1675 = arith.constant dense<0.000000e+00> : vector<160x65xf32>
    %dot_general3A_1676 = tpu.matmul %get3A_1674, %concatenate3A_1671, %dot_general3A_1675 {dimension_numbers = #tpu.dot_dimension_numbers<[1], [0], [0], [1], [0, 0, 1, 1], [], []>, transpose_lhs_hint = false} : vector<160x160xbf16>, vector<160x65xbf16>, vector<160x65xf32> -> vector<160x65xf32>
    %swap3A_1677 = arith.constant 320 : index
    %swap3A_1678 = arith.constant 0 : index
    %swap3A_1679 = vector.load %arg13[%swap3A_1677, %swap3A_1678] : memref<5120x72xf32, #tpu.memory_space<vmem>>, vector<160x65xf32>
    tpu.vector_store %arg13[%swap3A_1677, %swap3A_1678], %dot_general3A_1676 {strides = array<i32>} : memref<5120x72xf32, #tpu.memory_space<vmem>>, vector<160x65xf32>,
    %get3A_1680 = arith.constant 480 : index
    %get3A_1681 = arith.constant 128 : index
    %get3A_1682 = vector.load %arg11[%get3A_1680, %get3A_1681] : memref<5120x192xbf16, #tpu.memory_space<vmem>>, vector<160x64xbf16>
    %concatenate3A_1683 = tpu.concatenate %get3A_1682, %broadcast_in_dim3A_2 in 1 : vector<160x64xbf16>, vector<160x1xbf16> -> vector<160x65xbf16>
    %get3A_1684 = arith.constant 480 : index
    %get3A_1685 = arith.constant 0 : index
    %get3A_1686 = vector.load %arg12[%get3A_1684, %get3A_1685] : memref<5120x160xbf16, #tpu.memory_space<vmem>>, vector<160x160xbf16>
    %dot_general3A_1687 = arith.constant dense<0.000000e+00> : vector<160x65xf32>
    %dot_general3A_1688 = tpu.matmul %get3A_1686, %concatenate3A_1683, %dot_general3A_1687 {dimension_numbers = #tpu.dot_dimension_numbers<[1], [0], [0], [1], [0, 0, 1, 1], [], []>, transpose_lhs_hint = false} : vector<160x160xbf16>, vector<160x65xbf16>, vector<160x65xf32> -> vector<160x65xf32>
    %swap3A_1689 = arith.constant 480 : index
    %swap3A_1690 = arith.constant 0 : index
    %swap3A_1691 = vector.load %arg13[%swap3A_1689, %swap3A_1690] : memref<5120x72xf32, #tpu.memory_space<vmem>>, vector<160x65xf32>
    tpu.vector_store %arg13[%swap3A_1689, %swap3A_1690], %dot_general3A_1688 {strides = array<i32>} : memref<5120x72xf32, #tpu.memory_space<vmem>>, vector<160x65xf32>,
    %get3A_1692 = arith.constant 640 : index
    %get3A_1693 = arith.constant 128 : index
    %get3A_1694 = vector.load %arg11[%get3A_1692, %get3A_1693] : memref<5120x192xbf16, #tpu.memory_space<vmem>>, vector<160x64xbf16>
    %concatenate3A_1695 = tpu.concatenate %get3A_1694, %broadcast_in_dim3A_2 in 1 : vector<160x64xbf16>, vector<160x1xbf16> -> vector<160x65xbf16>
    %get3A_1696 = arith.constant 640 : index
    %get3A_1697 = arith.constant 0 : index
    %get3A_1698 = vector.load %arg12[%get3A_1696, %get3A_1697] : memref<5120x160xbf16, #tpu.memory_space<vmem>>, vector<160x160xbf16>
    %dot_general3A_1699 = arith.constant dense<0.000000e+00> : vector<160x65xf32>
    %dot_general3A_1700 = tpu.matmul %get3A_1698, %concatenate3A_1695, %dot_general3A_1699 {dimension_numbers = #tpu.dot_dimension_numbers<[1], [0], [0], [1], [0, 0, 1, 1], [], []>, transpose_lhs_hint = false} : vector<160x160xbf16>, vector<160x65xbf16>, vector<160x65xf32> -> vector<160x65xf32>
    %swap3A_1701 = arith.constant 640 : index
    %swap3A_1702 = arith.constant 0 : index
    %swap3A_1703 = vector.load %arg13[%swap3A_1701, %swap3A_1702] : memref<5120x72xf32, #tpu.memory_space<vmem>>, vector<160x65xf32>
    tpu.vector_store %arg13[%swap3A_1701, %swap3A_1702], %dot_general3A_1700 {strides = array<i32>} : memref<5120x72xf32, #tpu.memory_space<vmem>>, vector<160x65xf32>,
    %get3A_1704 = arith.constant 800 : index
    %get3A_1705 = arith.constant 128 : index
    %get3A_1706 = vector.load %arg11[%get3A_1704, %get3A_1705] : memref<5120x192xbf16, #tpu.memory_space<vmem>>, vector<160x64xbf16>
    %concatenate3A_1707 = tpu.concatenate %get3A_1706, %broadcast_in_dim3A_2 in 1 : vector<160x64xbf16>, vector<160x1xbf16> -> vector<160x65xbf16>
    %get3A_1708 = arith.constant 800 : index
    %get3A_1709 = arith.constant 0 : index
    %get3A_1710 = vector.load %arg12[%get3A_1708, %get3A_1709] : memref<5120x160xbf16, #tpu.memory_space<vmem>>, vector<160x160xbf16>
    %dot_general3A_1711 = arith.constant dense<0.000000e+00> : vector<160x65xf32>
    %dot_general3A_1712 = tpu.matmul %get3A_1710, %concatenate3A_1707, %dot_general3A_1711 {dimension_numbers = #tpu.dot_dimension_numbers<[1], [0], [0], [1], [0, 0, 1, 1], [], []>, transpose_lhs_hint = false} : vector<160x160xbf16>, vector<160x65xbf16>, vector<160x65xf32> -> vector<160x65xf32>
    %swap3A_1713 = arith.constant 800 : index
    %swap3A_1714 = arith.constant 0 : index
    %swap3A_1715 = vector.load %arg13[%swap3A_1713, %swap3A_1714] : memref<5120x72xf32, #tpu.memory_space<vmem>>, vector<160x65xf32>
    tpu.vector_store %arg13[%swap3A_1713, %swap3A_1714], %dot_general3A_1712 {strides = array<i32>} : memref<5120x72xf32, #tpu.memory_space<vmem>>, vector<160x65xf32>,
    %get3A_1716 = arith.constant 960 : index
    %get3A_1717 = arith.constant 128 : index
    %get3A_1718 = vector.load %arg11[%get3A_1716, %get3A_1717] : memref<5120x192xbf16, #tpu.memory_space<vmem>>, vector<160x64xbf16>
    %concatenate3A_1719 = tpu.concatenate %get3A_1718, %broadcast_in_dim3A_2 in 1 : vector<160x64xbf16>, vector<160x1xbf16> -> vector<160x65xbf16>
    %get3A_1720 = arith.constant 960 : index
    %get3A_1721 = arith.constant 0 : index
    %get3A_1722 = vector.load %arg12[%get3A_1720, %get3A_1721] : memref<5120x160xbf16, #tpu.memory_space<vmem>>, vector<160x160xbf16>
    %dot_general3A_1723 = arith.constant dense<0.000000e+00> : vector<160x65xf32>
    %dot_general3A_1724 = tpu.matmul %get3A_1722, %concatenate3A_1719, %dot_general3A_1723 {dimension_numbers = #tpu.dot_dimension_numbers<[1], [0], [0], [1], [0, 0, 1, 1], [], []>, transpose_lhs_hint = false} : vector<160x160xbf16>, vector<160x65xbf16>, vector<160x65xf32> -> vector<160x65xf32>
    %swap3A_1725 = arith.constant 960 : index
    %swap3A_1726 = arith.constant 0 : index
    %swap3A_1727 = vector.load %arg13[%swap3A_1725, %swap3A_1726] : memref<5120x72xf32, #tpu.memory_space<vmem>>, vector<160x65xf32>
    tpu.vector_store %arg13[%swap3A_1725, %swap3A_1726], %dot_general3A_1724 {strides = array<i32>} : memref<5120x72xf32, #tpu.memory_space<vmem>>, vector<160x65xf32>,
    %get3A_1728 = arith.constant 1120 : index
    %get3A_1729 = arith.constant 128 : index
    %get3A_1730 = vector.load %arg11[%get3A_1728, %get3A_1729] : memref<5120x192xbf16, #tpu.memory_space<vmem>>, vector<160x64xbf16>
    %concatenate3A_1731 = tpu.concatenate %get3A_1730, %broadcast_in_dim3A_2 in 1 : vector<160x64xbf16>, vector<160x1xbf16> -> vector<160x65xbf16>
    %get3A_1732 = arith.constant 1120 : index
    %get3A_1733 = arith.constant 0 : index
    %get3A_1734 = vector.load %arg12[%get3A_1732, %get3A_1733] : memref<5120x160xbf16, #tpu.memory_space<vmem>>, vector<160x160xbf16>
    %dot_general3A_1735 = arith.constant dense<0.000000e+00> : vector<160x65xf32>
    %dot_general3A_1736 = tpu.matmul %get3A_1734, %concatenate3A_1731, %dot_general3A_1735 {dimension_numbers = #tpu.dot_dimension_numbers<[1], [0], [0], [1], [0, 0, 1, 1], [], []>, transpose_lhs_hint = false} : vector<160x160xbf16>, vector<160x65xbf16>, vector<160x65xf32> -> vector<160x65xf32>
    %swap3A_1737 = arith.constant 1120 : index
    %swap3A_1738 = arith.constant 0 : index
    %swap3A_1739 = vector.load %arg13[%swap3A_1737, %swap3A_1738] : memref<5120x72xf32, #tpu.memory_space<vmem>>, vector<160x65xf32>
    tpu.vector_store %arg13[%swap3A_1737, %swap3A_1738], %dot_general3A_1736 {strides = array<i32>} : memref<5120x72xf32, #tpu.memory_space<vmem>>, vector<160x65xf32>,
    %get3A_1740 = arith.constant 1280 : index
    %get3A_1741 = arith.constant 128 : index
    %get3A_1742 = vector.load %arg11[%get3A_1740, %get3A_1741] : memref<5120x192xbf16, #tpu.memory_space<vmem>>, vector<160x64xbf16>
    %concatenate3A_1743 = tpu.concatenate %get3A_1742, %broadcast_in_dim3A_2 in 1 : vector<160x64xbf16>, vector<160x1xbf16> -> vector<160x65xbf16>
    %get3A_1744 = arith.constant 1280 : index
    %get3A_1745 = arith.constant 0 : index
    %get3A_1746 = vector.load %arg12[%get3A_1744, %get3A_1745] : memref<5120x160xbf16, #tpu.memory_space<vmem>>, vector<160x160xbf16>
    %dot_general3A_1747 = arith.constant dense<0.000000e+00> : vector<160x65xf32>
    %dot_general3A_1748 = tpu.matmul %get3A_1746, %concatenate3A_1743, %dot_general3A_1747 {dimension_numbers = #tpu.dot_dimension_numbers<[1], [0], [0], [1], [0, 0, 1, 1], [], []>, transpose_lhs_hint = false} : vector<160x160xbf16>, vector<160x65xbf16>, vector<160x65xf32> -> vector<160x65xf32>
    %swap3A_1749 = arith.constant 1280 : index
    %swap3A_1750 = arith.constant 0 : index
    %swap3A_1751 = vector.load %arg13[%swap3A_1749, %swap3A_1750] : memref<5120x72xf32, #tpu.memory_space<vmem>>, vector<160x65xf32>
    tpu.vector_store %arg13[%swap3A_1749, %swap3A_1750], %dot_general3A_1748 {strides = array<i32>} : memref<5120x72xf32, #tpu.memory_space<vmem>>, vector<160x65xf32>,
    %get3A_1752 = arith.constant 1440 : index
    %get3A_1753 = arith.constant 128 : index
    %get3A_1754 = vector.load %arg11[%get3A_1752, %get3A_1753] : memref<5120x192xbf16, #tpu.memory_space<vmem>>, vector<160x64xbf16>
    %concatenate3A_1755 = tpu.concatenate %get3A_1754, %broadcast_in_dim3A_2 in 1 : vector<160x64xbf16>, vector<160x1xbf16> -> vector<160x65xbf16>
    %get3A_1756 = arith.constant 1440 : index
    %get3A_1757 = arith.constant 0 : index
    %get3A_1758 = vector.load %arg12[%get3A_1756, %get3A_1757] : memref<5120x160xbf16, #tpu.memory_space<vmem>>, vector<160x160xbf16>
    %dot_general3A_1759 = arith.constant dense<0.000000e+00> : vector<160x65xf32>
    %dot_general3A_1760 = tpu.matmul %get3A_1758, %concatenate3A_1755, %dot_general3A_1759 {dimension_numbers = #tpu.dot_dimension_numbers<[1], [0], [0], [1], [0, 0, 1, 1], [], []>, transpose_lhs_hint = false} : vector<160x160xbf16>, vector<160x65xbf16>, vector<160x65xf32> -> vector<160x65xf32>
    %swap3A_1761 = arith.constant 1440 : index
    %swap3A_1762 = arith.constant 0 : index
    %swap3A_1763 = vector.load %arg13[%swap3A_1761, %swap3A_1762] : memref<5120x72xf32, #tpu.memory_space<vmem>>, vector<160x65xf32>
    tpu.vector_store %arg13[%swap3A_1761, %swap3A_1762], %dot_general3A_1760 {strides = array<i32>} : memref<5120x72xf32, #tpu.memory_space<vmem>>, vector<160x65xf32>,
    %get3A_1764 = arith.constant 1600 : index
    %get3A_1765 = arith.constant 128 : index
    %get3A_1766 = vector.load %arg11[%get3A_1764, %get3A_1765] : memref<5120x192xbf16, #tpu.memory_space<vmem>>, vector<160x64xbf16>
    %concatenate3A_1767 = tpu.concatenate %get3A_1766, %broadcast_in_dim3A_2 in 1 : vector<160x64xbf16>, vector<160x1xbf16> -> vector<160x65xbf16>
    %get3A_1768 = arith.constant 1600 : index
    %get3A_1769 = arith.constant 0 : index
    %get3A_1770 = vector.load %arg12[%get3A_1768, %get3A_1769] : memref<5120x160xbf16, #tpu.memory_space<vmem>>, vector<160x160xbf16>
    %dot_general3A_1771 = arith.constant dense<0.000000e+00> : vector<160x65xf32>
    %dot_general3A_1772 = tpu.matmul %get3A_1770, %concatenate3A_1767, %dot_general3A_1771 {dimension_numbers = #tpu.dot_dimension_numbers<[1], [0], [0], [1], [0, 0, 1, 1], [], []>, transpose_lhs_hint = false} : vector<160x160xbf16>, vector<160x65xbf16>, vector<160x65xf32> -> vector<160x65xf32>
    %swap3A_1773 = arith.constant 1600 : index
    %swap3A_1774 = arith.constant 0 : index
    %swap3A_1775 = vector.load %arg13[%swap3A_1773, %swap3A_1774] : memref<5120x72xf32, #tpu.memory_space<vmem>>, vector<160x65xf32>
    tpu.vector_store %arg13[%swap3A_1773, %swap3A_1774], %dot_general3A_1772 {strides = array<i32>} : memref<5120x72xf32, #tpu.memory_space<vmem>>, vector<160x65xf32>,
    %get3A_1776 = arith.constant 1760 : index
    %get3A_1777 = arith.constant 128 : index
    %get3A_1778 = vector.load %arg11[%get3A_1776, %get3A_1777] : memref<5120x192xbf16, #tpu.memory_space<vmem>>, vector<160x64xbf16>
    %concatenate3A_1779 = tpu.concatenate %get3A_1778, %broadcast_in_dim3A_2 in 1 : vector<160x64xbf16>, vector<160x1xbf16> -> vector<160x65xbf16>
    %get3A_1780 = arith.constant 1760 : index
    %get3A_1781 = arith.constant 0 : index
    %get3A_1782 = vector.load %arg12[%get3A_1780, %get3A_1781] : memref<5120x160xbf16, #tpu.memory_space<vmem>>, vector<160x160xbf16>
    %dot_general3A_1783 = arith.constant dense<0.000000e+00> : vector<160x65xf32>
    %dot_general3A_1784 = tpu.matmul %get3A_1782, %concatenate3A_1779, %dot_general3A_1783 {dimension_numbers = #tpu.dot_dimension_numbers<[1], [0], [0], [1], [0, 0, 1, 1], [], []>, transpose_lhs_hint = false} : vector<160x160xbf16>, vector<160x65xbf16>, vector<160x65xf32> -> vector<160x65xf32>
    %swap3A_1785 = arith.constant 1760 : index
    %swap3A_1786 = arith.constant 0 : index
    %swap3A_1787 = vector.load %arg13[%swap3A_1785, %swap3A_1786] : memref<5120x72xf32, #tpu.memory_space<vmem>>, vector<160x65xf32>
    tpu.vector_store %arg13[%swap3A_1785, %swap3A_1786], %dot_general3A_1784 {strides = array<i32>} : memref<5120x72xf32, #tpu.memory_space<vmem>>, vector<160x65xf32>,
    %get3A_1788 = arith.constant 1920 : index
    %get3A_1789 = arith.constant 128 : index
    %get3A_1790 = vector.load %arg11[%get3A_1788, %get3A_1789] : memref<5120x192xbf16, #tpu.memory_space<vmem>>, vector<160x64xbf16>
    %concatenate3A_1791 = tpu.concatenate %get3A_1790, %broadcast_in_dim3A_2 in 1 : vector<160x64xbf16>, vector<160x1xbf16> -> vector<160x65xbf16>
    %get3A_1792 = arith.constant 1920 : index
    %get3A_1793 = arith.constant 0 : index
    %get3A_1794 = vector.load %arg12[%get3A_1792, %get3A_1793] : memref<5120x160xbf16, #tpu.memory_space<vmem>>, vector<160x160xbf16>
    %dot_general3A_1795 = arith.constant dense<0.000000e+00> : vector<160x65xf32>
    %dot_general3A_1796 = tpu.matmul %get3A_1794, %concatenate3A_1791, %dot_general3A_1795 {dimension_numbers = #tpu.dot_dimension_numbers<[1], [0], [0], [1], [0, 0, 1, 1], [], []>, transpose_lhs_hint = false} : vector<160x160xbf16>, vector<160x65xbf16>, vector<160x65xf32> -> vector<160x65xf32>
    %swap3A_1797 = arith.constant 1920 : index
    %swap3A_1798 = arith.constant 0 : index
    %swap3A_1799 = vector.load %arg13[%swap3A_1797, %swap3A_1798] : memref<5120x72xf32, #tpu.memory_space<vmem>>, vector<160x65xf32>
    tpu.vector_store %arg13[%swap3A_1797, %swap3A_1798], %dot_general3A_1796 {strides = array<i32>} : memref<5120x72xf32, #tpu.memory_space<vmem>>, vector<160x65xf32>,
    %get3A_1800 = arith.constant 2080 : index
    %get3A_1801 = arith.constant 128 : index
    %get3A_1802 = vector.load %arg11[%get3A_1800, %get3A_1801] : memref<5120x192xbf16, #tpu.memory_space<vmem>>, vector<160x64xbf16>
    %concatenate3A_1803 = tpu.concatenate %get3A_1802, %broadcast_in_dim3A_2 in 1 : vector<160x64xbf16>, vector<160x1xbf16> -> vector<160x65xbf16>
    %get3A_1804 = arith.constant 2080 : index
    %get3A_1805 = arith.constant 0 : index
    %get3A_1806 = vector.load %arg12[%get3A_1804, %get3A_1805] : memref<5120x160xbf16, #tpu.memory_space<vmem>>, vector<160x160xbf16>
    %dot_general3A_1807 = arith.constant dense<0.000000e+00> : vector<160x65xf32>
    %dot_general3A_1808 = tpu.matmul %get3A_1806, %concatenate3A_1803, %dot_general3A_1807 {dimension_numbers = #tpu.dot_dimension_numbers<[1], [0], [0], [1], [0, 0, 1, 1], [], []>, transpose_lhs_hint = false} : vector<160x160xbf16>, vector<160x65xbf16>, vector<160x65xf32> -> vector<160x65xf32>
    %swap3A_1809 = arith.constant 2080 : index
    %swap3A_1810 = arith.constant 0 : index
    %swap3A_1811 = vector.load %arg13[%swap3A_1809, %swap3A_1810] : memref<5120x72xf32, #tpu.memory_space<vmem>>, vector<160x65xf32>
    tpu.vector_store %arg13[%swap3A_1809, %swap3A_1810], %dot_general3A_1808 {strides = array<i32>} : memref<5120x72xf32, #tpu.memory_space<vmem>>, vector<160x65xf32>,
    %get3A_1812 = arith.constant 2240 : index
    %get3A_1813 = arith.constant 128 : index
    %get3A_1814 = vector.load %arg11[%get3A_1812, %get3A_1813] : memref<5120x192xbf16, #tpu.memory_space<vmem>>, vector<160x64xbf16>
    %concatenate3A_1815 = tpu.concatenate %get3A_1814, %broadcast_in_dim3A_2 in 1 : vector<160x64xbf16>, vector<160x1xbf16> -> vector<160x65xbf16>
    %get3A_1816 = arith.constant 2240 : index
    %get3A_1817 = arith.constant 0 : index
    %get3A_1818 = vector.load %arg12[%get3A_1816, %get3A_1817] : memref<5120x160xbf16, #tpu.memory_space<vmem>>, vector<160x160xbf16>
    %dot_general3A_1819 = arith.constant dense<0.000000e+00> : vector<160x65xf32>
    %dot_general3A_1820 = tpu.matmul %get3A_1818, %concatenate3A_1815, %dot_general3A_1819 {dimension_numbers = #tpu.dot_dimension_numbers<[1], [0], [0], [1], [0, 0, 1, 1], [], []>, transpose_lhs_hint = false} : vector<160x160xbf16>, vector<160x65xbf16>, vector<160x65xf32> -> vector<160x65xf32>
    %swap3A_1821 = arith.constant 2240 : index
    %swap3A_1822 = arith.constant 0 : index
    %swap3A_1823 = vector.load %arg13[%swap3A_1821, %swap3A_1822] : memref<5120x72xf32, #tpu.memory_space<vmem>>, vector<160x65xf32>
    tpu.vector_store %arg13[%swap3A_1821, %swap3A_1822], %dot_general3A_1820 {strides = array<i32>} : memref<5120x72xf32, #tpu.memory_space<vmem>>, vector<160x65xf32>,
    %get3A_1824 = arith.constant 2400 : index
    %get3A_1825 = arith.constant 128 : index
    %get3A_1826 = vector.load %arg11[%get3A_1824, %get3A_1825] : memref<5120x192xbf16, #tpu.memory_space<vmem>>, vector<160x64xbf16>
    %concatenate3A_1827 = tpu.concatenate %get3A_1826, %broadcast_in_dim3A_2 in 1 : vector<160x64xbf16>, vector<160x1xbf16> -> vector<160x65xbf16>
    %get3A_1828 = arith.constant 2400 : index
    %get3A_1829 = arith.constant 0 : index
    %get3A_1830 = vector.load %arg12[%get3A_1828, %get3A_1829] : memref<5120x160xbf16, #tpu.memory_space<vmem>>, vector<160x160xbf16>
    %dot_general3A_1831 = arith.constant dense<0.000000e+00> : vector<160x65xf32>
    %dot_general3A_1832 = tpu.matmul %get3A_1830, %concatenate3A_1827, %dot_general3A_1831 {dimension_numbers = #tpu.dot_dimension_numbers<[1], [0], [0], [1], [0, 0, 1, 1], [], []>, transpose_lhs_hint = false} : vector<160x160xbf16>, vector<160x65xbf16>, vector<160x65xf32> -> vector<160x65xf32>
    %swap3A_1833 = arith.constant 2400 : index
    %swap3A_1834 = arith.constant 0 : index
    %swap3A_1835 = vector.load %arg13[%swap3A_1833, %swap3A_1834] : memref<5120x72xf32, #tpu.memory_space<vmem>>, vector<160x65xf32>
    tpu.vector_store %arg13[%swap3A_1833, %swap3A_1834], %dot_general3A_1832 {strides = array<i32>} : memref<5120x72xf32, #tpu.memory_space<vmem>>, vector<160x65xf32>,
    %get3A_1836 = arith.constant 2560 : index
    %get3A_1837 = arith.constant 128 : index
    %get3A_1838 = vector.load %arg11[%get3A_1836, %get3A_1837] : memref<5120x192xbf16, #tpu.memory_space<vmem>>, vector<160x64xbf16>
    %concatenate3A_1839 = tpu.concatenate %get3A_1838, %broadcast_in_dim3A_2 in 1 : vector<160x64xbf16>, vector<160x1xbf16> -> vector<160x65xbf16>
    %get3A_1840 = arith.constant 2560 : index
    %get3A_1841 = arith.constant 0 : index
    %get3A_1842 = vector.load %arg12[%get3A_1840, %get3A_1841] : memref<5120x160xbf16, #tpu.memory_space<vmem>>, vector<160x160xbf16>
    %dot_general3A_1843 = arith.constant dense<0.000000e+00> : vector<160x65xf32>
    %dot_general3A_1844 = tpu.matmul %get3A_1842, %concatenate3A_1839, %dot_general3A_1843 {dimension_numbers = #tpu.dot_dimension_numbers<[1], [0], [0], [1], [0, 0, 1, 1], [], []>, transpose_lhs_hint = false} : vector<160x160xbf16>, vector<160x65xbf16>, vector<160x65xf32> -> vector<160x65xf32>
    %swap3A_1845 = arith.constant 2560 : index
    %swap3A_1846 = arith.constant 0 : index
    %swap3A_1847 = vector.load %arg13[%swap3A_1845, %swap3A_1846] : memref<5120x72xf32, #tpu.memory_space<vmem>>, vector<160x65xf32>
    tpu.vector_store %arg13[%swap3A_1845, %swap3A_1846], %dot_general3A_1844 {strides = array<i32>} : memref<5120x72xf32, #tpu.memory_space<vmem>>, vector<160x65xf32>,
    %get3A_1848 = arith.constant 2720 : index
    %get3A_1849 = arith.constant 128 : index
    %get3A_1850 = vector.load %arg11[%get3A_1848, %get3A_1849] : memref<5120x192xbf16, #tpu.memory_space<vmem>>, vector<160x64xbf16>
    %concatenate3A_1851 = tpu.concatenate %get3A_1850, %broadcast_in_dim3A_2 in 1 : vector<160x64xbf16>, vector<160x1xbf16> -> vector<160x65xbf16>
    %get3A_1852 = arith.constant 2720 : index
    %get3A_1853 = arith.constant 0 : index
    %get3A_1854 = vector.load %arg12[%get3A_1852, %get3A_1853] : memref<5120x160xbf16, #tpu.memory_space<vmem>>, vector<160x160xbf16>
    %dot_general3A_1855 = arith.constant dense<0.000000e+00> : vector<160x65xf32>
    %dot_general3A_1856 = tpu.matmul %get3A_1854, %concatenate3A_1851, %dot_general3A_1855 {dimension_numbers = #tpu.dot_dimension_numbers<[1], [0], [0], [1], [0, 0, 1, 1], [], []>, transpose_lhs_hint = false} : vector<160x160xbf16>, vector<160x65xbf16>, vector<160x65xf32> -> vector<160x65xf32>
    %swap3A_1857 = arith.constant 2720 : index
    %swap3A_1858 = arith.constant 0 : index
    %swap3A_1859 = vector.load %arg13[%swap3A_1857, %swap3A_1858] : memref<5120x72xf32, #tpu.memory_space<vmem>>, vector<160x65xf32>
    tpu.vector_store %arg13[%swap3A_1857, %swap3A_1858], %dot_general3A_1856 {strides = array<i32>} : memref<5120x72xf32, #tpu.memory_space<vmem>>, vector<160x65xf32>,
    %get3A_1860 = arith.constant 2880 : index
    %get3A_1861 = arith.constant 128 : index
    %get3A_1862 = vector.load %arg11[%get3A_1860, %get3A_1861] : memref<5120x192xbf16, #tpu.memory_space<vmem>>, vector<160x64xbf16>
    %concatenate3A_1863 = tpu.concatenate %get3A_1862, %broadcast_in_dim3A_2 in 1 : vector<160x64xbf16>, vector<160x1xbf16> -> vector<160x65xbf16>
    %get3A_1864 = arith.constant 2880 : index
    %get3A_1865 = arith.constant 0 : index
    %get3A_1866 = vector.load %arg12[%get3A_1864, %get3A_1865] : memref<5120x160xbf16, #tpu.memory_space<vmem>>, vector<160x160xbf16>
    %dot_general3A_1867 = arith.constant dense<0.000000e+00> : vector<160x65xf32>
    %dot_general3A_1868 = tpu.matmul %get3A_1866, %concatenate3A_1863, %dot_general3A_1867 {dimension_numbers = #tpu.dot_dimension_numbers<[1], [0], [0], [1], [0, 0, 1, 1], [], []>, transpose_lhs_hint = false} : vector<160x160xbf16>, vector<160x65xbf16>, vector<160x65xf32> -> vector<160x65xf32>
    %swap3A_1869 = arith.constant 2880 : index
    %swap3A_1870 = arith.constant 0 : index
    %swap3A_1871 = vector.load %arg13[%swap3A_1869, %swap3A_1870] : memref<5120x72xf32, #tpu.memory_space<vmem>>, vector<160x65xf32>
    tpu.vector_store %arg13[%swap3A_1869, %swap3A_1870], %dot_general3A_1868 {strides = array<i32>} : memref<5120x72xf32, #tpu.memory_space<vmem>>, vector<160x65xf32>,
    %get3A_1872 = arith.constant 3040 : index
    %get3A_1873 = arith.constant 128 : index
    %get3A_1874 = vector.load %arg11[%get3A_1872, %get3A_1873] : memref<5120x192xbf16, #tpu.memory_space<vmem>>, vector<160x64xbf16>
    %concatenate3A_1875 = tpu.concatenate %get3A_1874, %broadcast_in_dim3A_2 in 1 : vector<160x64xbf16>, vector<160x1xbf16> -> vector<160x65xbf16>
    %get3A_1876 = arith.constant 3040 : index
    %get3A_1877 = arith.constant 0 : index
    %get3A_1878 = vector.load %arg12[%get3A_1876, %get3A_1877] : memref<5120x160xbf16, #tpu.memory_space<vmem>>, vector<160x160xbf16>
    %dot_general3A_1879 = arith.constant dense<0.000000e+00> : vector<160x65xf32>
    %dot_general3A_1880 = tpu.matmul %get3A_1878, %concatenate3A_1875, %dot_general3A_1879 {dimension_numbers = #tpu.dot_dimension_numbers<[1], [0], [0], [1], [0, 0, 1, 1], [], []>, transpose_lhs_hint = false} : vector<160x160xbf16>, vector<160x65xbf16>, vector<160x65xf32> -> vector<160x65xf32>
    %swap3A_1881 = arith.constant 3040 : index
    %swap3A_1882 = arith.constant 0 : index
    %swap3A_1883 = vector.load %arg13[%swap3A_1881, %swap3A_1882] : memref<5120x72xf32, #tpu.memory_space<vmem>>, vector<160x65xf32>
    tpu.vector_store %arg13[%swap3A_1881, %swap3A_1882], %dot_general3A_1880 {strides = array<i32>} : memref<5120x72xf32, #tpu.memory_space<vmem>>, vector<160x65xf32>,
    %get3A_1884 = arith.constant 3200 : index
    %get3A_1885 = arith.constant 128 : index
    %get3A_1886 = vector.load %arg11[%get3A_1884, %get3A_1885] : memref<5120x192xbf16, #tpu.memory_space<vmem>>, vector<160x64xbf16>
    %concatenate3A_1887 = tpu.concatenate %get3A_1886, %broadcast_in_dim3A_2 in 1 : vector<160x64xbf16>, vector<160x1xbf16> -> vector<160x65xbf16>
    %get3A_1888 = arith.constant 3200 : index
    %get3A_1889 = arith.constant 0 : index
    %get3A_1890 = vector.load %arg12[%get3A_1888, %get3A_1889] : memref<5120x160xbf16, #tpu.memory_space<vmem>>, vector<160x160xbf16>
    %dot_general3A_1891 = arith.constant dense<0.000000e+00> : vector<160x65xf32>
    %dot_general3A_1892 = tpu.matmul %get3A_1890, %concatenate3A_1887, %dot_general3A_1891 {dimension_numbers = #tpu.dot_dimension_numbers<[1], [0], [0], [1], [0, 0, 1, 1], [], []>, transpose_lhs_hint = false} : vector<160x160xbf16>, vector<160x65xbf16>, vector<160x65xf32> -> vector<160x65xf32>
    %swap3A_1893 = arith.constant 3200 : index
    %swap3A_1894 = arith.constant 0 : index
    %swap3A_1895 = vector.load %arg13[%swap3A_1893, %swap3A_1894] : memref<5120x72xf32, #tpu.memory_space<vmem>>, vector<160x65xf32>
    tpu.vector_store %arg13[%swap3A_1893, %swap3A_1894], %dot_general3A_1892 {strides = array<i32>} : memref<5120x72xf32, #tpu.memory_space<vmem>>, vector<160x65xf32>,
    %get3A_1896 = arith.constant 3360 : index
    %get3A_1897 = arith.constant 128 : index
    %get3A_1898 = vector.load %arg11[%get3A_1896, %get3A_1897] : memref<5120x192xbf16, #tpu.memory_space<vmem>>, vector<160x64xbf16>
    %concatenate3A_1899 = tpu.concatenate %get3A_1898, %broadcast_in_dim3A_2 in 1 : vector<160x64xbf16>, vector<160x1xbf16> -> vector<160x65xbf16>
    %get3A_1900 = arith.constant 3360 : index
    %get3A_1901 = arith.constant 0 : index
    %get3A_1902 = vector.load %arg12[%get3A_1900, %get3A_1901] : memref<5120x160xbf16, #tpu.memory_space<vmem>>, vector<160x160xbf16>
    %dot_general3A_1903 = arith.constant dense<0.000000e+00> : vector<160x65xf32>
    %dot_general3A_1904 = tpu.matmul %get3A_1902, %concatenate3A_1899, %dot_general3A_1903 {dimension_numbers = #tpu.dot_dimension_numbers<[1], [0], [0], [1], [0, 0, 1, 1], [], []>, transpose_lhs_hint = false} : vector<160x160xbf16>, vector<160x65xbf16>, vector<160x65xf32> -> vector<160x65xf32>
    %swap3A_1905 = arith.constant 3360 : index
    %swap3A_1906 = arith.constant 0 : index
    %swap3A_1907 = vector.load %arg13[%swap3A_1905, %swap3A_1906] : memref<5120x72xf32, #tpu.memory_space<vmem>>, vector<160x65xf32>
    tpu.vector_store %arg13[%swap3A_1905, %swap3A_1906], %dot_general3A_1904 {strides = array<i32>} : memref<5120x72xf32, #tpu.memory_space<vmem>>, vector<160x65xf32>,
    %get3A_1908 = arith.constant 3520 : index
    %get3A_1909 = arith.constant 128 : index
    %get3A_1910 = vector.load %arg11[%get3A_1908, %get3A_1909] : memref<5120x192xbf16, #tpu.memory_space<vmem>>, vector<160x64xbf16>
    %concatenate3A_1911 = tpu.concatenate %get3A_1910, %broadcast_in_dim3A_2 in 1 : vector<160x64xbf16>, vector<160x1xbf16> -> vector<160x65xbf16>
    %get3A_1912 = arith.constant 3520 : index
    %get3A_1913 = arith.constant 0 : index
    %get3A_1914 = vector.load %arg12[%get3A_1912, %get3A_1913] : memref<5120x160xbf16, #tpu.memory_space<vmem>>, vector<160x160xbf16>
    %dot_general3A_1915 = arith.constant dense<0.000000e+00> : vector<160x65xf32>
    %dot_general3A_1916 = tpu.matmul %get3A_1914, %concatenate3A_1911, %dot_general3A_1915 {dimension_numbers = #tpu.dot_dimension_numbers<[1], [0], [0], [1], [0, 0, 1, 1], [], []>, transpose_lhs_hint = false} : vector<160x160xbf16>, vector<160x65xbf16>, vector<160x65xf32> -> vector<160x65xf32>
    %swap3A_1917 = arith.constant 3520 : index
    %swap3A_1918 = arith.constant 0 : index
    %swap3A_1919 = vector.load %arg13[%swap3A_1917, %swap3A_1918] : memref<5120x72xf32, #tpu.memory_space<vmem>>, vector<160x65xf32>
    tpu.vector_store %arg13[%swap3A_1917, %swap3A_1918], %dot_general3A_1916 {strides = array<i32>} : memref<5120x72xf32, #tpu.memory_space<vmem>>, vector<160x65xf32>,
    %get3A_1920 = arith.constant 3680 : index
    %get3A_1921 = arith.constant 128 : index
    %get3A_1922 = vector.load %arg11[%get3A_1920, %get3A_1921] : memref<5120x192xbf16, #tpu.memory_space<vmem>>, vector<160x64xbf16>
    %concatenate3A_1923 = tpu.concatenate %get3A_1922, %broadcast_in_dim3A_2 in 1 : vector<160x64xbf16>, vector<160x1xbf16> -> vector<160x65xbf16>
    %get3A_1924 = arith.constant 3680 : index
    %get3A_1925 = arith.constant 0 : index
    %get3A_1926 = vector.load %arg12[%get3A_1924, %get3A_1925] : memref<5120x160xbf16, #tpu.memory_space<vmem>>, vector<160x160xbf16>
    %dot_general3A_1927 = arith.constant dense<0.000000e+00> : vector<160x65xf32>
    %dot_general3A_1928 = tpu.matmul %get3A_1926, %concatenate3A_1923, %dot_general3A_1927 {dimension_numbers = #tpu.dot_dimension_numbers<[1], [0], [0], [1], [0, 0, 1, 1], [], []>, transpose_lhs_hint = false} : vector<160x160xbf16>, vector<160x65xbf16>, vector<160x65xf32> -> vector<160x65xf32>
    %swap3A_1929 = arith.constant 3680 : index
    %swap3A_1930 = arith.constant 0 : index
    %swap3A_1931 = vector.load %arg13[%swap3A_1929, %swap3A_1930] : memref<5120x72xf32, #tpu.memory_space<vmem>>, vector<160x65xf32>
    tpu.vector_store %arg13[%swap3A_1929, %swap3A_1930], %dot_general3A_1928 {strides = array<i32>} : memref<5120x72xf32, #tpu.memory_space<vmem>>, vector<160x65xf32>,
    %get3A_1932 = arith.constant 3840 : index
    %get3A_1933 = arith.constant 128 : index
    %get3A_1934 = vector.load %arg11[%get3A_1932, %get3A_1933] : memref<5120x192xbf16, #tpu.memory_space<vmem>>, vector<160x64xbf16>
    %concatenate3A_1935 = tpu.concatenate %get3A_1934, %broadcast_in_dim3A_2 in 1 : vector<160x64xbf16>, vector<160x1xbf16> -> vector<160x65xbf16>
    %get3A_1936 = arith.constant 3840 : index
    %get3A_1937 = arith.constant 0 : index
    %get3A_1938 = vector.load %arg12[%get3A_1936, %get3A_1937] : memref<5120x160xbf16, #tpu.memory_space<vmem>>, vector<160x160xbf16>
    %dot_general3A_1939 = arith.constant dense<0.000000e+00> : vector<160x65xf32>
    %dot_general3A_1940 = tpu.matmul %get3A_1938, %concatenate3A_1935, %dot_general3A_1939 {dimension_numbers = #tpu.dot_dimension_numbers<[1], [0], [0], [1], [0, 0, 1, 1], [], []>, transpose_lhs_hint = false} : vector<160x160xbf16>, vector<160x65xbf16>, vector<160x65xf32> -> vector<160x65xf32>
    %swap3A_1941 = arith.constant 3840 : index
    %swap3A_1942 = arith.constant 0 : index
    %swap3A_1943 = vector.load %arg13[%swap3A_1941, %swap3A_1942] : memref<5120x72xf32, #tpu.memory_space<vmem>>, vector<160x65xf32>
    tpu.vector_store %arg13[%swap3A_1941, %swap3A_1942], %dot_general3A_1940 {strides = array<i32>} : memref<5120x72xf32, #tpu.memory_space<vmem>>, vector<160x65xf32>,
    %get3A_1944 = arith.constant 4000 : index
    %get3A_1945 = arith.constant 128 : index
    %get3A_1946 = vector.load %arg11[%get3A_1944, %get3A_1945] : memref<5120x192xbf16, #tpu.memory_space<vmem>>, vector<160x64xbf16>
    %concatenate3A_1947 = tpu.concatenate %get3A_1946, %broadcast_in_dim3A_2 in 1 : vector<160x64xbf16>, vector<160x1xbf16> -> vector<160x65xbf16>
    %get3A_1948 = arith.constant 4000 : index
    %get3A_1949 = arith.constant 0 : index
    %get3A_1950 = vector.load %arg12[%get3A_1948, %get3A_1949] : memref<5120x160xbf16, #tpu.memory_space<vmem>>, vector<160x160xbf16>
    %dot_general3A_1951 = arith.constant dense<0.000000e+00> : vector<160x65xf32>
    %dot_general3A_1952 = tpu.matmul %get3A_1950, %concatenate3A_1947, %dot_general3A_1951 {dimension_numbers = #tpu.dot_dimension_numbers<[1], [0], [0], [1], [0, 0, 1, 1], [], []>, transpose_lhs_hint = false} : vector<160x160xbf16>, vector<160x65xbf16>, vector<160x65xf32> -> vector<160x65xf32>
    %swap3A_1953 = arith.constant 4000 : index
    %swap3A_1954 = arith.constant 0 : index
    %swap3A_1955 = vector.load %arg13[%swap3A_1953, %swap3A_1954] : memref<5120x72xf32, #tpu.memory_space<vmem>>, vector<160x65xf32>
    tpu.vector_store %arg13[%swap3A_1953, %swap3A_1954], %dot_general3A_1952 {strides = array<i32>} : memref<5120x72xf32, #tpu.memory_space<vmem>>, vector<160x65xf32>,
    %get3A_1956 = arith.constant 4160 : index
    %get3A_1957 = arith.constant 128 : index
    %get3A_1958 = vector.load %arg11[%get3A_1956, %get3A_1957] : memref<5120x192xbf16, #tpu.memory_space<vmem>>, vector<160x64xbf16>
    %concatenate3A_1959 = tpu.concatenate %get3A_1958, %broadcast_in_dim3A_2 in 1 : vector<160x64xbf16>, vector<160x1xbf16> -> vector<160x65xbf16>
    %get3A_1960 = arith.constant 4160 : index
    %get3A_1961 = arith.constant 0 : index
    %get3A_1962 = vector.load %arg12[%get3A_1960, %get3A_1961] : memref<5120x160xbf16, #tpu.memory_space<vmem>>, vector<160x160xbf16>
    %dot_general3A_1963 = arith.constant dense<0.000000e+00> : vector<160x65xf32>
    %dot_general3A_1964 = tpu.matmul %get3A_1962, %concatenate3A_1959, %dot_general3A_1963 {dimension_numbers = #tpu.dot_dimension_numbers<[1], [0], [0], [1], [0, 0, 1, 1], [], []>, transpose_lhs_hint = false} : vector<160x160xbf16>, vector<160x65xbf16>, vector<160x65xf32> -> vector<160x65xf32>
    %swap3A_1965 = arith.constant 4160 : index
    %swap3A_1966 = arith.constant 0 : index
    %swap3A_1967 = vector.load %arg13[%swap3A_1965, %swap3A_1966] : memref<5120x72xf32, #tpu.memory_space<vmem>>, vector<160x65xf32>
    tpu.vector_store %arg13[%swap3A_1965, %swap3A_1966], %dot_general3A_1964 {strides = array<i32>} : memref<5120x72xf32, #tpu.memory_space<vmem>>, vector<160x65xf32>,
    %get3A_1968 = arith.constant 4320 : index
    %get3A_1969 = arith.constant 128 : index
    %get3A_1970 = vector.load %arg11[%get3A_1968, %get3A_1969] : memref<5120x192xbf16, #tpu.memory_space<vmem>>, vector<160x64xbf16>
    %concatenate3A_1971 = tpu.concatenate %get3A_1970, %broadcast_in_dim3A_2 in 1 : vector<160x64xbf16>, vector<160x1xbf16> -> vector<160x65xbf16>
    %get3A_1972 = arith.constant 4320 : index
    %get3A_1973 = arith.constant 0 : index
    %get3A_1974 = vector.load %arg12[%get3A_1972, %get3A_1973] : memref<5120x160xbf16, #tpu.memory_space<vmem>>, vector<160x160xbf16>
    %dot_general3A_1975 = arith.constant dense<0.000000e+00> : vector<160x65xf32>
    %dot_general3A_1976 = tpu.matmul %get3A_1974, %concatenate3A_1971, %dot_general3A_1975 {dimension_numbers = #tpu.dot_dimension_numbers<[1], [0], [0], [1], [0, 0, 1, 1], [], []>, transpose_lhs_hint = false} : vector<160x160xbf16>, vector<160x65xbf16>, vector<160x65xf32> -> vector<160x65xf32>
    %swap3A_1977 = arith.constant 4320 : index
    %swap3A_1978 = arith.constant 0 : index
    %swap3A_1979 = vector.load %arg13[%swap3A_1977, %swap3A_1978] : memref<5120x72xf32, #tpu.memory_space<vmem>>, vector<160x65xf32>
    tpu.vector_store %arg13[%swap3A_1977, %swap3A_1978], %dot_general3A_1976 {strides = array<i32>} : memref<5120x72xf32, #tpu.memory_space<vmem>>, vector<160x65xf32>,
    %get3A_1980 = arith.constant 4480 : index
    %get3A_1981 = arith.constant 128 : index
    %get3A_1982 = vector.load %arg11[%get3A_1980, %get3A_1981] : memref<5120x192xbf16, #tpu.memory_space<vmem>>, vector<160x64xbf16>
    %concatenate3A_1983 = tpu.concatenate %get3A_1982, %broadcast_in_dim3A_2 in 1 : vector<160x64xbf16>, vector<160x1xbf16> -> vector<160x65xbf16>
    %get3A_1984 = arith.constant 4480 : index
    %get3A_1985 = arith.constant 0 : index
    %get3A_1986 = vector.load %arg12[%get3A_1984, %get3A_1985] : memref<5120x160xbf16, #tpu.memory_space<vmem>>, vector<160x160xbf16>
    %dot_general3A_1987 = arith.constant dense<0.000000e+00> : vector<160x65xf32>
    %dot_general3A_1988 = tpu.matmul %get3A_1986, %concatenate3A_1983, %dot_general3A_1987 {dimension_numbers = #tpu.dot_dimension_numbers<[1], [0], [0], [1], [0, 0, 1, 1], [], []>, transpose_lhs_hint = false} : vector<160x160xbf16>, vector<160x65xbf16>, vector<160x65xf32> -> vector<160x65xf32>
    %swap3A_1989 = arith.constant 4480 : index
    %swap3A_1990 = arith.constant 0 : index
    %swap3A_1991 = vector.load %arg13[%swap3A_1989, %swap3A_1990] : memref<5120x72xf32, #tpu.memory_space<vmem>>, vector<160x65xf32>
    tpu.vector_store %arg13[%swap3A_1989, %swap3A_1990], %dot_general3A_1988 {strides = array<i32>} : memref<5120x72xf32, #tpu.memory_space<vmem>>, vector<160x65xf32>,
    %get3A_1992 = arith.constant 4640 : index
    %get3A_1993 = arith.constant 128 : index
    %get3A_1994 = vector.load %arg11[%get3A_1992, %get3A_1993] : memref<5120x192xbf16, #tpu.memory_space<vmem>>, vector<160x64xbf16>
    %concatenate3A_1995 = tpu.concatenate %get3A_1994, %broadcast_in_dim3A_2 in 1 : vector<160x64xbf16>, vector<160x1xbf16> -> vector<160x65xbf16>
    %get3A_1996 = arith.constant 4640 : index
    %get3A_1997 = arith.constant 0 : index
    %get3A_1998 = vector.load %arg12[%get3A_1996, %get3A_1997] : memref<5120x160xbf16, #tpu.memory_space<vmem>>, vector<160x160xbf16>
    %dot_general3A_1999 = arith.constant dense<0.000000e+00> : vector<160x65xf32>
    %dot_general3A_2000 = tpu.matmul %get3A_1998, %concatenate3A_1995, %dot_general3A_1999 {dimension_numbers = #tpu.dot_dimension_numbers<[1], [0], [0], [1], [0, 0, 1, 1], [], []>, transpose_lhs_hint = false} : vector<160x160xbf16>, vector<160x65xbf16>, vector<160x65xf32> -> vector<160x65xf32>
    %swap3A_2001 = arith.constant 4640 : index
    %swap3A_2002 = arith.constant 0 : index
    %swap3A_2003 = vector.load %arg13[%swap3A_2001, %swap3A_2002] : memref<5120x72xf32, #tpu.memory_space<vmem>>, vector<160x65xf32>
    tpu.vector_store %arg13[%swap3A_2001, %swap3A_2002], %dot_general3A_2000 {strides = array<i32>} : memref<5120x72xf32, #tpu.memory_space<vmem>>, vector<160x65xf32>,
    %get3A_2004 = arith.constant 4800 : index
    %get3A_2005 = arith.constant 128 : index
    %get3A_2006 = vector.load %arg11[%get3A_2004, %get3A_2005] : memref<5120x192xbf16, #tpu.memory_space<vmem>>, vector<160x64xbf16>
    %concatenate3A_2007 = tpu.concatenate %get3A_2006, %broadcast_in_dim3A_2 in 1 : vector<160x64xbf16>, vector<160x1xbf16> -> vector<160x65xbf16>
    %get3A_2008 = arith.constant 4800 : index
    %get3A_2009 = arith.constant 0 : index
    %get3A_2010 = vector.load %arg12[%get3A_2008, %get3A_2009] : memref<5120x160xbf16, #tpu.memory_space<vmem>>, vector<160x160xbf16>
    %dot_general3A_2011 = arith.constant dense<0.000000e+00> : vector<160x65xf32>
    %dot_general3A_2012 = tpu.matmul %get3A_2010, %concatenate3A_2007, %dot_general3A_2011 {dimension_numbers = #tpu.dot_dimension_numbers<[1], [0], [0], [1], [0, 0, 1, 1], [], []>, transpose_lhs_hint = false} : vector<160x160xbf16>, vector<160x65xbf16>, vector<160x65xf32> -> vector<160x65xf32>
    %swap3A_2013 = arith.constant 4800 : index
    %swap3A_2014 = arith.constant 0 : index
    %swap3A_2015 = vector.load %arg13[%swap3A_2013, %swap3A_2014] : memref<5120x72xf32, #tpu.memory_space<vmem>>, vector<160x65xf32>
    tpu.vector_store %arg13[%swap3A_2013, %swap3A_2014], %dot_general3A_2012 {strides = array<i32>} : memref<5120x72xf32, #tpu.memory_space<vmem>>, vector<160x65xf32>,
    %get3A_2016 = arith.constant 4960 : index
    %get3A_2017 = arith.constant 128 : index
    %get3A_2018 = vector.load %arg11[%get3A_2016, %get3A_2017] : memref<5120x192xbf16, #tpu.memory_space<vmem>>, vector<160x64xbf16>
    %concatenate3A_2019 = tpu.concatenate %get3A_2018, %broadcast_in_dim3A_2 in 1 : vector<160x64xbf16>, vector<160x1xbf16> -> vector<160x65xbf16>
    %get3A_2020 = arith.constant 4960 : index
    %get3A_2021 = arith.constant 0 : index
    %get3A_2022 = vector.load %arg12[%get3A_2020, %get3A_2021] : memref<5120x160xbf16, #tpu.memory_space<vmem>>, vector<160x160xbf16>
    %dot_general3A_2023 = arith.constant dense<0.000000e+00> : vector<160x65xf32>
    %dot_general3A_2024 = tpu.matmul %get3A_2022, %concatenate3A_2019, %dot_general3A_2023 {dimension_numbers = #tpu.dot_dimension_numbers<[1], [0], [0], [1], [0, 0, 1, 1], [], []>, transpose_lhs_hint = false} : vector<160x160xbf16>, vector<160x65xbf16>, vector<160x65xf32> -> vector<160x65xf32>
    %swap3A_2025 = arith.constant 4960 : index
    %swap3A_2026 = arith.constant 0 : index
    %swap3A_2027 = vector.load %arg13[%swap3A_2025, %swap3A_2026] : memref<5120x72xf32, #tpu.memory_space<vmem>>, vector<160x65xf32>
    tpu.vector_store %arg13[%swap3A_2025, %swap3A_2026], %dot_general3A_2024 {strides = array<i32>} : memref<5120x72xf32, #tpu.memory_space<vmem>>, vector<160x65xf32>,
    %get3A_2028 = arith.constant 0 : index
    %get3A_2029 = arith.constant 64 : index
    %get3A_2030 = vector.load %arg13[%get3A_2028, %get3A_2029] : memref<5120x72xf32, #tpu.memory_space<vmem>>, vector<5120x1xf32>
    %div3A_2031 = arith.constant 1.000000e+00 : f32
    %div3A_2032 = vector.broadcast %div3A_2031 : f32 to vector<5120x1xf32>
    %div3A_2033 = arith.divf %div3A_2032, %get3A_2030 : vector<5120x1xf32>
    %get3A_2034 = arith.constant 0 : index
    %get3A_2035 = arith.constant 0 : index
    %get3A_2036 = vector.load %arg13[%get3A_2034, %get3A_2035] : memref<5120x72xf32, #tpu.memory_space<vmem>>, vector<5120x64xf32>
    %mul3A_2037 = vector.broadcast %div3A_2033 : vector<5120x1xf32> to vector<5120x64xf32>
    %mul3A_2038 = arith.mulf %get3A_2036, %mul3A_2037 : vector<5120x64xf32>
    %add3A_2039 = arith.addf %get3A_1089, %mul3A_2038 : vector<5120x64xf32>
    %get3A_2040 = arith.constant 4 : index
    %get3A_2041 = arith.constant 0 : index
    %get3A_2042 = vector.load %arg8[%get3A_2040, %get3A_2041] : memref<8x64xf32, #tpu.memory_space<vmem>>, vector<1x64xf32>
    %get3A_2043 = arith.constant 5 : index
    %get3A_2044 = arith.constant 0 : index
    %get3A_2045 = vector.load %arg8[%get3A_2043, %get3A_2044] : memref<8x64xf32, #tpu.memory_space<vmem>>, vector<1x64xf32>
    %dot_general3A_2046 = arith.constant dense<0.000000e+00> : vector<5120x1xf32>
    %dot_general3A_2047 = tpu.matmul %add3A_2039, %broadcast_in_dim3A_0, %dot_general3A_2046 {dimension_numbers = #tpu.dot_dimension_numbers<[1], [0], [0], [1], [0, 0, 1, 1], [], []>, transpose_lhs_hint = false} : vector<5120x64xf32>, vector<64x1xf32>, vector<5120x1xf32> -> vector<5120x1xf32>
    %mul3A_2048 = arith.mulf %add3A_2039, %add3A_2039 : vector<5120x64xf32>
    %dot_general3A_2049 = arith.constant dense<0.000000e+00> : vector<5120x1xf32>
    %dot_general3A_2050 = tpu.matmul %mul3A_2048, %broadcast_in_dim3A_0, %dot_general3A_2049 {dimension_numbers = #tpu.dot_dimension_numbers<[1], [0], [0], [1], [0, 0, 1, 1], [], []>, transpose_lhs_hint = false} : vector<5120x64xf32>, vector<64x1xf32>, vector<5120x1xf32> -> vector<5120x1xf32>
    %mul3A_2051 = arith.mulf %dot_general3A_2047, %dot_general3A_2047 : vector<5120x1xf32>
    %sub3A_2052 = arith.subf %dot_general3A_2050, %mul3A_2051 : vector<5120x1xf32>
    %add3A_2053 = arith.constant 9.99999997E-7 : f32
    %add3A_2054 = vector.broadcast %add3A_2053 : f32 to vector<5120x1xf32>
    %add3A_2055 = arith.addf %sub3A_2052, %add3A_2054 : vector<5120x1xf32>
    %rsqrt3A_2056 = math.rsqrt %add3A_2055 : vector<5120x1xf32>
    %sub3A_2057 = vector.broadcast %dot_general3A_2047 : vector<5120x1xf32> to vector<5120x64xf32>
    %sub3A_2058 = arith.subf %add3A_2039, %sub3A_2057 : vector<5120x64xf32>
    %mul3A_2059 = vector.broadcast %rsqrt3A_2056 : vector<5120x1xf32> to vector<5120x64xf32>
    %mul3A_2060 = arith.mulf %sub3A_2058, %mul3A_2059 : vector<5120x64xf32>
    %mul3A_2061 = vector.broadcast %get3A_2042 : vector<1x64xf32> to vector<5120x64xf32>
    %mul3A_2062 = arith.mulf %mul3A_2060, %mul3A_2061 : vector<5120x64xf32>
    %add3A_2063 = vector.broadcast %get3A_2045 : vector<1x64xf32> to vector<5120x64xf32>
    %add3A_2064 = arith.addf %mul3A_2062, %add3A_2063 : vector<5120x64xf32>
    %convert_element_type3A_2065 = arith.truncf %add3A_2064 : vector<5120x64xf32> to vector<5120x64xbf16>
    %get3A_2066 = arith.constant 64 : index
    %get3A_2067 = arith.constant 0 : index
    %get3A_2068 = vector.load %arg4[%get3A_2066, %get3A_2067] : memref<128x256xbf16, #tpu.memory_space<vmem>>, vector<64x256xbf16>
    %dot_general3A_2069 = arith.constant dense<0.000000e+00> : vector<5120x256xf32>
    %dot_general3A_2070 = tpu.matmul %convert_element_type3A_2065, %get3A_2068, %dot_general3A_2069 {dimension_numbers = #tpu.dot_dimension_numbers<[1], [0], [0], [1], [0, 0, 1, 1], [], []>, transpose_lhs_hint = false} : vector<5120x64xbf16>, vector<64x256xbf16>, vector<5120x256xf32> -> vector<5120x256xf32>
    %get3A_2071 = arith.constant 1 : index
    %get3A_2072 = arith.constant 0 : index
    %get3A_2073 = vector.load %arg5[%get3A_2071, %get3A_2072] : memref<2x256xf32, #tpu.memory_space<vmem>>, vector<1x256xf32>
    %add3A_2074 = vector.broadcast %get3A_2073 : vector<1x256xf32> to vector<5120x256xf32>
    %add3A_2075 = arith.addf %dot_general3A_2070, %add3A_2074 : vector<5120x256xf32>
    %max3A_2076 = arith.constant 0.000000e+00 : f32
    %max3A_2077 = vector.broadcast %max3A_2076 : f32 to vector<5120x256xf32>
    %max3A_2078 = arith.maximumf %add3A_2075, %max3A_2077 : vector<5120x256xf32>
    %convert_element_type3A_2079 = arith.truncf %max3A_2078 : vector<5120x256xf32> to vector<5120x256xbf16>
    %get3A_2080 = arith.constant 256 : index
    %get3A_2081 = arith.constant 0 : index
    %get3A_2082 = vector.load %arg6[%get3A_2080, %get3A_2081] : memref<512x64xbf16, #tpu.memory_space<vmem>>, vector<256x64xbf16>
    %dot_general3A_2083 = arith.constant dense<0.000000e+00> : vector<5120x64xf32>
    %dot_general3A_2084 = tpu.matmul %convert_element_type3A_2079, %get3A_2082, %dot_general3A_2083 {dimension_numbers = #tpu.dot_dimension_numbers<[1], [0], [0], [1], [0, 0, 1, 1], [], []>, transpose_lhs_hint = false} : vector<5120x256xbf16>, vector<256x64xbf16>, vector<5120x64xf32> -> vector<5120x64xf32>
    %get3A_2085 = arith.constant 1 : index
    %get3A_2086 = arith.constant 0 : index
    %get3A_2087 = vector.load %arg7[%get3A_2085, %get3A_2086] : memref<2x64xf32, #tpu.memory_space<vmem>>, vector<1x64xf32>
    %add3A_2088 = vector.broadcast %get3A_2087 : vector<1x64xf32> to vector<5120x64xf32>
    %add3A_2089 = arith.addf %dot_general3A_2084, %add3A_2088 : vector<5120x64xf32>
    %add3A_2090 = arith.addf %add3A_2064, %add3A_2089 : vector<5120x64xf32>
    %get3A_2091 = arith.constant 6 : index
    %get3A_2092 = arith.constant 0 : index
    %get3A_2093 = vector.load %arg8[%get3A_2091, %get3A_2092] : memref<8x64xf32, #tpu.memory_space<vmem>>, vector<1x64xf32>
    %get3A_2094 = arith.constant 7 : index
    %get3A_2095 = arith.constant 0 : index
    %get3A_2096 = vector.load %arg8[%get3A_2094, %get3A_2095] : memref<8x64xf32, #tpu.memory_space<vmem>>, vector<1x64xf32>
    %dot_general3A_2097 = arith.constant dense<0.000000e+00> : vector<5120x1xf32>
    %dot_general3A_2098 = tpu.matmul %add3A_2090, %broadcast_in_dim3A_0, %dot_general3A_2097 {dimension_numbers = #tpu.dot_dimension_numbers<[1], [0], [0], [1], [0, 0, 1, 1], [], []>, transpose_lhs_hint = false} : vector<5120x64xf32>, vector<64x1xf32>, vector<5120x1xf32> -> vector<5120x1xf32>
    %mul3A_2099 = arith.mulf %add3A_2090, %add3A_2090 : vector<5120x64xf32>
    %dot_general3A_2100 = arith.constant dense<0.000000e+00> : vector<5120x1xf32>
    %dot_general3A_2101 = tpu.matmul %mul3A_2099, %broadcast_in_dim3A_0, %dot_general3A_2100 {dimension_numbers = #tpu.dot_dimension_numbers<[1], [0], [0], [1], [0, 0, 1, 1], [], []>, transpose_lhs_hint = false} : vector<5120x64xf32>, vector<64x1xf32>, vector<5120x1xf32> -> vector<5120x1xf32>
    %mul3A_2102 = arith.mulf %dot_general3A_2098, %dot_general3A_2098 : vector<5120x1xf32>
    %sub3A_2103 = arith.subf %dot_general3A_2101, %mul3A_2102 : vector<5120x1xf32>
    %add3A_2104 = arith.constant 9.99999997E-7 : f32
    %add3A_2105 = vector.broadcast %add3A_2104 : f32 to vector<5120x1xf32>
    %add3A_2106 = arith.addf %sub3A_2103, %add3A_2105 : vector<5120x1xf32>
    %rsqrt3A_2107 = math.rsqrt %add3A_2106 : vector<5120x1xf32>
    %sub3A_2108 = vector.broadcast %dot_general3A_2098 : vector<5120x1xf32> to vector<5120x64xf32>
    %sub3A_2109 = arith.subf %add3A_2090, %sub3A_2108 : vector<5120x64xf32>
    %mul3A_2110 = vector.broadcast %rsqrt3A_2107 : vector<5120x1xf32> to vector<5120x64xf32>
    %mul3A_2111 = arith.mulf %sub3A_2109, %mul3A_2110 : vector<5120x64xf32>
    %mul3A_2112 = vector.broadcast %get3A_2093 : vector<1x64xf32> to vector<5120x64xf32>
    %mul3A_2113 = arith.mulf %mul3A_2111, %mul3A_2112 : vector<5120x64xf32>
    %add3A_2114 = vector.broadcast %get3A_2096 : vector<1x64xf32> to vector<5120x64xf32>
    %add3A_2115 = arith.addf %mul3A_2113, %add3A_2114 : vector<5120x64xf32>
    %swap3A_2116 = arith.constant 0 : index
    %swap3A_2117 = arith.constant 0 : index
    %swap3A_2118 = vector.load %arg10[%swap3A_2116, %swap3A_2117] : memref<5120x64xf32, #tpu.memory_space<vmem>>, vector<5120x64xf32>
    tpu.vector_store %arg10[%swap3A_2116, %swap3A_2117], %add3A_2115 {strides = array<i32>} : memref<5120x64xf32, #tpu.memory_space<vmem>>, vector<5120x64xf32>,
    %get3A_2119 = arith.constant 0 : index
    %get3A_2120 = arith.constant 0 : index
    %get3A_2121 = vector.load %arg10[%get3A_2119, %get3A_2120] : memref<5120x64xf32, #tpu.memory_space<vmem>>, vector<5120x64xf32>
    %swap3A_2122 = arith.constant 0 : index
    %swap3A_2123 = arith.constant 0 : index
    %swap3A_2124 = vector.load %arg9[%swap3A_2122, %swap3A_2123] : memref<5120x64xf32, #tpu.memory_space<vmem>>, vector<5120x64xf32>
    tpu.vector_store %arg9[%swap3A_2122, %swap3A_2123], %get3A_2121 {strides = array<i32>} : memref<5120x64xf32, #tpu.memory_space<vmem>>, vector<5120x64xf32>,
    return
  }
  func.func @transform_0(%arg0: i32) -> (i32, i32) {
    %c0_i32 = arith.constant 0 : i32
    %c0_i32_0 = arith.constant 0 : i32
    return %arg0, %c0_i32 : i32, i32
  }
  func.func @transform_1(%arg0: i32) -> (i32, i32) {
    %c0_i32 = arith.constant 0 : i32
    %c0_i32_0 = arith.constant 0 : i32
    %c0_i32_1 = arith.constant 0 : i32
    return %c0_i32, %c0_i32_0 : i32, i32
  }
  func.func @transform_2(%arg0: i32) -> (i32, i32) {
    %c0_i32 = arith.constant 0 : i32
    %c0_i32_0 = arith.constant 0 : i32
    %c0_i32_1 = arith.constant 0 : i32
    return %c0_i32, %c0_i32_0 : i32, i32
  }
  func.func @transform_3(%arg0: i32) -> (i32, i32) {
    %c0_i32 = arith.constant 0 : i32
    %c0_i32_0 = arith.constant 0 : i32
    %c0_i32_1 = arith.constant 0 : i32
    return %c0_i32, %c0_i32_0 : i32, i32
  }
  func.func @transform_4(%arg0: i32) -> (i32, i32) {
    %c0_i32 = arith.constant 0 : i32
    %c0_i32_0 = arith.constant 0 : i32
    %c0_i32_1 = arith.constant 0 : i32
    return %c0_i32, %c0_i32_0 : i32, i32
  }
  func.func @transform_5(%arg0: i32) -> (i32, i32) {
    %c0_i32 = arith.constant 0 : i32
    %c0_i32_0 = arith.constant 0 : i32
    %c0_i32_1 = arith.constant 0 : i32
    return %c0_i32, %c0_i32_0 : i32, i32
  }
  func.func @transform_6(%arg0: i32) -> (i32, i32) {
    %c0_i32 = arith.constant 0 : i32
    %c0_i32_0 = arith.constant 0 : i32
    %c0_i32_1 = arith.constant 0 : i32
    return %c0_i32, %c0_i32_0 : i32, i32
  }
  func.func @transform_7(%arg0: i32) -> (i32, i32) {
    %c0_i32 = arith.constant 0 : i32
    %c0_i32_0 = arith.constant 0 : i32
    %c0_i32_1 = arith.constant 0 : i32
    return %c0_i32, %c0_i32_0 : i32, i32
  }
  func.func @transform_8(%arg0: i32) -> (i32, i32) {
    %c0_i32 = arith.constant 0 : i32
    %c0_i32_0 = arith.constant 0 : i32
    return %arg0, %c0_i32 : i32, i32
  }
}

module attributes {stable_mosaic.version = 14 : i64} {
  func.func @_tower_kernel(%arg0: i32, %arg1: memref<256x26xf32, #tpu.memory_space<vmem>>, %arg2: memref<256x2xi32, #tpu.memory_space<vmem>>, %arg3: memref<256x5xi32, #tpu.memory_space<vmem>>, %arg4: memref<256x3xi32, #tpu.memory_space<vmem>>, %arg5: memref<256x3xi32, #tpu.memory_space<vmem>>, %arg6: memref<256x1280xf32, #tpu.memory_space<vmem>>, %arg7: memref<26x64xbf16, #tpu.memory_space<vmem>>, %arg8: memref<1x64xf32, #tpu.memory_space<vmem>>, %arg9: memref<1000x32xbf16, #tpu.memory_space<vmem>>, %arg10: memref<100x16xbf16, #tpu.memory_space<vmem>>, %arg11: memref<3x64xbf16, #tpu.memory_space<vmem>>, %arg12: memref<3x64xbf16, #tpu.memory_space<vmem>>, %arg13: memref<3x64xbf16, #tpu.memory_space<vmem>>, %arg14: memref<50x64xbf16, #tpu.memory_space<vmem>>, %arg15: memref<1808x64xbf16, #tpu.memory_space<vmem>>, %arg16: memref<1808x64xbf16, #tpu.memory_space<vmem>>, %arg17: memref<1808x512xbf16, #tpu.memory_space<vmem>>, %arg18: memref<1x512xf32, #tpu.memory_space<vmem>>, %arg19: memref<512x64xbf16, #tpu.memory_space<vmem>>, %arg20: memref<1x64xf32, #tpu.memory_space<vmem>>, %arg21: memref<256x64xf32, #tpu.memory_space<vmem>>) attributes {dimension_semantics = [#tpu.dimension_semantics<arbitrary>], iteration_bounds = array<i64: 16>, scalar_prefetch = 0 : i64, scratch_operands = 0 : i64, tpu.core_type = #tpu.core_type<tc>, window_params = [{transform_indices = @transform_0, window_bounds = array<i64: 256, 26>}, {transform_indices = @transform_1, window_bounds = array<i64: 256, 2>}, {transform_indices = @transform_2, window_bounds = array<i64: 256, 5>}, {transform_indices = @transform_3, window_bounds = array<i64: 256, 3>}, {transform_indices = @transform_4, window_bounds = array<i64: 256, 3>}, {transform_indices = @transform_5, window_bounds = array<i64: 256, 1280>}, {pipeline_mode = #tpu.pipeline_mode<synchronous>, transform_indices = @transform_6, window_bounds = array<i64: 26, 64>}, {pipeline_mode = #tpu.pipeline_mode<synchronous>, transform_indices = @transform_7, window_bounds = array<i64: 1, 64>}, {pipeline_mode = #tpu.pipeline_mode<synchronous>, transform_indices = @transform_8, window_bounds = array<i64: 1000, 32>}, {pipeline_mode = #tpu.pipeline_mode<synchronous>, transform_indices = @transform_9, window_bounds = array<i64: 100, 16>}, {pipeline_mode = #tpu.pipeline_mode<synchronous>, transform_indices = @transform_10, window_bounds = array<i64: 3, 64>}, {pipeline_mode = #tpu.pipeline_mode<synchronous>, transform_indices = @transform_11, window_bounds = array<i64: 3, 64>}, {pipeline_mode = #tpu.pipeline_mode<synchronous>, transform_indices = @transform_12, window_bounds = array<i64: 3, 64>}, {pipeline_mode = #tpu.pipeline_mode<synchronous>, transform_indices = @transform_13, window_bounds = array<i64: 50, 64>}, {pipeline_mode = #tpu.pipeline_mode<synchronous>, transform_indices = @transform_14, window_bounds = array<i64: 1808, 64>}, {pipeline_mode = #tpu.pipeline_mode<synchronous>, transform_indices = @transform_15, window_bounds = array<i64: 1808, 64>}, {pipeline_mode = #tpu.pipeline_mode<synchronous>, transform_indices = @transform_16, window_bounds = array<i64: 1808, 512>}, {pipeline_mode = #tpu.pipeline_mode<synchronous>, transform_indices = @transform_17, window_bounds = array<i64: 1, 512>}, {pipeline_mode = #tpu.pipeline_mode<synchronous>, transform_indices = @transform_18, window_bounds = array<i64: 512, 64>}, {pipeline_mode = #tpu.pipeline_mode<synchronous>, transform_indices = @transform_19, window_bounds = array<i64: 1, 64>}, {transform_indices = @transform_20, window_bounds = array<i64: 256, 64>}]} {
    %get3A = arith.constant 0 : index
    %get3A_0 = arith.constant 0 : index
    %get3A_1 = vector.load %arg1[%get3A, %get3A_0] : memref<256x26xf32, #tpu.memory_space<vmem>>, vector<256x26xf32>
    %convert_element_type3A = arith.truncf %get3A_1 : vector<256x26xf32> to vector<256x26xbf16>
    %get3A_2 = arith.constant 0 : index
    %get3A_3 = arith.constant 0 : index
    %get3A_4 = vector.load %arg7[%get3A_2, %get3A_3] : memref<26x64xbf16, #tpu.memory_space<vmem>>, vector<26x64xbf16>
    %dot_general3A = arith.constant dense<0.000000e+00> : vector<256x64xf32>
    %dot_general3A_5 = tpu.matmul %convert_element_type3A, %get3A_4, %dot_general3A {dimension_numbers = #tpu.dot_dimension_numbers<[1], [0], [0], [1], [0, 0, 1, 1], [], []>, transpose_lhs_hint = false} : vector<256x26xbf16>, vector<26x64xbf16>, vector<256x64xf32> -> vector<256x64xf32>
    %get3A_6 = arith.constant 0 : index
    %get3A_7 = arith.constant 0 : index
    %get3A_8 = vector.load %arg8[%get3A_6, %get3A_7] : memref<1x64xf32, #tpu.memory_space<vmem>>, vector<1x64xf32>
    %add3A = vector.broadcast %get3A_8 : vector<1x64xf32> to vector<256x64xf32>
    %add3A_9 = arith.addf %dot_general3A_5, %add3A : vector<256x64xf32>
    %get3A_10 = arith.constant 0 : index
    %get3A_11 = arith.constant 0 : index
    %get3A_12 = vector.load %arg2[%get3A_10, %get3A_11] : memref<256x2xi32, #tpu.memory_space<vmem>>, vector<256x1xi32>
    %iota3A = tpu.iota {dimensions = array<i32: 1>} : vector<256x1000xi32>
    %eq3A = vector.broadcast %get3A_12 : vector<256x1xi32> to vector<256x1000xi32>
    %eq3A_13 = arith.cmpi eq, %iota3A, %eq3A : vector<256x1000xi32>
    %convert_element_type3A_14 = arith.extui %eq3A_13 : vector<256x1000xi1> to vector<256x1000xi32>
    %convert_element_type3A_15 = arith.sitofp %convert_element_type3A_14 : vector<256x1000xi32> to vector<256x1000xf32>
    %convert_element_type3A_16 = arith.truncf %convert_element_type3A_15 : vector<256x1000xf32> to vector<256x1000xbf16>
    %get3A_17 = arith.constant 0 : index
    %get3A_18 = arith.constant 0 : index
    %get3A_19 = vector.load %arg9[%get3A_17, %get3A_18] : memref<1000x32xbf16, #tpu.memory_space<vmem>>, vector<1000x32xbf16>
    %dot_general3A_20 = arith.constant dense<0.000000e+00> : vector<256x32xf32>
    %dot_general3A_21 = tpu.matmul %convert_element_type3A_16, %get3A_19, %dot_general3A_20 {dimension_numbers = #tpu.dot_dimension_numbers<[1], [0], [0], [1], [0, 0, 1, 1], [], []>, transpose_lhs_hint = false} : vector<256x1000xbf16>, vector<1000x32xbf16>, vector<256x32xf32> -> vector<256x32xf32>
    %get3A_22 = arith.constant 0 : index
    %get3A_23 = arith.constant 1 : index
    %get3A_24 = vector.load %arg2[%get3A_22, %get3A_23] : memref<256x2xi32, #tpu.memory_space<vmem>>, vector<256x1xi32>
    %iota3A_25 = tpu.iota {dimensions = array<i32: 1>} : vector<256x1000xi32>
    %eq3A_26 = vector.broadcast %get3A_24 : vector<256x1xi32> to vector<256x1000xi32>
    %eq3A_27 = arith.cmpi eq, %iota3A_25, %eq3A_26 : vector<256x1000xi32>
    %convert_element_type3A_28 = arith.extui %eq3A_27 : vector<256x1000xi1> to vector<256x1000xi32>
    %convert_element_type3A_29 = arith.sitofp %convert_element_type3A_28 : vector<256x1000xi32> to vector<256x1000xf32>
    %convert_element_type3A_30 = arith.truncf %convert_element_type3A_29 : vector<256x1000xf32> to vector<256x1000xbf16>
    %get3A_31 = arith.constant 0 : index
    %get3A_32 = arith.constant 0 : index
    %get3A_33 = vector.load %arg9[%get3A_31, %get3A_32] : memref<1000x32xbf16, #tpu.memory_space<vmem>>, vector<1000x32xbf16>
    %dot_general3A_34 = arith.constant dense<0.000000e+00> : vector<256x32xf32>
    %dot_general3A_35 = tpu.matmul %convert_element_type3A_30, %get3A_33, %dot_general3A_34 {dimension_numbers = #tpu.dot_dimension_numbers<[1], [0], [0], [1], [0, 0, 1, 1], [], []>, transpose_lhs_hint = false} : vector<256x1000xbf16>, vector<1000x32xbf16>, vector<256x32xf32> -> vector<256x32xf32>
    %concatenate3A = tpu.concatenate %dot_general3A_21, %dot_general3A_35 in 1 : vector<256x32xf32>, vector<256x32xf32> -> vector<256x64xf32>
    %get3A_36 = arith.constant 0 : index
    %get3A_37 = arith.constant 0 : index
    %get3A_38 = vector.load %arg3[%get3A_36, %get3A_37] : memref<256x5xi32, #tpu.memory_space<vmem>>, vector<256x1xi32>
    %iota3A_39 = tpu.iota {dimensions = array<i32: 1>} : vector<256x100xi32>
    %eq3A_40 = vector.broadcast %get3A_38 : vector<256x1xi32> to vector<256x100xi32>
    %eq3A_41 = arith.cmpi eq, %iota3A_39, %eq3A_40 : vector<256x100xi32>
    %convert_element_type3A_42 = arith.extui %eq3A_41 : vector<256x100xi1> to vector<256x100xi32>
    %convert_element_type3A_43 = arith.sitofp %convert_element_type3A_42 : vector<256x100xi32> to vector<256x100xf32>
    %convert_element_type3A_44 = arith.truncf %convert_element_type3A_43 : vector<256x100xf32> to vector<256x100xbf16>
    %convert_element_type3A_45 = arith.extf %convert_element_type3A_44 : vector<256x100xbf16> to vector<256x100xf32>
    %get3A_46 = arith.constant 0 : index
    %get3A_47 = arith.constant 1 : index
    %get3A_48 = vector.load %arg3[%get3A_46, %get3A_47] : memref<256x5xi32, #tpu.memory_space<vmem>>, vector<256x1xi32>
    %iota3A_49 = tpu.iota {dimensions = array<i32: 1>} : vector<256x100xi32>
    %eq3A_50 = vector.broadcast %get3A_48 : vector<256x1xi32> to vector<256x100xi32>
    %eq3A_51 = arith.cmpi eq, %iota3A_49, %eq3A_50 : vector<256x100xi32>
    %convert_element_type3A_52 = arith.extui %eq3A_51 : vector<256x100xi1> to vector<256x100xi32>
    %convert_element_type3A_53 = arith.sitofp %convert_element_type3A_52 : vector<256x100xi32> to vector<256x100xf32>
    %convert_element_type3A_54 = arith.truncf %convert_element_type3A_53 : vector<256x100xf32> to vector<256x100xbf16>
    %convert_element_type3A_55 = arith.extf %convert_element_type3A_54 : vector<256x100xbf16> to vector<256x100xf32>
    %add3A_56 = arith.addf %convert_element_type3A_45, %convert_element_type3A_55 : vector<256x100xf32>
    %get3A_57 = arith.constant 0 : index
    %get3A_58 = arith.constant 2 : index
    %get3A_59 = vector.load %arg3[%get3A_57, %get3A_58] : memref<256x5xi32, #tpu.memory_space<vmem>>, vector<256x1xi32>
    %iota3A_60 = tpu.iota {dimensions = array<i32: 1>} : vector<256x100xi32>
    %eq3A_61 = vector.broadcast %get3A_59 : vector<256x1xi32> to vector<256x100xi32>
    %eq3A_62 = arith.cmpi eq, %iota3A_60, %eq3A_61 : vector<256x100xi32>
    %convert_element_type3A_63 = arith.extui %eq3A_62 : vector<256x100xi1> to vector<256x100xi32>
    %convert_element_type3A_64 = arith.sitofp %convert_element_type3A_63 : vector<256x100xi32> to vector<256x100xf32>
    %convert_element_type3A_65 = arith.truncf %convert_element_type3A_64 : vector<256x100xf32> to vector<256x100xbf16>
    %convert_element_type3A_66 = arith.extf %convert_element_type3A_65 : vector<256x100xbf16> to vector<256x100xf32>
    %add3A_67 = arith.addf %add3A_56, %convert_element_type3A_66 : vector<256x100xf32>
    %get3A_68 = arith.constant 0 : index
    %get3A_69 = arith.constant 3 : index
    %get3A_70 = vector.load %arg3[%get3A_68, %get3A_69] : memref<256x5xi32, #tpu.memory_space<vmem>>, vector<256x1xi32>
    %iota3A_71 = tpu.iota {dimensions = array<i32: 1>} : vector<256x100xi32>
    %eq3A_72 = vector.broadcast %get3A_70 : vector<256x1xi32> to vector<256x100xi32>
    %eq3A_73 = arith.cmpi eq, %iota3A_71, %eq3A_72 : vector<256x100xi32>
    %convert_element_type3A_74 = arith.extui %eq3A_73 : vector<256x100xi1> to vector<256x100xi32>
    %convert_element_type3A_75 = arith.sitofp %convert_element_type3A_74 : vector<256x100xi32> to vector<256x100xf32>
    %convert_element_type3A_76 = arith.truncf %convert_element_type3A_75 : vector<256x100xf32> to vector<256x100xbf16>
    %convert_element_type3A_77 = arith.extf %convert_element_type3A_76 : vector<256x100xbf16> to vector<256x100xf32>
    %add3A_78 = arith.addf %add3A_67, %convert_element_type3A_77 : vector<256x100xf32>
    %get3A_79 = arith.constant 0 : index
    %get3A_80 = arith.constant 4 : index
    %get3A_81 = vector.load %arg3[%get3A_79, %get3A_80] : memref<256x5xi32, #tpu.memory_space<vmem>>, vector<256x1xi32>
    %iota3A_82 = tpu.iota {dimensions = array<i32: 1>} : vector<256x100xi32>
    %eq3A_83 = vector.broadcast %get3A_81 : vector<256x1xi32> to vector<256x100xi32>
    %eq3A_84 = arith.cmpi eq, %iota3A_82, %eq3A_83 : vector<256x100xi32>
    %convert_element_type3A_85 = arith.extui %eq3A_84 : vector<256x100xi1> to vector<256x100xi32>
    %convert_element_type3A_86 = arith.sitofp %convert_element_type3A_85 : vector<256x100xi32> to vector<256x100xf32>
    %convert_element_type3A_87 = arith.truncf %convert_element_type3A_86 : vector<256x100xf32> to vector<256x100xbf16>
    %convert_element_type3A_88 = arith.extf %convert_element_type3A_87 : vector<256x100xbf16> to vector<256x100xf32>
    %add3A_89 = arith.addf %add3A_78, %convert_element_type3A_88 : vector<256x100xf32>
    %mul3A = arith.constant 2.000000e-01 : f32
    %mul3A_90 = vector.broadcast %mul3A : f32 to vector<256x100xf32>
    %mul3A_91 = arith.mulf %add3A_89, %mul3A_90 : vector<256x100xf32>
    %convert_element_type3A_92 = arith.truncf %mul3A_91 : vector<256x100xf32> to vector<256x100xbf16>
    %get3A_93 = arith.constant 0 : index
    %get3A_94 = arith.constant 0 : index
    %get3A_95 = vector.load %arg10[%get3A_93, %get3A_94] : memref<100x16xbf16, #tpu.memory_space<vmem>>, vector<100x16xbf16>
    %dot_general3A_96 = arith.constant dense<0.000000e+00> : vector<256x16xf32>
    %dot_general3A_97 = tpu.matmul %convert_element_type3A_92, %get3A_95, %dot_general3A_96 {dimension_numbers = #tpu.dot_dimension_numbers<[1], [0], [0], [1], [0, 0, 1, 1], [], []>, transpose_lhs_hint = false} : vector<256x100xbf16>, vector<100x16xbf16>, vector<256x16xf32> -> vector<256x16xf32>
    %get3A_98 = arith.constant 0 : index
    %get3A_99 = arith.constant 0 : index
    %get3A_100 = vector.load %arg5[%get3A_98, %get3A_99] : memref<256x3xi32, #tpu.memory_space<vmem>>, vector<256x1xi32>
    %iota3A_101 = tpu.iota {dimensions = array<i32: 1>} : vector<256x3xi32>
    %eq3A_102 = vector.broadcast %get3A_100 : vector<256x1xi32> to vector<256x3xi32>
    %eq3A_103 = arith.cmpi eq, %iota3A_101, %eq3A_102 : vector<256x3xi32>
    %convert_element_type3A_104 = arith.extui %eq3A_103 : vector<256x3xi1> to vector<256x3xi32>
    %convert_element_type3A_105 = arith.sitofp %convert_element_type3A_104 : vector<256x3xi32> to vector<256x3xf32>
    %convert_element_type3A_106 = arith.truncf %convert_element_type3A_105 : vector<256x3xf32> to vector<256x3xbf16>
    %get3A_107 = arith.constant 0 : index
    %get3A_108 = arith.constant 0 : index
    %get3A_109 = vector.load %arg11[%get3A_107, %get3A_108] : memref<3x64xbf16, #tpu.memory_space<vmem>>, vector<3x64xbf16>
    %dot_general3A_110 = arith.constant dense<0.000000e+00> : vector<256x64xf32>
    %dot_general3A_111 = tpu.matmul %convert_element_type3A_106, %get3A_109, %dot_general3A_110 {dimension_numbers = #tpu.dot_dimension_numbers<[1], [0], [0], [1], [0, 0, 1, 1], [], []>, transpose_lhs_hint = false} : vector<256x3xbf16>, vector<3x64xbf16>, vector<256x64xf32> -> vector<256x64xf32>
    %get3A_112 = arith.constant 0 : index
    %get3A_113 = arith.constant 1 : index
    %get3A_114 = vector.load %arg5[%get3A_112, %get3A_113] : memref<256x3xi32, #tpu.memory_space<vmem>>, vector<256x1xi32>
    %iota3A_115 = tpu.iota {dimensions = array<i32: 1>} : vector<256x3xi32>
    %eq3A_116 = vector.broadcast %get3A_114 : vector<256x1xi32> to vector<256x3xi32>
    %eq3A_117 = arith.cmpi eq, %iota3A_115, %eq3A_116 : vector<256x3xi32>
    %convert_element_type3A_118 = arith.extui %eq3A_117 : vector<256x3xi1> to vector<256x3xi32>
    %convert_element_type3A_119 = arith.sitofp %convert_element_type3A_118 : vector<256x3xi32> to vector<256x3xf32>
    %convert_element_type3A_120 = arith.truncf %convert_element_type3A_119 : vector<256x3xf32> to vector<256x3xbf16>
    %get3A_121 = arith.constant 0 : index
    %get3A_122 = arith.constant 0 : index
    %get3A_123 = vector.load %arg12[%get3A_121, %get3A_122] : memref<3x64xbf16, #tpu.memory_space<vmem>>, vector<3x64xbf16>
    %dot_general3A_124 = arith.constant dense<0.000000e+00> : vector<256x64xf32>
    %dot_general3A_125 = tpu.matmul %convert_element_type3A_120, %get3A_123, %dot_general3A_124 {dimension_numbers = #tpu.dot_dimension_numbers<[1], [0], [0], [1], [0, 0, 1, 1], [], []>, transpose_lhs_hint = false} : vector<256x3xbf16>, vector<3x64xbf16>, vector<256x64xf32> -> vector<256x64xf32>
    %get3A_126 = arith.constant 0 : index
    %get3A_127 = arith.constant 2 : index
    %get3A_128 = vector.load %arg5[%get3A_126, %get3A_127] : memref<256x3xi32, #tpu.memory_space<vmem>>, vector<256x1xi32>
    %iota3A_129 = tpu.iota {dimensions = array<i32: 1>} : vector<256x3xi32>
    %eq3A_130 = vector.broadcast %get3A_128 : vector<256x1xi32> to vector<256x3xi32>
    %eq3A_131 = arith.cmpi eq, %iota3A_129, %eq3A_130 : vector<256x3xi32>
    %convert_element_type3A_132 = arith.extui %eq3A_131 : vector<256x3xi1> to vector<256x3xi32>
    %convert_element_type3A_133 = arith.sitofp %convert_element_type3A_132 : vector<256x3xi32> to vector<256x3xf32>
    %convert_element_type3A_134 = arith.truncf %convert_element_type3A_133 : vector<256x3xf32> to vector<256x3xbf16>
    %get3A_135 = arith.constant 0 : index
    %get3A_136 = arith.constant 0 : index
    %get3A_137 = vector.load %arg13[%get3A_135, %get3A_136] : memref<3x64xbf16, #tpu.memory_space<vmem>>, vector<3x64xbf16>
    %dot_general3A_138 = arith.constant dense<0.000000e+00> : vector<256x64xf32>
    %dot_general3A_139 = tpu.matmul %convert_element_type3A_134, %get3A_137, %dot_general3A_138 {dimension_numbers = #tpu.dot_dimension_numbers<[1], [0], [0], [1], [0, 0, 1, 1], [], []>, transpose_lhs_hint = false} : vector<256x3xbf16>, vector<3x64xbf16>, vector<256x64xf32> -> vector<256x64xf32>
    %get3A_140 = arith.constant 0 : index
    %get3A_141 = arith.constant 0 : index
    %get3A_142 = vector.load %arg4[%get3A_140, %get3A_141] : memref<256x3xi32, #tpu.memory_space<vmem>>, vector<256x1xi32>
    %iota3A_143 = tpu.iota {dimensions = array<i32: 1>} : vector<256x50xi32>
    %eq3A_144 = vector.broadcast %get3A_142 : vector<256x1xi32> to vector<256x50xi32>
    %eq3A_145 = arith.cmpi eq, %iota3A_143, %eq3A_144 : vector<256x50xi32>
    %convert_element_type3A_146 = arith.extui %eq3A_145 : vector<256x50xi1> to vector<256x50xi32>
    %convert_element_type3A_147 = arith.sitofp %convert_element_type3A_146 : vector<256x50xi32> to vector<256x50xf32>
    %convert_element_type3A_148 = arith.truncf %convert_element_type3A_147 : vector<256x50xf32> to vector<256x50xbf16>
    %get3A_149 = arith.constant 0 : index
    %get3A_150 = arith.constant 0 : index
    %get3A_151 = vector.load %arg14[%get3A_149, %get3A_150] : memref<50x64xbf16, #tpu.memory_space<vmem>>, vector<50x64xbf16>
    %dot_general3A_152 = arith.constant dense<0.000000e+00> : vector<256x64xf32>
    %dot_general3A_153 = tpu.matmul %convert_element_type3A_148, %get3A_151, %dot_general3A_152 {dimension_numbers = #tpu.dot_dimension_numbers<[1], [0], [0], [1], [0, 0, 1, 1], [], []>, transpose_lhs_hint = false} : vector<256x50xbf16>, vector<50x64xbf16>, vector<256x64xf32> -> vector<256x64xf32>
    %get3A_154 = arith.constant 0 : index
    %get3A_155 = arith.constant 1 : index
    %get3A_156 = vector.load %arg4[%get3A_154, %get3A_155] : memref<256x3xi32, #tpu.memory_space<vmem>>, vector<256x1xi32>
    %iota3A_157 = tpu.iota {dimensions = array<i32: 1>} : vector<256x50xi32>
    %eq3A_158 = vector.broadcast %get3A_156 : vector<256x1xi32> to vector<256x50xi32>
    %eq3A_159 = arith.cmpi eq, %iota3A_157, %eq3A_158 : vector<256x50xi32>
    %convert_element_type3A_160 = arith.extui %eq3A_159 : vector<256x50xi1> to vector<256x50xi32>
    %convert_element_type3A_161 = arith.sitofp %convert_element_type3A_160 : vector<256x50xi32> to vector<256x50xf32>
    %convert_element_type3A_162 = arith.truncf %convert_element_type3A_161 : vector<256x50xf32> to vector<256x50xbf16>
    %get3A_163 = arith.constant 0 : index
    %get3A_164 = arith.constant 0 : index
    %get3A_165 = vector.load %arg14[%get3A_163, %get3A_164] : memref<50x64xbf16, #tpu.memory_space<vmem>>, vector<50x64xbf16>
    %dot_general3A_166 = arith.constant dense<0.000000e+00> : vector<256x64xf32>
    %dot_general3A_167 = tpu.matmul %convert_element_type3A_162, %get3A_165, %dot_general3A_166 {dimension_numbers = #tpu.dot_dimension_numbers<[1], [0], [0], [1], [0, 0, 1, 1], [], []>, transpose_lhs_hint = false} : vector<256x50xbf16>, vector<50x64xbf16>, vector<256x64xf32> -> vector<256x64xf32>
    %get3A_168 = arith.constant 0 : index
    %get3A_169 = arith.constant 2 : index
    %get3A_170 = vector.load %arg4[%get3A_168, %get3A_169] : memref<256x3xi32, #tpu.memory_space<vmem>>, vector<256x1xi32>
    %iota3A_171 = tpu.iota {dimensions = array<i32: 1>} : vector<256x50xi32>
    %eq3A_172 = vector.broadcast %get3A_170 : vector<256x1xi32> to vector<256x50xi32>
    %eq3A_173 = arith.cmpi eq, %iota3A_171, %eq3A_172 : vector<256x50xi32>
    %convert_element_type3A_174 = arith.extui %eq3A_173 : vector<256x50xi1> to vector<256x50xi32>
    %convert_element_type3A_175 = arith.sitofp %convert_element_type3A_174 : vector<256x50xi32> to vector<256x50xf32>
    %convert_element_type3A_176 = arith.truncf %convert_element_type3A_175 : vector<256x50xf32> to vector<256x50xbf16>
    %get3A_177 = arith.constant 0 : index
    %get3A_178 = arith.constant 0 : index
    %get3A_179 = vector.load %arg14[%get3A_177, %get3A_178] : memref<50x64xbf16, #tpu.memory_space<vmem>>, vector<50x64xbf16>
    %dot_general3A_180 = arith.constant dense<0.000000e+00> : vector<256x64xf32>
    %dot_general3A_181 = tpu.matmul %convert_element_type3A_176, %get3A_179, %dot_general3A_180 {dimension_numbers = #tpu.dot_dimension_numbers<[1], [0], [0], [1], [0, 0, 1, 1], [], []>, transpose_lhs_hint = false} : vector<256x50xbf16>, vector<50x64xbf16>, vector<256x64xf32> -> vector<256x64xf32>
    %concatenate3A_182 = tpu.concatenate %dot_general3A_153, %dot_general3A_167, %dot_general3A_181 in 1 : vector<256x64xf32>, vector<256x64xf32>, vector<256x64xf32> -> vector<256x192xf32>
    %get3A_183 = arith.constant 0 : index
    %get3A_184 = arith.constant 0 : index
    %get3A_185 = vector.load %arg6[%get3A_183, %get3A_184] : memref<256x1280xf32, #tpu.memory_space<vmem>>, vector<256x1280xf32>
    %broadcast_in_dim3A = arith.constant 0.000000e+00 : f32
    %broadcast_in_dim3A_186 = vector.broadcast %broadcast_in_dim3A : f32 to vector<256x64xf32>
    %broadcast_in_dim3A_187 = arith.constant 0.000000e+00 : f32
    %broadcast_in_dim3A_188 = vector.broadcast %broadcast_in_dim3A_187 : f32 to vector<256x64xf32>
    %broadcast_in_dim3A_189 = arith.constant 0.000000e+00 : f32
    %broadcast_in_dim3A_190 = vector.broadcast %broadcast_in_dim3A_189 : f32 to vector<256x512xf32>
    %convert_element_type3A_191 = arith.truncf %add3A_9 : vector<256x64xf32> to vector<256x64xbf16>
    %get3A_192 = arith.constant 0 : index
    %get3A_193 = arith.constant 0 : index
    %get3A_194 = vector.load %arg15[%get3A_192, %get3A_193] : memref<1808x64xbf16, #tpu.memory_space<vmem>>, vector<64x64xbf16>
    %dot_general3A_195 = arith.constant dense<0.000000e+00> : vector<256x64xf32>
    %dot_general3A_196 = tpu.matmul %convert_element_type3A_191, %get3A_194, %dot_general3A_195 {dimension_numbers = #tpu.dot_dimension_numbers<[1], [0], [0], [1], [0, 0, 1, 1], [], []>, transpose_lhs_hint = false} : vector<256x64xbf16>, vector<64x64xbf16>, vector<256x64xf32> -> vector<256x64xf32>
    %add3A_197 = arith.addf %broadcast_in_dim3A_186, %dot_general3A_196 : vector<256x64xf32>
    %mul3A_198 = arith.mulf %add3A_9, %add3A_9 : vector<256x64xf32>
    %convert_element_type3A_199 = arith.truncf %mul3A_198 : vector<256x64xf32> to vector<256x64xbf16>
    %get3A_200 = arith.constant 0 : index
    %get3A_201 = arith.constant 0 : index
    %get3A_202 = vector.load %arg16[%get3A_200, %get3A_201] : memref<1808x64xbf16, #tpu.memory_space<vmem>>, vector<64x64xbf16>
    %dot_general3A_203 = arith.constant dense<0.000000e+00> : vector<256x64xf32>
    %dot_general3A_204 = tpu.matmul %convert_element_type3A_199, %get3A_202, %dot_general3A_203 {dimension_numbers = #tpu.dot_dimension_numbers<[1], [0], [0], [1], [0, 0, 1, 1], [], []>, transpose_lhs_hint = false} : vector<256x64xbf16>, vector<64x64xbf16>, vector<256x64xf32> -> vector<256x64xf32>
    %add3A_205 = arith.addf %broadcast_in_dim3A_188, %dot_general3A_204 : vector<256x64xf32>
    %get3A_206 = arith.constant 0 : index
    %get3A_207 = arith.constant 0 : index
    %get3A_208 = vector.load %arg17[%get3A_206, %get3A_207] : memref<1808x512xbf16, #tpu.memory_space<vmem>>, vector<64x512xbf16>
    %dot_general3A_209 = arith.constant dense<0.000000e+00> : vector<256x512xf32>
    %dot_general3A_210 = tpu.matmul %convert_element_type3A_191, %get3A_208, %dot_general3A_209 {dimension_numbers = #tpu.dot_dimension_numbers<[1], [0], [0], [1], [0, 0, 1, 1], [], []>, transpose_lhs_hint = false} : vector<256x64xbf16>, vector<64x512xbf16>, vector<256x512xf32> -> vector<256x512xf32>
    %add3A_211 = arith.addf %broadcast_in_dim3A_190, %dot_general3A_210 : vector<256x512xf32>
    %convert_element_type3A_212 = arith.truncf %concatenate3A : vector<256x64xf32> to vector<256x64xbf16>
    %get3A_213 = arith.constant 64 : index
    %get3A_214 = arith.constant 0 : index
    %get3A_215 = vector.load %arg15[%get3A_213, %get3A_214] : memref<1808x64xbf16, #tpu.memory_space<vmem>>, vector<64x64xbf16>
    %dot_general3A_216 = arith.constant dense<0.000000e+00> : vector<256x64xf32>
    %dot_general3A_217 = tpu.matmul %convert_element_type3A_212, %get3A_215, %dot_general3A_216 {dimension_numbers = #tpu.dot_dimension_numbers<[1], [0], [0], [1], [0, 0, 1, 1], [], []>, transpose_lhs_hint = false} : vector<256x64xbf16>, vector<64x64xbf16>, vector<256x64xf32> -> vector<256x64xf32>
    %add3A_218 = arith.addf %add3A_197, %dot_general3A_217 : vector<256x64xf32>
    %mul3A_219 = arith.mulf %concatenate3A, %concatenate3A : vector<256x64xf32>
    %convert_element_type3A_220 = arith.truncf %mul3A_219 : vector<256x64xf32> to vector<256x64xbf16>
    %get3A_221 = arith.constant 64 : index
    %get3A_222 = arith.constant 0 : index
    %get3A_223 = vector.load %arg16[%get3A_221, %get3A_222] : memref<1808x64xbf16, #tpu.memory_space<vmem>>, vector<64x64xbf16>
    %dot_general3A_224 = arith.constant dense<0.000000e+00> : vector<256x64xf32>
    %dot_general3A_225 = tpu.matmul %convert_element_type3A_220, %get3A_223, %dot_general3A_224 {dimension_numbers = #tpu.dot_dimension_numbers<[1], [0], [0], [1], [0, 0, 1, 1], [], []>, transpose_lhs_hint = false} : vector<256x64xbf16>, vector<64x64xbf16>, vector<256x64xf32> -> vector<256x64xf32>
    %add3A_226 = arith.addf %add3A_205, %dot_general3A_225 : vector<256x64xf32>
    %get3A_227 = arith.constant 64 : index
    %get3A_228 = arith.constant 0 : index
    %get3A_229 = vector.load %arg17[%get3A_227, %get3A_228] : memref<1808x512xbf16, #tpu.memory_space<vmem>>, vector<64x512xbf16>
    %dot_general3A_230 = arith.constant dense<0.000000e+00> : vector<256x512xf32>
    %dot_general3A_231 = tpu.matmul %convert_element_type3A_212, %get3A_229, %dot_general3A_230 {dimension_numbers = #tpu.dot_dimension_numbers<[1], [0], [0], [1], [0, 0, 1, 1], [], []>, transpose_lhs_hint = false} : vector<256x64xbf16>, vector<64x512xbf16>, vector<256x512xf32> -> vector<256x512xf32>
    %add3A_232 = arith.addf %add3A_211, %dot_general3A_231 : vector<256x512xf32>
    %convert_element_type3A_233 = arith.truncf %dot_general3A_97 : vector<256x16xf32> to vector<256x16xbf16>
    %get3A_234 = arith.constant 128 : index
    %get3A_235 = arith.constant 0 : index
    %get3A_236 = vector.load %arg15[%get3A_234, %get3A_235] : memref<1808x64xbf16, #tpu.memory_space<vmem>>, vector<16x64xbf16>
    %dot_general3A_237 = arith.constant dense<0.000000e+00> : vector<256x64xf32>
    %dot_general3A_238 = tpu.matmul %convert_element_type3A_233, %get3A_236, %dot_general3A_237 {dimension_numbers = #tpu.dot_dimension_numbers<[1], [0], [0], [1], [0, 0, 1, 1], [], []>, transpose_lhs_hint = false} : vector<256x16xbf16>, vector<16x64xbf16>, vector<256x64xf32> -> vector<256x64xf32>
    %add3A_239 = arith.addf %add3A_218, %dot_general3A_238 : vector<256x64xf32>
    %mul3A_240 = arith.mulf %dot_general3A_97, %dot_general3A_97 : vector<256x16xf32>
    %convert_element_type3A_241 = arith.truncf %mul3A_240 : vector<256x16xf32> to vector<256x16xbf16>
    %get3A_242 = arith.constant 128 : index
    %get3A_243 = arith.constant 0 : index
    %get3A_244 = vector.load %arg16[%get3A_242, %get3A_243] : memref<1808x64xbf16, #tpu.memory_space<vmem>>, vector<16x64xbf16>
    %dot_general3A_245 = arith.constant dense<0.000000e+00> : vector<256x64xf32>
    %dot_general3A_246 = tpu.matmul %convert_element_type3A_241, %get3A_244, %dot_general3A_245 {dimension_numbers = #tpu.dot_dimension_numbers<[1], [0], [0], [1], [0, 0, 1, 1], [], []>, transpose_lhs_hint = false} : vector<256x16xbf16>, vector<16x64xbf16>, vector<256x64xf32> -> vector<256x64xf32>
    %add3A_247 = arith.addf %add3A_226, %dot_general3A_246 : vector<256x64xf32>
    %get3A_248 = arith.constant 128 : index
    %get3A_249 = arith.constant 0 : index
    %get3A_250 = vector.load %arg17[%get3A_248, %get3A_249] : memref<1808x512xbf16, #tpu.memory_space<vmem>>, vector<16x512xbf16>
    %dot_general3A_251 = arith.constant dense<0.000000e+00> : vector<256x512xf32>
    %dot_general3A_252 = tpu.matmul %convert_element_type3A_233, %get3A_250, %dot_general3A_251 {dimension_numbers = #tpu.dot_dimension_numbers<[1], [0], [0], [1], [0, 0, 1, 1], [], []>, transpose_lhs_hint = false} : vector<256x16xbf16>, vector<16x512xbf16>, vector<256x512xf32> -> vector<256x512xf32>
    %add3A_253 = arith.addf %add3A_232, %dot_general3A_252 : vector<256x512xf32>
    %convert_element_type3A_254 = arith.truncf %dot_general3A_111 : vector<256x64xf32> to vector<256x64xbf16>
    %get3A_255 = arith.constant 144 : index
    %get3A_256 = arith.constant 0 : index
    %get3A_257 = vector.load %arg15[%get3A_255, %get3A_256] : memref<1808x64xbf16, #tpu.memory_space<vmem>>, vector<64x64xbf16>
    %dot_general3A_258 = arith.constant dense<0.000000e+00> : vector<256x64xf32>
    %dot_general3A_259 = tpu.matmul %convert_element_type3A_254, %get3A_257, %dot_general3A_258 {dimension_numbers = #tpu.dot_dimension_numbers<[1], [0], [0], [1], [0, 0, 1, 1], [], []>, transpose_lhs_hint = false} : vector<256x64xbf16>, vector<64x64xbf16>, vector<256x64xf32> -> vector<256x64xf32>
    %add3A_260 = arith.addf %add3A_239, %dot_general3A_259 : vector<256x64xf32>
    %mul3A_261 = arith.mulf %dot_general3A_111, %dot_general3A_111 : vector<256x64xf32>
    %convert_element_type3A_262 = arith.truncf %mul3A_261 : vector<256x64xf32> to vector<256x64xbf16>
    %get3A_263 = arith.constant 144 : index
    %get3A_264 = arith.constant 0 : index
    %get3A_265 = vector.load %arg16[%get3A_263, %get3A_264] : memref<1808x64xbf16, #tpu.memory_space<vmem>>, vector<64x64xbf16>
    %dot_general3A_266 = arith.constant dense<0.000000e+00> : vector<256x64xf32>
    %dot_general3A_267 = tpu.matmul %convert_element_type3A_262, %get3A_265, %dot_general3A_266 {dimension_numbers = #tpu.dot_dimension_numbers<[1], [0], [0], [1], [0, 0, 1, 1], [], []>, transpose_lhs_hint = false} : vector<256x64xbf16>, vector<64x64xbf16>, vector<256x64xf32> -> vector<256x64xf32>
    %add3A_268 = arith.addf %add3A_247, %dot_general3A_267 : vector<256x64xf32>
    %get3A_269 = arith.constant 144 : index
    %get3A_270 = arith.constant 0 : index
    %get3A_271 = vector.load %arg17[%get3A_269, %get3A_270] : memref<1808x512xbf16, #tpu.memory_space<vmem>>, vector<64x512xbf16>
    %dot_general3A_272 = arith.constant dense<0.000000e+00> : vector<256x512xf32>
    %dot_general3A_273 = tpu.matmul %convert_element_type3A_254, %get3A_271, %dot_general3A_272 {dimension_numbers = #tpu.dot_dimension_numbers<[1], [0], [0], [1], [0, 0, 1, 1], [], []>, transpose_lhs_hint = false} : vector<256x64xbf16>, vector<64x512xbf16>, vector<256x512xf32> -> vector<256x512xf32>
    %add3A_274 = arith.addf %add3A_253, %dot_general3A_273 : vector<256x512xf32>
    %convert_element_type3A_275 = arith.truncf %dot_general3A_125 : vector<256x64xf32> to vector<256x64xbf16>
    %get3A_276 = arith.constant 208 : index
    %get3A_277 = arith.constant 0 : index
    %get3A_278 = vector.load %arg15[%get3A_276, %get3A_277] : memref<1808x64xbf16, #tpu.memory_space<vmem>>, vector<64x64xbf16>
    %dot_general3A_279 = arith.constant dense<0.000000e+00> : vector<256x64xf32>
    %dot_general3A_280 = tpu.matmul %convert_element_type3A_275, %get3A_278, %dot_general3A_279 {dimension_numbers = #tpu.dot_dimension_numbers<[1], [0], [0], [1], [0, 0, 1, 1], [], []>, transpose_lhs_hint = false} : vector<256x64xbf16>, vector<64x64xbf16>, vector<256x64xf32> -> vector<256x64xf32>
    %add3A_281 = arith.addf %add3A_260, %dot_general3A_280 : vector<256x64xf32>
    %mul3A_282 = arith.mulf %dot_general3A_125, %dot_general3A_125 : vector<256x64xf32>
    %convert_element_type3A_283 = arith.truncf %mul3A_282 : vector<256x64xf32> to vector<256x64xbf16>
    %get3A_284 = arith.constant 208 : index
    %get3A_285 = arith.constant 0 : index
    %get3A_286 = vector.load %arg16[%get3A_284, %get3A_285] : memref<1808x64xbf16, #tpu.memory_space<vmem>>, vector<64x64xbf16>
    %dot_general3A_287 = arith.constant dense<0.000000e+00> : vector<256x64xf32>
    %dot_general3A_288 = tpu.matmul %convert_element_type3A_283, %get3A_286, %dot_general3A_287 {dimension_numbers = #tpu.dot_dimension_numbers<[1], [0], [0], [1], [0, 0, 1, 1], [], []>, transpose_lhs_hint = false} : vector<256x64xbf16>, vector<64x64xbf16>, vector<256x64xf32> -> vector<256x64xf32>
    %add3A_289 = arith.addf %add3A_268, %dot_general3A_288 : vector<256x64xf32>
    %get3A_290 = arith.constant 208 : index
    %get3A_291 = arith.constant 0 : index
    %get3A_292 = vector.load %arg17[%get3A_290, %get3A_291] : memref<1808x512xbf16, #tpu.memory_space<vmem>>, vector<64x512xbf16>
    %dot_general3A_293 = arith.constant dense<0.000000e+00> : vector<256x512xf32>
    %dot_general3A_294 = tpu.matmul %convert_element_type3A_275, %get3A_292, %dot_general3A_293 {dimension_numbers = #tpu.dot_dimension_numbers<[1], [0], [0], [1], [0, 0, 1, 1], [], []>, transpose_lhs_hint = false} : vector<256x64xbf16>, vector<64x512xbf16>, vector<256x512xf32> -> vector<256x512xf32>
    %add3A_295 = arith.addf %add3A_274, %dot_general3A_294 : vector<256x512xf32>
    %convert_element_type3A_296 = arith.truncf %dot_general3A_139 : vector<256x64xf32> to vector<256x64xbf16>
    %get3A_297 = arith.constant 272 : index
    %get3A_298 = arith.constant 0 : index
    %get3A_299 = vector.load %arg15[%get3A_297, %get3A_298] : memref<1808x64xbf16, #tpu.memory_space<vmem>>, vector<64x64xbf16>
    %dot_general3A_300 = arith.constant dense<0.000000e+00> : vector<256x64xf32>
    %dot_general3A_301 = tpu.matmul %convert_element_type3A_296, %get3A_299, %dot_general3A_300 {dimension_numbers = #tpu.dot_dimension_numbers<[1], [0], [0], [1], [0, 0, 1, 1], [], []>, transpose_lhs_hint = false} : vector<256x64xbf16>, vector<64x64xbf16>, vector<256x64xf32> -> vector<256x64xf32>
    %add3A_302 = arith.addf %add3A_281, %dot_general3A_301 : vector<256x64xf32>
    %mul3A_303 = arith.mulf %dot_general3A_139, %dot_general3A_139 : vector<256x64xf32>
    %convert_element_type3A_304 = arith.truncf %mul3A_303 : vector<256x64xf32> to vector<256x64xbf16>
    %get3A_305 = arith.constant 272 : index
    %get3A_306 = arith.constant 0 : index
    %get3A_307 = vector.load %arg16[%get3A_305, %get3A_306] : memref<1808x64xbf16, #tpu.memory_space<vmem>>, vector<64x64xbf16>
    %dot_general3A_308 = arith.constant dense<0.000000e+00> : vector<256x64xf32>
    %dot_general3A_309 = tpu.matmul %convert_element_type3A_304, %get3A_307, %dot_general3A_308 {dimension_numbers = #tpu.dot_dimension_numbers<[1], [0], [0], [1], [0, 0, 1, 1], [], []>, transpose_lhs_hint = false} : vector<256x64xbf16>, vector<64x64xbf16>, vector<256x64xf32> -> vector<256x64xf32>
    %add3A_310 = arith.addf %add3A_289, %dot_general3A_309 : vector<256x64xf32>
    %get3A_311 = arith.constant 272 : index
    %get3A_312 = arith.constant 0 : index
    %get3A_313 = vector.load %arg17[%get3A_311, %get3A_312] : memref<1808x512xbf16, #tpu.memory_space<vmem>>, vector<64x512xbf16>
    %dot_general3A_314 = arith.constant dense<0.000000e+00> : vector<256x512xf32>
    %dot_general3A_315 = tpu.matmul %convert_element_type3A_296, %get3A_313, %dot_general3A_314 {dimension_numbers = #tpu.dot_dimension_numbers<[1], [0], [0], [1], [0, 0, 1, 1], [], []>, transpose_lhs_hint = false} : vector<256x64xbf16>, vector<64x512xbf16>, vector<256x512xf32> -> vector<256x512xf32>
    %add3A_316 = arith.addf %add3A_295, %dot_general3A_315 : vector<256x512xf32>
    %convert_element_type3A_317 = arith.truncf %concatenate3A_182 : vector<256x192xf32> to vector<256x192xbf16>
    %get3A_318 = arith.constant 336 : index
    %get3A_319 = arith.constant 0 : index
    %get3A_320 = vector.load %arg15[%get3A_318, %get3A_319] : memref<1808x64xbf16, #tpu.memory_space<vmem>>, vector<192x64xbf16>
    %dot_general3A_321 = arith.constant dense<0.000000e+00> : vector<256x64xf32>
    %dot_general3A_322 = tpu.matmul %convert_element_type3A_317, %get3A_320, %dot_general3A_321 {dimension_numbers = #tpu.dot_dimension_numbers<[1], [0], [0], [1], [0, 0, 1, 1], [], []>, transpose_lhs_hint = false} : vector<256x192xbf16>, vector<192x64xbf16>, vector<256x64xf32> -> vector<256x64xf32>
    %add3A_323 = arith.addf %add3A_302, %dot_general3A_322 : vector<256x64xf32>
    %mul3A_324 = arith.mulf %concatenate3A_182, %concatenate3A_182 : vector<256x192xf32>
    %convert_element_type3A_325 = arith.truncf %mul3A_324 : vector<256x192xf32> to vector<256x192xbf16>
    %get3A_326 = arith.constant 336 : index
    %get3A_327 = arith.constant 0 : index
    %get3A_328 = vector.load %arg16[%get3A_326, %get3A_327] : memref<1808x64xbf16, #tpu.memory_space<vmem>>, vector<192x64xbf16>
    %dot_general3A_329 = arith.constant dense<0.000000e+00> : vector<256x64xf32>
    %dot_general3A_330 = tpu.matmul %convert_element_type3A_325, %get3A_328, %dot_general3A_329 {dimension_numbers = #tpu.dot_dimension_numbers<[1], [0], [0], [1], [0, 0, 1, 1], [], []>, transpose_lhs_hint = false} : vector<256x192xbf16>, vector<192x64xbf16>, vector<256x64xf32> -> vector<256x64xf32>
    %add3A_331 = arith.addf %add3A_310, %dot_general3A_330 : vector<256x64xf32>
    %get3A_332 = arith.constant 336 : index
    %get3A_333 = arith.constant 0 : index
    %get3A_334 = vector.load %arg17[%get3A_332, %get3A_333] : memref<1808x512xbf16, #tpu.memory_space<vmem>>, vector<192x512xbf16>
    %dot_general3A_335 = arith.constant dense<0.000000e+00> : vector<256x512xf32>
    %dot_general3A_336 = tpu.matmul %convert_element_type3A_317, %get3A_334, %dot_general3A_335 {dimension_numbers = #tpu.dot_dimension_numbers<[1], [0], [0], [1], [0, 0, 1, 1], [], []>, transpose_lhs_hint = false} : vector<256x192xbf16>, vector<192x512xbf16>, vector<256x512xf32> -> vector<256x512xf32>
    %add3A_337 = arith.addf %add3A_316, %dot_general3A_336 : vector<256x512xf32>
    %convert_element_type3A_338 = arith.truncf %get3A_185 : vector<256x1280xf32> to vector<256x1280xbf16>
    %get3A_339 = arith.constant 528 : index
    %get3A_340 = arith.constant 0 : index
    %get3A_341 = vector.load %arg15[%get3A_339, %get3A_340] : memref<1808x64xbf16, #tpu.memory_space<vmem>>, vector<1280x64xbf16>
    %dot_general3A_342 = arith.constant dense<0.000000e+00> : vector<256x64xf32>
    %dot_general3A_343 = tpu.matmul %convert_element_type3A_338, %get3A_341, %dot_general3A_342 {dimension_numbers = #tpu.dot_dimension_numbers<[1], [0], [0], [1], [0, 0, 1, 1], [], []>, transpose_lhs_hint = false} : vector<256x1280xbf16>, vector<1280x64xbf16>, vector<256x64xf32> -> vector<256x64xf32>
    %add3A_344 = arith.addf %add3A_323, %dot_general3A_343 : vector<256x64xf32>
    %mul3A_345 = arith.mulf %get3A_185, %get3A_185 : vector<256x1280xf32>
    %convert_element_type3A_346 = arith.truncf %mul3A_345 : vector<256x1280xf32> to vector<256x1280xbf16>
    %get3A_347 = arith.constant 528 : index
    %get3A_348 = arith.constant 0 : index
    %get3A_349 = vector.load %arg16[%get3A_347, %get3A_348] : memref<1808x64xbf16, #tpu.memory_space<vmem>>, vector<1280x64xbf16>
    %dot_general3A_350 = arith.constant dense<0.000000e+00> : vector<256x64xf32>
    %dot_general3A_351 = tpu.matmul %convert_element_type3A_346, %get3A_349, %dot_general3A_350 {dimension_numbers = #tpu.dot_dimension_numbers<[1], [0], [0], [1], [0, 0, 1, 1], [], []>, transpose_lhs_hint = false} : vector<256x1280xbf16>, vector<1280x64xbf16>, vector<256x64xf32> -> vector<256x64xf32>
    %add3A_352 = arith.addf %add3A_331, %dot_general3A_351 : vector<256x64xf32>
    %get3A_353 = arith.constant 528 : index
    %get3A_354 = arith.constant 0 : index
    %get3A_355 = vector.load %arg17[%get3A_353, %get3A_354] : memref<1808x512xbf16, #tpu.memory_space<vmem>>, vector<1280x512xbf16>
    %dot_general3A_356 = arith.constant dense<0.000000e+00> : vector<256x512xf32>
    %dot_general3A_357 = tpu.matmul %convert_element_type3A_338, %get3A_355, %dot_general3A_356 {dimension_numbers = #tpu.dot_dimension_numbers<[1], [0], [0], [1], [0, 0, 1, 1], [], []>, transpose_lhs_hint = false} : vector<256x1280xbf16>, vector<1280x512xbf16>, vector<256x512xf32> -> vector<256x512xf32>
    %add3A_358 = arith.addf %add3A_337, %dot_general3A_357 : vector<256x512xf32>
    %mul3A_359 = arith.mulf %add3A_344, %add3A_344 : vector<256x64xf32>
    %sub3A = arith.subf %mul3A_359, %add3A_352 : vector<256x64xf32>
    %mul3A_360 = arith.constant 5.000000e-01 : f32
    %mul3A_361 = vector.broadcast %mul3A_360 : f32 to vector<256x64xf32>
    %mul3A_362 = arith.mulf %mul3A_361, %sub3A : vector<256x64xf32>
    %get3A_363 = arith.constant 0 : index
    %get3A_364 = arith.constant 0 : index
    %get3A_365 = vector.load %arg18[%get3A_363, %get3A_364] : memref<1x512xf32, #tpu.memory_space<vmem>>, vector<1x512xf32>
    %add3A_366 = vector.broadcast %get3A_365 : vector<1x512xf32> to vector<256x512xf32>
    %add3A_367 = arith.addf %add3A_358, %add3A_366 : vector<256x512xf32>
    %max3A = arith.constant 0.000000e+00 : f32
    %max3A_368 = vector.broadcast %max3A : f32 to vector<256x512xf32>
    %max3A_369 = arith.maximumf %add3A_367, %max3A_368 : vector<256x512xf32>
    %convert_element_type3A_370 = arith.truncf %max3A_369 : vector<256x512xf32> to vector<256x512xbf16>
    %get3A_371 = arith.constant 0 : index
    %get3A_372 = arith.constant 0 : index
    %get3A_373 = vector.load %arg19[%get3A_371, %get3A_372] : memref<512x64xbf16, #tpu.memory_space<vmem>>, vector<512x64xbf16>
    %dot_general3A_374 = arith.constant dense<0.000000e+00> : vector<256x64xf32>
    %dot_general3A_375 = tpu.matmul %convert_element_type3A_370, %get3A_373, %dot_general3A_374 {dimension_numbers = #tpu.dot_dimension_numbers<[1], [0], [0], [1], [0, 0, 1, 1], [], []>, transpose_lhs_hint = false} : vector<256x512xbf16>, vector<512x64xbf16>, vector<256x64xf32> -> vector<256x64xf32>
    %get3A_376 = arith.constant 0 : index
    %get3A_377 = arith.constant 0 : index
    %get3A_378 = vector.load %arg20[%get3A_376, %get3A_377] : memref<1x64xf32, #tpu.memory_space<vmem>>, vector<1x64xf32>
    %add3A_379 = vector.broadcast %get3A_378 : vector<1x64xf32> to vector<256x64xf32>
    %add3A_380 = arith.addf %dot_general3A_375, %add3A_379 : vector<256x64xf32>
    %add3A_381 = arith.addf %add3A_380, %mul3A_362 : vector<256x64xf32>
    %mul3A_382 = arith.constant 5.000000e-01 : f32
    %mul3A_383 = vector.broadcast %mul3A_382 : f32 to vector<256x64xf32>
    %mul3A_384 = arith.mulf %mul3A_383, %add3A_381 : vector<256x64xf32>
    %mul3A_385 = arith.mulf %mul3A_384, %mul3A_384 : vector<256x64xf32>
    %reduce_sum3A = arith.constant dense<0.000000e+00> : vector<256xf32>
    %reduce_sum3A_386 = vector.multi_reduction <add>, %mul3A_385, %reduce_sum3A [1] : vector<256x64xf32> to vector<256xf32>
    %broadcast_in_dim3A_387 = vector.shape_cast %reduce_sum3A_386 : vector<256xf32> to vector<256x1xf32>
    %max3A_388 = arith.constant 9.99999996E-13 : f32
    %max3A_389 = vector.broadcast %max3A_388 : f32 to vector<256x1xf32>
    %max3A_390 = arith.maximumf %broadcast_in_dim3A_387, %max3A_389 : vector<256x1xf32>
    %sqrt3A = math.sqrt %max3A_390 : vector<256x1xf32>
    %div3A = vector.broadcast %sqrt3A : vector<256x1xf32> to vector<256x64xf32>
    %div3A_391 = arith.divf %mul3A_384, %div3A : vector<256x64xf32>
    %swap3A = arith.constant 0 : index
    %swap3A_392 = arith.constant 0 : index
    %swap3A_393 = vector.load %arg21[%swap3A, %swap3A_392] : memref<256x64xf32, #tpu.memory_space<vmem>>, vector<256x64xf32>
    tpu.vector_store %arg21[%swap3A, %swap3A_392], %div3A_391 {strides = array<i32>} : memref<256x64xf32, #tpu.memory_space<vmem>>, vector<256x64xf32>,
    return
  }
  func.func @transform_0(%arg0: i32) -> (i32, i32) {
    %c0_i32 = arith.constant 0 : i32
    %c0_i32_0 = arith.constant 0 : i32
    return %arg0, %c0_i32 : i32, i32
  }
  func.func @transform_1(%arg0: i32) -> (i32, i32) {
    %c0_i32 = arith.constant 0 : i32
    %c0_i32_0 = arith.constant 0 : i32
    return %arg0, %c0_i32 : i32, i32
  }
  func.func @transform_2(%arg0: i32) -> (i32, i32) {
    %c0_i32 = arith.constant 0 : i32
    %c0_i32_0 = arith.constant 0 : i32
    return %arg0, %c0_i32 : i32, i32
  }
  func.func @transform_3(%arg0: i32) -> (i32, i32) {
    %c0_i32 = arith.constant 0 : i32
    %c0_i32_0 = arith.constant 0 : i32
    return %arg0, %c0_i32 : i32, i32
  }
  func.func @transform_4(%arg0: i32) -> (i32, i32) {
    %c0_i32 = arith.constant 0 : i32
    %c0_i32_0 = arith.constant 0 : i32
    return %arg0, %c0_i32 : i32, i32
  }
  func.func @transform_5(%arg0: i32) -> (i32, i32) {
    %c0_i32 = arith.constant 0 : i32
    %c0_i32_0 = arith.constant 0 : i32
    return %arg0, %c0_i32 : i32, i32
  }
  func.func @transform_6(%arg0: i32) -> (i32, i32) {
    %c0_i32 = arith.constant 0 : i32
    %c0_i32_0 = arith.constant 0 : i32
    %c0_i32_1 = arith.constant 0 : i32
    return %c0_i32, %c0_i32_0 : i32, i32
  }
  func.func @transform_7(%arg0: i32) -> (i32, i32) {
    %c0_i32 = arith.constant 0 : i32
    %c0_i32_0 = arith.constant 0 : i32
    %c0_i32_1 = arith.constant 0 : i32
    return %c0_i32, %c0_i32_0 : i32, i32
  }
  func.func @transform_8(%arg0: i32) -> (i32, i32) {
    %c0_i32 = arith.constant 0 : i32
    %c0_i32_0 = arith.constant 0 : i32
    %c0_i32_1 = arith.constant 0 : i32
    return %c0_i32, %c0_i32_0 : i32, i32
  }
  func.func @transform_9(%arg0: i32) -> (i32, i32) {
    %c0_i32 = arith.constant 0 : i32
    %c0_i32_0 = arith.constant 0 : i32
    %c0_i32_1 = arith.constant 0 : i32
    return %c0_i32, %c0_i32_0 : i32, i32
  }
  func.func @transform_10(%arg0: i32) -> (i32, i32) {
    %c0_i32 = arith.constant 0 : i32
    %c0_i32_0 = arith.constant 0 : i32
    %c0_i32_1 = arith.constant 0 : i32
    return %c0_i32, %c0_i32_0 : i32, i32
  }
  func.func @transform_11(%arg0: i32) -> (i32, i32) {
    %c0_i32 = arith.constant 0 : i32
    %c0_i32_0 = arith.constant 0 : i32
    %c0_i32_1 = arith.constant 0 : i32
    return %c0_i32, %c0_i32_0 : i32, i32
  }
  func.func @transform_12(%arg0: i32) -> (i32, i32) {
    %c0_i32 = arith.constant 0 : i32
    %c0_i32_0 = arith.constant 0 : i32
    %c0_i32_1 = arith.constant 0 : i32
    return %c0_i32, %c0_i32_0 : i32, i32
  }
  func.func @transform_13(%arg0: i32) -> (i32, i32) {
    %c0_i32 = arith.constant 0 : i32
    %c0_i32_0 = arith.constant 0 : i32
    %c0_i32_1 = arith.constant 0 : i32
    return %c0_i32, %c0_i32_0 : i32, i32
  }
  func.func @transform_14(%arg0: i32) -> (i32, i32) {
    %c0_i32 = arith.constant 0 : i32
    %c0_i32_0 = arith.constant 0 : i32
    %c0_i32_1 = arith.constant 0 : i32
    return %c0_i32, %c0_i32_0 : i32, i32
  }
  func.func @transform_15(%arg0: i32) -> (i32, i32) {
    %c0_i32 = arith.constant 0 : i32
    %c0_i32_0 = arith.constant 0 : i32
    %c0_i32_1 = arith.constant 0 : i32
    return %c0_i32, %c0_i32_0 : i32, i32
  }
  func.func @transform_16(%arg0: i32) -> (i32, i32) {
    %c0_i32 = arith.constant 0 : i32
    %c0_i32_0 = arith.constant 0 : i32
    %c0_i32_1 = arith.constant 0 : i32
    return %c0_i32, %c0_i32_0 : i32, i32
  }
  func.func @transform_17(%arg0: i32) -> (i32, i32) {
    %c0_i32 = arith.constant 0 : i32
    %c0_i32_0 = arith.constant 0 : i32
    %c0_i32_1 = arith.constant 0 : i32
    return %c0_i32, %c0_i32_0 : i32, i32
  }
  func.func @transform_18(%arg0: i32) -> (i32, i32) {
    %c0_i32 = arith.constant 0 : i32
    %c0_i32_0 = arith.constant 0 : i32
    %c0_i32_1 = arith.constant 0 : i32
    return %c0_i32, %c0_i32_0 : i32, i32
  }
  func.func @transform_19(%arg0: i32) -> (i32, i32) {
    %c0_i32 = arith.constant 0 : i32
    %c0_i32_0 = arith.constant 0 : i32
    %c0_i32_1 = arith.constant 0 : i32
    return %c0_i32, %c0_i32_0 : i32, i32
  }
  func.func @transform_20(%arg0: i32) -> (i32, i32) {
    %c0_i32 = arith.constant 0 : i32
    %c0_i32_0 = arith.constant 0 : i32
    return %arg0, %c0_i32 : i32, i32
  }
}

</mosaic_0001>

<sc_bundles>
// kernel: kernel.5.cloned.1.call-start
scs
__scs_entry_jumppad:
0x0: {  	(pc) =	sbr.rel $0x88, $3  }
0x1: {  	(tag) =	ssettag $0x0;
	lr =	simm.s32 $0x1  }
0x2: {  	[smem:$0x3F85] =	sst lr;
	_ =	strace $0xD0000000  }
0x3: {  	_ = 	snop  }
0x4: {  	_ = 	snop  }
0x5: {  	_ = 	snop  }
0x6: {  	_ = 	snop  }
0x7: {  	_ = 	snop  }
__scs_overlays_trampoline_lowered:
0x8: {  	[smem:$0x3F94] =	sst s0  }
0x9: {  	[smem:$0x3F95] =	sst s1  }
0xa: {  	[smem:$0x3F96] =	sst s2  }
0xb: {  	[smem:$0x3F97] =	sst s3  }
0xc: {  	[smem:$0x3F98] =	sst s4  }
0xd: {  	[smem:$0x3F99] =	sst s5  }
0xe: {  	[smem:$0x3F9A] =	sst s6  }
0xf: {  	[smem:$0x3F9B] =	sst s7  }
0x10: {  	[smem:$0x3F9C] =	sst s8  }
0x11: {  	[smem:$0x3F9D] =	sst s9;
	s0 =	simm.s32 @!p0 $0x0  }
0x12: {  	s1 =	sld [smem:$0x3F83];
	s0 =	simm.s32 @p0 $0x1  }
0x13: {  	[smem:$0x3F9E] =	sst s0;
	s0 =	simm.s32 @!p1 $0x0  }
0x14: {  	s2 =	sld [smem:$0x3F82];
	s0 =	simm.s32 @p1 $0x1  }
0x15: {  	[smem:$0x3F9F] =	sst s0;
	s0 =	simm.s32 @!p2 $0x0  }
0x16: {  	s3 =	sld [smem:$0x3FDB];
	s0 =	simm.s32 @p2 $0x1  }
0x17: {  	s4 =	simm.s32 $0x1BF5;
	[smem:$0x3FA1] =	sst s0  }
0x18: {  	s0 =	sld [smem:$0x3F84];
	_ =	swait.ge [sflag:s4], $0x0  }
0x19: {  	s7 =	sld [smem:$0x3F85]  }
0x1a: {  	s8 =	sadd.s32 $0xFFFFE003, lr  }
0x1b: {  	s9 =	sadd.s32 $0xFFFFFEF7, lr;
	s5 =	simm.s32 $0xFFFFFFFF;
	p2 =	slt.u32 s8, $0xFFFFF086  }
0x1c: {  	p1 =	slt.u32 s9, $0xF7A;
	s5 =	simm.s32 @!p2 $0x0  }
0x1d: {  	s5 =	simm.s32 @p1 $0x1;
	p0 =	seq.s32 s7, s2  }
0x1e: {  	s7 =	smul.u32 @!p0 $0xF7A, s2;
	p2 =	seq.s32 @!p0 s5, $0x0  }
0x1f: {  	s9 =	smul.u32 $0xF7A, s1;
	s8 =	simm.s32 @!p0 $0x1BF5;
	p2 =	por !p2, p0  }
0x20: {  	[sflag:s8] =	ssyncset.s32 @!p0 $0xFFFFF086;
	s6 =	sadd.s32 @!p0 s3, s7;
	s7 =	simm.s32 @!p0 $0x108  }
0x21: {  	s3 =	sadd.s32 s3, s9;
	s6 =	sadd.s32 @!p0 $0x88, s6;
	s7 =	simm.s32 @p2 $0x1082  }
0x22: {  	[simem:s7], [sflag:s8] =	dma.local @!p0 [hbm:s6], $0xF7A  }
0x23: {  	s9 =	sor.u32 $0xD0000000, s2;
	s6 =	simm.s32 $0x108;
	_ =	swait.ge @!p0 [sflag:s8], $0x0  }
0x24: {  	s3 =	sadd.s32 $0x88, s3;
	s6 =	simm.s32 @!p1 $0x1082;
	[sflag:s4] =	ssyncset.s32 $0xFFFFF086  }
0x25: {  	[simem:s6], [sflag:s4] =	dma.local [hbm:s3], $0xF7A  }
0x26: {  	[smem:$0x3F85] =	sst s1;
	(tag) =	ssettag s2;
	_ =	strace s9  }
0x27: {  	s1 =	sld [smem:$0x3F95]  }
0x28: {  	s2 =	sld [smem:$0x3F96]  }
0x29: {  	s4 =	sld [smem:$0x3F98]  }
0x2a: {  	p0 =	seq.s32 s5, $0x0;
	s5 =	sld [smem:$0x3F99]  }
0x2b: {  	s6 =	sld [smem:$0x3F9A]  }
0x2c: {  	s7 =	sld [smem:$0x3F9B]  }
0x2d: {  	s3 =	simm.s32 $0x108;
	s8 =	sld [smem:$0x3F9C]  }
0x2e: {  	s3 =	simm.s32 @!p0 $0x1082;
	s9 =	sld [smem:$0x3F9D]  }
0x2f: {  	lr =	sadd.s32 s0, s3;
	s0 =	sld [smem:$0x3F94]  }
0x30: {  	s3 =	sld [smem:$0x3F97]  }
0x31: {  	[smem:$0x3FA0] =	sst s10  }
0x32: {  	s10 =	sld [smem:$0x3F9E];
	_ =	sdelay $0x3  }
0x33: {  	p0 =	seq.s32 s10, $0x1;
	s10 =	sld [smem:$0x3FA0];
	_ =	sdelay $0x3  }
0x34: {  	[smem:$0x3FA0] =	sst s10  }
0x35: {  	s10 =	sld [smem:$0x3F9F];
	_ =	sdelay $0x3  }
0x36: {  	p1 =	seq.s32 s10, $0x1;
	s10 =	sld [smem:$0x3FA0];
	_ =	sdelay $0x3  }
0x37: {  	[smem:$0x3FA0] =	sst s10  }
0x38: {  	s10 =	sld [smem:$0x3FA1]  }
0x39: {  	_ = 	snop;
	(pc) =	sbr.ind lr, $3  }
0x3a: {  	_ = 	snop  }
0x3b: {  	_ = 	snop  }
0x3c: {  	p2 =	seq.s32 s10, $0x1;
	s10 =	sld [smem:$0x3FA0]  }
0x3d: {  	_ =	shalt  }
0x3e: {  	_ =	shalt  }
0x3f: {  	_ =	shalt  }
0x40: {  	_ =	shalt  }
0x41: {  	_ =	shalt  }
0x42: {  	_ =	shalt  }
0x43: {  	_ =	shalt  }
0x44: {  	_ =	shalt  }
0x45: {  	_ =	shalt  }
0x46: {  	_ =	shalt  }
0x47: {  	_ =	shalt  }
0x48: {  	_ =	shalt  }
0x49: {  	_ =	shalt  }
0x4a: {  	_ =	shalt  }
0x4b: {  	_ =	shalt  }
0x4c: {  	_ =	shalt  }
0x4d: {  	_ =	shalt  }
0x4e: {  	_ =	shalt  }
0x4f: {  	_ =	shalt  }
0x50: {  	_ =	shalt  }
0x51: {  	_ =	shalt  }
0x52: {  	_ =	shalt  }
0x53: {  	_ =	shalt  }
0x54: {  	_ =	shalt  }
0x55: {  	_ =	shalt  }
0x56: {  	_ =	shalt  }
0x57: {  	_ =	shalt  }
0x58: {  	_ =	shalt  }
0x59: {  	_ =	shalt  }
0x5a: {  	_ =	shalt  }
0x5b: {  	_ =	shalt  }
0x5c: {  	_ =	shalt  }
0x5d: {  	_ =	shalt  }
0x5e: {  	_ =	shalt  }
0x5f: {  	_ =	shalt  }
0x60: {  	_ =	shalt  }
0x61: {  	_ =	shalt  }
0x62: {  	_ =	shalt  }
0x63: {  	_ =	shalt  }
0x64: {  	_ =	shalt  }
0x65: {  	_ =	shalt  }
0x66: {  	_ =	shalt  }
0x67: {  	_ =	shalt  }
0x68: {  	_ =	shalt  }
0x69: {  	_ =	shalt  }
0x6a: {  	_ =	shalt  }
0x6b: {  	_ =	shalt  }
0x6c: {  	_ =	shalt  }
0x6d: {  	_ =	shalt  }
0x6e: {  	_ =	shalt  }
0x6f: {  	_ =	shalt  }
0x70: {  	_ =	shalt  }
0x71: {  	_ =	shalt  }
0x72: {  	_ =	shalt  }
0x73: {  	_ =	shalt  }
0x74: {  	_ =	shalt  }
0x75: {  	_ =	shalt  }
0x76: {  	_ =	shalt  }
0x77: {  	_ =	shalt  }
0x78: {  	_ =	shalt  }
0x79: {  	_ =	shalt  }
0x7a: {  	_ =	shalt  }
0x7b: {  	_ =	shalt  }
0x7c: {  	_ =	shalt  }
0x7d: {  	_ =	shalt  }
0x7e: {  	_ =	shalt  }
0x7f: {  	_ =	shalt  }
0x80: {  	_ =	shalt  }
0x81: {  	_ =	shalt  }
0x82: {  	_ =	shalt  }
0x83: {  	_ =	shalt  }
0x84: {  	_ =	shalt  }
0x85: {  	_ =	shalt  }
0x86: {  	_ =	shalt  }
0x87: {  	_ =	shalt  }
.Lfunc_end0:
.L_simem_size_0:
called_computation_lowered:
.L_overlay_start_0:
0x88: {  	s2 =	sld [smem:$0x3FD9]  }
0x89: {  	s3 =	sld [smem:$0x3FFE];
	_ =	sdelay $0x1  }
0x8a: {  	s1 =	srdreg.scid  }
0x8b: {  	s0 =	sand.u32 $0x1, s1  }
0x8c: {  	s17 =	sshll.u32 s0, $0xA;
	s2 =	sadd.s32 s3, s2  }
0x8d: {  	s2 =	sadd.s32 s2, s17  }
0x8e: {  	[smem:$0x3FAC] =	sst s2  }
0x8f: {  	_ = 	snop  }
0x90: {  	s2 =	sld [smem:$0x3FD0];
	(tm) =	ssettm $0x1  }
0x91: {  	s18 =	sld [smem:$0x3FFB];
	_ =	sdelay $0x3  }
0x92: {  	_ =	strace s18  }
0x93: {  	s3 =	sld [smem:$0x3FFC];
	_ =	sdelay $0x3  }
0x94: {  	_ =	strace s3  }
0x95: {  	s3 =	sld [smem:$0x3FFD];
	_ =	sdelay $0x3  }
0x96: {  	_ =	strace s3  }
0x97: {  	_ =	strace $0x8FFFFFFF  }
0x98: {  	s19 =	sld [smem:$0x3FDB];
	_ =	sdelay $0x1  }
0x99: {  	s4 =	simm.s32 $_scs_section_size  }
0x9a: {  	s5 =	simm.s32 $_size__tile_overlayer_lowered;
	s6 =	simm.s32 $_tile_overlayer_lowered  }
0x9b: {  	s22 =	simm.s32 $0x1BFF;
	s21 =	sshll.u32 s6, $0x1;
	s3 =	sadd.s32 s4, s19  }
0x9c: {  	s7 =	simm.s32 $0x0;
	s20 =	sshll.u32 s5, $0x1;
	s5 =	sadd.s32 s21, s3  }
0x9d: {  	[timem:s7], [sflag:s22] =	dma.local [hbm:s5], s20  }
0x9e: {  	_ =	swait.ge [sflag:s22], s20  }
0x9f: {  	s4 =	ssub.s32 $0x0, s20;
	[sflag:s22] =	ssyncset.done $0x0  }
0xa0: {  	[sflag:s22] =	ssyncadd.s32 s4;
	_ =	sdelay $0x1  }
0xa1: {  	s23 =	simm.s32 $0x1B8B  }
0xa2: {  	_ =	swait.ge [sflag:s23], $0x1  }
0xa3: {  	[sflag:s23] =	ssyncset.done $0x0  }
0xa4: {  	s25 =	simm.s32 $0x1B8E;
	s24 =	sld [smem:$0x3FFE];
	[sflag:s23] =	ssyncadd.s32 $0xFFFFFFFF  }
0xa5: {  	s26 =	simm.s32 $execute0_lowered;
	[smem:$0x3FD2] =	sst s25  }
0xa6: {  	s5 =	sshll.u32 s26, $0x1;
	_ =	strace $0x80000046;
	[dreg:$0x1] =	wrdreg $0xFFFFFFFF  }
0xa7: {  	s28 =	simm.s32 $_size_execute0_lowered;
	s3 =	sadd.s32 s3, s5;
	[dreg:$0x0] =	wrdreg $0x0  }
0xa8: {  	s5 =	sshll.u32 s28, $0x1;
	[dreg:$0x2] =	wrdreg s3  }
0xa9: {  	[dreg:$0x3] =	wrdreg s5  }
0xaa: {  	[dreg:$0x4] =	wrdreg $0xC0  }
0xab: {  	_ =	task [dreg:s7], $0x5FFFF  }
0xac: {  	[dreg:$0x1] =	wrdreg $0xFFFFFFFF  }
0xad: {  	[dreg:$0x0] =	wrdreg $0x60  }
0xae: {  	[dreg:$0x2] =	wrdreg s2  }
0xaf: {  	[dreg:$0x3] =	wrdreg s24  }
0xb0: {  	[dreg:$0x4] =	wrdreg $0x9  }
0xb1: {  	_ =	task.clear_ibuf [dreg:s7], $0x5FFFF;
	_ =	strace $0x90000046  }
0xb2: {  	s29 =	simm.s32 $0x9;
	_ =	strace $0x80000048  }
0xb3: {  	_ =	swait.ge [sflag:s29], $0x1  }
0xb4: {  	[sflag:s29] =	ssyncadd.s32 $0xFFFFFFFF  }
0xb5: {  	_ =	strace $0x90000048  }
0xb6: {  	_ =	sfence  }
0xb7: {  	s30 =	sld [smem:$0x0];
	_ =	sdelay $0x2  }
0xb8: {  	s31 =	sshll.u32 s1, $0xD;
	s1 =	sshrl.u32 s1, $0x2  }
0xb9: {  	s3 =	sand.u32 $0x4000, s31;
	s1 =	sadd.s32 s1, s30  }
0xba: {  	s0 =	sor.u32 s3, s0;
	s1 =	sshll.u32 s1, $0x11  }
0xbb: {  	s0 =	sor.u32 s1, s0  }
0xbc: {  	s0 =	sadd.s32 $0x8F2B, s0  }
0xbd: {  	[sflag:s0] =	ssyncadd.remote.s32 $0x1  }
0xbe: {  	_ =	sfence.sel $0xFFFF  }
0xbf: {  	[dreg:$0x0] =	wrdreg $0xFFFFFFFF;
	(pc) =	sbr.abs _section_cstart, $3  }
0xc0: {  	[dreg:$0x1] =	wrdreg $0xFFFFFFFF  }
0xc1: {  	_ =	task.clear_ibuf [dreg:s7], $0x2FFFF;
	_ =	strace $0x9FFFFFFF  }
0xc2: {  	(tm) =	ssettm $0x7FFFFFFF  }
0xc3: {  	_ =	shalt  }
tec
execute0_lowered:
.L_overlay_start_1:
0x0: {  	(tag) =	ssettag $0x1  }
0x1: {  	s0 =	srdreg.scid;
	s2 =	stileid.u32  }
0x2: {  	s1 =	rddreg [dreg:$0x0];
	s6 =	sand.u32 $0x1, s0;
	s22 =	sshll.u32 s2, $0x1  }
0x3: {  	s3 =	rddreg [dreg:$0x1];
	p0 =	por $0x0, $0x0;
	s0 =	sor.u32 s6, s22  }
0x4: {  	s2 =	simm.s32 $0x0;
	s4 =	sadd.s32 $0x3C00, s3;
	s5 =	smul.u32 $0xA00, s0  }
0x5: {  	s3 =	sadd.s32 $0x18A600, s3;
	[smem:$0x7FF] =	sst s2;
	s6 =	ssub.s32 $0x2, s6  }
0x6: {  	_ =	strace $0x80000047;
	s0 =	smul.u32 $0xA000, s0;
	s7 =	sshrl.u32 s5, $0x3  }
0x7: {  	s8 =	sor.u32 $0x80, s5;
	s9 =	sor.u32 $0x100, s5;
	s25 =	sor.u32 $0x180, s5  }
0x8: {  	s0 =	sadd.s32 s4, s0;
	s13 =	sadd.s32 $0x200, s5;
	s16 =	sadd.s32 $0x280, s5  }
0x9: {  	s22 =	sadd.s32 $0x300, s5;
	s7 =	sadd.s32 s1, s7;
	s23 =	sshrl.u32 s8, $0x3  }
0xa: {  	s10 =	sshrl.u32 s9, $0x3;
	s26 =	sshrl.u32 s25, $0x3;
	[dreg:$0x6] =	wrdreg s0  }
0xb: {  	s11 =	sshll.u32 s8, $0x4;
	s14 =	sshrl.u32 s13, $0x3;
	s15 =	sshll.u32 s9, $0x4  }
0xc: {  	s18 =	sshrl.u32 s16, $0x3;
	[dreg:$0x3] =	wrdreg s7;
	s7 =	sadd.s32 s1, s23  }
0xd: {  	s20 =	sshll.u32 s25, $0x4;
	s24 =	sadd.s32 s1, s10;
	[dreg:$0x4] =	wrdreg s7  }
0xe: {  	s8 =	sshll.u32 s22, $0x4;
	s12 =	sadd.s32 s4, s11;
	[dreg:$0x5] =	wrdreg s24  }
0xf: {  	s0 =	sadd.s32 s1, s14;
	s17 =	sadd.s32 s4, s15;
	[dreg:$0x8] =	wrdreg s12  }
0x10: {  	s19 =	sadd.s32 s1, s18;
	s21 =	sadd.s32 s4, s20;
	[dreg:$0x9] =	wrdreg s0  }
0x11: {  	s23 =	sshrl.u32 s22, $0x3;
	s14 =	sadd.s32 $0x400, s5;
	[dreg:$0xa] =	wrdreg s17  }
0x12: {  	s22 =	sadd.s32 $0x500, s5;
	s7 =	sadd.s32 s1, s26;
	[dreg:$0xb] =	wrdreg s19  }
0x13: {  	[dreg:$0xc] =	wrdreg s21;
	s0 =	sadd.s32 s1, s23;
	s24 =	sadd.s32 $0x380, s5  }
0x14: {  	s12 =	sshll.u32 s16, $0x4;
	s15 =	sshrl.u32 s14, $0x3;
	s16 =	sadd.s32 $0x480, s5  }
0x15: {  	s17 =	sadd.s32 s4, s8;
	s23 =	sshrl.u32 s22, $0x3;
	[dreg:$0x7] =	wrdreg s7  }
0x16: {  	s8 =	sshll.u32 s22, $0x4;
	s7 =	sshll.u32 s13, $0x4;
	[dreg:$0xd] =	wrdreg s0  }
0x17: {  	s26 =	sshrl.u32 s24, $0x3;
	s13 =	sadd.s32 s4, s12;
	s0 =	sadd.s32 s1, s15  }
0x18: {  	s18 =	sshrl.u32 s16, $0x3;
	[dreg:$0x12] =	wrdreg s17;
	s20 =	sshll.u32 s24, $0x4  }
0x19: {  	s24 =	sadd.s32 $0x580, s5;
	s9 =	sshll.u32 s16, $0x4;
	s15 =	sadd.s32 $0x680, s5  }
0x1a: {  	s31 =	sadd.s32 s4, s8;
	s8 =	simm.s32 $0x5;
	[dreg:$0x10] =	wrdreg s13  }
0x1b: {  	s25 =	sadd.s32 s4, s7;
	s11 =	sadd.s32 s1, s26;
	[dreg:$0x11] =	wrdreg s0  }
0x1c: {  	s19 =	sadd.s32 s1, s18;
	s21 =	sadd.s32 s4, s20;
	s0 =	sadd.s32 s1, s23  }
0x1d: {  	s7 =	sshll.u32 s14, $0x4;
	s26 =	sshrl.u32 s24, $0x3;
	[dreg:$0xe] =	wrdreg s25  }
0x1e: {  	s12 =	sadd.s32 s4, s9;
	s13 =	sadd.s32 $0x600, s5;
	[dreg:$0xf] =	wrdreg s11  }
0x1f: {  	s16 =	sshrl.u32 s15, $0x3;
	s17 =	sshll.u32 s24, $0x4;
	[dreg:$0x13] =	wrdreg s19  }
0x20: {  	s18 =	sadd.s32 $0x700, s5;
	s20 =	sadd.s32 $0x780, s5;
	[dreg:$0x14] =	wrdreg s21  }
0x21: {  	s9 =	sshll.u32 s15, $0x4;
	[dreg:$0x15] =	wrdreg s0;
	s25 =	sadd.s32 s4, s7  }
0x22: {  	s7 =	sadd.s32 s1, s26;
	s11 =	sshrl.u32 s6, $0x1;
	[dreg:$0x18] =	wrdreg s12  }
0x23: {  	s14 =	sshrl.u32 s13, $0x3;
	s28 =	sadd.s32 s1, s16;
	s29 =	sadd.s32 s4, s17  }
0x24: {  	s19 =	sshrl.u32 s18, $0x3;
	s0 =	sshll.u32 s13, $0x4;
	s10 =	sshrl.u32 s20, $0x3  }
0x25: {  	s24 =	sadd.s32 s4, s9;
	s13 =	sshll.u32 s18, $0x4;
	[dreg:$0x16] =	wrdreg s25  }
0x26: {  	s16 =	sadd.s32 $0x900, s5;
	s9 =	simm.s32 $0x4100;
	[dreg:$0x17] =	wrdreg s7  }
0x27: {  	s6 =	ssub.s32 s6, s11;
	s30 =	sadd.s32 s1, s14;
	s25 =	sadd.s32 s1, s19  }
0x28: {  	s26 =	sadd.s32 s4, s0;
	s11 =	sadd.s32 $0x800, s5;
	s23 =	sadd.s32 s1, s10  }
0x29: {  	s14 =	sadd.s32 $0x880, s5;
	s22 =	sadd.s32 s4, s13;
	s0 =	sshll.u32 s20, $0x4  }
0x2a: {  	s17 =	sshrl.u32 s16, $0x3;
	s5 =	sadd.s32 $0x980, s5;
	s12 =	sshrl.u32 s11, $0x3  }
0x2b: {  	s15 =	sshrl.u32 s14, $0x3;
	s20 =	sadd.s32 s4, s0;
	s18 =	sshll.u32 s11, $0x4  }
0x2c: {  	s17 =	sadd.s32 s1, s17;
	s10 =	sshrl.u32 s5, $0x3;
	s11 =	sshll.u32 s14, $0x4  }
0x2d: {  	s0 =	sshll.u32 s16, $0x4;
	s19 =	sadd.s32 s1, s15;
	s15 =	smax.u32 s6, $0x1  }
0x2e: {  	s13 =	sshll.u32 s5, $0x4;
	s5 =	simm.s32 $0x80;
	p1 =	sne.s32 s15, $0x1  }
.Ltmp0:
0x2f: {  	s16 =	simm.s32 $0x1;
	s21 =	sadd.s32 s1, s12;
	(pc) =	sbr.rel @!p1 .LBB2_3-.Ltmp0, $4  }
0x30: {  	s18 =	sadd.s32 s4, s18;
	s12 =	sadd.s32 s1, s10;
	s14 =	sadd.s32 s4, s11  }
0x31: {  	s7 =	sadd.s32 s4, s0;
	s4 =	sadd.s32 s4, s13;
	s11 =	simm.s32 $0x100  }
0x32: {  	s13 =	simm.s32 $0x2;
	s10 =	simm.s32 $0x4;
	s6 =	simm.s32 $0x6  }
0x33: {  	s0 =	rddreg [dreg:$0x3];
	s1 =	sadd.s32 $0xFFFFFFFF, s15;
	s15 =	simm.s32 $0x3  }
0x34: {  	[dreg:$0x1a] =	wrdreg s1  }
0x35: {  	[tilespmem:s2], [sflag:$0x1] =	stream.linear.gather [hbm4b:s0+s2], $0x80, $0x38;
	[tilespmem:$0x8100] =	vst v63  }
0x36: {  	s1 =	rddreg [dreg:$0x4]  }
0x37: {  	[tilespmem:s5], [sflag:$0x2] =	stream.linear.gather [hbm4b:s1+s2], $0x80, $0x38;
	[tilespmem:$0x8100] =	vst v63  }
0x38: {  	_ =	swait.ge [sflag:s16], $0x80  }
0x39: {  	[sflag:s16] =	ssyncset.done $0x0  }
0x3a: {  	[sflag:s16] =	ssyncadd.s32 $0xFFFFFF80  }
0x3b: {  	[tilespmem:s11], [sflag:$0x3] =	stream.indirect.gather [hbm4b:s3+s5], $0x80, s2, s5, $0xb8;
	[tilespmem:$0x8100] =	vst v63  }
0x3c: {  	_ =	swait.ge [sflag:s15], $0x4000  }
0x3d: {  	[sflag:s15] =	ssyncset.done $0x0  }
0x3e: {  	s0 =	rddreg [dreg:$0x5];
	[sflag:s15] =	ssyncadd.s32 $0xFFFFC000  }
0x3f: {  	[tilespmem:s2], [sflag:$0x1] =	stream.linear.gather [hbm4b:s0+s2], $0x80, $0x38;
	[tilespmem:$0x8100] =	vst v63  }
0x40: {  	s1 =	rddreg [dreg:$0x6]  }
0x41: {  	[hbm4b:s1+s2] =	stream.linear.scatter [tilespmem:s11], [sflag:$0x5], $0x4000, $0x38;
	[tilespmem:$0x8100] =	vst v63  }
0x42: {  	_ =	swait.ge [sflag:s13], $0x80  }
0x43: {  	[sflag:s13] =	ssyncset.done $0x0  }
0x44: {  	[sflag:s13] =	ssyncadd.s32 $0xFFFFFF80  }
0x45: {  	[tilespmem:s9], [sflag:$0x4] =	stream.indirect.gather [hbm4b:s3+s5], $0x80, s5, s5, $0xb8;
	[tilespmem:$0x8100] =	vst v63  }
0x46: {  	_ =	swait.ge [sflag:s10], $0x4000  }
0x47: {  	[sflag:s10] =	ssyncset.done $0x0  }
0x48: {  	s0 =	rddreg [dreg:$0x7];
	[sflag:s10] =	ssyncadd.s32 $0xFFFFC000  }
0x49: {  	[tilespmem:s5], [sflag:$0x2] =	stream.linear.gather [hbm4b:s0+s2], $0x80, $0x38;
	[tilespmem:$0x8100] =	vst v63  }
0x4a: {  	s1 =	rddreg [dreg:$0x8]  }
0x4b: {  	[hbm4b:s1+s2] =	stream.linear.scatter [tilespmem:s9], [sflag:$0x6], $0x4000, $0x38;
	[tilespmem:$0x8100] =	vst v63  }
0x4c: {  	_ =	swait.ge [sflag:s16], $0x80  }
0x4d: {  	[sflag:s16] =	ssyncset.done $0x0  }
0x4e: {  	[sflag:s16] =	ssyncadd.s32 $0xFFFFFF80  }
0x4f: {  	_ =	swait.ge [sflag:s8], $0x4000  }
0x50: {  	[sflag:s8] =	ssyncset.done $0x0  }
0x51: {  	[sflag:s8] =	ssyncadd.s32 $0xFFFFC000  }
0x52: {  	[tilespmem:s11], [sflag:$0x3] =	stream.indirect.gather [hbm4b:s3+s5], $0x80, s2, s5, $0xb8;
	[tilespmem:$0x8100] =	vst v63  }
0x53: {  	_ =	swait.ge [sflag:s15], $0x4000  }
0x54: {  	[sflag:s15] =	ssyncset.done $0x0  }
0x55: {  	s0 =	rddreg [dreg:$0x9];
	[sflag:s15] =	ssyncadd.s32 $0xFFFFC000  }
0x56: {  	[tilespmem:s2], [sflag:$0x1] =	stream.linear.gather [hbm4b:s0+s2], $0x80, $0x38;
	[tilespmem:$0x8100] =	vst v63  }
0x57: {  	s1 =	rddreg [dreg:$0xa]  }
0x58: {  	[hbm4b:s1+s2] =	stream.linear.scatter [tilespmem:s11], [sflag:$0x5], $0x4000, $0x38;
	[tilespmem:$0x8100] =	vst v63  }
0x59: {  	_ =	swait.ge [sflag:s13], $0x80  }
0x5a: {  	[sflag:s13] =	ssyncset.done $0x0  }
0x5b: {  	[sflag:s13] =	ssyncadd.s32 $0xFFFFFF80  }
0x5c: {  	_ =	swait.ge [sflag:s6], $0x4000  }
0x5d: {  	[sflag:s6] =	ssyncset.done $0x0  }
0x5e: {  	[sflag:s6] =	ssyncadd.s32 $0xFFFFC000  }
0x5f: {  	[tilespmem:s9], [sflag:$0x4] =	stream.indirect.gather [hbm4b:s3+s5], $0x80, s5, s5, $0xb8;
	[tilespmem:$0x8100] =	vst v63  }
0x60: {  	_ =	swait.ge [sflag:s10], $0x4000  }
0x61: {  	[sflag:s10] =	ssyncset.done $0x0  }
0x62: {  	s0 =	rddreg [dreg:$0xb];
	[sflag:s10] =	ssyncadd.s32 $0xFFFFC000  }
0x63: {  	[tilespmem:s5], [sflag:$0x2] =	stream.linear.gather [hbm4b:s0+s2], $0x80, $0x38;
	[tilespmem:$0x8100] =	vst v63  }
0x64: {  	s1 =	rddreg [dreg:$0xc]  }
0x65: {  	[hbm4b:s1+s2] =	stream.linear.scatter [tilespmem:s9], [sflag:$0x6], $0x4000, $0x38;
	[tilespmem:$0x8100] =	vst v63  }
0x66: {  	_ =	swait.ge [sflag:s16], $0x80  }
0x67: {  	[sflag:s16] =	ssyncset.done $0x0  }
0x68: {  	[sflag:s16] =	ssyncadd.s32 $0xFFFFFF80  }
0x69: {  	_ =	swait.ge [sflag:s8], $0x4000  }
0x6a: {  	[sflag:s8] =	ssyncset.done $0x0  }
0x6b: {  	[sflag:s8] =	ssyncadd.s32 $0xFFFFC000  }
0x6c: {  	[tilespmem:s11], [sflag:$0x3] =	stream.indirect.gather [hbm4b:s3+s5], $0x80, s2, s5, $0xb8;
	[tilespmem:$0x8100] =	vst v63  }
0x6d: {  	_ =	swait.ge [sflag:s15], $0x4000  }
0x6e: {  	[sflag:s15] =	ssyncset.done $0x0  }
0x6f: {  	s0 =	rddreg [dreg:$0xd];
	[sflag:s15] =	ssyncadd.s32 $0xFFFFC000  }
0x70: {  	[tilespmem:s2], [sflag:$0x1] =	stream.linear.gather [hbm4b:s0+s2], $0x80, $0x38;
	[tilespmem:$0x8100] =	vst v63  }
0x71: {  	s1 =	rddreg [dreg:$0xe]  }
0x72: {  	[hbm4b:s1+s2] =	stream.linear.scatter [tilespmem:s11], [sflag:$0x5], $0x4000, $0x38;
	[tilespmem:$0x8100] =	vst v63  }
0x73: {  	_ =	swait.ge [sflag:s13], $0x80  }
0x74: {  	[sflag:s13] =	ssyncset.done $0x0  }
0x75: {  	[sflag:s13] =	ssyncadd.s32 $0xFFFFFF80  }
0x76: {  	_ =	swait.ge [sflag:s6], $0x4000  }
0x77: {  	[sflag:s6] =	ssyncset.done $0x0  }
0x78: {  	[sflag:s6] =	ssyncadd.s32 $0xFFFFC000  }
0x79: {  	[tilespmem:s9], [sflag:$0x4] =	stream.indirect.gather [hbm4b:s3+s5], $0x80, s5, s5, $0xb8;
	[tilespmem:$0x8100] =	vst v63  }
0x7a: {  	_ =	swait.ge [sflag:s10], $0x4000  }
0x7b: {  	[sflag:s10] =	ssyncset.done $0x0  }
0x7c: {  	s0 =	rddreg [dreg:$0xf];
	[sflag:s10] =	ssyncadd.s32 $0xFFFFC000  }
0x7d: {  	[tilespmem:s5], [sflag:$0x2] =	stream.linear.gather [hbm4b:s0+s2], $0x80, $0x38;
	[tilespmem:$0x8100] =	vst v63  }
0x7e: {  	s1 =	rddreg [dreg:$0x10]  }
0x7f: {  	[hbm4b:s1+s2] =	stream.linear.scatter [tilespmem:s9], [sflag:$0x6], $0x4000, $0x38;
	[tilespmem:$0x8100] =	vst v63  }
0x80: {  	_ =	swait.ge [sflag:s16], $0x80  }
0x81: {  	[sflag:s16] =	ssyncset.done $0x0  }
0x82: {  	[sflag:s16] =	ssyncadd.s32 $0xFFFFFF80  }
0x83: {  	_ =	swait.ge [sflag:s8], $0x4000  }
0x84: {  	[sflag:s8] =	ssyncset.done $0x0  }
0x85: {  	[sflag:s8] =	ssyncadd.s32 $0xFFFFC000  }
0x86: {  	[tilespmem:s11], [sflag:$0x3] =	stream.indirect.gather [hbm4b:s3+s5], $0x80, s2, s5, $0xb8;
	[tilespmem:$0x8100] =	vst v63  }
0x87: {  	_ =	swait.ge [sflag:s15], $0x4000  }
0x88: {  	[sflag:s15] =	ssyncset.done $0x0  }
0x89: {  	s0 =	rddreg [dreg:$0x11];
	[sflag:s15] =	ssyncadd.s32 $0xFFFFC000  }
0x8a: {  	[tilespmem:s2], [sflag:$0x1] =	stream.linear.gather [hbm4b:s0+s2], $0x80, $0x38;
	[tilespmem:$0x8100] =	vst v63  }
0x8b: {  	s1 =	rddreg [dreg:$0x12]  }
0x8c: {  	[hbm4b:s1+s2] =	stream.linear.scatter [tilespmem:s11], [sflag:$0x5], $0x4000, $0x38;
	[tilespmem:$0x8100] =	vst v63  }
0x8d: {  	_ =	swait.ge [sflag:s13], $0x80  }
0x8e: {  	[sflag:s13] =	ssyncset.done $0x0  }
0x8f: {  	[sflag:s13] =	ssyncadd.s32 $0xFFFFFF80  }
0x90: {  	_ =	swait.ge [sflag:s6], $0x4000  }
0x91: {  	[sflag:s6] =	ssyncset.done $0x0  }
0x92: {  	[sflag:s6] =	ssyncadd.s32 $0xFFFFC000  }
0x93: {  	[tilespmem:s9], [sflag:$0x4] =	stream.indirect.gather [hbm4b:s3+s5], $0x80, s5, s5, $0xb8;
	[tilespmem:$0x8100] =	vst v63  }
0x94: {  	_ =	swait.ge [sflag:s10], $0x4000  }
0x95: {  	[sflag:s10] =	ssyncset.done $0x0  }
0x96: {  	s0 =	rddreg [dreg:$0x13];
	[sflag:s10] =	ssyncadd.s32 $0xFFFFC000  }
0x97: {  	[tilespmem:s5], [sflag:$0x2] =	stream.linear.gather [hbm4b:s0+s2], $0x80, $0x38;
	[tilespmem:$0x8100] =	vst v63  }
0x98: {  	s1 =	rddreg [dreg:$0x14]  }
0x99: {  	[hbm4b:s1+s2] =	stream.linear.scatter [tilespmem:s9], [sflag:$0x6], $0x4000, $0x38;
	[tilespmem:$0x8100] =	vst v63  }
0x9a: {  	_ =	swait.ge [sflag:s16], $0x80  }
0x9b: {  	[sflag:s16] =	ssyncset.done $0x0  }
0x9c: {  	[sflag:s16] =	ssyncadd.s32 $0xFFFFFF80  }
0x9d: {  	_ =	swait.ge [sflag:s8], $0x4000  }
0x9e: {  	[sflag:s8] =	ssyncset.done $0x0  }
0x9f: {  	[sflag:s8] =	ssyncadd.s32 $0xFFFFC000  }
0xa0: {  	[tilespmem:s11], [sflag:$0x3] =	stream.indirect.gather [hbm4b:s3+s5], $0x80, s2, s5, $0xb8;
	[tilespmem:$0x8100] =	vst v63  }
0xa1: {  	_ =	swait.ge [sflag:s15], $0x4000  }
0xa2: {  	[sflag:s15] =	ssyncset.done $0x0  }
0xa3: {  	s0 =	rddreg [dreg:$0x15];
	[sflag:s15] =	ssyncadd.s32 $0xFFFFC000  }
0xa4: {  	[tilespmem:s2], [sflag:$0x1] =	stream.linear.gather [hbm4b:s0+s2], $0x80, $0x38;
	[tilespmem:$0x8100] =	vst v63  }
0xa5: {  	s1 =	rddreg [dreg:$0x16]  }
0xa6: {  	[hbm4b:s1+s2] =	stream.linear.scatter [tilespmem:s11], [sflag:$0x5], $0x4000, $0x38;
	[tilespmem:$0x8100] =	vst v63  }
0xa7: {  	_ =	swait.ge [sflag:s13], $0x80  }
0xa8: {  	[sflag:s13] =	ssyncset.done $0x0  }
0xa9: {  	[sflag:s13] =	ssyncadd.s32 $0xFFFFFF80  }
0xaa: {  	_ =	swait.ge [sflag:s6], $0x4000  }
0xab: {  	[sflag:s6] =	ssyncset.done $0x0  }
0xac: {  	[sflag:s6] =	ssyncadd.s32 $0xFFFFC000  }
0xad: {  	[tilespmem:s9], [sflag:$0x4] =	stream.indirect.gather [hbm4b:s3+s5], $0x80, s5, s5, $0xb8;
	[tilespmem:$0x8100] =	vst v63  }
0xae: {  	_ =	swait.ge [sflag:s10], $0x4000  }
0xaf: {  	[sflag:s10] =	ssyncset.done $0x0  }
0xb0: {  	s0 =	rddreg [dreg:$0x17];
	[sflag:s10] =	ssyncadd.s32 $0xFFFFC000  }
0xb1: {  	[tilespmem:s5], [sflag:$0x2] =	stream.linear.gather [hbm4b:s0+s2], $0x80, $0x38;
	[tilespmem:$0x8100] =	vst v63  }
0xb2: {  	s1 =	rddreg [dreg:$0x18]  }
0xb3: {  	[hbm4b:s1+s2] =	stream.linear.scatter [tilespmem:s9], [sflag:$0x6], $0x4000, $0x38;
	[tilespmem:$0x8100] =	vst v63  }
0xb4: {  	_ =	swait.ge [sflag:s16], $0x80  }
0xb5: {  	[sflag:s16] =	ssyncset.done $0x0  }
0xb6: {  	[sflag:s16] =	ssyncadd.s32 $0xFFFFFF80  }
0xb7: {  	_ =	swait.ge [sflag:s8], $0x4000  }
0xb8: {  	[sflag:s8] =	ssyncset.done $0x0  }
0xb9: {  	[sflag:s8] =	ssyncadd.s32 $0xFFFFC000  }
0xba: {  	[tilespmem:s11], [sflag:$0x3] =	stream.indirect.gather [hbm4b:s3+s5], $0x80, s2, s5, $0xb8;
	[tilespmem:$0x8100] =	vst v63  }
0xbb: {  	_ =	swait.ge [sflag:s15], $0x4000  }
0xbc: {  	[sflag:s15] =	ssyncset.done $0x0  }
0xbd: {  	[sflag:s15] =	ssyncadd.s32 $0xFFFFC000  }
0xbe: {  	[tilespmem:s2], [sflag:$0x1] =	stream.linear.gather [hbm4b:s30+s2], $0x80, $0x38;
	[tilespmem:$0x8100] =	vst v63  }
0xbf: {  	_ = 	snop  }
0xc0: {  	[hbm4b:s31+s2] =	stream.linear.scatter [tilespmem:s11], [sflag:$0x5], $0x4000, $0x38;
	[tilespmem:$0x8100] =	vst v63  }
0xc1: {  	_ =	swait.ge [sflag:s13], $0x80  }
0xc2: {  	[sflag:s13] =	ssyncset.done $0x0  }
0xc3: {  	[sflag:s13] =	ssyncadd.s32 $0xFFFFFF80  }
0xc4: {  	_ =	swait.ge [sflag:s6], $0x4000  }
0xc5: {  	[sflag:s6] =	ssyncset.done $0x0  }
0xc6: {  	[sflag:s6] =	ssyncadd.s32 $0xFFFFC000  }
0xc7: {  	[tilespmem:s9], [sflag:$0x4] =	stream.indirect.gather [hbm4b:s3+s5], $0x80, s5, s5, $0xb8;
	[tilespmem:$0x8100] =	vst v63  }
0xc8: {  	_ =	swait.ge [sflag:s10], $0x4000  }
0xc9: {  	[sflag:s10] =	ssyncset.done $0x0  }
0xca: {  	[sflag:s10] =	ssyncadd.s32 $0xFFFFC000  }
0xcb: {  	[tilespmem:s5], [sflag:$0x2] =	stream.linear.gather [hbm4b:s28+s2], $0x80, $0x38;
	[tilespmem:$0x8100] =	vst v63  }
0xcc: {  	_ = 	snop  }
0xcd: {  	[hbm4b:s29+s2] =	stream.linear.scatter [tilespmem:s9], [sflag:$0x6], $0x4000, $0x38;
	[tilespmem:$0x8100] =	vst v63  }
0xce: {  	_ =	swait.ge [sflag:s16], $0x80  }
0xcf: {  	[sflag:s16] =	ssyncset.done $0x0  }
0xd0: {  	[sflag:s16] =	ssyncadd.s32 $0xFFFFFF80  }
0xd1: {  	_ =	swait.ge [sflag:s8], $0x4000  }
0xd2: {  	[sflag:s8] =	ssyncset.done $0x0  }
0xd3: {  	[sflag:s8] =	ssyncadd.s32 $0xFFFFC000  }
0xd4: {  	[tilespmem:s11], [sflag:$0x3] =	stream.indirect.gather [hbm4b:s3+s5], $0x80, s2, s5, $0xb8;
	[tilespmem:$0x8100] =	vst v63  }
0xd5: {  	_ =	swait.ge [sflag:s15], $0x4000  }
0xd6: {  	[sflag:s15] =	ssyncset.done $0x0  }
0xd7: {  	[sflag:s15] =	ssyncadd.s32 $0xFFFFC000  }
0xd8: {  	[tilespmem:s2], [sflag:$0x1] =	stream.linear.gather [hbm4b:s25+s2], $0x80, $0x38;
	[tilespmem:$0x8100] =	vst v63  }
0xd9: {  	_ = 	snop  }
0xda: {  	[hbm4b:s26+s2] =	stream.linear.scatter [tilespmem:s11], [sflag:$0x5], $0x4000, $0x38;
	[tilespmem:$0x8100] =	vst v63  }
0xdb: {  	_ =	swait.ge [sflag:s13], $0x80  }
0xdc: {  	[sflag:s13] =	ssyncset.done $0x0  }
0xdd: {  	[sflag:s13] =	ssyncadd.s32 $0xFFFFFF80  }
0xde: {  	_ =	swait.ge [sflag:s6], $0x4000  }
0xdf: {  	[sflag:s6] =	ssyncset.done $0x0  }
0xe0: {  	[sflag:s6] =	ssyncadd.s32 $0xFFFFC000  }
0xe1: {  	[tilespmem:s9], [sflag:$0x4] =	stream.indirect.gather [hbm4b:s3+s5], $0x80, s5, s5, $0xb8;
	[tilespmem:$0x8100] =	vst v63  }
0xe2: {  	_ =	swait.ge [sflag:s10], $0x4000  }
0xe3: {  	[sflag:s10] =	ssyncset.done $0x0  }
0xe4: {  	[sflag:s10] =	ssyncadd.s32 $0xFFFFC000  }
0xe5: {  	[tilespmem:s5], [sflag:$0x2] =	stream.linear.gather [hbm4b:s23+s2], $0x80, $0x38;
	[tilespmem:$0x8100] =	vst v63  }
0xe6: {  	_ = 	snop  }
0xe7: {  	[hbm4b:s24+s2] =	stream.linear.scatter [tilespmem:s9], [sflag:$0x6], $0x4000, $0x38;
	[tilespmem:$0x8100] =	vst v63  }
0xe8: {  	_ =	swait.ge [sflag:s16], $0x80  }
0xe9: {  	[sflag:s16] =	ssyncset.done $0x0  }
0xea: {  	[sflag:s16] =	ssyncadd.s32 $0xFFFFFF80  }
0xeb: {  	_ =	swait.ge [sflag:s8], $0x4000  }
0xec: {  	[sflag:s8] =	ssyncset.done $0x0  }
0xed: {  	[sflag:s8] =	ssyncadd.s32 $0xFFFFC000  }
0xee: {  	[tilespmem:s11], [sflag:$0x3] =	stream.indirect.gather [hbm4b:s3+s5], $0x80, s2, s5, $0xb8;
	[tilespmem:$0x8100] =	vst v63  }
0xef: {  	_ =	swait.ge [sflag:s15], $0x4000  }
0xf0: {  	[sflag:s15] =	ssyncset.done $0x0  }
0xf1: {  	[sflag:s15] =	ssyncadd.s32 $0xFFFFC000  }
0xf2: {  	[tilespmem:s2], [sflag:$0x1] =	stream.linear.gather [hbm4b:s21+s2], $0x80, $0x38;
	[tilespmem:$0x8100] =	vst v63  }
0xf3: {  	_ = 	snop  }
0xf4: {  	[hbm4b:s22+s2] =	stream.linear.scatter [tilespmem:s11], [sflag:$0x5], $0x4000, $0x38;
	[tilespmem:$0x8100] =	vst v63  }
0xf5: {  	_ =	swait.ge [sflag:s13], $0x80  }
0xf6: {  	[sflag:s13] =	ssyncset.done $0x0  }
0xf7: {  	[sflag:s13] =	ssyncadd.s32 $0xFFFFFF80  }
0xf8: {  	_ =	swait.ge [sflag:s6], $0x4000  }
0xf9: {  	[sflag:s6] =	ssyncset.done $0x0  }
0xfa: {  	[sflag:s6] =	ssyncadd.s32 $0xFFFFC000  }
0xfb: {  	[tilespmem:s9], [sflag:$0x4] =	stream.indirect.gather [hbm4b:s3+s5], $0x80, s5, s5, $0xb8;
	[tilespmem:$0x8100] =	vst v63  }
0xfc: {  	_ =	swait.ge [sflag:s10], $0x4000  }
0xfd: {  	[sflag:s10] =	ssyncset.done $0x0  }
0xfe: {  	[sflag:s10] =	ssyncadd.s32 $0xFFFFC000  }
0xff: {  	[tilespmem:s5], [sflag:$0x2] =	stream.linear.gather [hbm4b:s19+s2], $0x80, $0x38;
	[tilespmem:$0x8100] =	vst v63  }
0x100: {  	_ = 	snop  }
0x101: {  	[hbm4b:s20+s2] =	stream.linear.scatter [tilespmem:s9], [sflag:$0x6], $0x4000, $0x38;
	[tilespmem:$0x8100] =	vst v63  }
0x102: {  	_ =	swait.ge [sflag:s16], $0x80  }
0x103: {  	[sflag:s16] =	ssyncset.done $0x0  }
0x104: {  	[sflag:s16] =	ssyncadd.s32 $0xFFFFFF80  }
0x105: {  	_ =	swait.ge [sflag:s8], $0x4000  }
0x106: {  	[sflag:s8] =	ssyncset.done $0x0  }
0x107: {  	[sflag:s8] =	ssyncadd.s32 $0xFFFFC000  }
0x108: {  	[tilespmem:s11], [sflag:$0x3] =	stream.indirect.gather [hbm4b:s3+s5], $0x80, s2, s5, $0xb8;
	[tilespmem:$0x8100] =	vst v63  }
0x109: {  	_ =	swait.ge [sflag:s15], $0x4000  }
0x10a: {  	[sflag:s15] =	ssyncset.done $0x0  }
0x10b: {  	[sflag:s15] =	ssyncadd.s32 $0xFFFFC000  }
0x10c: {  	[tilespmem:s2], [sflag:$0x1] =	stream.linear.gather [hbm4b:s17+s2], $0x80, $0x38;
	[tilespmem:$0x8100] =	vst v63  }
0x10d: {  	_ = 	snop  }
0x10e: {  	[hbm4b:s18+s2] =	stream.linear.scatter [tilespmem:s11], [sflag:$0x5], $0x4000, $0x38;
	[tilespmem:$0x8100] =	vst v63  }
0x10f: {  	_ =	swait.ge [sflag:s13], $0x80  }
0x110: {  	[sflag:s13] =	ssyncset.done $0x0  }
0x111: {  	[sflag:s13] =	ssyncadd.s32 $0xFFFFFF80  }
0x112: {  	_ =	swait.ge [sflag:s6], $0x4000  }
0x113: {  	[sflag:s6] =	ssyncset.done $0x0  }
0x114: {  	[sflag:s6] =	ssyncadd.s32 $0xFFFFC000  }
0x115: {  	[tilespmem:s9], [sflag:$0x4] =	stream.indirect.gather [hbm4b:s3+s5], $0x80, s5, s5, $0xb8;
	[tilespmem:$0x8100] =	vst v63  }
0x116: {  	_ =	swait.ge [sflag:s10], $0x4000  }
0x117: {  	[sflag:s10] =	ssyncset.done $0x0  }
0x118: {  	[sflag:s10] =	ssyncadd.s32 $0xFFFFC000  }
0x119: {  	[tilespmem:s5], [sflag:$0x2] =	stream.linear.gather [hbm4b:s12+s2], $0x80, $0x38;
	[tilespmem:$0x8100] =	vst v63  }
0x11a: {  	_ = 	snop  }
0x11b: {  	[hbm4b:s14+s2] =	stream.linear.scatter [tilespmem:s9], [sflag:$0x6], $0x4000, $0x38;
	[tilespmem:$0x8100] =	vst v63  }
0x11c: {  	_ =	swait.ge [sflag:s16], $0x80  }
0x11d: {  	[sflag:s16] =	ssyncset.done $0x0  }
0x11e: {  	[sflag:s16] =	ssyncadd.s32 $0xFFFFFF80  }
0x11f: {  	_ =	swait.ge [sflag:s8], $0x4000  }
0x120: {  	[sflag:s8] =	ssyncset.done $0x0  }
0x121: {  	[sflag:s8] =	ssyncadd.s32 $0xFFFFC000  }
0x122: {  	[tilespmem:s11], [sflag:$0x3] =	stream.indirect.gather [hbm4b:s3+s5], $0x80, s2, s5, $0xb8;
	[tilespmem:$0x8100] =	vst v63  }
0x123: {  	_ =	swait.ge [sflag:s15], $0x4000  }
0x124: {  	[sflag:s15] =	ssyncset.done $0x0  }
0x125: {  	[sflag:s15] =	ssyncadd.s32 $0xFFFFC000  }
0x126: {  	[hbm4b:s7+s2] =	stream.linear.scatter [tilespmem:s11], [sflag:$0x5], $0x4000, $0x38;
	[tilespmem:$0x8100] =	vst v63  }
0x127: {  	_ =	swait.ge [sflag:s13], $0x80  }
0x128: {  	[sflag:s13] =	ssyncset.done $0x0  }
0x129: {  	[sflag:s13] =	ssyncadd.s32 $0xFFFFFF80  }
0x12a: {  	_ =	swait.ge [sflag:s6], $0x4000  }
0x12b: {  	[sflag:s6] =	ssyncset.done $0x0  }
0x12c: {  	[sflag:s6] =	ssyncadd.s32 $0xFFFFC000  }
0x12d: {  	[tilespmem:s9], [sflag:$0x4] =	stream.indirect.gather [hbm4b:s3+s5], $0x80, s5, s5, $0xb8;
	[tilespmem:$0x8100] =	vst v63  }
0x12e: {  	_ =	swait.ge [sflag:s10], $0x4000  }
0x12f: {  	[sflag:s10] =	ssyncset.done $0x0  }
0x130: {  	[sflag:s10] =	ssyncadd.s32 $0xFFFFC000  }
0x131: {  	[hbm4b:s4+s2] =	stream.linear.scatter [tilespmem:s9], [sflag:$0x6], $0x4000, $0x38;
	[tilespmem:$0x8100] =	vst v63  }
0x132: {  	_ =	swait.ge [sflag:s8], $0x4000  }
0x133: {  	s1 =	rddreg [dreg:$0x1a]  }
0x134: {  	p1 =	sne.s32 s1, $0x1  }
.Ltmp1:
0x135: {  	_ = 	snop;
	(pc) =	sbr.rel @!p1 .LBB2_3-.Ltmp1, $4  }
0x136: {  	[sflag:s8] =	ssyncset.done $0x0  }
0x137: {  	[sflag:s8] =	ssyncadd.s32 $0xFFFFC000  }
0x138: {  	p0 =	por $0x1, $0x1;
	_ =	swait.ge [sflag:s6], $0x4000;
	[dreg:$0x19] =	wrdreg s31  }
0x139: {  	s1 =	sadd.s32 $0xFFFFFFFF, s1;
	s0 =	rddreg [dreg:$0x3];
	[sflag:s6] =	ssyncset.done $0x0  }
.LBB2_2:
0x13a: {  	[sflag:s6] =	ssyncadd.s32 $0xFFFFC000  }
0x13b: {  	s31 =	smov.u32 s30;
	s30 =	smov.u32 s29;
	s29 =	smov.u32 s28  }
0x13c: {  	s28 =	smov.u32 s26;
	s26 =	smov.u32 s25;
	s25 =	smov.u32 s24  }
0x13d: {  	s24 =	smov.u32 s23;
	s23 =	smov.u32 s22;
	s22 =	smov.u32 s21  }
0x13e: {  	s21 =	smov.u32 s20;
	s20 =	smov.u32 s19;
	s19 =	smov.u32 s18  }
0x13f: {  	s18 =	smov.u32 s17;
	s17 =	smov.u32 s14;
	s14 =	smov.u32 s12  }
0x140: {  	[tilespmem:s2], [sflag:$0x1] =	stream.linear.gather [hbm4b:s0+s2], $0x80, $0x38;
	[tilespmem:$0x8100] =	vst v63  }
0x141: {  	s12 =	smov.u32 s7;
	s7 =	smov.u32 s4;
	s4 =	rddreg [dreg:$0x4]  }
0x142: {  	[tilespmem:s5], [sflag:$0x2] =	stream.linear.gather [hbm4b:s4+s2], $0x80, $0x38;
	[tilespmem:$0x8100] =	vst v63  }
0x143: {  	_ =	swait.ge [sflag:s16], $0x80  }
0x144: {  	[sflag:s16] =	ssyncset.done $0x0  }
0x145: {  	[sflag:s16] =	ssyncadd.s32 $0xFFFFFF80  }
0x146: {  	[tilespmem:s11], [sflag:$0x3] =	stream.indirect.gather [hbm4b:s3+s5], $0x80, s2, s5, $0xb8;
	[tilespmem:$0x8100] =	vst v63  }
0x147: {  	_ =	swait.ge [sflag:s15], $0x4000  }
0x148: {  	[sflag:s15] =	ssyncset.done $0x0  }
0x149: {  	s0 =	rddreg [dreg:$0x5];
	[sflag:s15] =	ssyncadd.s32 $0xFFFFC000  }
0x14a: {  	[tilespmem:s2], [sflag:$0x1] =	stream.linear.gather [hbm4b:s0+s2], $0x80, $0x38;
	[tilespmem:$0x8100] =	vst v63  }
0x14b: {  	s4 =	rddreg [dreg:$0x6]  }
0x14c: {  	[hbm4b:s4+s2] =	stream.linear.scatter [tilespmem:s11], [sflag:$0x5], $0x4000, $0x38;
	[tilespmem:$0x8100] =	vst v63  }
0x14d: {  	_ =	swait.ge [sflag:s13], $0x80  }
0x14e: {  	[sflag:s13] =	ssyncset.done $0x0  }
0x14f: {  	[sflag:s13] =	ssyncadd.s32 $0xFFFFFF80  }
0x150: {  	[tilespmem:s9], [sflag:$0x4] =	stream.indirect.gather [hbm4b:s3+s5], $0x80, s5, s5, $0xb8;
	[tilespmem:$0x8100] =	vst v63  }
0x151: {  	_ =	swait.ge [sflag:s10], $0x4000  }
0x152: {  	[sflag:s10] =	ssyncset.done $0x0  }
0x153: {  	s0 =	rddreg [dreg:$0x7];
	[sflag:s10] =	ssyncadd.s32 $0xFFFFC000  }
0x154: {  	[tilespmem:s5], [sflag:$0x2] =	stream.linear.gather [hbm4b:s0+s2], $0x80, $0x38;
	[tilespmem:$0x8100] =	vst v63  }
0x155: {  	s4 =	rddreg [dreg:$0x8]  }
0x156: {  	[hbm4b:s4+s2] =	stream.linear.scatter [tilespmem:s9], [sflag:$0x6], $0x4000, $0x38;
	[tilespmem:$0x8100] =	vst v63  }
0x157: {  	_ =	swait.ge [sflag:s16], $0x80  }
0x158: {  	[sflag:s16] =	ssyncset.done $0x0  }
0x159: {  	[sflag:s16] =	ssyncadd.s32 $0xFFFFFF80  }
0x15a: {  	_ =	swait.ge [sflag:s8], $0x4000  }
0x15b: {  	[sflag:s8] =	ssyncset.done $0x0  }
0x15c: {  	[sflag:s8] =	ssyncadd.s32 $0xFFFFC000  }
0x15d: {  	[tilespmem:s11], [sflag:$0x3] =	stream.indirect.gather [hbm4b:s3+s5], $0x80, s2, s5, $0xb8;
	[tilespmem:$0x8100] =	vst v63  }
0x15e: {  	_ =	swait.ge [sflag:s15], $0x4000  }
0x15f: {  	[sflag:s15] =	ssyncset.done $0x0  }
0x160: {  	s0 =	rddreg [dreg:$0x9];
	[sflag:s15] =	ssyncadd.s32 $0xFFFFC000  }
0x161: {  	[tilespmem:s2], [sflag:$0x1] =	stream.linear.gather [hbm4b:s0+s2], $0x80, $0x38;
	[tilespmem:$0x8100] =	vst v63  }
0x162: {  	s4 =	rddreg [dreg:$0xa]  }
0x163: {  	[hbm4b:s4+s2] =	stream.linear.scatter [tilespmem:s11], [sflag:$0x5], $0x4000, $0x38;
	[tilespmem:$0x8100] =	vst v63  }
0x164: {  	_ =	swait.ge [sflag:s13], $0x80  }
0x165: {  	[sflag:s13] =	ssyncset.done $0x0  }
0x166: {  	[sflag:s13] =	ssyncadd.s32 $0xFFFFFF80  }
0x167: {  	_ =	swait.ge [sflag:s6], $0x4000  }
0x168: {  	[sflag:s6] =	ssyncset.done $0x0  }
0x169: {  	[sflag:s6] =	ssyncadd.s32 $0xFFFFC000  }
0x16a: {  	[tilespmem:s9], [sflag:$0x4] =	stream.indirect.gather [hbm4b:s3+s5], $0x80, s5, s5, $0xb8;
	[tilespmem:$0x8100] =	vst v63  }
0x16b: {  	_ =	swait.ge [sflag:s10], $0x4000  }
0x16c: {  	[sflag:s10] =	ssyncset.done $0x0  }
0x16d: {  	s0 =	rddreg [dreg:$0xb];
	[sflag:s10] =	ssyncadd.s32 $0xFFFFC000  }
0x16e: {  	[tilespmem:s5], [sflag:$0x2] =	stream.linear.gather [hbm4b:s0+s2], $0x80, $0x38;
	[tilespmem:$0x8100] =	vst v63  }
0x16f: {  	s4 =	rddreg [dreg:$0xc]  }
0x170: {  	[hbm4b:s4+s2] =	stream.linear.scatter [tilespmem:s9], [sflag:$0x6], $0x4000, $0x38;
	[tilespmem:$0x8100] =	vst v63  }
0x171: {  	_ =	swait.ge [sflag:s16], $0x80  }
0x172: {  	[sflag:s16] =	ssyncset.done $0x0  }
0x173: {  	[sflag:s16] =	ssyncadd.s32 $0xFFFFFF80  }
0x174: {  	_ =	swait.ge [sflag:s8], $0x4000  }
0x175: {  	[sflag:s8] =	ssyncset.done $0x0  }
0x176: {  	[sflag:s8] =	ssyncadd.s32 $0xFFFFC000  }
0x177: {  	[tilespmem:s11], [sflag:$0x3] =	stream.indirect.gather [hbm4b:s3+s5], $0x80, s2, s5, $0xb8;
	[tilespmem:$0x8100] =	vst v63  }
0x178: {  	_ =	swait.ge [sflag:s15], $0x4000  }
0x179: {  	[sflag:s15] =	ssyncset.done $0x0  }
0x17a: {  	s0 =	rddreg [dreg:$0xd];
	[sflag:s15] =	ssyncadd.s32 $0xFFFFC000  }
0x17b: {  	[tilespmem:s2], [sflag:$0x1] =	stream.linear.gather [hbm4b:s0+s2], $0x80, $0x38;
	[tilespmem:$0x8100] =	vst v63  }
0x17c: {  	s4 =	rddreg [dreg:$0xe]  }
0x17d: {  	[hbm4b:s4+s2] =	stream.linear.scatter [tilespmem:s11], [sflag:$0x5], $0x4000, $0x38;
	[tilespmem:$0x8100] =	vst v63  }
0x17e: {  	_ =	swait.ge [sflag:s13], $0x80  }
0x17f: {  	[sflag:s13] =	ssyncset.done $0x0  }
0x180: {  	[sflag:s13] =	ssyncadd.s32 $0xFFFFFF80  }
0x181: {  	_ =	swait.ge [sflag:s6], $0x4000  }
0x182: {  	[sflag:s6] =	ssyncset.done $0x0  }
0x183: {  	[sflag:s6] =	ssyncadd.s32 $0xFFFFC000  }
0x184: {  	[tilespmem:s9], [sflag:$0x4] =	stream.indirect.gather [hbm4b:s3+s5], $0x80, s5, s5, $0xb8;
	[tilespmem:$0x8100] =	vst v63  }
0x185: {  	_ =	swait.ge [sflag:s10], $0x4000  }
0x186: {  	[sflag:s10] =	ssyncset.done $0x0  }
0x187: {  	s0 =	rddreg [dreg:$0xf];
	[sflag:s10] =	ssyncadd.s32 $0xFFFFC000  }
0x188: {  	[tilespmem:s5], [sflag:$0x2] =	stream.linear.gather [hbm4b:s0+s2], $0x80, $0x38;
	[tilespmem:$0x8100] =	vst v63  }
0x189: {  	s4 =	rddreg [dreg:$0x10]  }
0x18a: {  	[hbm4b:s4+s2] =	stream.linear.scatter [tilespmem:s9], [sflag:$0x6], $0x4000, $0x38;
	[tilespmem:$0x8100] =	vst v63  }
0x18b: {  	_ =	swait.ge [sflag:s16], $0x80  }
0x18c: {  	[sflag:s16] =	ssyncset.done $0x0  }
0x18d: {  	[sflag:s16] =	ssyncadd.s32 $0xFFFFFF80  }
0x18e: {  	_ =	swait.ge [sflag:s8], $0x4000  }
0x18f: {  	[sflag:s8] =	ssyncset.done $0x0  }
0x190: {  	[sflag:s8] =	ssyncadd.s32 $0xFFFFC000  }
0x191: {  	[tilespmem:s11], [sflag:$0x3] =	stream.indirect.gather [hbm4b:s3+s5], $0x80, s2, s5, $0xb8;
	[tilespmem:$0x8100] =	vst v63  }
0x192: {  	_ =	swait.ge [sflag:s15], $0x4000  }
0x193: {  	[sflag:s15] =	ssyncset.done $0x0  }
0x194: {  	s0 =	rddreg [dreg:$0x11];
	[sflag:s15] =	ssyncadd.s32 $0xFFFFC000  }
0x195: {  	[tilespmem:s2], [sflag:$0x1] =	stream.linear.gather [hbm4b:s0+s2], $0x80, $0x38;
	[tilespmem:$0x8100] =	vst v63  }
0x196: {  	s4 =	rddreg [dreg:$0x12]  }
0x197: {  	[hbm4b:s4+s2] =	stream.linear.scatter [tilespmem:s11], [sflag:$0x5], $0x4000, $0x38;
	[tilespmem:$0x8100] =	vst v63  }
0x198: {  	_ =	swait.ge [sflag:s13], $0x80  }
0x199: {  	[sflag:s13] =	ssyncset.done $0x0  }
0x19a: {  	[sflag:s13] =	ssyncadd.s32 $0xFFFFFF80  }
0x19b: {  	_ =	swait.ge [sflag:s6], $0x4000  }
0x19c: {  	[sflag:s6] =	ssyncset.done $0x0  }
0x19d: {  	[sflag:s6] =	ssyncadd.s32 $0xFFFFC000  }
0x19e: {  	[tilespmem:s9], [sflag:$0x4] =	stream.indirect.gather [hbm4b:s3+s5], $0x80, s5, s5, $0xb8;
	[tilespmem:$0x8100] =	vst v63  }
0x19f: {  	_ =	swait.ge [sflag:s10], $0x4000  }
0x1a0: {  	[sflag:s10] =	ssyncset.done $0x0  }
0x1a1: {  	s0 =	rddreg [dreg:$0x13];
	[sflag:s10] =	ssyncadd.s32 $0xFFFFC000  }
0x1a2: {  	[tilespmem:s5], [sflag:$0x2] =	stream.linear.gather [hbm4b:s0+s2], $0x80, $0x38;
	[tilespmem:$0x8100] =	vst v63  }
0x1a3: {  	s4 =	rddreg [dreg:$0x14]  }
0x1a4: {  	[hbm4b:s4+s2] =	stream.linear.scatter [tilespmem:s9], [sflag:$0x6], $0x4000, $0x38;
	[tilespmem:$0x8100] =	vst v63  }
0x1a5: {  	_ =	swait.ge [sflag:s16], $0x80  }
0x1a6: {  	[sflag:s16] =	ssyncset.done $0x0  }
0x1a7: {  	[sflag:s16] =	ssyncadd.s32 $0xFFFFFF80  }
0x1a8: {  	_ =	swait.ge [sflag:s8], $0x4000  }
0x1a9: {  	[sflag:s8] =	ssyncset.done $0x0  }
0x1aa: {  	[sflag:s8] =	ssyncadd.s32 $0xFFFFC000  }
0x1ab: {  	[tilespmem:s11], [sflag:$0x3] =	stream.indirect.gather [hbm4b:s3+s5], $0x80, s2, s5, $0xb8;
	[tilespmem:$0x8100] =	vst v63  }
0x1ac: {  	_ =	swait.ge [sflag:s15], $0x4000  }
0x1ad: {  	[sflag:s15] =	ssyncset.done $0x0  }
0x1ae: {  	s0 =	rddreg [dreg:$0x15];
	[sflag:s15] =	ssyncadd.s32 $0xFFFFC000  }
0x1af: {  	[tilespmem:s2], [sflag:$0x1] =	stream.linear.gather [hbm4b:s0+s2], $0x80, $0x38;
	[tilespmem:$0x8100] =	vst v63  }
0x1b0: {  	s4 =	rddreg [dreg:$0x16]  }
0x1b1: {  	[hbm4b:s4+s2] =	stream.linear.scatter [tilespmem:s11], [sflag:$0x5], $0x4000, $0x38;
	[tilespmem:$0x8100] =	vst v63  }
0x1b2: {  	_ =	swait.ge [sflag:s13], $0x80  }
0x1b3: {  	[sflag:s13] =	ssyncset.done $0x0  }
0x1b4: {  	[sflag:s13] =	ssyncadd.s32 $0xFFFFFF80  }
0x1b5: {  	_ =	swait.ge [sflag:s6], $0x4000  }
0x1b6: {  	[sflag:s6] =	ssyncset.done $0x0  }
0x1b7: {  	[sflag:s6] =	ssyncadd.s32 $0xFFFFC000  }
0x1b8: {  	[tilespmem:s9], [sflag:$0x4] =	stream.indirect.gather [hbm4b:s3+s5], $0x80, s5, s5, $0xb8;
	[tilespmem:$0x8100] =	vst v63  }
0x1b9: {  	_ =	swait.ge [sflag:s10], $0x4000  }
0x1ba: {  	[sflag:s10] =	ssyncset.done $0x0  }
0x1bb: {  	s0 =	rddreg [dreg:$0x17];
	[sflag:s10] =	ssyncadd.s32 $0xFFFFC000  }
0x1bc: {  	[tilespmem:s5], [sflag:$0x2] =	stream.linear.gather [hbm4b:s0+s2], $0x80, $0x38;
	[tilespmem:$0x8100] =	vst v63  }
0x1bd: {  	s4 =	rddreg [dreg:$0x18]  }
0x1be: {  	[hbm4b:s4+s2] =	stream.linear.scatter [tilespmem:s9], [sflag:$0x6], $0x4000, $0x38;
	[tilespmem:$0x8100] =	vst v63  }
0x1bf: {  	s4 =	smov.u32 s7  }
0x1c0: {  	s7 =	smov.u32 s12;
	s12 =	smov.u32 s14;
	s14 =	smov.u32 s17  }
0x1c1: {  	s17 =	smov.u32 s18;
	s18 =	smov.u32 s19;
	s19 =	smov.u32 s20  }
0x1c2: {  	s20 =	smov.u32 s21;
	s21 =	smov.u32 s22;
	s22 =	smov.u32 s23  }
0x1c3: {  	s23 =	smov.u32 s24;
	s24 =	smov.u32 s25;
	s25 =	smov.u32 s26  }
0x1c4: {  	s26 =	smov.u32 s28;
	s28 =	smov.u32 s29;
	s29 =	smov.u32 s30  }
0x1c5: {  	s30 =	smov.u32 s31;
	s31 =	rddreg [dreg:$0x19];
	_ =	swait.ge [sflag:s16], $0x80  }
0x1c6: {  	[sflag:s16] =	ssyncset.done $0x0  }
0x1c7: {  	[sflag:s16] =	ssyncadd.s32 $0xFFFFFF80  }
0x1c8: {  	_ =	swait.ge [sflag:s8], $0x4000  }
0x1c9: {  	[sflag:s8] =	ssyncset.done $0x0  }
0x1ca: {  	[sflag:s8] =	ssyncadd.s32 $0xFFFFC000  }
0x1cb: {  	[tilespmem:s11], [sflag:$0x3] =	stream.indirect.gather [hbm4b:s3+s5], $0x80, s2, s5, $0xb8;
	[tilespmem:$0x8100] =	vst v63  }
0x1cc: {  	_ =	swait.ge [sflag:s15], $0x4000  }
0x1cd: {  	[sflag:s15] =	ssyncset.done $0x0  }
0x1ce: {  	[sflag:s15] =	ssyncadd.s32 $0xFFFFC000  }
0x1cf: {  	[tilespmem:s2], [sflag:$0x1] =	stream.linear.gather [hbm4b:s30+s2], $0x80, $0x38;
	[tilespmem:$0x8100] =	vst v63  }
0x1d0: {  	_ = 	snop  }
0x1d1: {  	[hbm4b:s31+s2] =	stream.linear.scatter [tilespmem:s11], [sflag:$0x5], $0x4000, $0x38;
	[tilespmem:$0x8100] =	vst v63  }
0x1d2: {  	_ =	swait.ge [sflag:s13], $0x80  }
0x1d3: {  	[sflag:s13] =	ssyncset.done $0x0  }
0x1d4: {  	[sflag:s13] =	ssyncadd.s32 $0xFFFFFF80  }
0x1d5: {  	_ =	swait.ge [sflag:s6], $0x4000  }
0x1d6: {  	[sflag:s6] =	ssyncset.done $0x0  }
0x1d7: {  	[sflag:s6] =	ssyncadd.s32 $0xFFFFC000  }
0x1d8: {  	[tilespmem:s9], [sflag:$0x4] =	stream.indirect.gather [hbm4b:s3+s5], $0x80, s5, s5, $0xb8;
	[tilespmem:$0x8100] =	vst v63  }
0x1d9: {  	_ =	swait.ge [sflag:s10], $0x4000  }
0x1da: {  	[sflag:s10] =	ssyncset.done $0x0  }
0x1db: {  	[sflag:s10] =	ssyncadd.s32 $0xFFFFC000  }
0x1dc: {  	[tilespmem:s5], [sflag:$0x2] =	stream.linear.gather [hbm4b:s28+s2], $0x80, $0x38;
	[tilespmem:$0x8100] =	vst v63  }
0x1dd: {  	_ = 	snop  }
0x1de: {  	[hbm4b:s29+s2] =	stream.linear.scatter [tilespmem:s9], [sflag:$0x6], $0x4000, $0x38;
	[tilespmem:$0x8100] =	vst v63  }
0x1df: {  	_ =	swait.ge [sflag:s16], $0x80  }
0x1e0: {  	[sflag:s16] =	ssyncset.done $0x0  }
0x1e1: {  	[sflag:s16] =	ssyncadd.s32 $0xFFFFFF80  }
0x1e2: {  	_ =	swait.ge [sflag:s8], $0x4000  }
0x1e3: {  	[sflag:s8] =	ssyncset.done $0x0  }
0x1e4: {  	[sflag:s8] =	ssyncadd.s32 $0xFFFFC000  }
0x1e5: {  	[tilespmem:s11], [sflag:$0x3] =	stream.indirect.gather [hbm4b:s3+s5], $0x80, s2, s5, $0xb8;
	[tilespmem:$0x8100] =	vst v63  }
0x1e6: {  	_ =	swait.ge [sflag:s15], $0x4000  }
0x1e7: {  	[sflag:s15] =	ssyncset.done $0x0  }
0x1e8: {  	[sflag:s15] =	ssyncadd.s32 $0xFFFFC000  }
0x1e9: {  	[tilespmem:s2], [sflag:$0x1] =	stream.linear.gather [hbm4b:s25+s2], $0x80, $0x38;
	[tilespmem:$0x8100] =	vst v63  }
0x1ea: {  	_ = 	snop  }
0x1eb: {  	[hbm4b:s26+s2] =	stream.linear.scatter [tilespmem:s11], [sflag:$0x5], $0x4000, $0x38;
	[tilespmem:$0x8100] =	vst v63  }
0x1ec: {  	_ =	swait.ge [sflag:s13], $0x80  }
0x1ed: {  	[sflag:s13] =	ssyncset.done $0x0  }
0x1ee: {  	[sflag:s13] =	ssyncadd.s32 $0xFFFFFF80  }
0x1ef: {  	_ =	swait.ge [sflag:s6], $0x4000  }
0x1f0: {  	[sflag:s6] =	ssyncset.done $0x0  }
0x1f1: {  	[sflag:s6] =	ssyncadd.s32 $0xFFFFC000  }
0x1f2: {  	[tilespmem:s9], [sflag:$0x4] =	stream.indirect.gather [hbm4b:s3+s5], $0x80, s5, s5, $0xb8;
	[tilespmem:$0x8100] =	vst v63  }
0x1f3: {  	_ =	swait.ge [sflag:s10], $0x4000  }
0x1f4: {  	[sflag:s10] =	ssyncset.done $0x0  }
0x1f5: {  	[sflag:s10] =	ssyncadd.s32 $0xFFFFC000  }
0x1f6: {  	[tilespmem:s5], [sflag:$0x2] =	stream.linear.gather [hbm4b:s23+s2], $0x80, $0x38;
	[tilespmem:$0x8100] =	vst v63  }
0x1f7: {  	_ = 	snop  }
0x1f8: {  	[hbm4b:s24+s2] =	stream.linear.scatter [tilespmem:s9], [sflag:$0x6], $0x4000, $0x38;
	[tilespmem:$0x8100] =	vst v63  }
0x1f9: {  	_ =	swait.ge [sflag:s16], $0x80  }
0x1fa: {  	[sflag:s16] =	ssyncset.done $0x0  }
0x1fb: {  	[sflag:s16] =	ssyncadd.s32 $0xFFFFFF80  }
0x1fc: {  	_ =	swait.ge [sflag:s8], $0x4000  }
0x1fd: {  	[sflag:s8] =	ssyncset.done $0x0  }
0x1fe: {  	[sflag:s8] =	ssyncadd.s32 $0xFFFFC000  }
0x1ff: {  	[tilespmem:s11], [sflag:$0x3] =	stream.indirect.gather [hbm4b:s3+s5], $0x80, s2, s5, $0xb8;
	[tilespmem:$0x8100] =	vst v63  }
0x200: {  	_ =	swait.ge [sflag:s15], $0x4000  }
0x201: {  	[sflag:s15] =	ssyncset.done $0x0  }
0x202: {  	[sflag:s15] =	ssyncadd.s32 $0xFFFFC000  }
0x203: {  	[tilespmem:s2], [sflag:$0x1] =	stream.linear.gather [hbm4b:s21+s2], $0x80, $0x38;
	[tilespmem:$0x8100] =	vst v63  }
0x204: {  	_ = 	snop  }
0x205: {  	[hbm4b:s22+s2] =	stream.linear.scatter [tilespmem:s11], [sflag:$0x5], $0x4000, $0x38;
	[tilespmem:$0x8100] =	vst v63  }
0x206: {  	_ =	swait.ge [sflag:s13], $0x80  }
0x207: {  	[sflag:s13] =	ssyncset.done $0x0  }
0x208: {  	[sflag:s13] =	ssyncadd.s32 $0xFFFFFF80  }
0x209: {  	_ =	swait.ge [sflag:s6], $0x4000  }
0x20a: {  	[sflag:s6] =	ssyncset.done $0x0  }
0x20b: {  	[sflag:s6] =	ssyncadd.s32 $0xFFFFC000  }
0x20c: {  	[tilespmem:s9], [sflag:$0x4] =	stream.indirect.gather [hbm4b:s3+s5], $0x80, s5, s5, $0xb8;
	[tilespmem:$0x8100] =	vst v63  }
0x20d: {  	_ =	swait.ge [sflag:s10], $0x4000  }
0x20e: {  	[sflag:s10] =	ssyncset.done $0x0  }
0x20f: {  	[sflag:s10] =	ssyncadd.s32 $0xFFFFC000  }
0x210: {  	[tilespmem:s5], [sflag:$0x2] =	stream.linear.gather [hbm4b:s19+s2], $0x80, $0x38;
	[tilespmem:$0x8100] =	vst v63  }
0x211: {  	_ = 	snop  }
0x212: {  	[hbm4b:s20+s2] =	stream.linear.scatter [tilespmem:s9], [sflag:$0x6], $0x4000, $0x38;
	[tilespmem:$0x8100] =	vst v63  }
0x213: {  	_ =	swait.ge [sflag:s16], $0x80  }
0x214: {  	[sflag:s16] =	ssyncset.done $0x0  }
0x215: {  	[sflag:s16] =	ssyncadd.s32 $0xFFFFFF80  }
0x216: {  	_ =	swait.ge [sflag:s8], $0x4000  }
0x217: {  	[sflag:s8] =	ssyncset.done $0x0  }
0x218: {  	[sflag:s8] =	ssyncadd.s32 $0xFFFFC000  }
0x219: {  	[tilespmem:s11], [sflag:$0x3] =	stream.indirect.gather [hbm4b:s3+s5], $0x80, s2, s5, $0xb8;
	[tilespmem:$0x8100] =	vst v63  }
0x21a: {  	_ =	swait.ge [sflag:s15], $0x4000  }
0x21b: {  	[sflag:s15] =	ssyncset.done $0x0  }
0x21c: {  	[sflag:s15] =	ssyncadd.s32 $0xFFFFC000  }
0x21d: {  	[tilespmem:s2], [sflag:$0x1] =	stream.linear.gather [hbm4b:s17+s2], $0x80, $0x38;
	[tilespmem:$0x8100] =	vst v63  }
0x21e: {  	_ = 	snop  }
0x21f: {  	[hbm4b:s18+s2] =	stream.linear.scatter [tilespmem:s11], [sflag:$0x5], $0x4000, $0x38;
	[tilespmem:$0x8100] =	vst v63  }
0x220: {  	_ =	swait.ge [sflag:s13], $0x80  }
0x221: {  	[sflag:s13] =	ssyncset.done $0x0  }
0x222: {  	[sflag:s13] =	ssyncadd.s32 $0xFFFFFF80  }
0x223: {  	_ =	swait.ge [sflag:s6], $0x4000  }
0x224: {  	[sflag:s6] =	ssyncset.done $0x0  }
0x225: {  	[sflag:s6] =	ssyncadd.s32 $0xFFFFC000  }
0x226: {  	[tilespmem:s9], [sflag:$0x4] =	stream.indirect.gather [hbm4b:s3+s5], $0x80, s5, s5, $0xb8;
	[tilespmem:$0x8100] =	vst v63  }
0x227: {  	_ =	swait.ge [sflag:s10], $0x4000  }
0x228: {  	[sflag:s10] =	ssyncset.done $0x0  }
0x229: {  	[sflag:s10] =	ssyncadd.s32 $0xFFFFC000  }
0x22a: {  	[tilespmem:s5], [sflag:$0x2] =	stream.linear.gather [hbm4b:s12+s2], $0x80, $0x38;
	[tilespmem:$0x8100] =	vst v63  }
0x22b: {  	_ = 	snop  }
0x22c: {  	[hbm4b:s14+s2] =	stream.linear.scatter [tilespmem:s9], [sflag:$0x6], $0x4000, $0x38;
	[tilespmem:$0x8100] =	vst v63  }
0x22d: {  	_ =	swait.ge [sflag:s16], $0x80  }
0x22e: {  	[sflag:s16] =	ssyncset.done $0x0  }
0x22f: {  	[sflag:s16] =	ssyncadd.s32 $0xFFFFFF80  }
0x230: {  	_ =	swait.ge [sflag:s8], $0x4000  }
0x231: {  	[sflag:s8] =	ssyncset.done $0x0  }
0x232: {  	[sflag:s8] =	ssyncadd.s32 $0xFFFFC000  }
0x233: {  	[tilespmem:s11], [sflag:$0x3] =	stream.indirect.gather [hbm4b:s3+s5], $0x80, s2, s5, $0xb8;
	[tilespmem:$0x8100] =	vst v63  }
0x234: {  	_ =	swait.ge [sflag:s15], $0x4000  }
0x235: {  	[sflag:s15] =	ssyncset.done $0x0  }
0x236: {  	[sflag:s15] =	ssyncadd.s32 $0xFFFFC000  }
0x237: {  	[hbm4b:s7+s2] =	stream.linear.scatter [tilespmem:s11], [sflag:$0x5], $0x4000, $0x38;
	[tilespmem:$0x8100] =	vst v63  }
0x238: {  	_ =	swait.ge [sflag:s13], $0x80  }
0x239: {  	[sflag:s13] =	ssyncset.done $0x0  }
0x23a: {  	[sflag:s13] =	ssyncadd.s32 $0xFFFFFF80  }
0x23b: {  	_ =	swait.ge [sflag:s6], $0x4000  }
0x23c: {  	[sflag:s6] =	ssyncset.done $0x0  }
0x23d: {  	[sflag:s6] =	ssyncadd.s32 $0xFFFFC000  }
0x23e: {  	[tilespmem:s9], [sflag:$0x4] =	stream.indirect.gather [hbm4b:s3+s5], $0x80, s5, s5, $0xb8;
	[tilespmem:$0x8100] =	vst v63  }
0x23f: {  	_ =	swait.ge [sflag:s10], $0x4000  }
0x240: {  	[sflag:s10] =	ssyncset.done $0x0  }
0x241: {  	p1 =	sne.s32 s1, $0x1;
	[sflag:s10] =	ssyncadd.s32 $0xFFFFC000  }
0x242: {  	[hbm4b:s4+s2] =	stream.linear.scatter [tilespmem:s9], [sflag:$0x6], $0x4000, $0x38;
	[tilespmem:$0x8100] =	vst v63  }
.Ltmp2:
0x243: {  	_ =	swait.ge [sflag:s8], $0x4000;
	(pc) =	sbr.rel @p1 .LBB2_2-.Ltmp2, $4  }
0x244: {  	[sflag:s8] =	ssyncset.done $0x0  }
0x245: {  	[sflag:s8] =	ssyncadd.s32 $0xFFFFC000  }
0x246: {  	_ =	swait.ge [sflag:s6], $0x4000  }
0x247: {  	s1 =	sadd.s32 $0xFFFFFFFF, s1;
	s0 =	rddreg [dreg:$0x3];
	[sflag:s6] =	ssyncset.done $0x0  }
.LBB2_3:
0x248: {  	[sflag:s6] =	ssyncadd.s32 @p0 $0xFFFFC000  }
0x249: {  	[tilespmem:s2], [sflag:$0x1] =	stream.linear.gather [hbm4b:s0+s2], $0x80, $0x38;
	[tilespmem:$0x8100] =	vst v63  }
0x24a: {  	s1 =	rddreg [dreg:$0x4]  }
0x24b: {  	[tilespmem:s5], [sflag:$0x2] =	stream.linear.gather [hbm4b:s1+s2], $0x80, $0x38;
	[tilespmem:$0x8100] =	vst v63  }
0x24c: {  	_ =	swait.ge [sflag:s16], $0x80  }
0x24d: {  	[sflag:s16] =	ssyncset.done $0x0  }
0x24e: {  	[sflag:s16] =	ssyncadd.s32 $0xFFFFFF80  }
0x24f: {  	[tilespmem:s11], [sflag:$0x3] =	stream.indirect.gather [hbm4b:s3+s5], $0x80, s2, s5, $0xb8;
	[tilespmem:$0x8100] =	vst v63  }
0x250: {  	_ =	swait.ge [sflag:s15], $0x4000  }
0x251: {  	[sflag:s15] =	ssyncset.done $0x0  }
0x252: {  	s0 =	rddreg [dreg:$0x5];
	[sflag:s15] =	ssyncadd.s32 $0xFFFFC000  }
0x253: {  	[tilespmem:s2], [sflag:$0x1] =	stream.linear.gather [hbm4b:s0+s2], $0x80, $0x38;
	[tilespmem:$0x8100] =	vst v63  }
0x254: {  	s1 =	rddreg [dreg:$0x6]  }
0x255: {  	[hbm4b:s1+s2] =	stream.linear.scatter [tilespmem:s11], [sflag:$0x5], $0x4000, $0x38;
	[tilespmem:$0x8100] =	vst v63  }
0x256: {  	_ =	swait.ge [sflag:s13], $0x80  }
0x257: {  	[sflag:s13] =	ssyncset.done $0x0  }
0x258: {  	[sflag:s13] =	ssyncadd.s32 $0xFFFFFF80  }
0x259: {  	[tilespmem:s9], [sflag:$0x4] =	stream.indirect.gather [hbm4b:s3+s5], $0x80, s5, s5, $0xb8;
	[tilespmem:$0x8100] =	vst v63  }
0x25a: {  	_ =	swait.ge [sflag:s10], $0x4000  }
0x25b: {  	[sflag:s10] =	ssyncset.done $0x0  }
0x25c: {  	s0 =	rddreg [dreg:$0x7];
	[sflag:s10] =	ssyncadd.s32 $0xFFFFC000  }
0x25d: {  	[tilespmem:s5], [sflag:$0x2] =	stream.linear.gather [hbm4b:s0+s2], $0x80, $0x38;
	[tilespmem:$0x8100] =	vst v63  }
0x25e: {  	s1 =	rddreg [dreg:$0x8]  }
0x25f: {  	[hbm4b:s1+s2] =	stream.linear.scatter [tilespmem:s9], [sflag:$0x6], $0x4000, $0x38;
	[tilespmem:$0x8100] =	vst v63  }
0x260: {  	_ =	swait.ge [sflag:s16], $0x80  }
0x261: {  	[sflag:s16] =	ssyncset.done $0x0  }
0x262: {  	[sflag:s16] =	ssyncadd.s32 $0xFFFFFF80  }
0x263: {  	_ =	swait.ge [sflag:s8], $0x4000  }
0x264: {  	[sflag:s8] =	ssyncset.done $0x0  }
0x265: {  	[sflag:s8] =	ssyncadd.s32 $0xFFFFC000  }
0x266: {  	[tilespmem:s11], [sflag:$0x3] =	stream.indirect.gather [hbm4b:s3+s5], $0x80, s2, s5, $0xb8;
	[tilespmem:$0x8100] =	vst v63  }
0x267: {  	_ =	swait.ge [sflag:s15], $0x4000  }
0x268: {  	[sflag:s15] =	ssyncset.done $0x0  }
0x269: {  	s0 =	rddreg [dreg:$0x9];
	[sflag:s15] =	ssyncadd.s32 $0xFFFFC000  }
0x26a: {  	[tilespmem:s2], [sflag:$0x1] =	stream.linear.gather [hbm4b:s0+s2], $0x80, $0x38;
	[tilespmem:$0x8100] =	vst v63  }
0x26b: {  	s1 =	rddreg [dreg:$0xa]  }
0x26c: {  	[hbm4b:s1+s2] =	stream.linear.scatter [tilespmem:s11], [sflag:$0x5], $0x4000, $0x38;
	[tilespmem:$0x8100] =	vst v63  }
0x26d: {  	_ =	swait.ge [sflag:s13], $0x80  }
0x26e: {  	[sflag:s13] =	ssyncset.done $0x0  }
0x26f: {  	[sflag:s13] =	ssyncadd.s32 $0xFFFFFF80  }
0x270: {  	_ =	swait.ge [sflag:s6], $0x4000  }
0x271: {  	[sflag:s6] =	ssyncset.done $0x0  }
0x272: {  	[sflag:s6] =	ssyncadd.s32 $0xFFFFC000  }
0x273: {  	[tilespmem:s9], [sflag:$0x4] =	stream.indirect.gather [hbm4b:s3+s5], $0x80, s5, s5, $0xb8;
	[tilespmem:$0x8100] =	vst v63  }
0x274: {  	_ =	swait.ge [sflag:s10], $0x4000  }
0x275: {  	[sflag:s10] =	ssyncset.done $0x0  }
0x276: {  	s0 =	rddreg [dreg:$0xb];
	[sflag:s10] =	ssyncadd.s32 $0xFFFFC000  }
0x277: {  	[tilespmem:s5], [sflag:$0x2] =	stream.linear.gather [hbm4b:s0+s2], $0x80, $0x38;
	[tilespmem:$0x8100] =	vst v63  }
0x278: {  	s1 =	rddreg [dreg:$0xc]  }
0x279: {  	[hbm4b:s1+s2] =	stream.linear.scatter [tilespmem:s9], [sflag:$0x6], $0x4000, $0x38;
	[tilespmem:$0x8100] =	vst v63  }
0x27a: {  	_ =	swait.ge [sflag:s16], $0x80  }
0x27b: {  	[sflag:s16] =	ssyncset.done $0x0  }
0x27c: {  	[sflag:s16] =	ssyncadd.s32 $0xFFFFFF80  }
0x27d: {  	_ =	swait.ge [sflag:s8], $0x4000  }
0x27e: {  	[sflag:s8] =	ssyncset.done $0x0  }
0x27f: {  	[sflag:s8] =	ssyncadd.s32 $0xFFFFC000  }
0x280: {  	[tilespmem:s11], [sflag:$0x3] =	stream.indirect.gather [hbm4b:s3+s5], $0x80, s2, s5, $0xb8;
	[tilespmem:$0x8100] =	vst v63  }
0x281: {  	_ =	swait.ge [sflag:s15], $0x4000  }
0x282: {  	[sflag:s15] =	ssyncset.done $0x0  }
0x283: {  	s0 =	rddreg [dreg:$0xd];
	[sflag:s15] =	ssyncadd.s32 $0xFFFFC000  }
0x284: {  	[tilespmem:s2], [sflag:$0x1] =	stream.linear.gather [hbm4b:s0+s2], $0x80, $0x38;
	[tilespmem:$0x8100] =	vst v63  }
0x285: {  	s1 =	rddreg [dreg:$0xe]  }
0x286: {  	[hbm4b:s1+s2] =	stream.linear.scatter [tilespmem:s11], [sflag:$0x5], $0x4000, $0x38;
	[tilespmem:$0x8100] =	vst v63  }
0x287: {  	_ =	swait.ge [sflag:s13], $0x80  }
0x288: {  	[sflag:s13] =	ssyncset.done $0x0  }
0x289: {  	[sflag:s13] =	ssyncadd.s32 $0xFFFFFF80  }
0x28a: {  	_ =	swait.ge [sflag:s6], $0x4000  }
0x28b: {  	[sflag:s6] =	ssyncset.done $0x0  }
0x28c: {  	[sflag:s6] =	ssyncadd.s32 $0xFFFFC000  }
0x28d: {  	[tilespmem:s9], [sflag:$0x4] =	stream.indirect.gather [hbm4b:s3+s5], $0x80, s5, s5, $0xb8;
	[tilespmem:$0x8100] =	vst v63  }
0x28e: {  	_ =	swait.ge [sflag:s10], $0x4000  }
0x28f: {  	[sflag:s10] =	ssyncset.done $0x0  }
0x290: {  	s0 =	rddreg [dreg:$0xf];
	[sflag:s10] =	ssyncadd.s32 $0xFFFFC000  }
0x291: {  	[tilespmem:s5], [sflag:$0x2] =	stream.linear.gather [hbm4b:s0+s2], $0x80, $0x38;
	[tilespmem:$0x8100] =	vst v63  }
0x292: {  	s1 =	rddreg [dreg:$0x10]  }
0x293: {  	[hbm4b:s1+s2] =	stream.linear.scatter [tilespmem:s9], [sflag:$0x6], $0x4000, $0x38;
	[tilespmem:$0x8100] =	vst v63  }
0x294: {  	_ =	swait.ge [sflag:s16], $0x80  }
0x295: {  	[sflag:s16] =	ssyncset.done $0x0  }
0x296: {  	[sflag:s16] =	ssyncadd.s32 $0xFFFFFF80  }
0x297: {  	_ =	swait.ge [sflag:s8], $0x4000  }
0x298: {  	[sflag:s8] =	ssyncset.done $0x0  }
0x299: {  	[sflag:s8] =	ssyncadd.s32 $0xFFFFC000  }
0x29a: {  	[tilespmem:s11], [sflag:$0x3] =	stream.indirect.gather [hbm4b:s3+s5], $0x80, s2, s5, $0xb8;
	[tilespmem:$0x8100] =	vst v63  }
0x29b: {  	_ =	swait.ge [sflag:s15], $0x4000  }
0x29c: {  	[sflag:s15] =	ssyncset.done $0x0  }
0x29d: {  	s0 =	rddreg [dreg:$0x11];
	[sflag:s15] =	ssyncadd.s32 $0xFFFFC000  }
0x29e: {  	[tilespmem:s2], [sflag:$0x1] =	stream.linear.gather [hbm4b:s0+s2], $0x80, $0x38;
	[tilespmem:$0x8100] =	vst v63  }
0x29f: {  	s1 =	rddreg [dreg:$0x12]  }
0x2a0: {  	[hbm4b:s1+s2] =	stream.linear.scatter [tilespmem:s11], [sflag:$0x5], $0x4000, $0x38;
	[tilespmem:$0x8100] =	vst v63  }
0x2a1: {  	_ =	swait.ge [sflag:s13], $0x80  }
0x2a2: {  	[sflag:s13] =	ssyncset.done $0x0  }
0x2a3: {  	[sflag:s13] =	ssyncadd.s32 $0xFFFFFF80  }
0x2a4: {  	_ =	swait.ge [sflag:s6], $0x4000  }
0x2a5: {  	[sflag:s6] =	ssyncset.done $0x0  }
0x2a6: {  	[sflag:s6] =	ssyncadd.s32 $0xFFFFC000  }
0x2a7: {  	[tilespmem:s9], [sflag:$0x4] =	stream.indirect.gather [hbm4b:s3+s5], $0x80, s5, s5, $0xb8;
	[tilespmem:$0x8100] =	vst v63  }
0x2a8: {  	_ =	swait.ge [sflag:s10], $0x4000  }
0x2a9: {  	[sflag:s10] =	ssyncset.done $0x0  }
0x2aa: {  	s0 =	rddreg [dreg:$0x13];
	[sflag:s10] =	ssyncadd.s32 $0xFFFFC000  }
0x2ab: {  	[tilespmem:s5], [sflag:$0x2] =	stream.linear.gather [hbm4b:s0+s2], $0x80, $0x38;
	[tilespmem:$0x8100] =	vst v63  }
0x2ac: {  	s1 =	rddreg [dreg:$0x14]  }
0x2ad: {  	[hbm4b:s1+s2] =	stream.linear.scatter [tilespmem:s9], [sflag:$0x6], $0x4000, $0x38;
	[tilespmem:$0x8100] =	vst v63  }
0x2ae: {  	_ =	swait.ge [sflag:s16], $0x80  }
0x2af: {  	[sflag:s16] =	ssyncset.done $0x0  }
0x2b0: {  	[sflag:s16] =	ssyncadd.s32 $0xFFFFFF80  }
0x2b1: {  	_ =	swait.ge [sflag:s8], $0x4000  }
0x2b2: {  	[sflag:s8] =	ssyncset.done $0x0  }
0x2b3: {  	[sflag:s8] =	ssyncadd.s32 $0xFFFFC000  }
0x2b4: {  	[tilespmem:s11], [sflag:$0x3] =	stream.indirect.gather [hbm4b:s3+s5], $0x80, s2, s5, $0xb8;
	[tilespmem:$0x8100] =	vst v63  }
0x2b5: {  	_ =	swait.ge [sflag:s15], $0x4000  }
0x2b6: {  	[sflag:s15] =	ssyncset.done $0x0  }
0x2b7: {  	s0 =	rddreg [dreg:$0x15];
	[sflag:s15] =	ssyncadd.s32 $0xFFFFC000  }
0x2b8: {  	[tilespmem:s2], [sflag:$0x1] =	stream.linear.gather [hbm4b:s0+s2], $0x80, $0x38;
	[tilespmem:$0x8100] =	vst v63  }
0x2b9: {  	s1 =	rddreg [dreg:$0x16]  }
0x2ba: {  	[hbm4b:s1+s2] =	stream.linear.scatter [tilespmem:s11], [sflag:$0x5], $0x4000, $0x38;
	[tilespmem:$0x8100] =	vst v63  }
0x2bb: {  	_ =	swait.ge [sflag:s13], $0x80  }
0x2bc: {  	[sflag:s13] =	ssyncset.done $0x0  }
0x2bd: {  	[sflag:s13] =	ssyncadd.s32 $0xFFFFFF80  }
0x2be: {  	_ =	swait.ge [sflag:s6], $0x4000  }
0x2bf: {  	[sflag:s6] =	ssyncset.done $0x0  }
0x2c0: {  	[sflag:s6] =	ssyncadd.s32 $0xFFFFC000  }
0x2c1: {  	[tilespmem:s9], [sflag:$0x4] =	stream.indirect.gather [hbm4b:s3+s5], $0x80, s5, s5, $0xb8;
	[tilespmem:$0x8100] =	vst v63  }
0x2c2: {  	_ =	swait.ge [sflag:s10], $0x4000  }
0x2c3: {  	[sflag:s10] =	ssyncset.done $0x0  }
0x2c4: {  	s0 =	rddreg [dreg:$0x17];
	[sflag:s10] =	ssyncadd.s32 $0xFFFFC000  }
0x2c5: {  	[tilespmem:s5], [sflag:$0x2] =	stream.linear.gather [hbm4b:s0+s2], $0x80, $0x38;
	[tilespmem:$0x8100] =	vst v63  }
0x2c6: {  	s1 =	rddreg [dreg:$0x18]  }
0x2c7: {  	[hbm4b:s1+s2] =	stream.linear.scatter [tilespmem:s9], [sflag:$0x6], $0x4000, $0x38;
	[tilespmem:$0x8100] =	vst v63  }
0x2c8: {  	_ =	swait.ge [sflag:s16], $0x80  }
0x2c9: {  	[sflag:s16] =	ssyncset.done $0x0  }
0x2ca: {  	[sflag:s16] =	ssyncadd.s32 $0xFFFFFF80  }
0x2cb: {  	_ =	swait.ge [sflag:s8], $0x4000  }
0x2cc: {  	[sflag:s8] =	ssyncset.done $0x0  }
0x2cd: {  	[sflag:s8] =	ssyncadd.s32 $0xFFFFC000  }
0x2ce: {  	[tilespmem:s11], [sflag:$0x3] =	stream.indirect.gather [hbm4b:s3+s5], $0x80, s2, s5, $0xb8;
	[tilespmem:$0x8100] =	vst v63  }
0x2cf: {  	_ =	swait.ge [sflag:s15], $0x4000  }
0x2d0: {  	[sflag:s15] =	ssyncset.done $0x0  }
0x2d1: {  	[sflag:s15] =	ssyncadd.s32 $0xFFFFC000  }
0x2d2: {  	[tilespmem:s2], [sflag:$0x1] =	stream.linear.gather [hbm4b:s30+s2], $0x80, $0x38;
	[tilespmem:$0x8100] =	vst v63  }
0x2d3: {  	_ = 	snop  }
0x2d4: {  	[hbm4b:s31+s2] =	stream.linear.scatter [tilespmem:s11], [sflag:$0x5], $0x4000, $0x38;
	[tilespmem:$0x8100] =	vst v63  }
0x2d5: {  	_ =	swait.ge [sflag:s13], $0x80  }
0x2d6: {  	[sflag:s13] =	ssyncset.done $0x0  }
0x2d7: {  	[sflag:s13] =	ssyncadd.s32 $0xFFFFFF80  }
0x2d8: {  	_ =	swait.ge [sflag:s6], $0x4000  }
0x2d9: {  	[sflag:s6] =	ssyncset.done $0x0  }
0x2da: {  	[sflag:s6] =	ssyncadd.s32 $0xFFFFC000  }
0x2db: {  	[tilespmem:s9], [sflag:$0x4] =	stream.indirect.gather [hbm4b:s3+s5], $0x80, s5, s5, $0xb8;
	[tilespmem:$0x8100] =	vst v63  }
0x2dc: {  	_ =	swait.ge [sflag:s10], $0x4000  }
0x2dd: {  	[sflag:s10] =	ssyncset.done $0x0  }
0x2de: {  	[sflag:s10] =	ssyncadd.s32 $0xFFFFC000  }
0x2df: {  	[tilespmem:s5], [sflag:$0x2] =	stream.linear.gather [hbm4b:s28+s2], $0x80, $0x38;
	[tilespmem:$0x8100] =	vst v63  }
0x2e0: {  	_ = 	snop  }
0x2e1: {  	[hbm4b:s29+s2] =	stream.linear.scatter [tilespmem:s9], [sflag:$0x6], $0x4000, $0x38;
	[tilespmem:$0x8100] =	vst v63  }
0x2e2: {  	_ =	swait.ge [sflag:s16], $0x80  }
0x2e3: {  	[sflag:s16] =	ssyncset.done $0x0  }
0x2e4: {  	[sflag:s16] =	ssyncadd.s32 $0xFFFFFF80  }
0x2e5: {  	_ =	swait.ge [sflag:s8], $0x4000  }
0x2e6: {  	[sflag:s8] =	ssyncset.done $0x0  }
0x2e7: {  	[sflag:s8] =	ssyncadd.s32 $0xFFFFC000  }
0x2e8: {  	[tilespmem:s11], [sflag:$0x3] =	stream.indirect.gather [hbm4b:s3+s5], $0x80, s2, s5, $0xb8;
	[tilespmem:$0x8100] =	vst v63  }
0x2e9: {  	_ =	swait.ge [sflag:s15], $0x4000  }
0x2ea: {  	[sflag:s15] =	ssyncset.done $0x0  }
0x2eb: {  	[sflag:s15] =	ssyncadd.s32 $0xFFFFC000  }
0x2ec: {  	[tilespmem:s2], [sflag:$0x1] =	stream.linear.gather [hbm4b:s25+s2], $0x80, $0x38;
	[tilespmem:$0x8100] =	vst v63  }
0x2ed: {  	_ = 	snop  }
0x2ee: {  	[hbm4b:s26+s2] =	stream.linear.scatter [tilespmem:s11], [sflag:$0x5], $0x4000, $0x38;
	[tilespmem:$0x8100] =	vst v63  }
0x2ef: {  	_ =	swait.ge [sflag:s13], $0x80  }
0x2f0: {  	[sflag:s13] =	ssyncset.done $0x0  }
0x2f1: {  	[sflag:s13] =	ssyncadd.s32 $0xFFFFFF80  }
0x2f2: {  	_ =	swait.ge [sflag:s6], $0x4000  }
0x2f3: {  	[sflag:s6] =	ssyncset.done $0x0  }
0x2f4: {  	[sflag:s6] =	ssyncadd.s32 $0xFFFFC000  }
0x2f5: {  	[tilespmem:s9], [sflag:$0x4] =	stream.indirect.gather [hbm4b:s3+s5], $0x80, s5, s5, $0xb8;
	[tilespmem:$0x8100] =	vst v63  }
0x2f6: {  	_ =	swait.ge [sflag:s10], $0x4000  }
0x2f7: {  	[sflag:s10] =	ssyncset.done $0x0  }
0x2f8: {  	[sflag:s10] =	ssyncadd.s32 $0xFFFFC000  }
0x2f9: {  	[tilespmem:s5], [sflag:$0x2] =	stream.linear.gather [hbm4b:s23+s2], $0x80, $0x38;
	[tilespmem:$0x8100] =	vst v63  }
0x2fa: {  	_ = 	snop  }
0x2fb: {  	[hbm4b:s24+s2] =	stream.linear.scatter [tilespmem:s9], [sflag:$0x6], $0x4000, $0x38;
	[tilespmem:$0x8100] =	vst v63  }
0x2fc: {  	_ =	swait.ge [sflag:s16], $0x80  }
0x2fd: {  	[sflag:s16] =	ssyncset.done $0x0  }
0x2fe: {  	[sflag:s16] =	ssyncadd.s32 $0xFFFFFF80  }
0x2ff: {  	_ =	swait.ge [sflag:s8], $0x4000  }
0x300: {  	[sflag:s8] =	ssyncset.done $0x0  }
0x301: {  	[sflag:s8] =	ssyncadd.s32 $0xFFFFC000  }
0x302: {  	[tilespmem:s11], [sflag:$0x3] =	stream.indirect.gather [hbm4b:s3+s5], $0x80, s2, s5, $0xb8;
	[tilespmem:$0x8100] =	vst v63  }
0x303: {  	_ =	swait.ge [sflag:s15], $0x4000  }
0x304: {  	[sflag:s15] =	ssyncset.done $0x0  }
0x305: {  	[sflag:s15] =	ssyncadd.s32 $0xFFFFC000  }
0x306: {  	[tilespmem:s2], [sflag:$0x1] =	stream.linear.gather [hbm4b:s21+s2], $0x80, $0x38;
	[tilespmem:$0x8100] =	vst v63  }
0x307: {  	_ = 	snop  }
0x308: {  	[hbm4b:s22+s2] =	stream.linear.scatter [tilespmem:s11], [sflag:$0x5], $0x4000, $0x38;
	[tilespmem:$0x8100] =	vst v63  }
0x309: {  	_ =	swait.ge [sflag:s13], $0x80  }
0x30a: {  	[sflag:s13] =	ssyncset.done $0x0  }
0x30b: {  	[sflag:s13] =	ssyncadd.s32 $0xFFFFFF80  }
0x30c: {  	_ =	swait.ge [sflag:s6], $0x4000  }
0x30d: {  	[sflag:s6] =	ssyncset.done $0x0  }
0x30e: {  	[sflag:s6] =	ssyncadd.s32 $0xFFFFC000  }
0x30f: {  	[tilespmem:s9], [sflag:$0x4] =	stream.indirect.gather [hbm4b:s3+s5], $0x80, s5, s5, $0xb8;
	[tilespmem:$0x8100] =	vst v63  }
0x310: {  	_ =	swait.ge [sflag:s10], $0x4000  }
0x311: {  	[sflag:s10] =	ssyncset.done $0x0  }
0x312: {  	[sflag:s10] =	ssyncadd.s32 $0xFFFFC000  }
0x313: {  	[tilespmem:s5], [sflag:$0x2] =	stream.linear.gather [hbm4b:s19+s2], $0x80, $0x38;
	[tilespmem:$0x8100] =	vst v63  }
0x314: {  	_ = 	snop  }
0x315: {  	[hbm4b:s20+s2] =	stream.linear.scatter [tilespmem:s9], [sflag:$0x6], $0x4000, $0x38;
	[tilespmem:$0x8100] =	vst v63  }
0x316: {  	_ =	swait.ge [sflag:s16], $0x80  }
0x317: {  	[sflag:s16] =	ssyncset.done $0x0  }
0x318: {  	[sflag:s16] =	ssyncadd.s32 $0xFFFFFF80  }
0x319: {  	_ =	swait.ge [sflag:s8], $0x4000  }
0x31a: {  	[sflag:s8] =	ssyncset.done $0x0  }
0x31b: {  	[sflag:s8] =	ssyncadd.s32 $0xFFFFC000  }
0x31c: {  	[tilespmem:s11], [sflag:$0x3] =	stream.indirect.gather [hbm4b:s3+s5], $0x80, s2, s5, $0xb8;
	[tilespmem:$0x8100] =	vst v63  }
0x31d: {  	_ =	swait.ge [sflag:s15], $0x4000  }
0x31e: {  	[sflag:s15] =	ssyncset.done $0x0  }
0x31f: {  	[sflag:s15] =	ssyncadd.s32 $0xFFFFC000  }
0x320: {  	[tilespmem:s2], [sflag:$0x1] =	stream.linear.gather [hbm4b:s17+s2], $0x80, $0x38;
	[tilespmem:$0x8100] =	vst v63  }
0x321: {  	_ = 	snop  }
0x322: {  	[hbm4b:s18+s2] =	stream.linear.scatter [tilespmem:s11], [sflag:$0x5], $0x4000, $0x38;
	[tilespmem:$0x8100] =	vst v63  }
0x323: {  	_ =	swait.ge [sflag:s13], $0x80  }
0x324: {  	[sflag:s13] =	ssyncset.done $0x0  }
0x325: {  	[sflag:s13] =	ssyncadd.s32 $0xFFFFFF80  }
0x326: {  	_ =	swait.ge [sflag:s6], $0x4000  }
0x327: {  	[sflag:s6] =	ssyncset.done $0x0  }
0x328: {  	[sflag:s6] =	ssyncadd.s32 $0xFFFFC000  }
0x329: {  	[tilespmem:s9], [sflag:$0x4] =	stream.indirect.gather [hbm4b:s3+s5], $0x80, s5, s5, $0xb8;
	[tilespmem:$0x8100] =	vst v63  }
0x32a: {  	_ =	swait.ge [sflag:s10], $0x4000  }
0x32b: {  	[sflag:s10] =	ssyncset.done $0x0  }
0x32c: {  	[sflag:s10] =	ssyncadd.s32 $0xFFFFC000  }
0x32d: {  	[tilespmem:s5], [sflag:$0x2] =	stream.linear.gather [hbm4b:s12+s2], $0x80, $0x38;
	[tilespmem:$0x8100] =	vst v63  }
0x32e: {  	_ = 	snop  }
0x32f: {  	[hbm4b:s14+s2] =	stream.linear.scatter [tilespmem:s9], [sflag:$0x6], $0x4000, $0x38;
	[tilespmem:$0x8100] =	vst v63  }
0x330: {  	_ =	swait.ge [sflag:s16], $0x80  }
0x331: {  	[sflag:s16] =	ssyncset.done $0x0  }
0x332: {  	[sflag:s16] =	ssyncadd.s32 $0xFFFFFF80  }
0x333: {  	_ =	swait.ge [sflag:s8], $0x4000  }
0x334: {  	[sflag:s8] =	ssyncset.done $0x0  }
0x335: {  	[sflag:s8] =	ssyncadd.s32 $0xFFFFC000  }
0x336: {  	[tilespmem:s11], [sflag:$0x3] =	stream.indirect.gather [hbm4b:s3+s5], $0x80, s2, s5, $0xb8;
	[tilespmem:$0x8100] =	vst v63  }
0x337: {  	_ =	swait.ge [sflag:s15], $0x4000  }
0x338: {  	[sflag:s15] =	ssyncset.done $0x0  }
0x339: {  	[sflag:s15] =	ssyncadd.s32 $0xFFFFC000  }
0x33a: {  	[hbm4b:s7+s2] =	stream.linear.scatter [tilespmem:s11], [sflag:$0x5], $0x4000, $0x38;
	[tilespmem:$0x8100] =	vst v63  }
0x33b: {  	_ =	swait.ge [sflag:s13], $0x80  }
0x33c: {  	[sflag:s13] =	ssyncset.done $0x0  }
0x33d: {  	[sflag:s13] =	ssyncadd.s32 $0xFFFFFF80  }
0x33e: {  	_ =	swait.ge [sflag:s6], $0x4000  }
0x33f: {  	[sflag:s6] =	ssyncset.done $0x0  }
0x340: {  	[sflag:s6] =	ssyncadd.s32 $0xFFFFC000  }
0x341: {  	[tilespmem:s9], [sflag:$0x4] =	stream.indirect.gather [hbm4b:s3+s5], $0x80, s5, s5, $0xb8;
	[tilespmem:$0x8100] =	vst v63  }
0x342: {  	_ =	swait.ge [sflag:s10], $0x4000  }
0x343: {  	[sflag:s10] =	ssyncset.done $0x0  }
0x344: {  	[sflag:s10] =	ssyncadd.s32 $0xFFFFC000  }
0x345: {  	[hbm4b:s4+s2] =	stream.linear.scatter [tilespmem:s9], [sflag:$0x6], $0x4000, $0x38;
	[tilespmem:$0x8100] =	vst v63  }
0x346: {  	_ =	swait.ge [sflag:s8], $0x4000  }
0x347: {  	[sflag:s8] =	ssyncset.done $0x0  }
0x348: {  	[sflag:s8] =	ssyncadd.s32 $0xFFFFC000  }
0x349: {  	_ =	swait.ge [sflag:s6], $0x4000  }
0x34a: {  	[sflag:s6] =	ssyncset.done $0x0  }
0x34b: {  	[sflag:s6] =	ssyncadd.s32 $0xFFFFC000  }
0x34c: {  	_ =	sfence.sel $0x180000  }
0x34d: {  	[bflag:$0x0] =	sbarrier.arrive $0xFFFF  }
0x34e: {  	_ =	strace $0x90000047  }
0x34f: {  	s31 =	stileid.u32;
	[bflag:$0x2] =	sbarrier.arrive $0xFFFF  }
0x350: {  	p0 =	sne.s32 s31, $0x0;
	s0 =	rddreg [dreg:$0x2]  }
0x351: {  	s0 =	sadd.s32 @!p0 $0x100000, s0  }
0x352: {  	[sflag:s0] =	ssyncadd.tile.s32 @!p0 $0x1;
	_ =	shalt  }
.Lfunc_end2:
_tile_overlayer_lowered:
.L_overlay_start_2:
0x353: {  	(tag) =	ssettag $0x2  }
0x354: {  	s0 =	rddreg [dreg:$0x0];
	s2 =	stileid.u32  }
0x355: {  	s1 =	rddreg [dreg:$0x1];
	p0 =	sne.s32 s2, $0x0  }
0x356: {  	s3 =	rddreg [dreg:$0x2];
	[bflag:$0x3] =	sbarrier.arrive $0xFFFF;
	s2 =	simm.s32 @!p0 $0x1C07  }
0x357: {  	[timem:s3], [sflag:s2] =	dma.local @!p0 [hbm:s0], s1  }
0x358: {  	s0 =	simm.s32 @!p0 $0x7  }
0x359: {  	_ =	swait.ge @!p0 [sflag:s0], s1  }
0x35a: {  	s1 =	ssub.s32 @!p0 $0x0, s1;
	[sflag:s0] =	ssyncset.done @!p0 $0x0  }
0x35b: {  	[sflag:s0] =	ssyncadd.s32 @!p0 s1  }
0x35c: {  	[bflag:$0x3] =	sbarrier.arrive $0xFFFF  }
0x35d: {  	_ =	shalt  }

</sc_bundles>
